<compile_context>
chip_gen: v7x
topology: tpu7x:2x2x1
jax: 0.10.2.dev20260603
libtpu: 0.0.44.dev20260713+nightly
codegen_flags: <defaults>
</compile_context>

<pallas_src>
import functools

import jax
import jax.numpy as jnp
from jax import lax
from jax.experimental import pallas as pl
from jax.experimental.pallas import tpu as pltpu
from jax.experimental.pallas import tpu_sc as plsc

N = 10000
E = 320000
DF = 128
D = 256
HD = 128
NG = 64
NL = 3

NC, NS = 2, 16
CH = 128
CPT = 158
EP = NS * CPT * CH
CPW = 80
EPD = NC * NS * CPW * CH
NPAD = 10240
DSTPAD = 10016
RB = 1000

_mesh = plsc.VectorSubcoreMesh(
    core_axis_name="c", subcore_axis_name="s", num_cores=NC, num_subcores=NS)


@functools.partial(
    pl.kernel,
    out_type=(jax.ShapeDtypeStruct((NPAD, HD), jnp.float32),
              jax.ShapeDtypeStruct((NPAD, HD), jnp.float32)),
    mesh=_mesh,
    scratch_types=[
        pltpu.VMEM((2, CH), jnp.int32),
        pltpu.VMEM((2, CH), jnp.int32),
        pltpu.VMEM((CH, HD), jnp.float32),
        pltpu.VMEM((CH, HD), jnp.float32),
        pltpu.VMEM_SHARED((NPAD, HD), jnp.float32),
        pltpu.SemaphoreType.DMA,
        pltpu.SemaphoreType.DMA,
    ],
)
def _edge_scatter(src_hbm, dst_hbm, hw0, hw1, zeros_hbm, out0, out1,
                  src_v, dst_v, rows0, rows1, acc, sem0, sem1):
    c = lax.axis_index("c")
    s = lax.axis_index("s")
    pltpu.sync_copy(zeros_hbm, acc.at[pl.ds(s * 640, 640)])
    plsc.subcore_barrier()

    def run(hw, out):
        rows = (rows0, rows1)
        sems = (sem0, sem1)
        base = s * CPT

        for b in range(2):
            pltpu.sync_copy(src_hbm.at[pl.ds(base + b, 1)],
                            src_v.at[pl.ds(b, 1)])
            pltpu.sync_copy(dst_hbm.at[pl.ds(base + b, 1)],
                            dst_v.at[pl.ds(b, 1)])
            pltpu.async_copy(hw.at[src_v.at[b]], rows[b], sems[b])

        def step(g, carry):
            for b in range(2):
                j = 2 * g + b
                pltpu.make_async_copy(hw.at[src_v.at[b]], rows[b],
                                      sems[b]).wait()
                pltpu.sync_copy(rows[b], acc.at[dst_v.at[b]], add=True)

                @pl.when(j + 2 < CPT)
                def _():
                    r = base + j + 2
                    pltpu.sync_copy(src_hbm.at[pl.ds(r, 1)],
                                    src_v.at[pl.ds(b, 1)])
                    pltpu.sync_copy(dst_hbm.at[pl.ds(r, 1)],
                                    dst_v.at[pl.ds(b, 1)])
                    pltpu.async_copy(hw.at[src_v.at[b]], rows[b], sems[b])
            return carry

        lax.fori_loop(0, CPT // 2, step, 0)
        plsc.subcore_barrier()
        pltpu.sync_copy(acc.at[pl.ds(s * 640, 640)],
                        out.at[pl.ds(s * 640, 640)])

    @pl.when(c == 0)
    def _():
        run(hw0, out0)

    @pl.when(c == 1)
    def _():
        run(hw1, out1)


@functools.partial(
    pl.kernel,
    out_type=(jax.ShapeDtypeStruct((NPAD,), jnp.float32),
              jax.ShapeDtypeStruct((NPAD,), jnp.float32)),
    mesh=_mesh,
    scratch_types=[
        pltpu.VMEM((2, CH), jnp.int32),
        pltpu.VMEM((CH,), jnp.float32),
        pltpu.VMEM_SHARED((NPAD,), jnp.float32),
        pltpu.SemaphoreType.DMA,
        pltpu.SemaphoreType.DMA,
    ],
)
def _degree(dst_hbm, ones_hbm, zeros_hbm, out0, out1,
            dst_v, ones_v, acc, sem0, sem1):
    c = lax.axis_index("c")
    s = lax.axis_index("s")
    pltpu.sync_copy(zeros_hbm, acc.at[pl.ds(s * 640, 640)])
    pltpu.sync_copy(ones_hbm, ones_v)
    plsc.subcore_barrier()

    sems = (sem0, sem1)
    base = (s * NC + c) * CPW
    for b in range(2):
        pltpu.sync_copy(dst_hbm.at[pl.ds(base + b, 1)], dst_v.at[pl.ds(b, 1)])
        pltpu.async_copy(ones_v, acc.at[dst_v.at[b]], sems[b], add=True)

    def step(g, carry):
        for b in range(2):
            j = 2 * g + b
            pltpu.make_async_copy(ones_v, acc.at[dst_v.at[b]],
                                  sems[b]).wait()

            @pl.when(j + 2 < CPW)
            def _():
                pltpu.sync_copy(dst_hbm.at[pl.ds(base + j + 2, 1)],
                                dst_v.at[pl.ds(b, 1)])
                pltpu.async_copy(ones_v, acc.at[dst_v.at[b]], sems[b],
                                 add=True)
        return carry

    lax.fori_loop(0, CPW // 2, step, 0)
    plsc.subcore_barrier()

    @pl.when(c == 0)
    def _():
        pltpu.sync_copy(acc.at[pl.ds(s * 640, 640)],
                        out0.at[pl.ds(s * 640, 640)])

    @pl.when(c == 1)
    def _():
        pltpu.sync_copy(acc.at[pl.ds(s * 640, 640)],
                        out1.at[pl.ds(s * 640, 640)])


def _embed_body(x_ref, w_ref, b_ref, d0_ref, d1_ref, h_ref, dinv_ref):
    deg = d0_ref[...] + d1_ref[...] + 1.0
    dinv_ref[...] = lax.rsqrt(deg)
    h_ref[...] = jnp.dot(x_ref[...], w_ref[...],
                         preferred_element_type=jnp.float32) + b_ref[...]


_embed = pl.pallas_call(
    _embed_body,
    grid=(N // RB,),
    in_specs=[
        pl.BlockSpec((RB, DF), lambda i: (i, 0)),
        pl.BlockSpec((DF, D), lambda i: (0, 0)),
        pl.BlockSpec((1, D), lambda i: (0, 0)),
        pl.BlockSpec((RB, 1), lambda i: (i, 0)),
        pl.BlockSpec((RB, 1), lambda i: (i, 0)),
    ],
    out_specs=[
        pl.BlockSpec((RB, D), lambda i: (i, 0)),
        pl.BlockSpec((RB, 1), lambda i: (i, 0)),
    ],
    out_shape=[
        jax.ShapeDtypeStruct((N, D), jnp.float32),
        jax.ShapeDtypeStruct((N, 1), jnp.float32),
    ],
)


def _mm_scale_body(h_ref, w_ref, dinv_ref, o0_ref, o1_ref):
    hw = jnp.dot(h_ref[...], w_ref[...],
                 preferred_element_type=jnp.float32) * dinv_ref[...]
    o0_ref[...] = hw[:, :HD]
    o1_ref[...] = hw[:, HD:]


_mm_scale = pl.pallas_call(
    _mm_scale_body,
    grid=(N // RB,),
    in_specs=[
        pl.BlockSpec((RB, D), lambda i: (i, 0)),
        pl.BlockSpec((D, D), lambda i: (0, 0)),
        pl.BlockSpec((RB, 1), lambda i: (i, 0)),
    ],
    out_specs=[
        pl.BlockSpec((RB, HD), lambda i: (i, 0)),
        pl.BlockSpec((RB, HD), lambda i: (i, 0)),
    ],
    out_shape=[
        jax.ShapeDtypeStruct((N, HD), jnp.float32),
        jax.ShapeDtypeStruct((N, HD), jnp.float32),
    ],
)


def _stats_body(a0_ref, a1_ref, hw0_ref, hw1_ref, dinv_ref, bc_ref,
                t_ref, s1_ref, s2_ref):
    dinv = dinv_ref[...]
    t0 = dinv * (a0_ref[...] + hw0_ref[...])
    t1 = dinv * (a1_ref[...] + hw1_ref[...])
    t = jnp.concatenate([t0, t1], axis=1) + bc_ref[...]
    t_ref[...] = t

    @pl.when(pl.program_id(0) == 0)
    def _():
        s1_ref[...] = jnp.zeros_like(s1_ref)
        s2_ref[...] = jnp.zeros_like(s2_ref)

    s1_ref[...] += jnp.sum(t, axis=0, keepdims=True)
    s2_ref[...] += jnp.sum(t * t, axis=0, keepdims=True)


_stats = pl.pallas_call(
    _stats_body,
    grid=(N // RB,),
    in_specs=[
        pl.BlockSpec((RB, HD), lambda i: (i, 0)),
        pl.BlockSpec((RB, HD), lambda i: (i, 0)),
        pl.BlockSpec((RB, HD), lambda i: (i, 0)),
        pl.BlockSpec((RB, HD), lambda i: (i, 0)),
        pl.BlockSpec((RB, 1), lambda i: (i, 0)),
        pl.BlockSpec((1, D), lambda i: (0, 0)),
    ],
    out_specs=[
        pl.BlockSpec((RB, D), lambda i: (i, 0)),
        pl.BlockSpec((1, D), lambda i: (0, 0)),
        pl.BlockSpec((1, D), lambda i: (0, 0)),
    ],
    out_shape=[
        jax.ShapeDtypeStruct((N, D), jnp.float32),
        jax.ShapeDtypeStruct((1, D), jnp.float32),
        jax.ShapeDtypeStruct((1, D), jnp.float32),
    ],
)


def _bn_body(t_ref, s1_ref, s2_ref, g_ref, be_ref, hin_ref, ho_ref):
    inv_n = 1.0 / N
    mu = s1_ref[...] * inv_n
    var = s2_ref[...] * inv_n - mu * mu
    xn = (t_ref[...] - mu) * lax.rsqrt(var + 1e-5) * g_ref[...] + be_ref[...]
    ho_ref[...] = hin_ref[...] + jnp.maximum(xn, 0.0)


_bn_relu_res = pl.pallas_call(
    _bn_body,
    grid=(N // RB,),
    in_specs=[
        pl.BlockSpec((RB, D), lambda i: (i, 0)),
        pl.BlockSpec((1, D), lambda i: (0, 0)),
        pl.BlockSpec((1, D), lambda i: (0, 0)),
        pl.BlockSpec((1, D), lambda i: (0, 0)),
        pl.BlockSpec((1, D), lambda i: (0, 0)),
        pl.BlockSpec((RB, D), lambda i: (i, 0)),
    ],
    out_specs=pl.BlockSpec((RB, D), lambda i: (i, 0)),
    out_shape=jax.ShapeDtypeStruct((N, D), jnp.float32),
)


def _pool_body(h_ref, b_ref, w1_ref, b1_ref, w2_ref, b2_ref, w3_ref, b3_ref,
               out_ref, g_acc, c_acc):
    i = pl.program_id(0)

    @pl.when(i == 0)
    def _():
        g_acc[...] = jnp.zeros_like(g_acc)
        c_acc[...] = jnp.zeros_like(c_acc)

    gid = lax.broadcasted_iota(jnp.int32, (RB, NG), 1)
    onehot = jnp.where(b_ref[...] == gid, 1.0, 0.0).astype(jnp.float32)
    g_acc[...] += lax.dot_general(onehot, h_ref[...], (((0,), (0,)), ((), ())),
                                  preferred_element_type=jnp.float32)
    c_acc[...] += lax.dot_general(onehot, jnp.ones((RB, 1), jnp.float32),
                                  (((0,), (0,)), ((), ())),
                                  preferred_element_type=jnp.float32)

    @pl.when(i == pl.num_programs(0) - 1)
    def _():
        g = g_acc[...] / jnp.maximum(c_acc[...], 1.0)
        g = jnp.maximum(jnp.dot(g, w1_ref[...],
                                preferred_element_type=jnp.float32)
                        + b1_ref[...], 0.0)
        g = jnp.maximum(jnp.dot(g, w2_ref[...],
                                preferred_element_type=jnp.float32)
                        + b2_ref[...], 0.0)
        out_ref[...] = jnp.dot(g, w3_ref[...],
                               preferred_element_type=jnp.float32) + b3_ref[...]


_pool_mlp = pl.pallas_call(
    _pool_body,
    grid=(N // RB,),
    in_specs=[
        pl.BlockSpec((RB, D), lambda i: (i, 0)),
        pl.BlockSpec((RB, 1), lambda i: (i, 0)),
        pl.BlockSpec((D, D // 2), lambda i: (0, 0)),
        pl.BlockSpec((1, D // 2), lambda i: (0, 0)),
        pl.BlockSpec((D // 2, D // 4), lambda i: (0, 0)),
        pl.BlockSpec((1, D // 4), lambda i: (0, 0)),
        pl.BlockSpec((D // 4, 10), lambda i: (0, 0)),
        pl.BlockSpec((1, 10), lambda i: (0, 0)),
    ],
    out_specs=pl.BlockSpec((NG, 10), lambda i: (0, 0)),
    out_shape=jax.ShapeDtypeStruct((NG, 10), jnp.float32),
    scratch_shapes=[
        pltpu.VMEM((NG, D), jnp.float32),
        pltpu.VMEM((NG, 1), jnp.float32),
    ],
)


def kernel(x, edge_index, batch, W0, b0, Wc, bc, gamma, beta,
           W1, b1, W2, b2, W3, b3):
    src = edge_index[0]
    dst = edge_index[1]
    src2d = jnp.concatenate(
        [src, jnp.zeros((EP - E,), jnp.int32)]).reshape(NS * CPT, CH)
    dst2d = jnp.concatenate(
        [dst, jnp.full((EP - E,), DSTPAD, jnp.int32)]).reshape(NS * CPT, CH)
    dstdeg = jnp.concatenate(
        [dst, jnp.full((EPD - E,), DSTPAD, jnp.int32)]).reshape(
            NC * NS * CPW, CH)

    zeros2d = jnp.zeros((640, HD), jnp.float32)
    zeros1d = jnp.zeros((640,), jnp.float32)
    ones1d = jnp.ones((CH,), jnp.float32)

    d0p, d1p = _degree(dstdeg, ones1d, zeros1d)
    d0 = d0p[:N].reshape(N, 1)
    d1 = d1p[:N].reshape(N, 1)

    h, dinv = _embed(x, W0, b0.reshape(1, D), d0, d1)
    for i in range(NL):
        hw0, hw1 = _mm_scale(h, Wc[i], dinv)
        a0, a1 = _edge_scatter(src2d, dst2d, hw0, hw1, zeros2d)
        t, s1, s2 = _stats(a0, a1, hw0, hw1, dinv, bc[i].reshape(1, D))
        h = _bn_relu_res(t, s1, s2, gamma[i].reshape(1, D),
                         beta[i].reshape(1, D), h)

    out = _pool_mlp(h, batch.reshape(N, 1), W1, b1.reshape(1, D // 2),
                    W2, b2.reshape(1, D // 4), W3, b3.reshape(1, 10))
    return out

# --- scband reference (transcript-rebuilt; emitter-appended) ---
"""Pipeline reference for scband-mqgcn-22239340659450 (READ-ONLY COPY).

The authoritative reference and input builder live on the scoring server;
editing this copy changes nothing except your own understanding.
"""

import jax, jax.numpy as jnp
import numpy as np

N_NODES = 10000
N_EDGES = 320000
DIM_FEAT = 128
DIM_EMB = 256
DIM_TARGET = 10
NUM_LAYERS = 3
NUM_GRAPHS = 64


def setup_inputs(seed: int = 0) -> dict:
    key = jax.random.key(seed)
    ks = jax.random.split(key, 16)
    x = jax.random.normal(ks[0], (N_NODES, DIM_FEAT), dtype=jnp.float32)
    edge_index = jax.random.randint(ks[1], (2, N_EDGES), 0, N_NODES, dtype=jnp.int32)
    batch = jnp.sort(jax.random.randint(ks[2], (N_NODES,), 0, NUM_GRAPHS, dtype=jnp.int32))
    def lin(k, fi, fo):
        return jax.random.normal(k, (fi, fo), dtype=jnp.float32) * (1.0 / np.sqrt(fi))
    W0 = lin(ks[3], DIM_FEAT, DIM_EMB)
    b0 = jnp.zeros((DIM_EMB,), jnp.float32)
    Wc = jax.random.normal(ks[4], (NUM_LAYERS, DIM_EMB, DIM_EMB), dtype=jnp.float32) * (1.0 / np.sqrt(DIM_EMB))
    bc = jnp.zeros((NUM_LAYERS, DIM_EMB), jnp.float32)
    gamma = jnp.ones((NUM_LAYERS, DIM_EMB), jnp.float32)
    beta = jnp.zeros((NUM_LAYERS, DIM_EMB), jnp.float32)
    W1 = lin(ks[5], DIM_EMB, DIM_EMB // 2)
    b1 = jnp.zeros((DIM_EMB // 2,), jnp.float32)
    W2 = lin(ks[6], DIM_EMB // 2, DIM_EMB // 4)
    b2 = jnp.zeros((DIM_EMB // 4,), jnp.float32)
    W3 = lin(ks[7], DIM_EMB // 4, DIM_TARGET)
    b3 = jnp.zeros((DIM_TARGET,), jnp.float32)
    return {"x": x, "edge_index": edge_index, "batch": batch,
            "W0": W0, "b0": b0, "Wc": Wc, "bc": bc, "gamma": gamma, "beta": beta,
            "W1": W1, "b1": b1, "W2": W2, "b2": b2, "W3": W3, "b3": b3}


def reference(x, edge_index, batch, W0, b0, Wc, bc, gamma, beta, W1, b1, W2, b2, W3, b3):
    N = x.shape[0]
    loop = jnp.arange(N, dtype=edge_index.dtype)
    src = jnp.concatenate([edge_index[0], loop])
    dst = jnp.concatenate([edge_index[1], loop])
    deg = jax.ops.segment_sum(jnp.ones(src.shape[0], jnp.float32), dst, num_segments=N)
    dinv = jnp.where(deg > 0, jax.lax.rsqrt(jnp.maximum(deg, 1e-12)), 0.0)
    norm = dinv[src] * dinv[dst]
    # embedding linear
    h = x @ W0 + b0
    for i in range(NUM_LAYERS):
        h_in = h
        hw = h @ Wc[i]
        msg = hw[src] * norm[:, None]
        h = jax.ops.segment_sum(msg, dst, num_segments=N) + bc[i]
        # BatchNorm1d (training-mode batch stats)
        mu = jnp.mean(h, axis=0)
        var = jnp.var(h, axis=0)
        h = (h - mu) * jax.lax.rsqrt(var + 1e-5) * gamma[i] + beta[i]
        h = jax.nn.relu(h)
        h = h_in + h
    # global mean pool over graphs
    sums = jax.ops.segment_sum(h, batch, num_segments=NUM_GRAPHS)
    cnt = jax.ops.segment_sum(jnp.ones(N, jnp.float32), batch, num_segments=NUM_GRAPHS)
    g = sums / jnp.maximum(cnt, 1.0)[:, None]
    g = jax.nn.relu(g @ W1 + b1)
    g = jax.nn.relu(g @ W2 + b2)
    out = g @ W3 + b3
    return out

if __name__ == "__main__":
    import jax
    _d = setup_inputs()
    print(jax.jit(kernel)(*tuple(_d.values())))

</pallas_src>

<mosaic_0001>
#map = affine_map<(d0, d1) -> (0, 0)>
module attributes {stable_mosaic.version = 14 : i64} {
  func.func @_edge_scatter(%arg0: i32, %arg1: i32, %arg2: memref<2528x128xi32, #tpu.memory_space<hbm>>, %arg3: memref<2528x128xi32, #tpu.memory_space<hbm>>, %arg4: memref<10000x128xf32, #tpu.memory_space<hbm>>, %arg5: memref<10000x128xf32, #tpu.memory_space<hbm>>, %arg6: memref<640x128xf32, #tpu.memory_space<hbm>>, %arg7: memref<10240x128xf32, #tpu.memory_space<hbm>>, %arg8: memref<10240x128xf32, #tpu.memory_space<hbm>>, %arg9: memref<2x128xi32, #tpu.memory_space<vmem>>, %arg10: memref<2x128xi32, #tpu.memory_space<vmem>>, %arg11: memref<128x128xf32, #tpu.memory_space<vmem>>, %arg12: memref<128x128xf32, #tpu.memory_space<vmem>>, %arg13: memref<10240x128xf32, #tpu.memory_space<vmem_shared>>, %arg14: memref<!tpu.dma_semaphore, #tpu.memory_space<semaphore_mem>>, %arg15: memref<!tpu.dma_semaphore, #tpu.memory_space<semaphore_mem>>) attributes {dimension_semantics = [#tpu.dimension_semantics<core_parallel>, #tpu.dimension_semantics<subcore_parallel>], iteration_bounds = array<i64: 2, 16>, scalar_prefetch = 0 : i64, scratch_operands = 7 : i64, tpu.core_type = #tpu.core_type<sc_vector_subcore>, window_params = [{transform_indices = #map}, {transform_indices = #map}, {transform_indices = #map}, {transform_indices = #map}, {transform_indices = #map}, {transform_indices = #map}, {transform_indices = #map}]} {
    %mul3A = arith.constant 640 : i32
    %mul3A_0 = arith.muli %arg1, %mul3A : i32
    "tpu.region"() ({
      %run_scoped3A = tpu.sem_alloc : memref<!tpu.dma_semaphore, #tpu.memory_space<semaphore_mem>>
      %dma_start3A = arith.constant 0 : i32
      %dma_start3A_8 = tpu.memref_slice %arg13[%mul3A_0, %dma_start3A] : memref<10240x128xf32, #tpu.memory_space<vmem_shared>> -> memref<640x128xf32, #tpu.memory_space<vmem_shared>>
      tpu.enqueue_dma source(%arg6 : memref<640x128xf32, #tpu.memory_space<hbm>>) target(%dma_start3A_8 : memref<640x128xf32, #tpu.memory_space<vmem_shared>>) target_semaphore(%run_scoped3A : memref<!tpu.dma_semaphore, #tpu.memory_space<semaphore_mem>>)
      %dma_wait3A = arith.constant 0 : i32
      %dma_wait3A_9 = tpu.memref_slice %arg13[%mul3A_0, %dma_wait3A] : memref<10240x128xf32, #tpu.memory_space<vmem_shared>> -> memref<640x128xf32, #tpu.memory_space<vmem_shared>>
      tpu.wait_dma2 semaphore(%run_scoped3A : memref<!tpu.dma_semaphore, #tpu.memory_space<semaphore_mem>>) src(%arg6 : memref<640x128xf32, #tpu.memory_space<hbm>>) dst(%dma_wait3A_9 : memref<640x128xf32, #tpu.memory_space<vmem_shared>>)
      tpu.yield
    }) : () -> ()
    %barrier3A = arith.constant 0 : index
    tpu.barrier barrier_id(%barrier3A)
    %eq3A = arith.constant 0 : i32
    %eq3A_1 = arith.cmpi eq, %arg0, %eq3A : i32
    %convert_element_type3A = arith.extui %eq3A_1 : i1 to i32
    %cond3A = arith.constant 0 : i32
    %cond3A_2 = arith.cmpi ne, %convert_element_type3A, %cond3A : i32
    scf.if %cond3A_2 {
      %mul3A_8 = arith.constant 158 : i32
      %mul3A_9 = arith.muli %arg1, %mul3A_8 : i32
      %add3A = arith.constant 0 : i32
      %add3A_10 = arith.addi %mul3A_9, %add3A : i32
      "tpu.region"() ({
        %run_scoped3A = tpu.sem_alloc : memref<!tpu.dma_semaphore, #tpu.memory_space<semaphore_mem>>
        %dma_start3A_40 = arith.constant 0 : i32
        %dma_start3A_41 = arith.constant 0 : i32
        %dma_start3A_42 = tpu.memref_slice %arg9[%dma_start3A_40, %dma_start3A_41] : memref<2x128xi32, #tpu.memory_space<vmem>> -> memref<1x128xi32, #tpu.memory_space<vmem>>
        %dma_start3A_43 = arith.constant 0 : i32
        %dma_start3A_44 = tpu.memref_slice %arg2[%add3A_10, %dma_start3A_43] : memref<2528x128xi32, #tpu.memory_space<hbm>> -> memref<1x128xi32, #tpu.memory_space<hbm>>
        %dma_start3A_45 = arith.constant 0 : i32
        %dma_start3A_46 = arith.constant 0 : i32
        %dma_start3A_47 = tpu.memref_slice %arg9[%dma_start3A_45, %dma_start3A_46] : memref<2x128xi32, #tpu.memory_space<vmem>> -> memref<1x128xi32, #tpu.memory_space<vmem>>
        %dma_start3A_48 = arith.constant 0 : i32
        %dma_start3A_49 = tpu.memref_slice %arg2[%add3A_10, %dma_start3A_48] : memref<2528x128xi32, #tpu.memory_space<hbm>> -> memref<1x128xi32, #tpu.memory_space<hbm>>
        tpu.enqueue_dma source(%dma_start3A_49 : memref<1x128xi32, #tpu.memory_space<hbm>>) target(%dma_start3A_47 : memref<1x128xi32, #tpu.memory_space<vmem>>) target_semaphore(%run_scoped3A : memref<!tpu.dma_semaphore, #tpu.memory_space<semaphore_mem>>)
        %dma_wait3A = arith.constant 0 : i32
        %dma_wait3A_50 = arith.constant 0 : i32
        %dma_wait3A_51 = tpu.memref_slice %arg9[%dma_wait3A, %dma_wait3A_50] : memref<2x128xi32, #tpu.memory_space<vmem>> -> memref<1x128xi32, #tpu.memory_space<vmem>>
        %dma_wait3A_52 = arith.constant 0 : i32
        %dma_wait3A_53 = tpu.memref_slice %arg2[%add3A_10, %dma_wait3A_52] : memref<2528x128xi32, #tpu.memory_space<hbm>> -> memref<1x128xi32, #tpu.memory_space<hbm>>
        %dma_wait3A_54 = arith.constant 0 : i32
        %dma_wait3A_55 = arith.constant 0 : i32
        %dma_wait3A_56 = tpu.memref_slice %arg9[%dma_wait3A_54, %dma_wait3A_55] : memref<2x128xi32, #tpu.memory_space<vmem>> -> memref<1x128xi32, #tpu.memory_space<vmem>>
        %dma_wait3A_57 = arith.constant 0 : i32
        %dma_wait3A_58 = tpu.memref_slice %arg2[%add3A_10, %dma_wait3A_57] : memref<2528x128xi32, #tpu.memory_space<hbm>> -> memref<1x128xi32, #tpu.memory_space<hbm>>
        tpu.wait_dma2 semaphore(%run_scoped3A : memref<!tpu.dma_semaphore, #tpu.memory_space<semaphore_mem>>) src(%dma_wait3A_58 : memref<1x128xi32, #tpu.memory_space<hbm>>) dst(%dma_wait3A_56 : memref<1x128xi32, #tpu.memory_space<vmem>>)
        tpu.yield
      }) : () -> ()
      %add3A_11 = arith.constant 0 : i32
      %add3A_12 = arith.addi %mul3A_9, %add3A_11 : i32
      "tpu.region"() ({
        %run_scoped3A = tpu.sem_alloc : memref<!tpu.dma_semaphore, #tpu.memory_space<semaphore_mem>>
        %dma_start3A_40 = arith.constant 0 : i32
        %dma_start3A_41 = arith.constant 0 : i32
        %dma_start3A_42 = tpu.memref_slice %arg10[%dma_start3A_40, %dma_start3A_41] : memref<2x128xi32, #tpu.memory_space<vmem>> -> memref<1x128xi32, #tpu.memory_space<vmem>>
        %dma_start3A_43 = arith.constant 0 : i32
        %dma_start3A_44 = tpu.memref_slice %arg3[%add3A_12, %dma_start3A_43] : memref<2528x128xi32, #tpu.memory_space<hbm>> -> memref<1x128xi32, #tpu.memory_space<hbm>>
        %dma_start3A_45 = arith.constant 0 : i32
        %dma_start3A_46 = arith.constant 0 : i32
        %dma_start3A_47 = tpu.memref_slice %arg10[%dma_start3A_45, %dma_start3A_46] : memref<2x128xi32, #tpu.memory_space<vmem>> -> memref<1x128xi32, #tpu.memory_space<vmem>>
        %dma_start3A_48 = arith.constant 0 : i32
        %dma_start3A_49 = tpu.memref_slice %arg3[%add3A_12, %dma_start3A_48] : memref<2528x128xi32, #tpu.memory_space<hbm>> -> memref<1x128xi32, #tpu.memory_space<hbm>>
        tpu.enqueue_dma source(%dma_start3A_49 : memref<1x128xi32, #tpu.memory_space<hbm>>) target(%dma_start3A_47 : memref<1x128xi32, #tpu.memory_space<vmem>>) target_semaphore(%run_scoped3A : memref<!tpu.dma_semaphore, #tpu.memory_space<semaphore_mem>>)
        %dma_wait3A = arith.constant 0 : i32
        %dma_wait3A_50 = arith.constant 0 : i32
        %dma_wait3A_51 = tpu.memref_slice %arg10[%dma_wait3A, %dma_wait3A_50] : memref<2x128xi32, #tpu.memory_space<vmem>> -> memref<1x128xi32, #tpu.memory_space<vmem>>
        %dma_wait3A_52 = arith.constant 0 : i32
        %dma_wait3A_53 = tpu.memref_slice %arg3[%add3A_12, %dma_wait3A_52] : memref<2528x128xi32, #tpu.memory_space<hbm>> -> memref<1x128xi32, #tpu.memory_space<hbm>>
        %dma_wait3A_54 = arith.constant 0 : i32
        %dma_wait3A_55 = arith.constant 0 : i32
        %dma_wait3A_56 = tpu.memref_slice %arg10[%dma_wait3A_54, %dma_wait3A_55] : memref<2x128xi32, #tpu.memory_space<vmem>> -> memref<1x128xi32, #tpu.memory_space<vmem>>
        %dma_wait3A_57 = arith.constant 0 : i32
        %dma_wait3A_58 = tpu.memref_slice %arg3[%add3A_12, %dma_wait3A_57] : memref<2528x128xi32, #tpu.memory_space<hbm>> -> memref<1x128xi32, #tpu.memory_space<hbm>>
        tpu.wait_dma2 semaphore(%run_scoped3A : memref<!tpu.dma_semaphore, #tpu.memory_space<semaphore_mem>>) src(%dma_wait3A_58 : memref<1x128xi32, #tpu.memory_space<hbm>>) dst(%dma_wait3A_56 : memref<1x128xi32, #tpu.memory_space<vmem>>)
        tpu.yield
      }) : () -> ()
      %dma_start3A = arith.constant 0 : i32
      %dma_start3A_13 = arith.constant 0 : i32
      %dma_start3A_14 = tpu.memref_slice %arg9[%dma_start3A, %dma_start3A_13] : memref<2x128xi32, #tpu.memory_space<vmem>> -> memref<1x128xi32, #tpu.memory_space<vmem>>
      %dma_start3A_15 = tpu.memref_squeeze %dma_start3A_14 : memref<1x128xi32, #tpu.memory_space<vmem>> -> memref<128xi32, #tpu.memory_space<vmem>>
      %dma_start3A_16 = arith.constant 0 : i32
      %dma_start3A_17 = arith.constant 0 : i32
      %dma_start3A_18 = tpu.memref_slice %arg4[%dma_start3A_16, %dma_start3A_17] : memref<10000x128xf32, #tpu.memory_space<hbm>> -> memref<10000x128xf32, #tpu.memory_space<hbm>>
      tpu.enqueue_indirect_dma source(%dma_start3A_18 : memref<10000x128xf32, #tpu.memory_space<hbm>>) target(%arg11 : memref<128x128xf32, #tpu.memory_space<vmem>>) offsets(%dma_start3A_15 : memref<128xi32, #tpu.memory_space<vmem>>) semaphore(%arg14 : memref<!tpu.dma_semaphore, #tpu.memory_space<semaphore_mem>>)
      %add3A_19 = arith.constant 1 : i32
      %add3A_20 = arith.addi %mul3A_9, %add3A_19 : i32
      "tpu.region"() ({
        %run_scoped3A = tpu.sem_alloc : memref<!tpu.dma_semaphore, #tpu.memory_space<semaphore_mem>>
        %dma_start3A_40 = arith.constant 1 : i32
        %dma_start3A_41 = arith.constant 0 : i32
        %dma_start3A_42 = tpu.memref_slice %arg9[%dma_start3A_40, %dma_start3A_41] : memref<2x128xi32, #tpu.memory_space<vmem>> -> memref<1x128xi32, #tpu.memory_space<vmem>>
        %dma_start3A_43 = arith.constant 0 : i32
        %dma_start3A_44 = tpu.memref_slice %arg2[%add3A_20, %dma_start3A_43] : memref<2528x128xi32, #tpu.memory_space<hbm>> -> memref<1x128xi32, #tpu.memory_space<hbm>>
        %dma_start3A_45 = arith.constant 1 : i32
        %dma_start3A_46 = arith.constant 0 : i32
        %dma_start3A_47 = tpu.memref_slice %arg9[%dma_start3A_45, %dma_start3A_46] : memref<2x128xi32, #tpu.memory_space<vmem>> -> memref<1x128xi32, #tpu.memory_space<vmem>>
        %dma_start3A_48 = arith.constant 0 : i32
        %dma_start3A_49 = tpu.memref_slice %arg2[%add3A_20, %dma_start3A_48] : memref<2528x128xi32, #tpu.memory_space<hbm>> -> memref<1x128xi32, #tpu.memory_space<hbm>>
        tpu.enqueue_dma source(%dma_start3A_49 : memref<1x128xi32, #tpu.memory_space<hbm>>) target(%dma_start3A_47 : memref<1x128xi32, #tpu.memory_space<vmem>>) target_semaphore(%run_scoped3A : memref<!tpu.dma_semaphore, #tpu.memory_space<semaphore_mem>>)
        %dma_wait3A = arith.constant 1 : i32
        %dma_wait3A_50 = arith.constant 0 : i32
        %dma_wait3A_51 = tpu.memref_slice %arg9[%dma_wait3A, %dma_wait3A_50] : memref<2x128xi32, #tpu.memory_space<vmem>> -> memref<1x128xi32, #tpu.memory_space<vmem>>
        %dma_wait3A_52 = arith.constant 0 : i32
        %dma_wait3A_53 = tpu.memref_slice %arg2[%add3A_20, %dma_wait3A_52] : memref<2528x128xi32, #tpu.memory_space<hbm>> -> memref<1x128xi32, #tpu.memory_space<hbm>>
        %dma_wait3A_54 = arith.constant 1 : i32
        %dma_wait3A_55 = arith.constant 0 : i32
        %dma_wait3A_56 = tpu.memref_slice %arg9[%dma_wait3A_54, %dma_wait3A_55] : memref<2x128xi32, #tpu.memory_space<vmem>> -> memref<1x128xi32, #tpu.memory_space<vmem>>
        %dma_wait3A_57 = arith.constant 0 : i32
        %dma_wait3A_58 = tpu.memref_slice %arg2[%add3A_20, %dma_wait3A_57] : memref<2528x128xi32, #tpu.memory_space<hbm>> -> memref<1x128xi32, #tpu.memory_space<hbm>>
        tpu.wait_dma2 semaphore(%run_scoped3A : memref<!tpu.dma_semaphore, #tpu.memory_space<semaphore_mem>>) src(%dma_wait3A_58 : memref<1x128xi32, #tpu.memory_space<hbm>>) dst(%dma_wait3A_56 : memref<1x128xi32, #tpu.memory_space<vmem>>)
        tpu.yield
      }) : () -> ()
      %add3A_21 = arith.constant 1 : i32
      %add3A_22 = arith.addi %mul3A_9, %add3A_21 : i32
      "tpu.region"() ({
        %run_scoped3A = tpu.sem_alloc : memref<!tpu.dma_semaphore, #tpu.memory_space<semaphore_mem>>
        %dma_start3A_40 = arith.constant 1 : i32
        %dma_start3A_41 = arith.constant 0 : i32
        %dma_start3A_42 = tpu.memref_slice %arg10[%dma_start3A_40, %dma_start3A_41] : memref<2x128xi32, #tpu.memory_space<vmem>> -> memref<1x128xi32, #tpu.memory_space<vmem>>
        %dma_start3A_43 = arith.constant 0 : i32
        %dma_start3A_44 = tpu.memref_slice %arg3[%add3A_22, %dma_start3A_43] : memref<2528x128xi32, #tpu.memory_space<hbm>> -> memref<1x128xi32, #tpu.memory_space<hbm>>
        %dma_start3A_45 = arith.constant 1 : i32
        %dma_start3A_46 = arith.constant 0 : i32
        %dma_start3A_47 = tpu.memref_slice %arg10[%dma_start3A_45, %dma_start3A_46] : memref<2x128xi32, #tpu.memory_space<vmem>> -> memref<1x128xi32, #tpu.memory_space<vmem>>
        %dma_start3A_48 = arith.constant 0 : i32
        %dma_start3A_49 = tpu.memref_slice %arg3[%add3A_22, %dma_start3A_48] : memref<2528x128xi32, #tpu.memory_space<hbm>> -> memref<1x128xi32, #tpu.memory_space<hbm>>
        tpu.enqueue_dma source(%dma_start3A_49 : memref<1x128xi32, #tpu.memory_space<hbm>>) target(%dma_start3A_47 : memref<1x128xi32, #tpu.memory_space<vmem>>) target_semaphore(%run_scoped3A : memref<!tpu.dma_semaphore, #tpu.memory_space<semaphore_mem>>)
        %dma_wait3A = arith.constant 1 : i32
        %dma_wait3A_50 = arith.constant 0 : i32
        %dma_wait3A_51 = tpu.memref_slice %arg10[%dma_wait3A, %dma_wait3A_50] : memref<2x128xi32, #tpu.memory_space<vmem>> -> memref<1x128xi32, #tpu.memory_space<vmem>>
        %dma_wait3A_52 = arith.constant 0 : i32
        %dma_wait3A_53 = tpu.memref_slice %arg3[%add3A_22, %dma_wait3A_52] : memref<2528x128xi32, #tpu.memory_space<hbm>> -> memref<1x128xi32, #tpu.memory_space<hbm>>
        %dma_wait3A_54 = arith.constant 1 : i32
        %dma_wait3A_55 = arith.constant 0 : i32
        %dma_wait3A_56 = tpu.memref_slice %arg10[%dma_wait3A_54, %dma_wait3A_55] : memref<2x128xi32, #tpu.memory_space<vmem>> -> memref<1x128xi32, #tpu.memory_space<vmem>>
        %dma_wait3A_57 = arith.constant 0 : i32
        %dma_wait3A_58 = tpu.memref_slice %arg3[%add3A_22, %dma_wait3A_57] : memref<2528x128xi32, #tpu.memory_space<hbm>> -> memref<1x128xi32, #tpu.memory_space<hbm>>
        tpu.wait_dma2 semaphore(%run_scoped3A : memref<!tpu.dma_semaphore, #tpu.memory_space<semaphore_mem>>) src(%dma_wait3A_58 : memref<1x128xi32, #tpu.memory_space<hbm>>) dst(%dma_wait3A_56 : memref<1x128xi32, #tpu.memory_space<vmem>>)
        tpu.yield
      }) : () -> ()
      %dma_start3A_23 = arith.constant 1 : i32
      %dma_start3A_24 = arith.constant 0 : i32
      %dma_start3A_25 = tpu.memref_slice %arg9[%dma_start3A_23, %dma_start3A_24] : memref<2x128xi32, #tpu.memory_space<vmem>> -> memref<1x128xi32, #tpu.memory_space<vmem>>
      %dma_start3A_26 = tpu.memref_squeeze %dma_start3A_25 : memref<1x128xi32, #tpu.memory_space<vmem>> -> memref<128xi32, #tpu.memory_space<vmem>>
      %dma_start3A_27 = arith.constant 0 : i32
      %dma_start3A_28 = arith.constant 0 : i32
      %dma_start3A_29 = tpu.memref_slice %arg4[%dma_start3A_27, %dma_start3A_28] : memref<10000x128xf32, #tpu.memory_space<hbm>> -> memref<10000x128xf32, #tpu.memory_space<hbm>>
      tpu.enqueue_indirect_dma source(%dma_start3A_29 : memref<10000x128xf32, #tpu.memory_space<hbm>>) target(%arg12 : memref<128x128xf32, #tpu.memory_space<vmem>>) offsets(%dma_start3A_26 : memref<128xi32, #tpu.memory_space<vmem>>) semaphore(%arg15 : memref<!tpu.dma_semaphore, #tpu.memory_space<semaphore_mem>>)
      %scan3A = arith.constant 0 : i32
      %scan3A_30 = arith.constant 0 : i32
      %scan3A_31 = arith.constant 79 : i32
      %scan3A_32 = arith.addi %scan3A_30, %scan3A_31 : i32
      %scan3A_33 = arith.constant 1 : i32
      scf.for %scan3A_40 = %scan3A_30 to %scan3A_32 step %scan3A_33  : i32 {
        %mul3A_41 = arith.constant 2 : i32
        %mul3A_42 = arith.muli %mul3A_41, %scan3A_40 : i32
        %add3A_43 = arith.constant 0 : i32
        %add3A_44 = arith.addi %mul3A_42, %add3A_43 : i32
        %dma_wait3A = arith.constant 0 : i32
        %dma_wait3A_45 = arith.constant 0 : i32
        %dma_wait3A_46 = tpu.memref_slice %arg9[%dma_wait3A, %dma_wait3A_45] : memref<2x128xi32, #tpu.memory_space<vmem>> -> memref<1x128xi32, #tpu.memory_space<vmem>>
        %dma_wait3A_47 = tpu.memref_squeeze %dma_wait3A_46 : memref<1x128xi32, #tpu.memory_space<vmem>> -> memref<128xi32, #tpu.memory_space<vmem>>
        %dma_wait3A_48 = arith.constant 0 : i32
        %dma_wait3A_49 = arith.constant 0 : i32
        %dma_wait3A_50 = tpu.memref_slice %arg4[%dma_wait3A_48, %dma_wait3A_49] : memref<10000x128xf32, #tpu.memory_space<hbm>> -> memref<10000x128xf32, #tpu.memory_space<hbm>>
        tpu.wait_indirect_dma semaphore(%arg14 : memref<!tpu.dma_semaphore, #tpu.memory_space<semaphore_mem>>) src(%dma_wait3A_50 : memref<10000x128xf32, #tpu.memory_space<hbm>>) dst(%arg11 : memref<128x128xf32, #tpu.memory_space<vmem>>)
        %run_scoped3A = arith.constant 0 : i32
        "tpu.region"() ({
          %run_scoped3A_76 = tpu.sem_alloc : memref<!tpu.dma_semaphore, #tpu.memory_space<semaphore_mem>>
          %dma_start3A_77 = arith.constant 0 : i32
          %dma_start3A_78 = tpu.memref_slice %arg10[%run_scoped3A, %dma_start3A_77] : memref<2x128xi32, #tpu.memory_space<vmem>> -> memref<1x128xi32, #tpu.memory_space<vmem>>
          %dma_start3A_79 = tpu.memref_squeeze %dma_start3A_78 : memref<1x128xi32, #tpu.memory_space<vmem>> -> memref<128xi32, #tpu.memory_space<vmem>>
          %dma_start3A_80 = arith.constant 0 : i32
          %dma_start3A_81 = arith.constant 0 : i32
          %dma_start3A_82 = tpu.memref_slice %arg13[%dma_start3A_80, %dma_start3A_81] : memref<10240x128xf32, #tpu.memory_space<vmem_shared>> -> memref<10240x128xf32, #tpu.memory_space<vmem_shared>>
          tpu.enqueue_indirect_dma source(%arg11 : memref<128x128xf32, #tpu.memory_space<vmem>>) target(%dma_start3A_82 : memref<10240x128xf32, #tpu.memory_space<vmem_shared>>) offsets(%dma_start3A_79 : memref<128xi32, #tpu.memory_space<vmem>>) semaphore(%run_scoped3A_76 : memref<!tpu.dma_semaphore, #tpu.memory_space<semaphore_mem>>) {add = true}
          %dma_wait3A_83 = arith.constant 0 : i32
          %dma_wait3A_84 = tpu.memref_slice %arg10[%run_scoped3A, %dma_wait3A_83] : memref<2x128xi32, #tpu.memory_space<vmem>> -> memref<1x128xi32, #tpu.memory_space<vmem>>
          %dma_wait3A_85 = tpu.memref_squeeze %dma_wait3A_84 : memref<1x128xi32, #tpu.memory_space<vmem>> -> memref<128xi32, #tpu.memory_space<vmem>>
          %dma_wait3A_86 = arith.constant 0 : i32
          %dma_wait3A_87 = arith.constant 0 : i32
          %dma_wait3A_88 = tpu.memref_slice %arg13[%dma_wait3A_86, %dma_wait3A_87] : memref<10240x128xf32, #tpu.memory_space<vmem_shared>> -> memref<10240x128xf32, #tpu.memory_space<vmem_shared>>
          tpu.wait_indirect_dma semaphore(%run_scoped3A_76 : memref<!tpu.dma_semaphore, #tpu.memory_space<semaphore_mem>>) src(%arg11 : memref<128x128xf32, #tpu.memory_space<vmem>>) dst(%dma_wait3A_88 : memref<10240x128xf32, #tpu.memory_space<vmem_shared>>)
          tpu.yield
        }) : () -> ()
        %add3A_51 = arith.constant 2 : i32
        %add3A_52 = arith.addi %add3A_44, %add3A_51 : i32
        %lt3A = arith.constant 158 : i32
        %lt3A_53 = arith.cmpi slt, %add3A_52, %lt3A : i32
        %convert_element_type3A_54 = arith.extui %lt3A_53 : i1 to i32
        %cond3A_55 = arith.constant 0 : i32
        %cond3A_56 = arith.cmpi ne, %convert_element_type3A_54, %cond3A_55 : i32
        scf.if %cond3A_56 {
          %add3A_76 = arith.addi %mul3A_9, %add3A_44 : i32
          %add3A_77 = arith.constant 2 : i32
          %add3A_78 = arith.addi %add3A_76, %add3A_77 : i32
          "tpu.region"() ({
            %run_scoped3A_86 = tpu.sem_alloc : memref<!tpu.dma_semaphore, #tpu.memory_space<semaphore_mem>>
            %dma_start3A_87 = arith.constant 0 : i32
            %dma_start3A_88 = arith.constant 0 : i32
            %dma_start3A_89 = tpu.memref_slice %arg9[%dma_start3A_87, %dma_start3A_88] : memref<2x128xi32, #tpu.memory_space<vmem>> -> memref<1x128xi32, #tpu.memory_space<vmem>>
            %dma_start3A_90 = arith.constant 0 : i32
            %dma_start3A_91 = tpu.memref_slice %arg2[%add3A_78, %dma_start3A_90] : memref<2528x128xi32, #tpu.memory_space<hbm>> -> memref<1x128xi32, #tpu.memory_space<hbm>>
            %dma_start3A_92 = arith.constant 0 : i32
            %dma_start3A_93 = arith.constant 0 : i32
            %dma_start3A_94 = tpu.memref_slice %arg9[%dma_start3A_92, %dma_start3A_93] : memref<2x128xi32, #tpu.memory_space<vmem>> -> memref<1x128xi32, #tpu.memory_space<vmem>>
            %dma_start3A_95 = arith.constant 0 : i32
            %dma_start3A_96 = tpu.memref_slice %arg2[%add3A_78, %dma_start3A_95] : memref<2528x128xi32, #tpu.memory_space<hbm>> -> memref<1x128xi32, #tpu.memory_space<hbm>>
            tpu.enqueue_dma source(%dma_start3A_96 : memref<1x128xi32, #tpu.memory_space<hbm>>) target(%dma_start3A_94 : memref<1x128xi32, #tpu.memory_space<vmem>>) target_semaphore(%run_scoped3A_86 : memref<!tpu.dma_semaphore, #tpu.memory_space<semaphore_mem>>)
            %dma_wait3A_97 = arith.constant 0 : i32
            %dma_wait3A_98 = arith.constant 0 : i32
            %dma_wait3A_99 = tpu.memref_slice %arg9[%dma_wait3A_97, %dma_wait3A_98] : memref<2x128xi32, #tpu.memory_space<vmem>> -> memref<1x128xi32, #tpu.memory_space<vmem>>
            %dma_wait3A_100 = arith.constant 0 : i32
            %dma_wait3A_101 = tpu.memref_slice %arg2[%add3A_78, %dma_wait3A_100] : memref<2528x128xi32, #tpu.memory_space<hbm>> -> memref<1x128xi32, #tpu.memory_space<hbm>>
            %dma_wait3A_102 = arith.constant 0 : i32
            %dma_wait3A_103 = arith.constant 0 : i32
            %dma_wait3A_104 = tpu.memref_slice %arg9[%dma_wait3A_102, %dma_wait3A_103] : memref<2x128xi32, #tpu.memory_space<vmem>> -> memref<1x128xi32, #tpu.memory_space<vmem>>
            %dma_wait3A_105 = arith.constant 0 : i32
            %dma_wait3A_106 = tpu.memref_slice %arg2[%add3A_78, %dma_wait3A_105] : memref<2528x128xi32, #tpu.memory_space<hbm>> -> memref<1x128xi32, #tpu.memory_space<hbm>>
            tpu.wait_dma2 semaphore(%run_scoped3A_86 : memref<!tpu.dma_semaphore, #tpu.memory_space<semaphore_mem>>) src(%dma_wait3A_106 : memref<1x128xi32, #tpu.memory_space<hbm>>) dst(%dma_wait3A_104 : memref<1x128xi32, #tpu.memory_space<vmem>>)
            tpu.yield
          }) : () -> ()
          "tpu.region"() ({
            %run_scoped3A_86 = tpu.sem_alloc : memref<!tpu.dma_semaphore, #tpu.memory_space<semaphore_mem>>
            %dma_start3A_87 = arith.constant 0 : i32
            %dma_start3A_88 = arith.constant 0 : i32
            %dma_start3A_89 = tpu.memref_slice %arg10[%dma_start3A_87, %dma_start3A_88] : memref<2x128xi32, #tpu.memory_space<vmem>> -> memref<1x128xi32, #tpu.memory_space<vmem>>
            %dma_start3A_90 = arith.constant 0 : i32
            %dma_start3A_91 = tpu.memref_slice %arg3[%add3A_78, %dma_start3A_90] : memref<2528x128xi32, #tpu.memory_space<hbm>> -> memref<1x128xi32, #tpu.memory_space<hbm>>
            %dma_start3A_92 = arith.constant 0 : i32
            %dma_start3A_93 = arith.constant 0 : i32
            %dma_start3A_94 = tpu.memref_slice %arg10[%dma_start3A_92, %dma_start3A_93] : memref<2x128xi32, #tpu.memory_space<vmem>> -> memref<1x128xi32, #tpu.memory_space<vmem>>
            %dma_start3A_95 = arith.constant 0 : i32
            %dma_start3A_96 = tpu.memref_slice %arg3[%add3A_78, %dma_start3A_95] : memref<2528x128xi32, #tpu.memory_space<hbm>> -> memref<1x128xi32, #tpu.memory_space<hbm>>
            tpu.enqueue_dma source(%dma_start3A_96 : memref<1x128xi32, #tpu.memory_space<hbm>>) target(%dma_start3A_94 : memref<1x128xi32, #tpu.memory_space<vmem>>) target_semaphore(%run_scoped3A_86 : memref<!tpu.dma_semaphore, #tpu.memory_space<semaphore_mem>>)
            %dma_wait3A_97 = arith.constant 0 : i32
            %dma_wait3A_98 = arith.constant 0 : i32
            %dma_wait3A_99 = tpu.memref_slice %arg10[%dma_wait3A_97, %dma_wait3A_98] : memref<2x128xi32, #tpu.memory_space<vmem>> -> memref<1x128xi32, #tpu.memory_space<vmem>>
            %dma_wait3A_100 = arith.constant 0 : i32
            %dma_wait3A_101 = tpu.memref_slice %arg3[%add3A_78, %dma_wait3A_100] : memref<2528x128xi32, #tpu.memory_space<hbm>> -> memref<1x128xi32, #tpu.memory_space<hbm>>
            %dma_wait3A_102 = arith.constant 0 : i32
            %dma_wait3A_103 = arith.constant 0 : i32
            %dma_wait3A_104 = tpu.memref_slice %arg10[%dma_wait3A_102, %dma_wait3A_103] : memref<2x128xi32, #tpu.memory_space<vmem>> -> memref<1x128xi32, #tpu.memory_space<vmem>>
            %dma_wait3A_105 = arith.constant 0 : i32
            %dma_wait3A_106 = tpu.memref_slice %arg3[%add3A_78, %dma_wait3A_105] : memref<2528x128xi32, #tpu.memory_space<hbm>> -> memref<1x128xi32, #tpu.memory_space<hbm>>
            tpu.wait_dma2 semaphore(%run_scoped3A_86 : memref<!tpu.dma_semaphore, #tpu.memory_space<semaphore_mem>>) src(%dma_wait3A_106 : memref<1x128xi32, #tpu.memory_space<hbm>>) dst(%dma_wait3A_104 : memref<1x128xi32, #tpu.memory_space<vmem>>)
            tpu.yield
          }) : () -> ()
          %dma_start3A_79 = arith.constant 0 : i32
          %dma_start3A_80 = arith.constant 0 : i32
          %dma_start3A_81 = tpu.memref_slice %arg9[%dma_start3A_79, %dma_start3A_80] : memref<2x128xi32, #tpu.memory_space<vmem>> -> memref<1x128xi32, #tpu.memory_space<vmem>>
          %dma_start3A_82 = tpu.memref_squeeze %dma_start3A_81 : memref<1x128xi32, #tpu.memory_space<vmem>> -> memref<128xi32, #tpu.memory_space<vmem>>
          %dma_start3A_83 = arith.constant 0 : i32
          %dma_start3A_84 = arith.constant 0 : i32
          %dma_start3A_85 = tpu.memref_slice %arg4[%dma_start3A_83, %dma_start3A_84] : memref<10000x128xf32, #tpu.memory_space<hbm>> -> memref<10000x128xf32, #tpu.memory_space<hbm>>
          tpu.enqueue_indirect_dma source(%dma_start3A_85 : memref<10000x128xf32, #tpu.memory_space<hbm>>) target(%arg11 : memref<128x128xf32, #tpu.memory_space<vmem>>) offsets(%dma_start3A_82 : memref<128xi32, #tpu.memory_space<vmem>>) semaphore(%arg14 : memref<!tpu.dma_semaphore, #tpu.memory_space<semaphore_mem>>)
        } else {
        }
        %mul3A_57 = arith.constant 2 : i32
        %mul3A_58 = arith.muli %mul3A_57, %scan3A_40 : i32
        %add3A_59 = arith.constant 1 : i32
        %add3A_60 = arith.addi %mul3A_58, %add3A_59 : i32
        %dma_wait3A_61 = arith.constant 1 : i32
        %dma_wait3A_62 = arith.constant 0 : i32
        %dma_wait3A_63 = tpu.memref_slice %arg9[%dma_wait3A_61, %dma_wait3A_62] : memref<2x128xi32, #tpu.memory_space<vmem>> -> memref<1x128xi32, #tpu.memory_space<vmem>>
        %dma_wait3A_64 = tpu.memref_squeeze %dma_wait3A_63 : memref<1x128xi32, #tpu.memory_space<vmem>> -> memref<128xi32, #tpu.memory_space<vmem>>
        %dma_wait3A_65 = arith.constant 0 : i32
        %dma_wait3A_66 = arith.constant 0 : i32
        %dma_wait3A_67 = tpu.memref_slice %arg4[%dma_wait3A_65, %dma_wait3A_66] : memref<10000x128xf32, #tpu.memory_space<hbm>> -> memref<10000x128xf32, #tpu.memory_space<hbm>>
        tpu.wait_indirect_dma semaphore(%arg15 : memref<!tpu.dma_semaphore, #tpu.memory_space<semaphore_mem>>) src(%dma_wait3A_67 : memref<10000x128xf32, #tpu.memory_space<hbm>>) dst(%arg12 : memref<128x128xf32, #tpu.memory_space<vmem>>)
        %run_scoped3A_68 = arith.constant 1 : i32
        "tpu.region"() ({
          %run_scoped3A_76 = tpu.sem_alloc : memref<!tpu.dma_semaphore, #tpu.memory_space<semaphore_mem>>
          %dma_start3A_77 = arith.constant 0 : i32
          %dma_start3A_78 = tpu.memref_slice %arg10[%run_scoped3A_68, %dma_start3A_77] : memref<2x128xi32, #tpu.memory_space<vmem>> -> memref<1x128xi32, #tpu.memory_space<vmem>>
          %dma_start3A_79 = tpu.memref_squeeze %dma_start3A_78 : memref<1x128xi32, #tpu.memory_space<vmem>> -> memref<128xi32, #tpu.memory_space<vmem>>
          %dma_start3A_80 = arith.constant 0 : i32
          %dma_start3A_81 = arith.constant 0 : i32
          %dma_start3A_82 = tpu.memref_slice %arg13[%dma_start3A_80, %dma_start3A_81] : memref<10240x128xf32, #tpu.memory_space<vmem_shared>> -> memref<10240x128xf32, #tpu.memory_space<vmem_shared>>
          tpu.enqueue_indirect_dma source(%arg12 : memref<128x128xf32, #tpu.memory_space<vmem>>) target(%dma_start3A_82 : memref<10240x128xf32, #tpu.memory_space<vmem_shared>>) offsets(%dma_start3A_79 : memref<128xi32, #tpu.memory_space<vmem>>) semaphore(%run_scoped3A_76 : memref<!tpu.dma_semaphore, #tpu.memory_space<semaphore_mem>>) {add = true}
          %dma_wait3A_83 = arith.constant 0 : i32
          %dma_wait3A_84 = tpu.memref_slice %arg10[%run_scoped3A_68, %dma_wait3A_83] : memref<2x128xi32, #tpu.memory_space<vmem>> -> memref<1x128xi32, #tpu.memory_space<vmem>>
          %dma_wait3A_85 = tpu.memref_squeeze %dma_wait3A_84 : memref<1x128xi32, #tpu.memory_space<vmem>> -> memref<128xi32, #tpu.memory_space<vmem>>
          %dma_wait3A_86 = arith.constant 0 : i32
          %dma_wait3A_87 = arith.constant 0 : i32
          %dma_wait3A_88 = tpu.memref_slice %arg13[%dma_wait3A_86, %dma_wait3A_87] : memref<10240x128xf32, #tpu.memory_space<vmem_shared>> -> memref<10240x128xf32, #tpu.memory_space<vmem_shared>>
          tpu.wait_indirect_dma semaphore(%run_scoped3A_76 : memref<!tpu.dma_semaphore, #tpu.memory_space<semaphore_mem>>) src(%arg12 : memref<128x128xf32, #tpu.memory_space<vmem>>) dst(%dma_wait3A_88 : memref<10240x128xf32, #tpu.memory_space<vmem_shared>>)
          tpu.yield
        }) : () -> ()
        %add3A_69 = arith.constant 2 : i32
        %add3A_70 = arith.addi %add3A_60, %add3A_69 : i32
        %lt3A_71 = arith.constant 158 : i32
        %lt3A_72 = arith.cmpi slt, %add3A_70, %lt3A_71 : i32
        %convert_element_type3A_73 = arith.extui %lt3A_72 : i1 to i32
        %cond3A_74 = arith.constant 0 : i32
        %cond3A_75 = arith.cmpi ne, %convert_element_type3A_73, %cond3A_74 : i32
        scf.if %cond3A_75 {
          %add3A_76 = arith.addi %mul3A_9, %add3A_60 : i32
          %add3A_77 = arith.constant 2 : i32
          %add3A_78 = arith.addi %add3A_76, %add3A_77 : i32
          "tpu.region"() ({
            %run_scoped3A_86 = tpu.sem_alloc : memref<!tpu.dma_semaphore, #tpu.memory_space<semaphore_mem>>
            %dma_start3A_87 = arith.constant 1 : i32
            %dma_start3A_88 = arith.constant 0 : i32
            %dma_start3A_89 = tpu.memref_slice %arg9[%dma_start3A_87, %dma_start3A_88] : memref<2x128xi32, #tpu.memory_space<vmem>> -> memref<1x128xi32, #tpu.memory_space<vmem>>
            %dma_start3A_90 = arith.constant 0 : i32
            %dma_start3A_91 = tpu.memref_slice %arg2[%add3A_78, %dma_start3A_90] : memref<2528x128xi32, #tpu.memory_space<hbm>> -> memref<1x128xi32, #tpu.memory_space<hbm>>
            %dma_start3A_92 = arith.constant 1 : i32
            %dma_start3A_93 = arith.constant 0 : i32
            %dma_start3A_94 = tpu.memref_slice %arg9[%dma_start3A_92, %dma_start3A_93] : memref<2x128xi32, #tpu.memory_space<vmem>> -> memref<1x128xi32, #tpu.memory_space<vmem>>
            %dma_start3A_95 = arith.constant 0 : i32
            %dma_start3A_96 = tpu.memref_slice %arg2[%add3A_78, %dma_start3A_95] : memref<2528x128xi32, #tpu.memory_space<hbm>> -> memref<1x128xi32, #tpu.memory_space<hbm>>
            tpu.enqueue_dma source(%dma_start3A_96 : memref<1x128xi32, #tpu.memory_space<hbm>>) target(%dma_start3A_94 : memref<1x128xi32, #tpu.memory_space<vmem>>) target_semaphore(%run_scoped3A_86 : memref<!tpu.dma_semaphore, #tpu.memory_space<semaphore_mem>>)
            %dma_wait3A_97 = arith.constant 1 : i32
            %dma_wait3A_98 = arith.constant 0 : i32
            %dma_wait3A_99 = tpu.memref_slice %arg9[%dma_wait3A_97, %dma_wait3A_98] : memref<2x128xi32, #tpu.memory_space<vmem>> -> memref<1x128xi32, #tpu.memory_space<vmem>>
            %dma_wait3A_100 = arith.constant 0 : i32
            %dma_wait3A_101 = tpu.memref_slice %arg2[%add3A_78, %dma_wait3A_100] : memref<2528x128xi32, #tpu.memory_space<hbm>> -> memref<1x128xi32, #tpu.memory_space<hbm>>
            %dma_wait3A_102 = arith.constant 1 : i32
            %dma_wait3A_103 = arith.constant 0 : i32
            %dma_wait3A_104 = tpu.memref_slice %arg9[%dma_wait3A_102, %dma_wait3A_103] : memref<2x128xi32, #tpu.memory_space<vmem>> -> memref<1x128xi32, #tpu.memory_space<vmem>>
            %dma_wait3A_105 = arith.constant 0 : i32
            %dma_wait3A_106 = tpu.memref_slice %arg2[%add3A_78, %dma_wait3A_105] : memref<2528x128xi32, #tpu.memory_space<hbm>> -> memref<1x128xi32, #tpu.memory_space<hbm>>
            tpu.wait_dma2 semaphore(%run_scoped3A_86 : memref<!tpu.dma_semaphore, #tpu.memory_space<semaphore_mem>>) src(%dma_wait3A_106 : memref<1x128xi32, #tpu.memory_space<hbm>>) dst(%dma_wait3A_104 : memref<1x128xi32, #tpu.memory_space<vmem>>)
            tpu.yield
          }) : () -> ()
          "tpu.region"() ({
            %run_scoped3A_86 = tpu.sem_alloc : memref<!tpu.dma_semaphore, #tpu.memory_space<semaphore_mem>>
            %dma_start3A_87 = arith.constant 1 : i32
            %dma_start3A_88 = arith.constant 0 : i32
            %dma_start3A_89 = tpu.memref_slice %arg10[%dma_start3A_87, %dma_start3A_88] : memref<2x128xi32, #tpu.memory_space<vmem>> -> memref<1x128xi32, #tpu.memory_space<vmem>>
            %dma_start3A_90 = arith.constant 0 : i32
            %dma_start3A_91 = tpu.memref_slice %arg3[%add3A_78, %dma_start3A_90] : memref<2528x128xi32, #tpu.memory_space<hbm>> -> memref<1x128xi32, #tpu.memory_space<hbm>>
            %dma_start3A_92 = arith.constant 1 : i32
            %dma_start3A_93 = arith.constant 0 : i32
            %dma_start3A_94 = tpu.memref_slice %arg10[%dma_start3A_92, %dma_start3A_93] : memref<2x128xi32, #tpu.memory_space<vmem>> -> memref<1x128xi32, #tpu.memory_space<vmem>>
            %dma_start3A_95 = arith.constant 0 : i32
            %dma_start3A_96 = tpu.memref_slice %arg3[%add3A_78, %dma_start3A_95] : memref<2528x128xi32, #tpu.memory_space<hbm>> -> memref<1x128xi32, #tpu.memory_space<hbm>>
            tpu.enqueue_dma source(%dma_start3A_96 : memref<1x128xi32, #tpu.memory_space<hbm>>) target(%dma_start3A_94 : memref<1x128xi32, #tpu.memory_space<vmem>>) target_semaphore(%run_scoped3A_86 : memref<!tpu.dma_semaphore, #tpu.memory_space<semaphore_mem>>)
            %dma_wait3A_97 = arith.constant 1 : i32
            %dma_wait3A_98 = arith.constant 0 : i32
            %dma_wait3A_99 = tpu.memref_slice %arg10[%dma_wait3A_97, %dma_wait3A_98] : memref<2x128xi32, #tpu.memory_space<vmem>> -> memref<1x128xi32, #tpu.memory_space<vmem>>
            %dma_wait3A_100 = arith.constant 0 : i32
            %dma_wait3A_101 = tpu.memref_slice %arg3[%add3A_78, %dma_wait3A_100] : memref<2528x128xi32, #tpu.memory_space<hbm>> -> memref<1x128xi32, #tpu.memory_space<hbm>>
            %dma_wait3A_102 = arith.constant 1 : i32
            %dma_wait3A_103 = arith.constant 0 : i32
            %dma_wait3A_104 = tpu.memref_slice %arg10[%dma_wait3A_102, %dma_wait3A_103] : memref<2x128xi32, #tpu.memory_space<vmem>> -> memref<1x128xi32, #tpu.memory_space<vmem>>
            %dma_wait3A_105 = arith.constant 0 : i32
            %dma_wait3A_106 = tpu.memref_slice %arg3[%add3A_78, %dma_wait3A_105] : memref<2528x128xi32, #tpu.memory_space<hbm>> -> memref<1x128xi32, #tpu.memory_space<hbm>>
            tpu.wait_dma2 semaphore(%run_scoped3A_86 : memref<!tpu.dma_semaphore, #tpu.memory_space<semaphore_mem>>) src(%dma_wait3A_106 : memref<1x128xi32, #tpu.memory_space<hbm>>) dst(%dma_wait3A_104 : memref<1x128xi32, #tpu.memory_space<vmem>>)
            tpu.yield
          }) : () -> ()
          %dma_start3A_79 = arith.constant 1 : i32
          %dma_start3A_80 = arith.constant 0 : i32
          %dma_start3A_81 = tpu.memref_slice %arg9[%dma_start3A_79, %dma_start3A_80] : memref<2x128xi32, #tpu.memory_space<vmem>> -> memref<1x128xi32, #tpu.memory_space<vmem>>
          %dma_start3A_82 = tpu.memref_squeeze %dma_start3A_81 : memref<1x128xi32, #tpu.memory_space<vmem>> -> memref<128xi32, #tpu.memory_space<vmem>>
          %dma_start3A_83 = arith.constant 0 : i32
          %dma_start3A_84 = arith.constant 0 : i32
          %dma_start3A_85 = tpu.memref_slice %arg4[%dma_start3A_83, %dma_start3A_84] : memref<10000x128xf32, #tpu.memory_space<hbm>> -> memref<10000x128xf32, #tpu.memory_space<hbm>>
          tpu.enqueue_indirect_dma source(%dma_start3A_85 : memref<10000x128xf32, #tpu.memory_space<hbm>>) target(%arg12 : memref<128x128xf32, #tpu.memory_space<vmem>>) offsets(%dma_start3A_82 : memref<128xi32, #tpu.memory_space<vmem>>) semaphore(%arg15 : memref<!tpu.dma_semaphore, #tpu.memory_space<semaphore_mem>>)
        } else {
        }
      }
      %scan3A_34 = arith.constant 79 : i32
      %barrier3A_35 = arith.constant 0 : index
      tpu.barrier barrier_id(%barrier3A_35)
      %mul3A_36 = arith.constant 640 : i32
      %mul3A_37 = arith.muli %arg1, %mul3A_36 : i32
      %mul3A_38 = arith.constant 640 : i32
      %mul3A_39 = arith.muli %arg1, %mul3A_38 : i32
      "tpu.region"() ({
        %run_scoped3A = tpu.sem_alloc : memref<!tpu.dma_semaphore, #tpu.memory_space<semaphore_mem>>
        %dma_start3A_40 = arith.constant 0 : i32
        %dma_start3A_41 = tpu.memref_slice %arg7[%mul3A_39, %dma_start3A_40] : memref<10240x128xf32, #tpu.memory_space<hbm>> -> memref<640x128xf32, #tpu.memory_space<hbm>>
        %dma_start3A_42 = arith.constant 0 : i32
        %dma_start3A_43 = tpu.memref_slice %arg13[%mul3A_37, %dma_start3A_42] : memref<10240x128xf32, #tpu.memory_space<vmem_shared>> -> memref<640x128xf32, #tpu.memory_space<vmem_shared>>
        tpu.enqueue_dma source(%dma_start3A_43 : memref<640x128xf32, #tpu.memory_space<vmem_shared>>) target(%dma_start3A_41 : memref<640x128xf32, #tpu.memory_space<hbm>>) target_semaphore(%run_scoped3A : memref<!tpu.dma_semaphore, #tpu.memory_space<semaphore_mem>>)
        %dma_wait3A = arith.constant 0 : i32
        %dma_wait3A_44 = tpu.memref_slice %arg7[%mul3A_39, %dma_wait3A] : memref<10240x128xf32, #tpu.memory_space<hbm>> -> memref<640x128xf32, #tpu.memory_space<hbm>>
        %dma_wait3A_45 = arith.constant 0 : i32
        %dma_wait3A_46 = tpu.memref_slice %arg13[%mul3A_37, %dma_wait3A_45] : memref<10240x128xf32, #tpu.memory_space<vmem_shared>> -> memref<640x128xf32, #tpu.memory_space<vmem_shared>>
        tpu.wait_dma2 semaphore(%run_scoped3A : memref<!tpu.dma_semaphore, #tpu.memory_space<semaphore_mem>>) src(%dma_wait3A_46 : memref<640x128xf32, #tpu.memory_space<vmem_shared>>) dst(%dma_wait3A_44 : memref<640x128xf32, #tpu.memory_space<hbm>>)
        tpu.yield
      }) : () -> ()
    } else {
    }
    %eq3A_3 = arith.constant 1 : i32
    %eq3A_4 = arith.cmpi eq, %arg0, %eq3A_3 : i32
    %convert_element_type3A_5 = arith.extui %eq3A_4 : i1 to i32
    %cond3A_6 = arith.constant 0 : i32
    %cond3A_7 = arith.cmpi ne, %convert_element_type3A_5, %cond3A_6 : i32
    scf.if %cond3A_7 {
      %mul3A_8 = arith.constant 158 : i32
      %mul3A_9 = arith.muli %arg1, %mul3A_8 : i32
      %add3A = arith.constant 0 : i32
      %add3A_10 = arith.addi %mul3A_9, %add3A : i32
      "tpu.region"() ({
        %run_scoped3A = tpu.sem_alloc : memref<!tpu.dma_semaphore, #tpu.memory_space<semaphore_mem>>
        %dma_start3A_40 = arith.constant 0 : i32
        %dma_start3A_41 = arith.constant 0 : i32
        %dma_start3A_42 = tpu.memref_slice %arg9[%dma_start3A_40, %dma_start3A_41] : memref<2x128xi32, #tpu.memory_space<vmem>> -> memref<1x128xi32, #tpu.memory_space<vmem>>
        %dma_start3A_43 = arith.constant 0 : i32
        %dma_start3A_44 = tpu.memref_slice %arg2[%add3A_10, %dma_start3A_43] : memref<2528x128xi32, #tpu.memory_space<hbm>> -> memref<1x128xi32, #tpu.memory_space<hbm>>
        %dma_start3A_45 = arith.constant 0 : i32
        %dma_start3A_46 = arith.constant 0 : i32
        %dma_start3A_47 = tpu.memref_slice %arg9[%dma_start3A_45, %dma_start3A_46] : memref<2x128xi32, #tpu.memory_space<vmem>> -> memref<1x128xi32, #tpu.memory_space<vmem>>
        %dma_start3A_48 = arith.constant 0 : i32
        %dma_start3A_49 = tpu.memref_slice %arg2[%add3A_10, %dma_start3A_48] : memref<2528x128xi32, #tpu.memory_space<hbm>> -> memref<1x128xi32, #tpu.memory_space<hbm>>
        tpu.enqueue_dma source(%dma_start3A_49 : memref<1x128xi32, #tpu.memory_space<hbm>>) target(%dma_start3A_47 : memref<1x128xi32, #tpu.memory_space<vmem>>) target_semaphore(%run_scoped3A : memref<!tpu.dma_semaphore, #tpu.memory_space<semaphore_mem>>)
        %dma_wait3A = arith.constant 0 : i32
        %dma_wait3A_50 = arith.constant 0 : i32
        %dma_wait3A_51 = tpu.memref_slice %arg9[%dma_wait3A, %dma_wait3A_50] : memref<2x128xi32, #tpu.memory_space<vmem>> -> memref<1x128xi32, #tpu.memory_space<vmem>>
        %dma_wait3A_52 = arith.constant 0 : i32
        %dma_wait3A_53 = tpu.memref_slice %arg2[%add3A_10, %dma_wait3A_52] : memref<2528x128xi32, #tpu.memory_space<hbm>> -> memref<1x128xi32, #tpu.memory_space<hbm>>
        %dma_wait3A_54 = arith.constant 0 : i32
        %dma_wait3A_55 = arith.constant 0 : i32
        %dma_wait3A_56 = tpu.memref_slice %arg9[%dma_wait3A_54, %dma_wait3A_55] : memref<2x128xi32, #tpu.memory_space<vmem>> -> memref<1x128xi32, #tpu.memory_space<vmem>>
        %dma_wait3A_57 = arith.constant 0 : i32
        %dma_wait3A_58 = tpu.memref_slice %arg2[%add3A_10, %dma_wait3A_57] : memref<2528x128xi32, #tpu.memory_space<hbm>> -> memref<1x128xi32, #tpu.memory_space<hbm>>
        tpu.wait_dma2 semaphore(%run_scoped3A : memref<!tpu.dma_semaphore, #tpu.memory_space<semaphore_mem>>) src(%dma_wait3A_58 : memref<1x128xi32, #tpu.memory_space<hbm>>) dst(%dma_wait3A_56 : memref<1x128xi32, #tpu.memory_space<vmem>>)
        tpu.yield
      }) : () -> ()
      %add3A_11 = arith.constant 0 : i32
      %add3A_12 = arith.addi %mul3A_9, %add3A_11 : i32
      "tpu.region"() ({
        %run_scoped3A = tpu.sem_alloc : memref<!tpu.dma_semaphore, #tpu.memory_space<semaphore_mem>>
        %dma_start3A_40 = arith.constant 0 : i32
        %dma_start3A_41 = arith.constant 0 : i32
        %dma_start3A_42 = tpu.memref_slice %arg10[%dma_start3A_40, %dma_start3A_41] : memref<2x128xi32, #tpu.memory_space<vmem>> -> memref<1x128xi32, #tpu.memory_space<vmem>>
        %dma_start3A_43 = arith.constant 0 : i32
        %dma_start3A_44 = tpu.memref_slice %arg3[%add3A_12, %dma_start3A_43] : memref<2528x128xi32, #tpu.memory_space<hbm>> -> memref<1x128xi32, #tpu.memory_space<hbm>>
        %dma_start3A_45 = arith.constant 0 : i32
        %dma_start3A_46 = arith.constant 0 : i32
        %dma_start3A_47 = tpu.memref_slice %arg10[%dma_start3A_45, %dma_start3A_46] : memref<2x128xi32, #tpu.memory_space<vmem>> -> memref<1x128xi32, #tpu.memory_space<vmem>>
        %dma_start3A_48 = arith.constant 0 : i32
        %dma_start3A_49 = tpu.memref_slice %arg3[%add3A_12, %dma_start3A_48] : memref<2528x128xi32, #tpu.memory_space<hbm>> -> memref<1x128xi32, #tpu.memory_space<hbm>>
        tpu.enqueue_dma source(%dma_start3A_49 : memref<1x128xi32, #tpu.memory_space<hbm>>) target(%dma_start3A_47 : memref<1x128xi32, #tpu.memory_space<vmem>>) target_semaphore(%run_scoped3A : memref<!tpu.dma_semaphore, #tpu.memory_space<semaphore_mem>>)
        %dma_wait3A = arith.constant 0 : i32
        %dma_wait3A_50 = arith.constant 0 : i32
        %dma_wait3A_51 = tpu.memref_slice %arg10[%dma_wait3A, %dma_wait3A_50] : memref<2x128xi32, #tpu.memory_space<vmem>> -> memref<1x128xi32, #tpu.memory_space<vmem>>
        %dma_wait3A_52 = arith.constant 0 : i32
        %dma_wait3A_53 = tpu.memref_slice %arg3[%add3A_12, %dma_wait3A_52] : memref<2528x128xi32, #tpu.memory_space<hbm>> -> memref<1x128xi32, #tpu.memory_space<hbm>>
        %dma_wait3A_54 = arith.constant 0 : i32
        %dma_wait3A_55 = arith.constant 0 : i32
        %dma_wait3A_56 = tpu.memref_slice %arg10[%dma_wait3A_54, %dma_wait3A_55] : memref<2x128xi32, #tpu.memory_space<vmem>> -> memref<1x128xi32, #tpu.memory_space<vmem>>
        %dma_wait3A_57 = arith.constant 0 : i32
        %dma_wait3A_58 = tpu.memref_slice %arg3[%add3A_12, %dma_wait3A_57] : memref<2528x128xi32, #tpu.memory_space<hbm>> -> memref<1x128xi32, #tpu.memory_space<hbm>>
        tpu.wait_dma2 semaphore(%run_scoped3A : memref<!tpu.dma_semaphore, #tpu.memory_space<semaphore_mem>>) src(%dma_wait3A_58 : memref<1x128xi32, #tpu.memory_space<hbm>>) dst(%dma_wait3A_56 : memref<1x128xi32, #tpu.memory_space<vmem>>)
        tpu.yield
      }) : () -> ()
      %dma_start3A = arith.constant 0 : i32
      %dma_start3A_13 = arith.constant 0 : i32
      %dma_start3A_14 = tpu.memref_slice %arg9[%dma_start3A, %dma_start3A_13] : memref<2x128xi32, #tpu.memory_space<vmem>> -> memref<1x128xi32, #tpu.memory_space<vmem>>
      %dma_start3A_15 = tpu.memref_squeeze %dma_start3A_14 : memref<1x128xi32, #tpu.memory_space<vmem>> -> memref<128xi32, #tpu.memory_space<vmem>>
      %dma_start3A_16 = arith.constant 0 : i32
      %dma_start3A_17 = arith.constant 0 : i32
      %dma_start3A_18 = tpu.memref_slice %arg5[%dma_start3A_16, %dma_start3A_17] : memref<10000x128xf32, #tpu.memory_space<hbm>> -> memref<10000x128xf32, #tpu.memory_space<hbm>>
      tpu.enqueue_indirect_dma source(%dma_start3A_18 : memref<10000x128xf32, #tpu.memory_space<hbm>>) target(%arg11 : memref<128x128xf32, #tpu.memory_space<vmem>>) offsets(%dma_start3A_15 : memref<128xi32, #tpu.memory_space<vmem>>) semaphore(%arg14 : memref<!tpu.dma_semaphore, #tpu.memory_space<semaphore_mem>>)
      %add3A_19 = arith.constant 1 : i32
      %add3A_20 = arith.addi %mul3A_9, %add3A_19 : i32
      "tpu.region"() ({
        %run_scoped3A = tpu.sem_alloc : memref<!tpu.dma_semaphore, #tpu.memory_space<semaphore_mem>>
        %dma_start3A_40 = arith.constant 1 : i32
        %dma_start3A_41 = arith.constant 0 : i32
        %dma_start3A_42 = tpu.memref_slice %arg9[%dma_start3A_40, %dma_start3A_41] : memref<2x128xi32, #tpu.memory_space<vmem>> -> memref<1x128xi32, #tpu.memory_space<vmem>>
        %dma_start3A_43 = arith.constant 0 : i32
        %dma_start3A_44 = tpu.memref_slice %arg2[%add3A_20, %dma_start3A_43] : memref<2528x128xi32, #tpu.memory_space<hbm>> -> memref<1x128xi32, #tpu.memory_space<hbm>>
        %dma_start3A_45 = arith.constant 1 : i32
        %dma_start3A_46 = arith.constant 0 : i32
        %dma_start3A_47 = tpu.memref_slice %arg9[%dma_start3A_45, %dma_start3A_46] : memref<2x128xi32, #tpu.memory_space<vmem>> -> memref<1x128xi32, #tpu.memory_space<vmem>>
        %dma_start3A_48 = arith.constant 0 : i32
        %dma_start3A_49 = tpu.memref_slice %arg2[%add3A_20, %dma_start3A_48] : memref<2528x128xi32, #tpu.memory_space<hbm>> -> memref<1x128xi32, #tpu.memory_space<hbm>>
        tpu.enqueue_dma source(%dma_start3A_49 : memref<1x128xi32, #tpu.memory_space<hbm>>) target(%dma_start3A_47 : memref<1x128xi32, #tpu.memory_space<vmem>>) target_semaphore(%run_scoped3A : memref<!tpu.dma_semaphore, #tpu.memory_space<semaphore_mem>>)
        %dma_wait3A = arith.constant 1 : i32
        %dma_wait3A_50 = arith.constant 0 : i32
        %dma_wait3A_51 = tpu.memref_slice %arg9[%dma_wait3A, %dma_wait3A_50] : memref<2x128xi32, #tpu.memory_space<vmem>> -> memref<1x128xi32, #tpu.memory_space<vmem>>
        %dma_wait3A_52 = arith.constant 0 : i32
        %dma_wait3A_53 = tpu.memref_slice %arg2[%add3A_20, %dma_wait3A_52] : memref<2528x128xi32, #tpu.memory_space<hbm>> -> memref<1x128xi32, #tpu.memory_space<hbm>>
        %dma_wait3A_54 = arith.constant 1 : i32
        %dma_wait3A_55 = arith.constant 0 : i32
        %dma_wait3A_56 = tpu.memref_slice %arg9[%dma_wait3A_54, %dma_wait3A_55] : memref<2x128xi32, #tpu.memory_space<vmem>> -> memref<1x128xi32, #tpu.memory_space<vmem>>
        %dma_wait3A_57 = arith.constant 0 : i32
        %dma_wait3A_58 = tpu.memref_slice %arg2[%add3A_20, %dma_wait3A_57] : memref<2528x128xi32, #tpu.memory_space<hbm>> -> memref<1x128xi32, #tpu.memory_space<hbm>>
        tpu.wait_dma2 semaphore(%run_scoped3A : memref<!tpu.dma_semaphore, #tpu.memory_space<semaphore_mem>>) src(%dma_wait3A_58 : memref<1x128xi32, #tpu.memory_space<hbm>>) dst(%dma_wait3A_56 : memref<1x128xi32, #tpu.memory_space<vmem>>)
        tpu.yield
      }) : () -> ()
      %add3A_21 = arith.constant 1 : i32
      %add3A_22 = arith.addi %mul3A_9, %add3A_21 : i32
      "tpu.region"() ({
        %run_scoped3A = tpu.sem_alloc : memref<!tpu.dma_semaphore, #tpu.memory_space<semaphore_mem>>
        %dma_start3A_40 = arith.constant 1 : i32
        %dma_start3A_41 = arith.constant 0 : i32
        %dma_start3A_42 = tpu.memref_slice %arg10[%dma_start3A_40, %dma_start3A_41] : memref<2x128xi32, #tpu.memory_space<vmem>> -> memref<1x128xi32, #tpu.memory_space<vmem>>
        %dma_start3A_43 = arith.constant 0 : i32
        %dma_start3A_44 = tpu.memref_slice %arg3[%add3A_22, %dma_start3A_43] : memref<2528x128xi32, #tpu.memory_space<hbm>> -> memref<1x128xi32, #tpu.memory_space<hbm>>
        %dma_start3A_45 = arith.constant 1 : i32
        %dma_start3A_46 = arith.constant 0 : i32
        %dma_start3A_47 = tpu.memref_slice %arg10[%dma_start3A_45, %dma_start3A_46] : memref<2x128xi32, #tpu.memory_space<vmem>> -> memref<1x128xi32, #tpu.memory_space<vmem>>
        %dma_start3A_48 = arith.constant 0 : i32
        %dma_start3A_49 = tpu.memref_slice %arg3[%add3A_22, %dma_start3A_48] : memref<2528x128xi32, #tpu.memory_space<hbm>> -> memref<1x128xi32, #tpu.memory_space<hbm>>
        tpu.enqueue_dma source(%dma_start3A_49 : memref<1x128xi32, #tpu.memory_space<hbm>>) target(%dma_start3A_47 : memref<1x128xi32, #tpu.memory_space<vmem>>) target_semaphore(%run_scoped3A : memref<!tpu.dma_semaphore, #tpu.memory_space<semaphore_mem>>)
        %dma_wait3A = arith.constant 1 : i32
        %dma_wait3A_50 = arith.constant 0 : i32
        %dma_wait3A_51 = tpu.memref_slice %arg10[%dma_wait3A, %dma_wait3A_50] : memref<2x128xi32, #tpu.memory_space<vmem>> -> memref<1x128xi32, #tpu.memory_space<vmem>>
        %dma_wait3A_52 = arith.constant 0 : i32
        %dma_wait3A_53 = tpu.memref_slice %arg3[%add3A_22, %dma_wait3A_52] : memref<2528x128xi32, #tpu.memory_space<hbm>> -> memref<1x128xi32, #tpu.memory_space<hbm>>
        %dma_wait3A_54 = arith.constant 1 : i32
        %dma_wait3A_55 = arith.constant 0 : i32
        %dma_wait3A_56 = tpu.memref_slice %arg10[%dma_wait3A_54, %dma_wait3A_55] : memref<2x128xi32, #tpu.memory_space<vmem>> -> memref<1x128xi32, #tpu.memory_space<vmem>>
        %dma_wait3A_57 = arith.constant 0 : i32
        %dma_wait3A_58 = tpu.memref_slice %arg3[%add3A_22, %dma_wait3A_57] : memref<2528x128xi32, #tpu.memory_space<hbm>> -> memref<1x128xi32, #tpu.memory_space<hbm>>
        tpu.wait_dma2 semaphore(%run_scoped3A : memref<!tpu.dma_semaphore, #tpu.memory_space<semaphore_mem>>) src(%dma_wait3A_58 : memref<1x128xi32, #tpu.memory_space<hbm>>) dst(%dma_wait3A_56 : memref<1x128xi32, #tpu.memory_space<vmem>>)
        tpu.yield
      }) : () -> ()
      %dma_start3A_23 = arith.constant 1 : i32
      %dma_start3A_24 = arith.constant 0 : i32
      %dma_start3A_25 = tpu.memref_slice %arg9[%dma_start3A_23, %dma_start3A_24] : memref<2x128xi32, #tpu.memory_space<vmem>> -> memref<1x128xi32, #tpu.memory_space<vmem>>
      %dma_start3A_26 = tpu.memref_squeeze %dma_start3A_25 : memref<1x128xi32, #tpu.memory_space<vmem>> -> memref<128xi32, #tpu.memory_space<vmem>>
      %dma_start3A_27 = arith.constant 0 : i32
      %dma_start3A_28 = arith.constant 0 : i32
      %dma_start3A_29 = tpu.memref_slice %arg5[%dma_start3A_27, %dma_start3A_28] : memref<10000x128xf32, #tpu.memory_space<hbm>> -> memref<10000x128xf32, #tpu.memory_space<hbm>>
      tpu.enqueue_indirect_dma source(%dma_start3A_29 : memref<10000x128xf32, #tpu.memory_space<hbm>>) target(%arg12 : memref<128x128xf32, #tpu.memory_space<vmem>>) offsets(%dma_start3A_26 : memref<128xi32, #tpu.memory_space<vmem>>) semaphore(%arg15 : memref<!tpu.dma_semaphore, #tpu.memory_space<semaphore_mem>>)
      %scan3A = arith.constant 0 : i32
      %scan3A_30 = arith.constant 0 : i32
      %scan3A_31 = arith.constant 79 : i32
      %scan3A_32 = arith.addi %scan3A_30, %scan3A_31 : i32
      %scan3A_33 = arith.constant 1 : i32
      scf.for %scan3A_40 = %scan3A_30 to %scan3A_32 step %scan3A_33  : i32 {
        %mul3A_41 = arith.constant 2 : i32
        %mul3A_42 = arith.muli %mul3A_41, %scan3A_40 : i32
        %add3A_43 = arith.constant 0 : i32
        %add3A_44 = arith.addi %mul3A_42, %add3A_43 : i32
        %dma_wait3A = arith.constant 0 : i32
        %dma_wait3A_45 = arith.constant 0 : i32
        %dma_wait3A_46 = tpu.memref_slice %arg9[%dma_wait3A, %dma_wait3A_45] : memref<2x128xi32, #tpu.memory_space<vmem>> -> memref<1x128xi32, #tpu.memory_space<vmem>>
        %dma_wait3A_47 = tpu.memref_squeeze %dma_wait3A_46 : memref<1x128xi32, #tpu.memory_space<vmem>> -> memref<128xi32, #tpu.memory_space<vmem>>
        %dma_wait3A_48 = arith.constant 0 : i32
        %dma_wait3A_49 = arith.constant 0 : i32
        %dma_wait3A_50 = tpu.memref_slice %arg5[%dma_wait3A_48, %dma_wait3A_49] : memref<10000x128xf32, #tpu.memory_space<hbm>> -> memref<10000x128xf32, #tpu.memory_space<hbm>>
        tpu.wait_indirect_dma semaphore(%arg14 : memref<!tpu.dma_semaphore, #tpu.memory_space<semaphore_mem>>) src(%dma_wait3A_50 : memref<10000x128xf32, #tpu.memory_space<hbm>>) dst(%arg11 : memref<128x128xf32, #tpu.memory_space<vmem>>)
        %run_scoped3A = arith.constant 0 : i32
        "tpu.region"() ({
          %run_scoped3A_76 = tpu.sem_alloc : memref<!tpu.dma_semaphore, #tpu.memory_space<semaphore_mem>>
          %dma_start3A_77 = arith.constant 0 : i32
          %dma_start3A_78 = tpu.memref_slice %arg10[%run_scoped3A, %dma_start3A_77] : memref<2x128xi32, #tpu.memory_space<vmem>> -> memref<1x128xi32, #tpu.memory_space<vmem>>
          %dma_start3A_79 = tpu.memref_squeeze %dma_start3A_78 : memref<1x128xi32, #tpu.memory_space<vmem>> -> memref<128xi32, #tpu.memory_space<vmem>>
          %dma_start3A_80 = arith.constant 0 : i32
          %dma_start3A_81 = arith.constant 0 : i32
          %dma_start3A_82 = tpu.memref_slice %arg13[%dma_start3A_80, %dma_start3A_81] : memref<10240x128xf32, #tpu.memory_space<vmem_shared>> -> memref<10240x128xf32, #tpu.memory_space<vmem_shared>>
          tpu.enqueue_indirect_dma source(%arg11 : memref<128x128xf32, #tpu.memory_space<vmem>>) target(%dma_start3A_82 : memref<10240x128xf32, #tpu.memory_space<vmem_shared>>) offsets(%dma_start3A_79 : memref<128xi32, #tpu.memory_space<vmem>>) semaphore(%run_scoped3A_76 : memref<!tpu.dma_semaphore, #tpu.memory_space<semaphore_mem>>) {add = true}
          %dma_wait3A_83 = arith.constant 0 : i32
          %dma_wait3A_84 = tpu.memref_slice %arg10[%run_scoped3A, %dma_wait3A_83] : memref<2x128xi32, #tpu.memory_space<vmem>> -> memref<1x128xi32, #tpu.memory_space<vmem>>
          %dma_wait3A_85 = tpu.memref_squeeze %dma_wait3A_84 : memref<1x128xi32, #tpu.memory_space<vmem>> -> memref<128xi32, #tpu.memory_space<vmem>>
          %dma_wait3A_86 = arith.constant 0 : i32
          %dma_wait3A_87 = arith.constant 0 : i32
          %dma_wait3A_88 = tpu.memref_slice %arg13[%dma_wait3A_86, %dma_wait3A_87] : memref<10240x128xf32, #tpu.memory_space<vmem_shared>> -> memref<10240x128xf32, #tpu.memory_space<vmem_shared>>
          tpu.wait_indirect_dma semaphore(%run_scoped3A_76 : memref<!tpu.dma_semaphore, #tpu.memory_space<semaphore_mem>>) src(%arg11 : memref<128x128xf32, #tpu.memory_space<vmem>>) dst(%dma_wait3A_88 : memref<10240x128xf32, #tpu.memory_space<vmem_shared>>)
          tpu.yield
        }) : () -> ()
        %add3A_51 = arith.constant 2 : i32
        %add3A_52 = arith.addi %add3A_44, %add3A_51 : i32
        %lt3A = arith.constant 158 : i32
        %lt3A_53 = arith.cmpi slt, %add3A_52, %lt3A : i32
        %convert_element_type3A_54 = arith.extui %lt3A_53 : i1 to i32
        %cond3A_55 = arith.constant 0 : i32
        %cond3A_56 = arith.cmpi ne, %convert_element_type3A_54, %cond3A_55 : i32
        scf.if %cond3A_56 {
          %add3A_76 = arith.addi %mul3A_9, %add3A_44 : i32
          %add3A_77 = arith.constant 2 : i32
          %add3A_78 = arith.addi %add3A_76, %add3A_77 : i32
          "tpu.region"() ({
            %run_scoped3A_86 = tpu.sem_alloc : memref<!tpu.dma_semaphore, #tpu.memory_space<semaphore_mem>>
            %dma_start3A_87 = arith.constant 0 : i32
            %dma_start3A_88 = arith.constant 0 : i32
            %dma_start3A_89 = tpu.memref_slice %arg9[%dma_start3A_87, %dma_start3A_88] : memref<2x128xi32, #tpu.memory_space<vmem>> -> memref<1x128xi32, #tpu.memory_space<vmem>>
            %dma_start3A_90 = arith.constant 0 : i32
            %dma_start3A_91 = tpu.memref_slice %arg2[%add3A_78, %dma_start3A_90] : memref<2528x128xi32, #tpu.memory_space<hbm>> -> memref<1x128xi32, #tpu.memory_space<hbm>>
            %dma_start3A_92 = arith.constant 0 : i32
            %dma_start3A_93 = arith.constant 0 : i32
            %dma_start3A_94 = tpu.memref_slice %arg9[%dma_start3A_92, %dma_start3A_93] : memref<2x128xi32, #tpu.memory_space<vmem>> -> memref<1x128xi32, #tpu.memory_space<vmem>>
            %dma_start3A_95 = arith.constant 0 : i32
            %dma_start3A_96 = tpu.memref_slice %arg2[%add3A_78, %dma_start3A_95] : memref<2528x128xi32, #tpu.memory_space<hbm>> -> memref<1x128xi32, #tpu.memory_space<hbm>>
            tpu.enqueue_dma source(%dma_start3A_96 : memref<1x128xi32, #tpu.memory_space<hbm>>) target(%dma_start3A_94 : memref<1x128xi32, #tpu.memory_space<vmem>>) target_semaphore(%run_scoped3A_86 : memref<!tpu.dma_semaphore, #tpu.memory_space<semaphore_mem>>)
            %dma_wait3A_97 = arith.constant 0 : i32
            %dma_wait3A_98 = arith.constant 0 : i32
            %dma_wait3A_99 = tpu.memref_slice %arg9[%dma_wait3A_97, %dma_wait3A_98] : memref<2x128xi32, #tpu.memory_space<vmem>> -> memref<1x128xi32, #tpu.memory_space<vmem>>
            %dma_wait3A_100 = arith.constant 0 : i32
            %dma_wait3A_101 = tpu.memref_slice %arg2[%add3A_78, %dma_wait3A_100] : memref<2528x128xi32, #tpu.memory_space<hbm>> -> memref<1x128xi32, #tpu.memory_space<hbm>>
            %dma_wait3A_102 = arith.constant 0 : i32
            %dma_wait3A_103 = arith.constant 0 : i32
            %dma_wait3A_104 = tpu.memref_slice %arg9[%dma_wait3A_102, %dma_wait3A_103] : memref<2x128xi32, #tpu.memory_space<vmem>> -> memref<1x128xi32, #tpu.memory_space<vmem>>
            %dma_wait3A_105 = arith.constant 0 : i32
            %dma_wait3A_106 = tpu.memref_slice %arg2[%add3A_78, %dma_wait3A_105] : memref<2528x128xi32, #tpu.memory_space<hbm>> -> memref<1x128xi32, #tpu.memory_space<hbm>>
            tpu.wait_dma2 semaphore(%run_scoped3A_86 : memref<!tpu.dma_semaphore, #tpu.memory_space<semaphore_mem>>) src(%dma_wait3A_106 : memref<1x128xi32, #tpu.memory_space<hbm>>) dst(%dma_wait3A_104 : memref<1x128xi32, #tpu.memory_space<vmem>>)
            tpu.yield
          }) : () -> ()
          "tpu.region"() ({
            %run_scoped3A_86 = tpu.sem_alloc : memref<!tpu.dma_semaphore, #tpu.memory_space<semaphore_mem>>
            %dma_start3A_87 = arith.constant 0 : i32
            %dma_start3A_88 = arith.constant 0 : i32
            %dma_start3A_89 = tpu.memref_slice %arg10[%dma_start3A_87, %dma_start3A_88] : memref<2x128xi32, #tpu.memory_space<vmem>> -> memref<1x128xi32, #tpu.memory_space<vmem>>
            %dma_start3A_90 = arith.constant 0 : i32
            %dma_start3A_91 = tpu.memref_slice %arg3[%add3A_78, %dma_start3A_90] : memref<2528x128xi32, #tpu.memory_space<hbm>> -> memref<1x128xi32, #tpu.memory_space<hbm>>
            %dma_start3A_92 = arith.constant 0 : i32
            %dma_start3A_93 = arith.constant 0 : i32
            %dma_start3A_94 = tpu.memref_slice %arg10[%dma_start3A_92, %dma_start3A_93] : memref<2x128xi32, #tpu.memory_space<vmem>> -> memref<1x128xi32, #tpu.memory_space<vmem>>
            %dma_start3A_95 = arith.constant 0 : i32
            %dma_start3A_96 = tpu.memref_slice %arg3[%add3A_78, %dma_start3A_95] : memref<2528x128xi32, #tpu.memory_space<hbm>> -> memref<1x128xi32, #tpu.memory_space<hbm>>
            tpu.enqueue_dma source(%dma_start3A_96 : memref<1x128xi32, #tpu.memory_space<hbm>>) target(%dma_start3A_94 : memref<1x128xi32, #tpu.memory_space<vmem>>) target_semaphore(%run_scoped3A_86 : memref<!tpu.dma_semaphore, #tpu.memory_space<semaphore_mem>>)
            %dma_wait3A_97 = arith.constant 0 : i32
            %dma_wait3A_98 = arith.constant 0 : i32
            %dma_wait3A_99 = tpu.memref_slice %arg10[%dma_wait3A_97, %dma_wait3A_98] : memref<2x128xi32, #tpu.memory_space<vmem>> -> memref<1x128xi32, #tpu.memory_space<vmem>>
            %dma_wait3A_100 = arith.constant 0 : i32
            %dma_wait3A_101 = tpu.memref_slice %arg3[%add3A_78, %dma_wait3A_100] : memref<2528x128xi32, #tpu.memory_space<hbm>> -> memref<1x128xi32, #tpu.memory_space<hbm>>
            %dma_wait3A_102 = arith.constant 0 : i32
            %dma_wait3A_103 = arith.constant 0 : i32
            %dma_wait3A_104 = tpu.memref_slice %arg10[%dma_wait3A_102, %dma_wait3A_103] : memref<2x128xi32, #tpu.memory_space<vmem>> -> memref<1x128xi32, #tpu.memory_space<vmem>>
            %dma_wait3A_105 = arith.constant 0 : i32
            %dma_wait3A_106 = tpu.memref_slice %arg3[%add3A_78, %dma_wait3A_105] : memref<2528x128xi32, #tpu.memory_space<hbm>> -> memref<1x128xi32, #tpu.memory_space<hbm>>
            tpu.wait_dma2 semaphore(%run_scoped3A_86 : memref<!tpu.dma_semaphore, #tpu.memory_space<semaphore_mem>>) src(%dma_wait3A_106 : memref<1x128xi32, #tpu.memory_space<hbm>>) dst(%dma_wait3A_104 : memref<1x128xi32, #tpu.memory_space<vmem>>)
            tpu.yield
          }) : () -> ()
          %dma_start3A_79 = arith.constant 0 : i32
          %dma_start3A_80 = arith.constant 0 : i32
          %dma_start3A_81 = tpu.memref_slice %arg9[%dma_start3A_79, %dma_start3A_80] : memref<2x128xi32, #tpu.memory_space<vmem>> -> memref<1x128xi32, #tpu.memory_space<vmem>>
          %dma_start3A_82 = tpu.memref_squeeze %dma_start3A_81 : memref<1x128xi32, #tpu.memory_space<vmem>> -> memref<128xi32, #tpu.memory_space<vmem>>
          %dma_start3A_83 = arith.constant 0 : i32
          %dma_start3A_84 = arith.constant 0 : i32
          %dma_start3A_85 = tpu.memref_slice %arg5[%dma_start3A_83, %dma_start3A_84] : memref<10000x128xf32, #tpu.memory_space<hbm>> -> memref<10000x128xf32, #tpu.memory_space<hbm>>
          tpu.enqueue_indirect_dma source(%dma_start3A_85 : memref<10000x128xf32, #tpu.memory_space<hbm>>) target(%arg11 : memref<128x128xf32, #tpu.memory_space<vmem>>) offsets(%dma_start3A_82 : memref<128xi32, #tpu.memory_space<vmem>>) semaphore(%arg14 : memref<!tpu.dma_semaphore, #tpu.memory_space<semaphore_mem>>)
        } else {
        }
        %mul3A_57 = arith.constant 2 : i32
        %mul3A_58 = arith.muli %mul3A_57, %scan3A_40 : i32
        %add3A_59 = arith.constant 1 : i32
        %add3A_60 = arith.addi %mul3A_58, %add3A_59 : i32
        %dma_wait3A_61 = arith.constant 1 : i32
        %dma_wait3A_62 = arith.constant 0 : i32
        %dma_wait3A_63 = tpu.memref_slice %arg9[%dma_wait3A_61, %dma_wait3A_62] : memref<2x128xi32, #tpu.memory_space<vmem>> -> memref<1x128xi32, #tpu.memory_space<vmem>>
        %dma_wait3A_64 = tpu.memref_squeeze %dma_wait3A_63 : memref<1x128xi32, #tpu.memory_space<vmem>> -> memref<128xi32, #tpu.memory_space<vmem>>
        %dma_wait3A_65 = arith.constant 0 : i32
        %dma_wait3A_66 = arith.constant 0 : i32
        %dma_wait3A_67 = tpu.memref_slice %arg5[%dma_wait3A_65, %dma_wait3A_66] : memref<10000x128xf32, #tpu.memory_space<hbm>> -> memref<10000x128xf32, #tpu.memory_space<hbm>>
        tpu.wait_indirect_dma semaphore(%arg15 : memref<!tpu.dma_semaphore, #tpu.memory_space<semaphore_mem>>) src(%dma_wait3A_67 : memref<10000x128xf32, #tpu.memory_space<hbm>>) dst(%arg12 : memref<128x128xf32, #tpu.memory_space<vmem>>)
        %run_scoped3A_68 = arith.constant 1 : i32
        "tpu.region"() ({
          %run_scoped3A_76 = tpu.sem_alloc : memref<!tpu.dma_semaphore, #tpu.memory_space<semaphore_mem>>
          %dma_start3A_77 = arith.constant 0 : i32
          %dma_start3A_78 = tpu.memref_slice %arg10[%run_scoped3A_68, %dma_start3A_77] : memref<2x128xi32, #tpu.memory_space<vmem>> -> memref<1x128xi32, #tpu.memory_space<vmem>>
          %dma_start3A_79 = tpu.memref_squeeze %dma_start3A_78 : memref<1x128xi32, #tpu.memory_space<vmem>> -> memref<128xi32, #tpu.memory_space<vmem>>
          %dma_start3A_80 = arith.constant 0 : i32
          %dma_start3A_81 = arith.constant 0 : i32
          %dma_start3A_82 = tpu.memref_slice %arg13[%dma_start3A_80, %dma_start3A_81] : memref<10240x128xf32, #tpu.memory_space<vmem_shared>> -> memref<10240x128xf32, #tpu.memory_space<vmem_shared>>
          tpu.enqueue_indirect_dma source(%arg12 : memref<128x128xf32, #tpu.memory_space<vmem>>) target(%dma_start3A_82 : memref<10240x128xf32, #tpu.memory_space<vmem_shared>>) offsets(%dma_start3A_79 : memref<128xi32, #tpu.memory_space<vmem>>) semaphore(%run_scoped3A_76 : memref<!tpu.dma_semaphore, #tpu.memory_space<semaphore_mem>>) {add = true}
          %dma_wait3A_83 = arith.constant 0 : i32
          %dma_wait3A_84 = tpu.memref_slice %arg10[%run_scoped3A_68, %dma_wait3A_83] : memref<2x128xi32, #tpu.memory_space<vmem>> -> memref<1x128xi32, #tpu.memory_space<vmem>>
          %dma_wait3A_85 = tpu.memref_squeeze %dma_wait3A_84 : memref<1x128xi32, #tpu.memory_space<vmem>> -> memref<128xi32, #tpu.memory_space<vmem>>
          %dma_wait3A_86 = arith.constant 0 : i32
          %dma_wait3A_87 = arith.constant 0 : i32
          %dma_wait3A_88 = tpu.memref_slice %arg13[%dma_wait3A_86, %dma_wait3A_87] : memref<10240x128xf32, #tpu.memory_space<vmem_shared>> -> memref<10240x128xf32, #tpu.memory_space<vmem_shared>>
          tpu.wait_indirect_dma semaphore(%run_scoped3A_76 : memref<!tpu.dma_semaphore, #tpu.memory_space<semaphore_mem>>) src(%arg12 : memref<128x128xf32, #tpu.memory_space<vmem>>) dst(%dma_wait3A_88 : memref<10240x128xf32, #tpu.memory_space<vmem_shared>>)
          tpu.yield
        }) : () -> ()
        %add3A_69 = arith.constant 2 : i32
        %add3A_70 = arith.addi %add3A_60, %add3A_69 : i32
        %lt3A_71 = arith.constant 158 : i32
        %lt3A_72 = arith.cmpi slt, %add3A_70, %lt3A_71 : i32
        %convert_element_type3A_73 = arith.extui %lt3A_72 : i1 to i32
        %cond3A_74 = arith.constant 0 : i32
        %cond3A_75 = arith.cmpi ne, %convert_element_type3A_73, %cond3A_74 : i32
        scf.if %cond3A_75 {
          %add3A_76 = arith.addi %mul3A_9, %add3A_60 : i32
          %add3A_77 = arith.constant 2 : i32
          %add3A_78 = arith.addi %add3A_76, %add3A_77 : i32
          "tpu.region"() ({
            %run_scoped3A_86 = tpu.sem_alloc : memref<!tpu.dma_semaphore, #tpu.memory_space<semaphore_mem>>
            %dma_start3A_87 = arith.constant 1 : i32
            %dma_start3A_88 = arith.constant 0 : i32
            %dma_start3A_89 = tpu.memref_slice %arg9[%dma_start3A_87, %dma_start3A_88] : memref<2x128xi32, #tpu.memory_space<vmem>> -> memref<1x128xi32, #tpu.memory_space<vmem>>
            %dma_start3A_90 = arith.constant 0 : i32
            %dma_start3A_91 = tpu.memref_slice %arg2[%add3A_78, %dma_start3A_90] : memref<2528x128xi32, #tpu.memory_space<hbm>> -> memref<1x128xi32, #tpu.memory_space<hbm>>
            %dma_start3A_92 = arith.constant 1 : i32
            %dma_start3A_93 = arith.constant 0 : i32
            %dma_start3A_94 = tpu.memref_slice %arg9[%dma_start3A_92, %dma_start3A_93] : memref<2x128xi32, #tpu.memory_space<vmem>> -> memref<1x128xi32, #tpu.memory_space<vmem>>
            %dma_start3A_95 = arith.constant 0 : i32
            %dma_start3A_96 = tpu.memref_slice %arg2[%add3A_78, %dma_start3A_95] : memref<2528x128xi32, #tpu.memory_space<hbm>> -> memref<1x128xi32, #tpu.memory_space<hbm>>
            tpu.enqueue_dma source(%dma_start3A_96 : memref<1x128xi32, #tpu.memory_space<hbm>>) target(%dma_start3A_94 : memref<1x128xi32, #tpu.memory_space<vmem>>) target_semaphore(%run_scoped3A_86 : memref<!tpu.dma_semaphore, #tpu.memory_space<semaphore_mem>>)
            %dma_wait3A_97 = arith.constant 1 : i32
            %dma_wait3A_98 = arith.constant 0 : i32
            %dma_wait3A_99 = tpu.memref_slice %arg9[%dma_wait3A_97, %dma_wait3A_98] : memref<2x128xi32, #tpu.memory_space<vmem>> -> memref<1x128xi32, #tpu.memory_space<vmem>>
            %dma_wait3A_100 = arith.constant 0 : i32
            %dma_wait3A_101 = tpu.memref_slice %arg2[%add3A_78, %dma_wait3A_100] : memref<2528x128xi32, #tpu.memory_space<hbm>> -> memref<1x128xi32, #tpu.memory_space<hbm>>
            %dma_wait3A_102 = arith.constant 1 : i32
            %dma_wait3A_103 = arith.constant 0 : i32
            %dma_wait3A_104 = tpu.memref_slice %arg9[%dma_wait3A_102, %dma_wait3A_103] : memref<2x128xi32, #tpu.memory_space<vmem>> -> memref<1x128xi32, #tpu.memory_space<vmem>>
            %dma_wait3A_105 = arith.constant 0 : i32
            %dma_wait3A_106 = tpu.memref_slice %arg2[%add3A_78, %dma_wait3A_105] : memref<2528x128xi32, #tpu.memory_space<hbm>> -> memref<1x128xi32, #tpu.memory_space<hbm>>
            tpu.wait_dma2 semaphore(%run_scoped3A_86 : memref<!tpu.dma_semaphore, #tpu.memory_space<semaphore_mem>>) src(%dma_wait3A_106 : memref<1x128xi32, #tpu.memory_space<hbm>>) dst(%dma_wait3A_104 : memref<1x128xi32, #tpu.memory_space<vmem>>)
            tpu.yield
          }) : () -> ()
          "tpu.region"() ({
            %run_scoped3A_86 = tpu.sem_alloc : memref<!tpu.dma_semaphore, #tpu.memory_space<semaphore_mem>>
            %dma_start3A_87 = arith.constant 1 : i32
            %dma_start3A_88 = arith.constant 0 : i32
            %dma_start3A_89 = tpu.memref_slice %arg10[%dma_start3A_87, %dma_start3A_88] : memref<2x128xi32, #tpu.memory_space<vmem>> -> memref<1x128xi32, #tpu.memory_space<vmem>>
            %dma_start3A_90 = arith.constant 0 : i32
            %dma_start3A_91 = tpu.memref_slice %arg3[%add3A_78, %dma_start3A_90] : memref<2528x128xi32, #tpu.memory_space<hbm>> -> memref<1x128xi32, #tpu.memory_space<hbm>>
            %dma_start3A_92 = arith.constant 1 : i32
            %dma_start3A_93 = arith.constant 0 : i32
            %dma_start3A_94 = tpu.memref_slice %arg10[%dma_start3A_92, %dma_start3A_93] : memref<2x128xi32, #tpu.memory_space<vmem>> -> memref<1x128xi32, #tpu.memory_space<vmem>>
            %dma_start3A_95 = arith.constant 0 : i32
            %dma_start3A_96 = tpu.memref_slice %arg3[%add3A_78, %dma_start3A_95] : memref<2528x128xi32, #tpu.memory_space<hbm>> -> memref<1x128xi32, #tpu.memory_space<hbm>>
            tpu.enqueue_dma source(%dma_start3A_96 : memref<1x128xi32, #tpu.memory_space<hbm>>) target(%dma_start3A_94 : memref<1x128xi32, #tpu.memory_space<vmem>>) target_semaphore(%run_scoped3A_86 : memref<!tpu.dma_semaphore, #tpu.memory_space<semaphore_mem>>)
            %dma_wait3A_97 = arith.constant 1 : i32
            %dma_wait3A_98 = arith.constant 0 : i32
            %dma_wait3A_99 = tpu.memref_slice %arg10[%dma_wait3A_97, %dma_wait3A_98] : memref<2x128xi32, #tpu.memory_space<vmem>> -> memref<1x128xi32, #tpu.memory_space<vmem>>
            %dma_wait3A_100 = arith.constant 0 : i32
            %dma_wait3A_101 = tpu.memref_slice %arg3[%add3A_78, %dma_wait3A_100] : memref<2528x128xi32, #tpu.memory_space<hbm>> -> memref<1x128xi32, #tpu.memory_space<hbm>>
            %dma_wait3A_102 = arith.constant 1 : i32
            %dma_wait3A_103 = arith.constant 0 : i32
            %dma_wait3A_104 = tpu.memref_slice %arg10[%dma_wait3A_102, %dma_wait3A_103] : memref<2x128xi32, #tpu.memory_space<vmem>> -> memref<1x128xi32, #tpu.memory_space<vmem>>
            %dma_wait3A_105 = arith.constant 0 : i32
            %dma_wait3A_106 = tpu.memref_slice %arg3[%add3A_78, %dma_wait3A_105] : memref<2528x128xi32, #tpu.memory_space<hbm>> -> memref<1x128xi32, #tpu.memory_space<hbm>>
            tpu.wait_dma2 semaphore(%run_scoped3A_86 : memref<!tpu.dma_semaphore, #tpu.memory_space<semaphore_mem>>) src(%dma_wait3A_106 : memref<1x128xi32, #tpu.memory_space<hbm>>) dst(%dma_wait3A_104 : memref<1x128xi32, #tpu.memory_space<vmem>>)
            tpu.yield
          }) : () -> ()
          %dma_start3A_79 = arith.constant 1 : i32
          %dma_start3A_80 = arith.constant 0 : i32
          %dma_start3A_81 = tpu.memref_slice %arg9[%dma_start3A_79, %dma_start3A_80] : memref<2x128xi32, #tpu.memory_space<vmem>> -> memref<1x128xi32, #tpu.memory_space<vmem>>
          %dma_start3A_82 = tpu.memref_squeeze %dma_start3A_81 : memref<1x128xi32, #tpu.memory_space<vmem>> -> memref<128xi32, #tpu.memory_space<vmem>>
          %dma_start3A_83 = arith.constant 0 : i32
          %dma_start3A_84 = arith.constant 0 : i32
          %dma_start3A_85 = tpu.memref_slice %arg5[%dma_start3A_83, %dma_start3A_84] : memref<10000x128xf32, #tpu.memory_space<hbm>> -> memref<10000x128xf32, #tpu.memory_space<hbm>>
          tpu.enqueue_indirect_dma source(%dma_start3A_85 : memref<10000x128xf32, #tpu.memory_space<hbm>>) target(%arg12 : memref<128x128xf32, #tpu.memory_space<vmem>>) offsets(%dma_start3A_82 : memref<128xi32, #tpu.memory_space<vmem>>) semaphore(%arg15 : memref<!tpu.dma_semaphore, #tpu.memory_space<semaphore_mem>>)
        } else {
        }
      }
      %scan3A_34 = arith.constant 79 : i32
      %barrier3A_35 = arith.constant 0 : index
      tpu.barrier barrier_id(%barrier3A_35)
      %mul3A_36 = arith.constant 640 : i32
      %mul3A_37 = arith.muli %arg1, %mul3A_36 : i32
      %mul3A_38 = arith.constant 640 : i32
      %mul3A_39 = arith.muli %arg1, %mul3A_38 : i32
      "tpu.region"() ({
        %run_scoped3A = tpu.sem_alloc : memref<!tpu.dma_semaphore, #tpu.memory_space<semaphore_mem>>
        %dma_start3A_40 = arith.constant 0 : i32
        %dma_start3A_41 = tpu.memref_slice %arg8[%mul3A_39, %dma_start3A_40] : memref<10240x128xf32, #tpu.memory_space<hbm>> -> memref<640x128xf32, #tpu.memory_space<hbm>>
        %dma_start3A_42 = arith.constant 0 : i32
        %dma_start3A_43 = tpu.memref_slice %arg13[%mul3A_37, %dma_start3A_42] : memref<10240x128xf32, #tpu.memory_space<vmem_shared>> -> memref<640x128xf32, #tpu.memory_space<vmem_shared>>
        tpu.enqueue_dma source(%dma_start3A_43 : memref<640x128xf32, #tpu.memory_space<vmem_shared>>) target(%dma_start3A_41 : memref<640x128xf32, #tpu.memory_space<hbm>>) target_semaphore(%run_scoped3A : memref<!tpu.dma_semaphore, #tpu.memory_space<semaphore_mem>>)
        %dma_wait3A = arith.constant 0 : i32
        %dma_wait3A_44 = tpu.memref_slice %arg8[%mul3A_39, %dma_wait3A] : memref<10240x128xf32, #tpu.memory_space<hbm>> -> memref<640x128xf32, #tpu.memory_space<hbm>>
        %dma_wait3A_45 = arith.constant 0 : i32
        %dma_wait3A_46 = tpu.memref_slice %arg13[%mul3A_37, %dma_wait3A_45] : memref<10240x128xf32, #tpu.memory_space<vmem_shared>> -> memref<640x128xf32, #tpu.memory_space<vmem_shared>>
        tpu.wait_dma2 semaphore(%run_scoped3A : memref<!tpu.dma_semaphore, #tpu.memory_space<semaphore_mem>>) src(%dma_wait3A_46 : memref<640x128xf32, #tpu.memory_space<vmem_shared>>) dst(%dma_wait3A_44 : memref<640x128xf32, #tpu.memory_space<hbm>>)
        tpu.yield
      }) : () -> ()
    } else {
    }
    return
  }
}

#map = affine_map<(d0, d1) -> (0, 0)>
#map1 = affine_map<(d0, d1) -> (0)>
module attributes {stable_mosaic.version = 14 : i64} {
  func.func @_degree(%arg0: i32, %arg1: i32, %arg2: memref<2560x128xi32, #tpu.memory_space<hbm>>, %arg3: memref<128xf32, #tpu.memory_space<hbm>>, %arg4: memref<640xf32, #tpu.memory_space<hbm>>, %arg5: memref<10240xf32, #tpu.memory_space<hbm>>, %arg6: memref<10240xf32, #tpu.memory_space<hbm>>, %arg7: memref<2x128xi32, #tpu.memory_space<vmem>>, %arg8: memref<128xf32, #tpu.memory_space<vmem>>, %arg9: memref<10240xf32, #tpu.memory_space<vmem_shared>>, %arg10: memref<!tpu.dma_semaphore, #tpu.memory_space<semaphore_mem>>, %arg11: memref<!tpu.dma_semaphore, #tpu.memory_space<semaphore_mem>>) attributes {dimension_semantics = [#tpu.dimension_semantics<core_parallel>, #tpu.dimension_semantics<subcore_parallel>], iteration_bounds = array<i64: 2, 16>, scalar_prefetch = 0 : i64, scratch_operands = 5 : i64, tpu.core_type = #tpu.core_type<sc_vector_subcore>, window_params = [{transform_indices = #map}, {transform_indices = #map1}, {transform_indices = #map1}, {transform_indices = #map1}, {transform_indices = #map1}]} {
    %mul3A = arith.constant 640 : i32
    %mul3A_0 = arith.muli %arg1, %mul3A : i32
    "tpu.region"() ({
      %run_scoped3A = tpu.sem_alloc : memref<!tpu.dma_semaphore, #tpu.memory_space<semaphore_mem>>
      %dma_start3A_33 = tpu.memref_slice %arg9[%mul3A_0] : memref<10240xf32, #tpu.memory_space<vmem_shared>> -> memref<640xf32, #tpu.memory_space<vmem_shared>>
      tpu.enqueue_dma source(%arg4 : memref<640xf32, #tpu.memory_space<hbm>>) target(%dma_start3A_33 : memref<640xf32, #tpu.memory_space<vmem_shared>>) target_semaphore(%run_scoped3A : memref<!tpu.dma_semaphore, #tpu.memory_space<semaphore_mem>>)
      %dma_wait3A = tpu.memref_slice %arg9[%mul3A_0] : memref<10240xf32, #tpu.memory_space<vmem_shared>> -> memref<640xf32, #tpu.memory_space<vmem_shared>>
      tpu.wait_dma2 semaphore(%run_scoped3A : memref<!tpu.dma_semaphore, #tpu.memory_space<semaphore_mem>>) src(%arg4 : memref<640xf32, #tpu.memory_space<hbm>>) dst(%dma_wait3A : memref<640xf32, #tpu.memory_space<vmem_shared>>)
      tpu.yield
    }) : () -> ()
    "tpu.region"() ({
      %run_scoped3A = tpu.sem_alloc : memref<!tpu.dma_semaphore, #tpu.memory_space<semaphore_mem>>
      tpu.enqueue_dma source(%arg3 : memref<128xf32, #tpu.memory_space<hbm>>) target(%arg8 : memref<128xf32, #tpu.memory_space<vmem>>) target_semaphore(%run_scoped3A : memref<!tpu.dma_semaphore, #tpu.memory_space<semaphore_mem>>)
      tpu.wait_dma2 semaphore(%run_scoped3A : memref<!tpu.dma_semaphore, #tpu.memory_space<semaphore_mem>>) src(%arg3 : memref<128xf32, #tpu.memory_space<hbm>>) dst(%arg8 : memref<128xf32, #tpu.memory_space<vmem>>)
      tpu.yield
    }) : () -> ()
    %barrier3A = arith.constant 0 : index
    tpu.barrier barrier_id(%barrier3A)
    %mul3A_1 = arith.constant 2 : i32
    %mul3A_2 = arith.muli %arg1, %mul3A_1 : i32
    %add3A = arith.addi %mul3A_2, %arg0 : i32
    %mul3A_3 = arith.constant 80 : i32
    %mul3A_4 = arith.muli %add3A, %mul3A_3 : i32
    %add3A_5 = arith.constant 0 : i32
    %add3A_6 = arith.addi %mul3A_4, %add3A_5 : i32
    "tpu.region"() ({
      %run_scoped3A = tpu.sem_alloc : memref<!tpu.dma_semaphore, #tpu.memory_space<semaphore_mem>>
      %dma_start3A_33 = arith.constant 0 : i32
      %dma_start3A_34 = arith.constant 0 : i32
      %dma_start3A_35 = tpu.memref_slice %arg7[%dma_start3A_33, %dma_start3A_34] : memref<2x128xi32, #tpu.memory_space<vmem>> -> memref<1x128xi32, #tpu.memory_space<vmem>>
      %dma_start3A_36 = arith.constant 0 : i32
      %dma_start3A_37 = tpu.memref_slice %arg2[%add3A_6, %dma_start3A_36] : memref<2560x128xi32, #tpu.memory_space<hbm>> -> memref<1x128xi32, #tpu.memory_space<hbm>>
      %dma_start3A_38 = arith.constant 0 : i32
      %dma_start3A_39 = arith.constant 0 : i32
      %dma_start3A_40 = tpu.memref_slice %arg7[%dma_start3A_38, %dma_start3A_39] : memref<2x128xi32, #tpu.memory_space<vmem>> -> memref<1x128xi32, #tpu.memory_space<vmem>>
      %dma_start3A_41 = arith.constant 0 : i32
      %dma_start3A_42 = tpu.memref_slice %arg2[%add3A_6, %dma_start3A_41] : memref<2560x128xi32, #tpu.memory_space<hbm>> -> memref<1x128xi32, #tpu.memory_space<hbm>>
      tpu.enqueue_dma source(%dma_start3A_42 : memref<1x128xi32, #tpu.memory_space<hbm>>) target(%dma_start3A_40 : memref<1x128xi32, #tpu.memory_space<vmem>>) target_semaphore(%run_scoped3A : memref<!tpu.dma_semaphore, #tpu.memory_space<semaphore_mem>>)
      %dma_wait3A = arith.constant 0 : i32
      %dma_wait3A_43 = arith.constant 0 : i32
      %dma_wait3A_44 = tpu.memref_slice %arg7[%dma_wait3A, %dma_wait3A_43] : memref<2x128xi32, #tpu.memory_space<vmem>> -> memref<1x128xi32, #tpu.memory_space<vmem>>
      %dma_wait3A_45 = arith.constant 0 : i32
      %dma_wait3A_46 = tpu.memref_slice %arg2[%add3A_6, %dma_wait3A_45] : memref<2560x128xi32, #tpu.memory_space<hbm>> -> memref<1x128xi32, #tpu.memory_space<hbm>>
      %dma_wait3A_47 = arith.constant 0 : i32
      %dma_wait3A_48 = arith.constant 0 : i32
      %dma_wait3A_49 = tpu.memref_slice %arg7[%dma_wait3A_47, %dma_wait3A_48] : memref<2x128xi32, #tpu.memory_space<vmem>> -> memref<1x128xi32, #tpu.memory_space<vmem>>
      %dma_wait3A_50 = arith.constant 0 : i32
      %dma_wait3A_51 = tpu.memref_slice %arg2[%add3A_6, %dma_wait3A_50] : memref<2560x128xi32, #tpu.memory_space<hbm>> -> memref<1x128xi32, #tpu.memory_space<hbm>>
      tpu.wait_dma2 semaphore(%run_scoped3A : memref<!tpu.dma_semaphore, #tpu.memory_space<semaphore_mem>>) src(%dma_wait3A_51 : memref<1x128xi32, #tpu.memory_space<hbm>>) dst(%dma_wait3A_49 : memref<1x128xi32, #tpu.memory_space<vmem>>)
      tpu.yield
    }) : () -> ()
    %dma_start3A = arith.constant 0 : i32
    %dma_start3A_7 = arith.constant 0 : i32
    %dma_start3A_8 = tpu.memref_slice %arg7[%dma_start3A, %dma_start3A_7] : memref<2x128xi32, #tpu.memory_space<vmem>> -> memref<1x128xi32, #tpu.memory_space<vmem>>
    %dma_start3A_9 = tpu.memref_squeeze %dma_start3A_8 : memref<1x128xi32, #tpu.memory_space<vmem>> -> memref<128xi32, #tpu.memory_space<vmem>>
    %dma_start3A_10 = arith.constant 0 : i32
    %dma_start3A_11 = tpu.memref_slice %arg9[%dma_start3A_10] : memref<10240xf32, #tpu.memory_space<vmem_shared>> -> memref<10240xf32, #tpu.memory_space<vmem_shared>>
    tpu.enqueue_indirect_dma source(%arg8 : memref<128xf32, #tpu.memory_space<vmem>>) target(%dma_start3A_11 : memref<10240xf32, #tpu.memory_space<vmem_shared>>) offsets(%dma_start3A_9 : memref<128xi32, #tpu.memory_space<vmem>>) semaphore(%arg10 : memref<!tpu.dma_semaphore, #tpu.memory_space<semaphore_mem>>) {add = true}
    %add3A_12 = arith.constant 1 : i32
    %add3A_13 = arith.addi %mul3A_4, %add3A_12 : i32
    "tpu.region"() ({
      %run_scoped3A = tpu.sem_alloc : memref<!tpu.dma_semaphore, #tpu.memory_space<semaphore_mem>>
      %dma_start3A_33 = arith.constant 1 : i32
      %dma_start3A_34 = arith.constant 0 : i32
      %dma_start3A_35 = tpu.memref_slice %arg7[%dma_start3A_33, %dma_start3A_34] : memref<2x128xi32, #tpu.memory_space<vmem>> -> memref<1x128xi32, #tpu.memory_space<vmem>>
      %dma_start3A_36 = arith.constant 0 : i32
      %dma_start3A_37 = tpu.memref_slice %arg2[%add3A_13, %dma_start3A_36] : memref<2560x128xi32, #tpu.memory_space<hbm>> -> memref<1x128xi32, #tpu.memory_space<hbm>>
      %dma_start3A_38 = arith.constant 1 : i32
      %dma_start3A_39 = arith.constant 0 : i32
      %dma_start3A_40 = tpu.memref_slice %arg7[%dma_start3A_38, %dma_start3A_39] : memref<2x128xi32, #tpu.memory_space<vmem>> -> memref<1x128xi32, #tpu.memory_space<vmem>>
      %dma_start3A_41 = arith.constant 0 : i32
      %dma_start3A_42 = tpu.memref_slice %arg2[%add3A_13, %dma_start3A_41] : memref<2560x128xi32, #tpu.memory_space<hbm>> -> memref<1x128xi32, #tpu.memory_space<hbm>>
      tpu.enqueue_dma source(%dma_start3A_42 : memref<1x128xi32, #tpu.memory_space<hbm>>) target(%dma_start3A_40 : memref<1x128xi32, #tpu.memory_space<vmem>>) target_semaphore(%run_scoped3A : memref<!tpu.dma_semaphore, #tpu.memory_space<semaphore_mem>>)
      %dma_wait3A = arith.constant 1 : i32
      %dma_wait3A_43 = arith.constant 0 : i32
      %dma_wait3A_44 = tpu.memref_slice %arg7[%dma_wait3A, %dma_wait3A_43] : memref<2x128xi32, #tpu.memory_space<vmem>> -> memref<1x128xi32, #tpu.memory_space<vmem>>
      %dma_wait3A_45 = arith.constant 0 : i32
      %dma_wait3A_46 = tpu.memref_slice %arg2[%add3A_13, %dma_wait3A_45] : memref<2560x128xi32, #tpu.memory_space<hbm>> -> memref<1x128xi32, #tpu.memory_space<hbm>>
      %dma_wait3A_47 = arith.constant 1 : i32
      %dma_wait3A_48 = arith.constant 0 : i32
      %dma_wait3A_49 = tpu.memref_slice %arg7[%dma_wait3A_47, %dma_wait3A_48] : memref<2x128xi32, #tpu.memory_space<vmem>> -> memref<1x128xi32, #tpu.memory_space<vmem>>
      %dma_wait3A_50 = arith.constant 0 : i32
      %dma_wait3A_51 = tpu.memref_slice %arg2[%add3A_13, %dma_wait3A_50] : memref<2560x128xi32, #tpu.memory_space<hbm>> -> memref<1x128xi32, #tpu.memory_space<hbm>>
      tpu.wait_dma2 semaphore(%run_scoped3A : memref<!tpu.dma_semaphore, #tpu.memory_space<semaphore_mem>>) src(%dma_wait3A_51 : memref<1x128xi32, #tpu.memory_space<hbm>>) dst(%dma_wait3A_49 : memref<1x128xi32, #tpu.memory_space<vmem>>)
      tpu.yield
    }) : () -> ()
    %dma_start3A_14 = arith.constant 1 : i32
    %dma_start3A_15 = arith.constant 0 : i32
    %dma_start3A_16 = tpu.memref_slice %arg7[%dma_start3A_14, %dma_start3A_15] : memref<2x128xi32, #tpu.memory_space<vmem>> -> memref<1x128xi32, #tpu.memory_space<vmem>>
    %dma_start3A_17 = tpu.memref_squeeze %dma_start3A_16 : memref<1x128xi32, #tpu.memory_space<vmem>> -> memref<128xi32, #tpu.memory_space<vmem>>
    %dma_start3A_18 = arith.constant 0 : i32
    %dma_start3A_19 = tpu.memref_slice %arg9[%dma_start3A_18] : memref<10240xf32, #tpu.memory_space<vmem_shared>> -> memref<10240xf32, #tpu.memory_space<vmem_shared>>
    tpu.enqueue_indirect_dma source(%arg8 : memref<128xf32, #tpu.memory_space<vmem>>) target(%dma_start3A_19 : memref<10240xf32, #tpu.memory_space<vmem_shared>>) offsets(%dma_start3A_17 : memref<128xi32, #tpu.memory_space<vmem>>) semaphore(%arg11 : memref<!tpu.dma_semaphore, #tpu.memory_space<semaphore_mem>>) {add = true}
    %scan3A = arith.constant 0 : i32
    %scan3A_20 = arith.constant 0 : i32
    %scan3A_21 = arith.constant 40 : i32
    %scan3A_22 = arith.addi %scan3A_20, %scan3A_21 : i32
    %scan3A_23 = arith.constant 1 : i32
    scf.for %scan3A_33 = %scan3A_20 to %scan3A_22 step %scan3A_23  : i32 {
      %mul3A_34 = arith.constant 2 : i32
      %mul3A_35 = arith.muli %mul3A_34, %scan3A_33 : i32
      %add3A_36 = arith.constant 0 : i32
      %add3A_37 = arith.addi %mul3A_35, %add3A_36 : i32
      %dma_wait3A = arith.constant 0 : i32
      %dma_wait3A_38 = arith.constant 0 : i32
      %dma_wait3A_39 = tpu.memref_slice %arg7[%dma_wait3A, %dma_wait3A_38] : memref<2x128xi32, #tpu.memory_space<vmem>> -> memref<1x128xi32, #tpu.memory_space<vmem>>
      %dma_wait3A_40 = tpu.memref_squeeze %dma_wait3A_39 : memref<1x128xi32, #tpu.memory_space<vmem>> -> memref<128xi32, #tpu.memory_space<vmem>>
      %dma_wait3A_41 = arith.constant 0 : i32
      %dma_wait3A_42 = tpu.memref_slice %arg9[%dma_wait3A_41] : memref<10240xf32, #tpu.memory_space<vmem_shared>> -> memref<10240xf32, #tpu.memory_space<vmem_shared>>
      tpu.wait_indirect_dma semaphore(%arg10 : memref<!tpu.dma_semaphore, #tpu.memory_space<semaphore_mem>>) src(%arg8 : memref<128xf32, #tpu.memory_space<vmem>>) dst(%dma_wait3A_42 : memref<10240xf32, #tpu.memory_space<vmem_shared>>)
      %add3A_43 = arith.constant 2 : i32
      %add3A_44 = arith.addi %add3A_37, %add3A_43 : i32
      %lt3A = arith.constant 80 : i32
      %lt3A_45 = arith.cmpi slt, %add3A_44, %lt3A : i32
      %convert_element_type3A_46 = arith.extui %lt3A_45 : i1 to i32
      %cond3A_47 = arith.constant 0 : i32
      %cond3A_48 = arith.cmpi ne, %convert_element_type3A_46, %cond3A_47 : i32
      scf.if %cond3A_48 {
        %add3A_66 = arith.addi %mul3A_4, %add3A_37 : i32
        %add3A_67 = arith.constant 2 : i32
        %add3A_68 = arith.addi %add3A_66, %add3A_67 : i32
        "tpu.region"() ({
          %run_scoped3A = tpu.sem_alloc : memref<!tpu.dma_semaphore, #tpu.memory_space<semaphore_mem>>
          %dma_start3A_75 = arith.constant 0 : i32
          %dma_start3A_76 = arith.constant 0 : i32
          %dma_start3A_77 = tpu.memref_slice %arg7[%dma_start3A_75, %dma_start3A_76] : memref<2x128xi32, #tpu.memory_space<vmem>> -> memref<1x128xi32, #tpu.memory_space<vmem>>
          %dma_start3A_78 = arith.constant 0 : i32
          %dma_start3A_79 = tpu.memref_slice %arg2[%add3A_68, %dma_start3A_78] : memref<2560x128xi32, #tpu.memory_space<hbm>> -> memref<1x128xi32, #tpu.memory_space<hbm>>
          %dma_start3A_80 = arith.constant 0 : i32
          %dma_start3A_81 = arith.constant 0 : i32
          %dma_start3A_82 = tpu.memref_slice %arg7[%dma_start3A_80, %dma_start3A_81] : memref<2x128xi32, #tpu.memory_space<vmem>> -> memref<1x128xi32, #tpu.memory_space<vmem>>
          %dma_start3A_83 = arith.constant 0 : i32
          %dma_start3A_84 = tpu.memref_slice %arg2[%add3A_68, %dma_start3A_83] : memref<2560x128xi32, #tpu.memory_space<hbm>> -> memref<1x128xi32, #tpu.memory_space<hbm>>
          tpu.enqueue_dma source(%dma_start3A_84 : memref<1x128xi32, #tpu.memory_space<hbm>>) target(%dma_start3A_82 : memref<1x128xi32, #tpu.memory_space<vmem>>) target_semaphore(%run_scoped3A : memref<!tpu.dma_semaphore, #tpu.memory_space<semaphore_mem>>)
          %dma_wait3A_85 = arith.constant 0 : i32
          %dma_wait3A_86 = arith.constant 0 : i32
          %dma_wait3A_87 = tpu.memref_slice %arg7[%dma_wait3A_85, %dma_wait3A_86] : memref<2x128xi32, #tpu.memory_space<vmem>> -> memref<1x128xi32, #tpu.memory_space<vmem>>
          %dma_wait3A_88 = arith.constant 0 : i32
          %dma_wait3A_89 = tpu.memref_slice %arg2[%add3A_68, %dma_wait3A_88] : memref<2560x128xi32, #tpu.memory_space<hbm>> -> memref<1x128xi32, #tpu.memory_space<hbm>>
          %dma_wait3A_90 = arith.constant 0 : i32
          %dma_wait3A_91 = arith.constant 0 : i32
          %dma_wait3A_92 = tpu.memref_slice %arg7[%dma_wait3A_90, %dma_wait3A_91] : memref<2x128xi32, #tpu.memory_space<vmem>> -> memref<1x128xi32, #tpu.memory_space<vmem>>
          %dma_wait3A_93 = arith.constant 0 : i32
          %dma_wait3A_94 = tpu.memref_slice %arg2[%add3A_68, %dma_wait3A_93] : memref<2560x128xi32, #tpu.memory_space<hbm>> -> memref<1x128xi32, #tpu.memory_space<hbm>>
          tpu.wait_dma2 semaphore(%run_scoped3A : memref<!tpu.dma_semaphore, #tpu.memory_space<semaphore_mem>>) src(%dma_wait3A_94 : memref<1x128xi32, #tpu.memory_space<hbm>>) dst(%dma_wait3A_92 : memref<1x128xi32, #tpu.memory_space<vmem>>)
          tpu.yield
        }) : () -> ()
        %dma_start3A_69 = arith.constant 0 : i32
        %dma_start3A_70 = arith.constant 0 : i32
        %dma_start3A_71 = tpu.memref_slice %arg7[%dma_start3A_69, %dma_start3A_70] : memref<2x128xi32, #tpu.memory_space<vmem>> -> memref<1x128xi32, #tpu.memory_space<vmem>>
        %dma_start3A_72 = tpu.memref_squeeze %dma_start3A_71 : memref<1x128xi32, #tpu.memory_space<vmem>> -> memref<128xi32, #tpu.memory_space<vmem>>
        %dma_start3A_73 = arith.constant 0 : i32
        %dma_start3A_74 = tpu.memref_slice %arg9[%dma_start3A_73] : memref<10240xf32, #tpu.memory_space<vmem_shared>> -> memref<10240xf32, #tpu.memory_space<vmem_shared>>
        tpu.enqueue_indirect_dma source(%arg8 : memref<128xf32, #tpu.memory_space<vmem>>) target(%dma_start3A_74 : memref<10240xf32, #tpu.memory_space<vmem_shared>>) offsets(%dma_start3A_72 : memref<128xi32, #tpu.memory_space<vmem>>) semaphore(%arg10 : memref<!tpu.dma_semaphore, #tpu.memory_space<semaphore_mem>>) {add = true}
      } else {
      }
      %mul3A_49 = arith.constant 2 : i32
      %mul3A_50 = arith.muli %mul3A_49, %scan3A_33 : i32
      %add3A_51 = arith.constant 1 : i32
      %add3A_52 = arith.addi %mul3A_50, %add3A_51 : i32
      %dma_wait3A_53 = arith.constant 1 : i32
      %dma_wait3A_54 = arith.constant 0 : i32
      %dma_wait3A_55 = tpu.memref_slice %arg7[%dma_wait3A_53, %dma_wait3A_54] : memref<2x128xi32, #tpu.memory_space<vmem>> -> memref<1x128xi32, #tpu.memory_space<vmem>>
      %dma_wait3A_56 = tpu.memref_squeeze %dma_wait3A_55 : memref<1x128xi32, #tpu.memory_space<vmem>> -> memref<128xi32, #tpu.memory_space<vmem>>
      %dma_wait3A_57 = arith.constant 0 : i32
      %dma_wait3A_58 = tpu.memref_slice %arg9[%dma_wait3A_57] : memref<10240xf32, #tpu.memory_space<vmem_shared>> -> memref<10240xf32, #tpu.memory_space<vmem_shared>>
      tpu.wait_indirect_dma semaphore(%arg11 : memref<!tpu.dma_semaphore, #tpu.memory_space<semaphore_mem>>) src(%arg8 : memref<128xf32, #tpu.memory_space<vmem>>) dst(%dma_wait3A_58 : memref<10240xf32, #tpu.memory_space<vmem_shared>>)
      %add3A_59 = arith.constant 2 : i32
      %add3A_60 = arith.addi %add3A_52, %add3A_59 : i32
      %lt3A_61 = arith.constant 80 : i32
      %lt3A_62 = arith.cmpi slt, %add3A_60, %lt3A_61 : i32
      %convert_element_type3A_63 = arith.extui %lt3A_62 : i1 to i32
      %cond3A_64 = arith.constant 0 : i32
      %cond3A_65 = arith.cmpi ne, %convert_element_type3A_63, %cond3A_64 : i32
      scf.if %cond3A_65 {
        %add3A_66 = arith.addi %mul3A_4, %add3A_52 : i32
        %add3A_67 = arith.constant 2 : i32
        %add3A_68 = arith.addi %add3A_66, %add3A_67 : i32
        "tpu.region"() ({
          %run_scoped3A = tpu.sem_alloc : memref<!tpu.dma_semaphore, #tpu.memory_space<semaphore_mem>>
          %dma_start3A_75 = arith.constant 1 : i32
          %dma_start3A_76 = arith.constant 0 : i32
          %dma_start3A_77 = tpu.memref_slice %arg7[%dma_start3A_75, %dma_start3A_76] : memref<2x128xi32, #tpu.memory_space<vmem>> -> memref<1x128xi32, #tpu.memory_space<vmem>>
          %dma_start3A_78 = arith.constant 0 : i32
          %dma_start3A_79 = tpu.memref_slice %arg2[%add3A_68, %dma_start3A_78] : memref<2560x128xi32, #tpu.memory_space<hbm>> -> memref<1x128xi32, #tpu.memory_space<hbm>>
          %dma_start3A_80 = arith.constant 1 : i32
          %dma_start3A_81 = arith.constant 0 : i32
          %dma_start3A_82 = tpu.memref_slice %arg7[%dma_start3A_80, %dma_start3A_81] : memref<2x128xi32, #tpu.memory_space<vmem>> -> memref<1x128xi32, #tpu.memory_space<vmem>>
          %dma_start3A_83 = arith.constant 0 : i32
          %dma_start3A_84 = tpu.memref_slice %arg2[%add3A_68, %dma_start3A_83] : memref<2560x128xi32, #tpu.memory_space<hbm>> -> memref<1x128xi32, #tpu.memory_space<hbm>>
          tpu.enqueue_dma source(%dma_start3A_84 : memref<1x128xi32, #tpu.memory_space<hbm>>) target(%dma_start3A_82 : memref<1x128xi32, #tpu.memory_space<vmem>>) target_semaphore(%run_scoped3A : memref<!tpu.dma_semaphore, #tpu.memory_space<semaphore_mem>>)
          %dma_wait3A_85 = arith.constant 1 : i32
          %dma_wait3A_86 = arith.constant 0 : i32
          %dma_wait3A_87 = tpu.memref_slice %arg7[%dma_wait3A_85, %dma_wait3A_86] : memref<2x128xi32, #tpu.memory_space<vmem>> -> memref<1x128xi32, #tpu.memory_space<vmem>>
          %dma_wait3A_88 = arith.constant 0 : i32
          %dma_wait3A_89 = tpu.memref_slice %arg2[%add3A_68, %dma_wait3A_88] : memref<2560x128xi32, #tpu.memory_space<hbm>> -> memref<1x128xi32, #tpu.memory_space<hbm>>
          %dma_wait3A_90 = arith.constant 1 : i32
          %dma_wait3A_91 = arith.constant 0 : i32
          %dma_wait3A_92 = tpu.memref_slice %arg7[%dma_wait3A_90, %dma_wait3A_91] : memref<2x128xi32, #tpu.memory_space<vmem>> -> memref<1x128xi32, #tpu.memory_space<vmem>>
          %dma_wait3A_93 = arith.constant 0 : i32
          %dma_wait3A_94 = tpu.memref_slice %arg2[%add3A_68, %dma_wait3A_93] : memref<2560x128xi32, #tpu.memory_space<hbm>> -> memref<1x128xi32, #tpu.memory_space<hbm>>
          tpu.wait_dma2 semaphore(%run_scoped3A : memref<!tpu.dma_semaphore, #tpu.memory_space<semaphore_mem>>) src(%dma_wait3A_94 : memref<1x128xi32, #tpu.memory_space<hbm>>) dst(%dma_wait3A_92 : memref<1x128xi32, #tpu.memory_space<vmem>>)
          tpu.yield
        }) : () -> ()
        %dma_start3A_69 = arith.constant 1 : i32
        %dma_start3A_70 = arith.constant 0 : i32
        %dma_start3A_71 = tpu.memref_slice %arg7[%dma_start3A_69, %dma_start3A_70] : memref<2x128xi32, #tpu.memory_space<vmem>> -> memref<1x128xi32, #tpu.memory_space<vmem>>
        %dma_start3A_72 = tpu.memref_squeeze %dma_start3A_71 : memref<1x128xi32, #tpu.memory_space<vmem>> -> memref<128xi32, #tpu.memory_space<vmem>>
        %dma_start3A_73 = arith.constant 0 : i32
        %dma_start3A_74 = tpu.memref_slice %arg9[%dma_start3A_73] : memref<10240xf32, #tpu.memory_space<vmem_shared>> -> memref<10240xf32, #tpu.memory_space<vmem_shared>>
        tpu.enqueue_indirect_dma source(%arg8 : memref<128xf32, #tpu.memory_space<vmem>>) target(%dma_start3A_74 : memref<10240xf32, #tpu.memory_space<vmem_shared>>) offsets(%dma_start3A_72 : memref<128xi32, #tpu.memory_space<vmem>>) semaphore(%arg11 : memref<!tpu.dma_semaphore, #tpu.memory_space<semaphore_mem>>) {add = true}
      } else {
      }
    }
    %scan3A_24 = arith.constant 40 : i32
    %barrier3A_25 = arith.constant 0 : index
    tpu.barrier barrier_id(%barrier3A_25)
    %eq3A = arith.constant 0 : i32
    %eq3A_26 = arith.cmpi eq, %arg0, %eq3A : i32
    %convert_element_type3A = arith.extui %eq3A_26 : i1 to i32
    %cond3A = arith.constant 0 : i32
    %cond3A_27 = arith.cmpi ne, %convert_element_type3A, %cond3A : i32
    scf.if %cond3A_27 {
      %mul3A_33 = arith.constant 640 : i32
      %mul3A_34 = arith.muli %arg1, %mul3A_33 : i32
      %mul3A_35 = arith.constant 640 : i32
      %mul3A_36 = arith.muli %arg1, %mul3A_35 : i32
      "tpu.region"() ({
        %run_scoped3A = tpu.sem_alloc : memref<!tpu.dma_semaphore, #tpu.memory_space<semaphore_mem>>
        %dma_start3A_37 = tpu.memref_slice %arg5[%mul3A_36] : memref<10240xf32, #tpu.memory_space<hbm>> -> memref<640xf32, #tpu.memory_space<hbm>>
        %dma_start3A_38 = tpu.memref_slice %arg9[%mul3A_34] : memref<10240xf32, #tpu.memory_space<vmem_shared>> -> memref<640xf32, #tpu.memory_space<vmem_shared>>
        tpu.enqueue_dma source(%dma_start3A_38 : memref<640xf32, #tpu.memory_space<vmem_shared>>) target(%dma_start3A_37 : memref<640xf32, #tpu.memory_space<hbm>>) target_semaphore(%run_scoped3A : memref<!tpu.dma_semaphore, #tpu.memory_space<semaphore_mem>>)
        %dma_wait3A = tpu.memref_slice %arg5[%mul3A_36] : memref<10240xf32, #tpu.memory_space<hbm>> -> memref<640xf32, #tpu.memory_space<hbm>>
        %dma_wait3A_39 = tpu.memref_slice %arg9[%mul3A_34] : memref<10240xf32, #tpu.memory_space<vmem_shared>> -> memref<640xf32, #tpu.memory_space<vmem_shared>>
        tpu.wait_dma2 semaphore(%run_scoped3A : memref<!tpu.dma_semaphore, #tpu.memory_space<semaphore_mem>>) src(%dma_wait3A_39 : memref<640xf32, #tpu.memory_space<vmem_shared>>) dst(%dma_wait3A : memref<640xf32, #tpu.memory_space<hbm>>)
        tpu.yield
      }) : () -> ()
    } else {
    }
    %eq3A_28 = arith.constant 1 : i32
    %eq3A_29 = arith.cmpi eq, %arg0, %eq3A_28 : i32
    %convert_element_type3A_30 = arith.extui %eq3A_29 : i1 to i32
    %cond3A_31 = arith.constant 0 : i32
    %cond3A_32 = arith.cmpi ne, %convert_element_type3A_30, %cond3A_31 : i32
    scf.if %cond3A_32 {
      %mul3A_33 = arith.constant 640 : i32
      %mul3A_34 = arith.muli %arg1, %mul3A_33 : i32
      %mul3A_35 = arith.constant 640 : i32
      %mul3A_36 = arith.muli %arg1, %mul3A_35 : i32
      "tpu.region"() ({
        %run_scoped3A = tpu.sem_alloc : memref<!tpu.dma_semaphore, #tpu.memory_space<semaphore_mem>>
        %dma_start3A_37 = tpu.memref_slice %arg6[%mul3A_36] : memref<10240xf32, #tpu.memory_space<hbm>> -> memref<640xf32, #tpu.memory_space<hbm>>
        %dma_start3A_38 = tpu.memref_slice %arg9[%mul3A_34] : memref<10240xf32, #tpu.memory_space<vmem_shared>> -> memref<640xf32, #tpu.memory_space<vmem_shared>>
        tpu.enqueue_dma source(%dma_start3A_38 : memref<640xf32, #tpu.memory_space<vmem_shared>>) target(%dma_start3A_37 : memref<640xf32, #tpu.memory_space<hbm>>) target_semaphore(%run_scoped3A : memref<!tpu.dma_semaphore, #tpu.memory_space<semaphore_mem>>)
        %dma_wait3A = tpu.memref_slice %arg6[%mul3A_36] : memref<10240xf32, #tpu.memory_space<hbm>> -> memref<640xf32, #tpu.memory_space<hbm>>
        %dma_wait3A_39 = tpu.memref_slice %arg9[%mul3A_34] : memref<10240xf32, #tpu.memory_space<vmem_shared>> -> memref<640xf32, #tpu.memory_space<vmem_shared>>
        tpu.wait_dma2 semaphore(%run_scoped3A : memref<!tpu.dma_semaphore, #tpu.memory_space<semaphore_mem>>) src(%dma_wait3A_39 : memref<640xf32, #tpu.memory_space<vmem_shared>>) dst(%dma_wait3A : memref<640xf32, #tpu.memory_space<hbm>>)
        tpu.yield
      }) : () -> ()
    } else {
    }
    return
  }
}

#map = affine_map<(d0, d1) -> (0, 0)>
module attributes {stable_mosaic.version = 14 : i64} {
  func.func @_edge_scatter(%arg0: i32, %arg1: i32, %arg2: memref<2528x128xi32, #tpu.memory_space<hbm>>, %arg3: memref<2528x128xi32, #tpu.memory_space<hbm>>, %arg4: memref<10000x128xf32, #tpu.memory_space<hbm>>, %arg5: memref<10000x128xf32, #tpu.memory_space<hbm>>, %arg6: memref<640x128xf32, #tpu.memory_space<hbm>>, %arg7: memref<10240x128xf32, #tpu.memory_space<hbm>>, %arg8: memref<10240x128xf32, #tpu.memory_space<hbm>>, %arg9: memref<2x128xi32, #tpu.memory_space<vmem>>, %arg10: memref<2x128xi32, #tpu.memory_space<vmem>>, %arg11: memref<128x128xf32, #tpu.memory_space<vmem>>, %arg12: memref<128x128xf32, #tpu.memory_space<vmem>>, %arg13: memref<10240x128xf32, #tpu.memory_space<vmem_shared>>, %arg14: memref<!tpu.dma_semaphore, #tpu.memory_space<semaphore_mem>>, %arg15: memref<!tpu.dma_semaphore, #tpu.memory_space<semaphore_mem>>) attributes {dimension_semantics = [#tpu.dimension_semantics<core_parallel>, #tpu.dimension_semantics<subcore_parallel>], iteration_bounds = array<i64: 2, 16>, scalar_prefetch = 0 : i64, scratch_operands = 7 : i64, tpu.core_type = #tpu.core_type<sc_vector_subcore>, window_params = [{transform_indices = #map}, {transform_indices = #map}, {transform_indices = #map}, {transform_indices = #map}, {transform_indices = #map}, {transform_indices = #map}, {transform_indices = #map}]} {
    %mul3A = arith.constant 640 : i32
    %mul3A_0 = arith.muli %arg1, %mul3A : i32
    "tpu.region"() ({
      %run_scoped3A = tpu.sem_alloc : memref<!tpu.dma_semaphore, #tpu.memory_space<semaphore_mem>>
      %dma_start3A = arith.constant 0 : i32
      %dma_start3A_8 = tpu.memref_slice %arg13[%mul3A_0, %dma_start3A] : memref<10240x128xf32, #tpu.memory_space<vmem_shared>> -> memref<640x128xf32, #tpu.memory_space<vmem_shared>>
      tpu.enqueue_dma source(%arg6 : memref<640x128xf32, #tpu.memory_space<hbm>>) target(%dma_start3A_8 : memref<640x128xf32, #tpu.memory_space<vmem_shared>>) target_semaphore(%run_scoped3A : memref<!tpu.dma_semaphore, #tpu.memory_space<semaphore_mem>>)
      %dma_wait3A = arith.constant 0 : i32
      %dma_wait3A_9 = tpu.memref_slice %arg13[%mul3A_0, %dma_wait3A] : memref<10240x128xf32, #tpu.memory_space<vmem_shared>> -> memref<640x128xf32, #tpu.memory_space<vmem_shared>>
      tpu.wait_dma2 semaphore(%run_scoped3A : memref<!tpu.dma_semaphore, #tpu.memory_space<semaphore_mem>>) src(%arg6 : memref<640x128xf32, #tpu.memory_space<hbm>>) dst(%dma_wait3A_9 : memref<640x128xf32, #tpu.memory_space<vmem_shared>>)
      tpu.yield
    }) : () -> ()
    %barrier3A = arith.constant 0 : index
    tpu.barrier barrier_id(%barrier3A)
    %eq3A = arith.constant 0 : i32
    %eq3A_1 = arith.cmpi eq, %arg0, %eq3A : i32
    %convert_element_type3A = arith.extui %eq3A_1 : i1 to i32
    %cond3A = arith.constant 0 : i32
    %cond3A_2 = arith.cmpi ne, %convert_element_type3A, %cond3A : i32
    scf.if %cond3A_2 {
      %mul3A_8 = arith.constant 158 : i32
      %mul3A_9 = arith.muli %arg1, %mul3A_8 : i32
      %add3A = arith.constant 0 : i32
      %add3A_10 = arith.addi %mul3A_9, %add3A : i32
      "tpu.region"() ({
        %run_scoped3A = tpu.sem_alloc : memref<!tpu.dma_semaphore, #tpu.memory_space<semaphore_mem>>
        %dma_start3A_40 = arith.constant 0 : i32
        %dma_start3A_41 = arith.constant 0 : i32
        %dma_start3A_42 = tpu.memref_slice %arg9[%dma_start3A_40, %dma_start3A_41] : memref<2x128xi32, #tpu.memory_space<vmem>> -> memref<1x128xi32, #tpu.memory_space<vmem>>
        %dma_start3A_43 = arith.constant 0 : i32
        %dma_start3A_44 = tpu.memref_slice %arg2[%add3A_10, %dma_start3A_43] : memref<2528x128xi32, #tpu.memory_space<hbm>> -> memref<1x128xi32, #tpu.memory_space<hbm>>
        %dma_start3A_45 = arith.constant 0 : i32
        %dma_start3A_46 = arith.constant 0 : i32
        %dma_start3A_47 = tpu.memref_slice %arg9[%dma_start3A_45, %dma_start3A_46] : memref<2x128xi32, #tpu.memory_space<vmem>> -> memref<1x128xi32, #tpu.memory_space<vmem>>
        %dma_start3A_48 = arith.constant 0 : i32
        %dma_start3A_49 = tpu.memref_slice %arg2[%add3A_10, %dma_start3A_48] : memref<2528x128xi32, #tpu.memory_space<hbm>> -> memref<1x128xi32, #tpu.memory_space<hbm>>
        tpu.enqueue_dma source(%dma_start3A_49 : memref<1x128xi32, #tpu.memory_space<hbm>>) target(%dma_start3A_47 : memref<1x128xi32, #tpu.memory_space<vmem>>) target_semaphore(%run_scoped3A : memref<!tpu.dma_semaphore, #tpu.memory_space<semaphore_mem>>)
        %dma_wait3A = arith.constant 0 : i32
        %dma_wait3A_50 = arith.constant 0 : i32
        %dma_wait3A_51 = tpu.memref_slice %arg9[%dma_wait3A, %dma_wait3A_50] : memref<2x128xi32, #tpu.memory_space<vmem>> -> memref<1x128xi32, #tpu.memory_space<vmem>>
        %dma_wait3A_52 = arith.constant 0 : i32
        %dma_wait3A_53 = tpu.memref_slice %arg2[%add3A_10, %dma_wait3A_52] : memref<2528x128xi32, #tpu.memory_space<hbm>> -> memref<1x128xi32, #tpu.memory_space<hbm>>
        %dma_wait3A_54 = arith.constant 0 : i32
        %dma_wait3A_55 = arith.constant 0 : i32
        %dma_wait3A_56 = tpu.memref_slice %arg9[%dma_wait3A_54, %dma_wait3A_55] : memref<2x128xi32, #tpu.memory_space<vmem>> -> memref<1x128xi32, #tpu.memory_space<vmem>>
        %dma_wait3A_57 = arith.constant 0 : i32
        %dma_wait3A_58 = tpu.memref_slice %arg2[%add3A_10, %dma_wait3A_57] : memref<2528x128xi32, #tpu.memory_space<hbm>> -> memref<1x128xi32, #tpu.memory_space<hbm>>
        tpu.wait_dma2 semaphore(%run_scoped3A : memref<!tpu.dma_semaphore, #tpu.memory_space<semaphore_mem>>) src(%dma_wait3A_58 : memref<1x128xi32, #tpu.memory_space<hbm>>) dst(%dma_wait3A_56 : memref<1x128xi32, #tpu.memory_space<vmem>>)
        tpu.yield
      }) : () -> ()
      %add3A_11 = arith.constant 0 : i32
      %add3A_12 = arith.addi %mul3A_9, %add3A_11 : i32
      "tpu.region"() ({
        %run_scoped3A = tpu.sem_alloc : memref<!tpu.dma_semaphore, #tpu.memory_space<semaphore_mem>>
        %dma_start3A_40 = arith.constant 0 : i32
        %dma_start3A_41 = arith.constant 0 : i32
        %dma_start3A_42 = tpu.memref_slice %arg10[%dma_start3A_40, %dma_start3A_41] : memref<2x128xi32, #tpu.memory_space<vmem>> -> memref<1x128xi32, #tpu.memory_space<vmem>>
        %dma_start3A_43 = arith.constant 0 : i32
        %dma_start3A_44 = tpu.memref_slice %arg3[%add3A_12, %dma_start3A_43] : memref<2528x128xi32, #tpu.memory_space<hbm>> -> memref<1x128xi32, #tpu.memory_space<hbm>>
        %dma_start3A_45 = arith.constant 0 : i32
        %dma_start3A_46 = arith.constant 0 : i32
        %dma_start3A_47 = tpu.memref_slice %arg10[%dma_start3A_45, %dma_start3A_46] : memref<2x128xi32, #tpu.memory_space<vmem>> -> memref<1x128xi32, #tpu.memory_space<vmem>>
        %dma_start3A_48 = arith.constant 0 : i32
        %dma_start3A_49 = tpu.memref_slice %arg3[%add3A_12, %dma_start3A_48] : memref<2528x128xi32, #tpu.memory_space<hbm>> -> memref<1x128xi32, #tpu.memory_space<hbm>>
        tpu.enqueue_dma source(%dma_start3A_49 : memref<1x128xi32, #tpu.memory_space<hbm>>) target(%dma_start3A_47 : memref<1x128xi32, #tpu.memory_space<vmem>>) target_semaphore(%run_scoped3A : memref<!tpu.dma_semaphore, #tpu.memory_space<semaphore_mem>>)
        %dma_wait3A = arith.constant 0 : i32
        %dma_wait3A_50 = arith.constant 0 : i32
        %dma_wait3A_51 = tpu.memref_slice %arg10[%dma_wait3A, %dma_wait3A_50] : memref<2x128xi32, #tpu.memory_space<vmem>> -> memref<1x128xi32, #tpu.memory_space<vmem>>
        %dma_wait3A_52 = arith.constant 0 : i32
        %dma_wait3A_53 = tpu.memref_slice %arg3[%add3A_12, %dma_wait3A_52] : memref<2528x128xi32, #tpu.memory_space<hbm>> -> memref<1x128xi32, #tpu.memory_space<hbm>>
        %dma_wait3A_54 = arith.constant 0 : i32
        %dma_wait3A_55 = arith.constant 0 : i32
        %dma_wait3A_56 = tpu.memref_slice %arg10[%dma_wait3A_54, %dma_wait3A_55] : memref<2x128xi32, #tpu.memory_space<vmem>> -> memref<1x128xi32, #tpu.memory_space<vmem>>
        %dma_wait3A_57 = arith.constant 0 : i32
        %dma_wait3A_58 = tpu.memref_slice %arg3[%add3A_12, %dma_wait3A_57] : memref<2528x128xi32, #tpu.memory_space<hbm>> -> memref<1x128xi32, #tpu.memory_space<hbm>>
        tpu.wait_dma2 semaphore(%run_scoped3A : memref<!tpu.dma_semaphore, #tpu.memory_space<semaphore_mem>>) src(%dma_wait3A_58 : memref<1x128xi32, #tpu.memory_space<hbm>>) dst(%dma_wait3A_56 : memref<1x128xi32, #tpu.memory_space<vmem>>)
        tpu.yield
      }) : () -> ()
      %dma_start3A = arith.constant 0 : i32
      %dma_start3A_13 = arith.constant 0 : i32
      %dma_start3A_14 = tpu.memref_slice %arg9[%dma_start3A, %dma_start3A_13] : memref<2x128xi32, #tpu.memory_space<vmem>> -> memref<1x128xi32, #tpu.memory_space<vmem>>
      %dma_start3A_15 = tpu.memref_squeeze %dma_start3A_14 : memref<1x128xi32, #tpu.memory_space<vmem>> -> memref<128xi32, #tpu.memory_space<vmem>>
      %dma_start3A_16 = arith.constant 0 : i32
      %dma_start3A_17 = arith.constant 0 : i32
      %dma_start3A_18 = tpu.memref_slice %arg4[%dma_start3A_16, %dma_start3A_17] : memref<10000x128xf32, #tpu.memory_space<hbm>> -> memref<10000x128xf32, #tpu.memory_space<hbm>>
      tpu.enqueue_indirect_dma source(%dma_start3A_18 : memref<10000x128xf32, #tpu.memory_space<hbm>>) target(%arg11 : memref<128x128xf32, #tpu.memory_space<vmem>>) offsets(%dma_start3A_15 : memref<128xi32, #tpu.memory_space<vmem>>) semaphore(%arg14 : memref<!tpu.dma_semaphore, #tpu.memory_space<semaphore_mem>>)
      %add3A_19 = arith.constant 1 : i32
      %add3A_20 = arith.addi %mul3A_9, %add3A_19 : i32
      "tpu.region"() ({
        %run_scoped3A = tpu.sem_alloc : memref<!tpu.dma_semaphore, #tpu.memory_space<semaphore_mem>>
        %dma_start3A_40 = arith.constant 1 : i32
        %dma_start3A_41 = arith.constant 0 : i32
        %dma_start3A_42 = tpu.memref_slice %arg9[%dma_start3A_40, %dma_start3A_41] : memref<2x128xi32, #tpu.memory_space<vmem>> -> memref<1x128xi32, #tpu.memory_space<vmem>>
        %dma_start3A_43 = arith.constant 0 : i32
        %dma_start3A_44 = tpu.memref_slice %arg2[%add3A_20, %dma_start3A_43] : memref<2528x128xi32, #tpu.memory_space<hbm>> -> memref<1x128xi32, #tpu.memory_space<hbm>>
        %dma_start3A_45 = arith.constant 1 : i32
        %dma_start3A_46 = arith.constant 0 : i32
        %dma_start3A_47 = tpu.memref_slice %arg9[%dma_start3A_45, %dma_start3A_46] : memref<2x128xi32, #tpu.memory_space<vmem>> -> memref<1x128xi32, #tpu.memory_space<vmem>>
        %dma_start3A_48 = arith.constant 0 : i32
        %dma_start3A_49 = tpu.memref_slice %arg2[%add3A_20, %dma_start3A_48] : memref<2528x128xi32, #tpu.memory_space<hbm>> -> memref<1x128xi32, #tpu.memory_space<hbm>>
        tpu.enqueue_dma source(%dma_start3A_49 : memref<1x128xi32, #tpu.memory_space<hbm>>) target(%dma_start3A_47 : memref<1x128xi32, #tpu.memory_space<vmem>>) target_semaphore(%run_scoped3A : memref<!tpu.dma_semaphore, #tpu.memory_space<semaphore_mem>>)
        %dma_wait3A = arith.constant 1 : i32
        %dma_wait3A_50 = arith.constant 0 : i32
        %dma_wait3A_51 = tpu.memref_slice %arg9[%dma_wait3A, %dma_wait3A_50] : memref<2x128xi32, #tpu.memory_space<vmem>> -> memref<1x128xi32, #tpu.memory_space<vmem>>
        %dma_wait3A_52 = arith.constant 0 : i32
        %dma_wait3A_53 = tpu.memref_slice %arg2[%add3A_20, %dma_wait3A_52] : memref<2528x128xi32, #tpu.memory_space<hbm>> -> memref<1x128xi32, #tpu.memory_space<hbm>>
        %dma_wait3A_54 = arith.constant 1 : i32
        %dma_wait3A_55 = arith.constant 0 : i32
        %dma_wait3A_56 = tpu.memref_slice %arg9[%dma_wait3A_54, %dma_wait3A_55] : memref<2x128xi32, #tpu.memory_space<vmem>> -> memref<1x128xi32, #tpu.memory_space<vmem>>
        %dma_wait3A_57 = arith.constant 0 : i32
        %dma_wait3A_58 = tpu.memref_slice %arg2[%add3A_20, %dma_wait3A_57] : memref<2528x128xi32, #tpu.memory_space<hbm>> -> memref<1x128xi32, #tpu.memory_space<hbm>>
        tpu.wait_dma2 semaphore(%run_scoped3A : memref<!tpu.dma_semaphore, #tpu.memory_space<semaphore_mem>>) src(%dma_wait3A_58 : memref<1x128xi32, #tpu.memory_space<hbm>>) dst(%dma_wait3A_56 : memref<1x128xi32, #tpu.memory_space<vmem>>)
        tpu.yield
      }) : () -> ()
      %add3A_21 = arith.constant 1 : i32
      %add3A_22 = arith.addi %mul3A_9, %add3A_21 : i32
      "tpu.region"() ({
        %run_scoped3A = tpu.sem_alloc : memref<!tpu.dma_semaphore, #tpu.memory_space<semaphore_mem>>
        %dma_start3A_40 = arith.constant 1 : i32
        %dma_start3A_41 = arith.constant 0 : i32
        %dma_start3A_42 = tpu.memref_slice %arg10[%dma_start3A_40, %dma_start3A_41] : memref<2x128xi32, #tpu.memory_space<vmem>> -> memref<1x128xi32, #tpu.memory_space<vmem>>
        %dma_start3A_43 = arith.constant 0 : i32
        %dma_start3A_44 = tpu.memref_slice %arg3[%add3A_22, %dma_start3A_43] : memref<2528x128xi32, #tpu.memory_space<hbm>> -> memref<1x128xi32, #tpu.memory_space<hbm>>
        %dma_start3A_45 = arith.constant 1 : i32
        %dma_start3A_46 = arith.constant 0 : i32
        %dma_start3A_47 = tpu.memref_slice %arg10[%dma_start3A_45, %dma_start3A_46] : memref<2x128xi32, #tpu.memory_space<vmem>> -> memref<1x128xi32, #tpu.memory_space<vmem>>
        %dma_start3A_48 = arith.constant 0 : i32
        %dma_start3A_49 = tpu.memref_slice %arg3[%add3A_22, %dma_start3A_48] : memref<2528x128xi32, #tpu.memory_space<hbm>> -> memref<1x128xi32, #tpu.memory_space<hbm>>
        tpu.enqueue_dma source(%dma_start3A_49 : memref<1x128xi32, #tpu.memory_space<hbm>>) target(%dma_start3A_47 : memref<1x128xi32, #tpu.memory_space<vmem>>) target_semaphore(%run_scoped3A : memref<!tpu.dma_semaphore, #tpu.memory_space<semaphore_mem>>)
        %dma_wait3A = arith.constant 1 : i32
        %dma_wait3A_50 = arith.constant 0 : i32
        %dma_wait3A_51 = tpu.memref_slice %arg10[%dma_wait3A, %dma_wait3A_50] : memref<2x128xi32, #tpu.memory_space<vmem>> -> memref<1x128xi32, #tpu.memory_space<vmem>>
        %dma_wait3A_52 = arith.constant 0 : i32
        %dma_wait3A_53 = tpu.memref_slice %arg3[%add3A_22, %dma_wait3A_52] : memref<2528x128xi32, #tpu.memory_space<hbm>> -> memref<1x128xi32, #tpu.memory_space<hbm>>
        %dma_wait3A_54 = arith.constant 1 : i32
        %dma_wait3A_55 = arith.constant 0 : i32
        %dma_wait3A_56 = tpu.memref_slice %arg10[%dma_wait3A_54, %dma_wait3A_55] : memref<2x128xi32, #tpu.memory_space<vmem>> -> memref<1x128xi32, #tpu.memory_space<vmem>>
        %dma_wait3A_57 = arith.constant 0 : i32
        %dma_wait3A_58 = tpu.memref_slice %arg3[%add3A_22, %dma_wait3A_57] : memref<2528x128xi32, #tpu.memory_space<hbm>> -> memref<1x128xi32, #tpu.memory_space<hbm>>
        tpu.wait_dma2 semaphore(%run_scoped3A : memref<!tpu.dma_semaphore, #tpu.memory_space<semaphore_mem>>) src(%dma_wait3A_58 : memref<1x128xi32, #tpu.memory_space<hbm>>) dst(%dma_wait3A_56 : memref<1x128xi32, #tpu.memory_space<vmem>>)
        tpu.yield
      }) : () -> ()
      %dma_start3A_23 = arith.constant 1 : i32
      %dma_start3A_24 = arith.constant 0 : i32
      %dma_start3A_25 = tpu.memref_slice %arg9[%dma_start3A_23, %dma_start3A_24] : memref<2x128xi32, #tpu.memory_space<vmem>> -> memref<1x128xi32, #tpu.memory_space<vmem>>
      %dma_start3A_26 = tpu.memref_squeeze %dma_start3A_25 : memref<1x128xi32, #tpu.memory_space<vmem>> -> memref<128xi32, #tpu.memory_space<vmem>>
      %dma_start3A_27 = arith.constant 0 : i32
      %dma_start3A_28 = arith.constant 0 : i32
      %dma_start3A_29 = tpu.memref_slice %arg4[%dma_start3A_27, %dma_start3A_28] : memref<10000x128xf32, #tpu.memory_space<hbm>> -> memref<10000x128xf32, #tpu.memory_space<hbm>>
      tpu.enqueue_indirect_dma source(%dma_start3A_29 : memref<10000x128xf32, #tpu.memory_space<hbm>>) target(%arg12 : memref<128x128xf32, #tpu.memory_space<vmem>>) offsets(%dma_start3A_26 : memref<128xi32, #tpu.memory_space<vmem>>) semaphore(%arg15 : memref<!tpu.dma_semaphore, #tpu.memory_space<semaphore_mem>>)
      %scan3A = arith.constant 0 : i32
      %scan3A_30 = arith.constant 0 : i32
      %scan3A_31 = arith.constant 79 : i32
      %scan3A_32 = arith.addi %scan3A_30, %scan3A_31 : i32
      %scan3A_33 = arith.constant 1 : i32
      scf.for %scan3A_40 = %scan3A_30 to %scan3A_32 step %scan3A_33  : i32 {
        %mul3A_41 = arith.constant 2 : i32
        %mul3A_42 = arith.muli %mul3A_41, %scan3A_40 : i32
        %add3A_43 = arith.constant 0 : i32
        %add3A_44 = arith.addi %mul3A_42, %add3A_43 : i32
        %dma_wait3A = arith.constant 0 : i32
        %dma_wait3A_45 = arith.constant 0 : i32
        %dma_wait3A_46 = tpu.memref_slice %arg9[%dma_wait3A, %dma_wait3A_45] : memref<2x128xi32, #tpu.memory_space<vmem>> -> memref<1x128xi32, #tpu.memory_space<vmem>>
        %dma_wait3A_47 = tpu.memref_squeeze %dma_wait3A_46 : memref<1x128xi32, #tpu.memory_space<vmem>> -> memref<128xi32, #tpu.memory_space<vmem>>
        %dma_wait3A_48 = arith.constant 0 : i32
        %dma_wait3A_49 = arith.constant 0 : i32
        %dma_wait3A_50 = tpu.memref_slice %arg4[%dma_wait3A_48, %dma_wait3A_49] : memref<10000x128xf32, #tpu.memory_space<hbm>> -> memref<10000x128xf32, #tpu.memory_space<hbm>>
        tpu.wait_indirect_dma semaphore(%arg14 : memref<!tpu.dma_semaphore, #tpu.memory_space<semaphore_mem>>) src(%dma_wait3A_50 : memref<10000x128xf32, #tpu.memory_space<hbm>>) dst(%arg11 : memref<128x128xf32, #tpu.memory_space<vmem>>)
        %run_scoped3A = arith.constant 0 : i32
        "tpu.region"() ({
          %run_scoped3A_76 = tpu.sem_alloc : memref<!tpu.dma_semaphore, #tpu.memory_space<semaphore_mem>>
          %dma_start3A_77 = arith.constant 0 : i32
          %dma_start3A_78 = tpu.memref_slice %arg10[%run_scoped3A, %dma_start3A_77] : memref<2x128xi32, #tpu.memory_space<vmem>> -> memref<1x128xi32, #tpu.memory_space<vmem>>
          %dma_start3A_79 = tpu.memref_squeeze %dma_start3A_78 : memref<1x128xi32, #tpu.memory_space<vmem>> -> memref<128xi32, #tpu.memory_space<vmem>>
          %dma_start3A_80 = arith.constant 0 : i32
          %dma_start3A_81 = arith.constant 0 : i32
          %dma_start3A_82 = tpu.memref_slice %arg13[%dma_start3A_80, %dma_start3A_81] : memref<10240x128xf32, #tpu.memory_space<vmem_shared>> -> memref<10240x128xf32, #tpu.memory_space<vmem_shared>>
          tpu.enqueue_indirect_dma source(%arg11 : memref<128x128xf32, #tpu.memory_space<vmem>>) target(%dma_start3A_82 : memref<10240x128xf32, #tpu.memory_space<vmem_shared>>) offsets(%dma_start3A_79 : memref<128xi32, #tpu.memory_space<vmem>>) semaphore(%run_scoped3A_76 : memref<!tpu.dma_semaphore, #tpu.memory_space<semaphore_mem>>) {add = true}
          %dma_wait3A_83 = arith.constant 0 : i32
          %dma_wait3A_84 = tpu.memref_slice %arg10[%run_scoped3A, %dma_wait3A_83] : memref<2x128xi32, #tpu.memory_space<vmem>> -> memref<1x128xi32, #tpu.memory_space<vmem>>
          %dma_wait3A_85 = tpu.memref_squeeze %dma_wait3A_84 : memref<1x128xi32, #tpu.memory_space<vmem>> -> memref<128xi32, #tpu.memory_space<vmem>>
          %dma_wait3A_86 = arith.constant 0 : i32
          %dma_wait3A_87 = arith.constant 0 : i32
          %dma_wait3A_88 = tpu.memref_slice %arg13[%dma_wait3A_86, %dma_wait3A_87] : memref<10240x128xf32, #tpu.memory_space<vmem_shared>> -> memref<10240x128xf32, #tpu.memory_space<vmem_shared>>
          tpu.wait_indirect_dma semaphore(%run_scoped3A_76 : memref<!tpu.dma_semaphore, #tpu.memory_space<semaphore_mem>>) src(%arg11 : memref<128x128xf32, #tpu.memory_space<vmem>>) dst(%dma_wait3A_88 : memref<10240x128xf32, #tpu.memory_space<vmem_shared>>)
          tpu.yield
        }) : () -> ()
        %add3A_51 = arith.constant 2 : i32
        %add3A_52 = arith.addi %add3A_44, %add3A_51 : i32
        %lt3A = arith.constant 158 : i32
        %lt3A_53 = arith.cmpi slt, %add3A_52, %lt3A : i32
        %convert_element_type3A_54 = arith.extui %lt3A_53 : i1 to i32
        %cond3A_55 = arith.constant 0 : i32
        %cond3A_56 = arith.cmpi ne, %convert_element_type3A_54, %cond3A_55 : i32
        scf.if %cond3A_56 {
          %add3A_76 = arith.addi %mul3A_9, %add3A_44 : i32
          %add3A_77 = arith.constant 2 : i32
          %add3A_78 = arith.addi %add3A_76, %add3A_77 : i32
          "tpu.region"() ({
            %run_scoped3A_86 = tpu.sem_alloc : memref<!tpu.dma_semaphore, #tpu.memory_space<semaphore_mem>>
            %dma_start3A_87 = arith.constant 0 : i32
            %dma_start3A_88 = arith.constant 0 : i32
            %dma_start3A_89 = tpu.memref_slice %arg9[%dma_start3A_87, %dma_start3A_88] : memref<2x128xi32, #tpu.memory_space<vmem>> -> memref<1x128xi32, #tpu.memory_space<vmem>>
            %dma_start3A_90 = arith.constant 0 : i32
            %dma_start3A_91 = tpu.memref_slice %arg2[%add3A_78, %dma_start3A_90] : memref<2528x128xi32, #tpu.memory_space<hbm>> -> memref<1x128xi32, #tpu.memory_space<hbm>>
            %dma_start3A_92 = arith.constant 0 : i32
            %dma_start3A_93 = arith.constant 0 : i32
            %dma_start3A_94 = tpu.memref_slice %arg9[%dma_start3A_92, %dma_start3A_93] : memref<2x128xi32, #tpu.memory_space<vmem>> -> memref<1x128xi32, #tpu.memory_space<vmem>>
            %dma_start3A_95 = arith.constant 0 : i32
            %dma_start3A_96 = tpu.memref_slice %arg2[%add3A_78, %dma_start3A_95] : memref<2528x128xi32, #tpu.memory_space<hbm>> -> memref<1x128xi32, #tpu.memory_space<hbm>>
            tpu.enqueue_dma source(%dma_start3A_96 : memref<1x128xi32, #tpu.memory_space<hbm>>) target(%dma_start3A_94 : memref<1x128xi32, #tpu.memory_space<vmem>>) target_semaphore(%run_scoped3A_86 : memref<!tpu.dma_semaphore, #tpu.memory_space<semaphore_mem>>)
            %dma_wait3A_97 = arith.constant 0 : i32
            %dma_wait3A_98 = arith.constant 0 : i32
            %dma_wait3A_99 = tpu.memref_slice %arg9[%dma_wait3A_97, %dma_wait3A_98] : memref<2x128xi32, #tpu.memory_space<vmem>> -> memref<1x128xi32, #tpu.memory_space<vmem>>
            %dma_wait3A_100 = arith.constant 0 : i32
            %dma_wait3A_101 = tpu.memref_slice %arg2[%add3A_78, %dma_wait3A_100] : memref<2528x128xi32, #tpu.memory_space<hbm>> -> memref<1x128xi32, #tpu.memory_space<hbm>>
            %dma_wait3A_102 = arith.constant 0 : i32
            %dma_wait3A_103 = arith.constant 0 : i32
            %dma_wait3A_104 = tpu.memref_slice %arg9[%dma_wait3A_102, %dma_wait3A_103] : memref<2x128xi32, #tpu.memory_space<vmem>> -> memref<1x128xi32, #tpu.memory_space<vmem>>
            %dma_wait3A_105 = arith.constant 0 : i32
            %dma_wait3A_106 = tpu.memref_slice %arg2[%add3A_78, %dma_wait3A_105] : memref<2528x128xi32, #tpu.memory_space<hbm>> -> memref<1x128xi32, #tpu.memory_space<hbm>>
            tpu.wait_dma2 semaphore(%run_scoped3A_86 : memref<!tpu.dma_semaphore, #tpu.memory_space<semaphore_mem>>) src(%dma_wait3A_106 : memref<1x128xi32, #tpu.memory_space<hbm>>) dst(%dma_wait3A_104 : memref<1x128xi32, #tpu.memory_space<vmem>>)
            tpu.yield
          }) : () -> ()
          "tpu.region"() ({
            %run_scoped3A_86 = tpu.sem_alloc : memref<!tpu.dma_semaphore, #tpu.memory_space<semaphore_mem>>
            %dma_start3A_87 = arith.constant 0 : i32
            %dma_start3A_88 = arith.constant 0 : i32
            %dma_start3A_89 = tpu.memref_slice %arg10[%dma_start3A_87, %dma_start3A_88] : memref<2x128xi32, #tpu.memory_space<vmem>> -> memref<1x128xi32, #tpu.memory_space<vmem>>
            %dma_start3A_90 = arith.constant 0 : i32
            %dma_start3A_91 = tpu.memref_slice %arg3[%add3A_78, %dma_start3A_90] : memref<2528x128xi32, #tpu.memory_space<hbm>> -> memref<1x128xi32, #tpu.memory_space<hbm>>
            %dma_start3A_92 = arith.constant 0 : i32
            %dma_start3A_93 = arith.constant 0 : i32
            %dma_start3A_94 = tpu.memref_slice %arg10[%dma_start3A_92, %dma_start3A_93] : memref<2x128xi32, #tpu.memory_space<vmem>> -> memref<1x128xi32, #tpu.memory_space<vmem>>
            %dma_start3A_95 = arith.constant 0 : i32
            %dma_start3A_96 = tpu.memref_slice %arg3[%add3A_78, %dma_start3A_95] : memref<2528x128xi32, #tpu.memory_space<hbm>> -> memref<1x128xi32, #tpu.memory_space<hbm>>
            tpu.enqueue_dma source(%dma_start3A_96 : memref<1x128xi32, #tpu.memory_space<hbm>>) target(%dma_start3A_94 : memref<1x128xi32, #tpu.memory_space<vmem>>) target_semaphore(%run_scoped3A_86 : memref<!tpu.dma_semaphore, #tpu.memory_space<semaphore_mem>>)
            %dma_wait3A_97 = arith.constant 0 : i32
            %dma_wait3A_98 = arith.constant 0 : i32
            %dma_wait3A_99 = tpu.memref_slice %arg10[%dma_wait3A_97, %dma_wait3A_98] : memref<2x128xi32, #tpu.memory_space<vmem>> -> memref<1x128xi32, #tpu.memory_space<vmem>>
            %dma_wait3A_100 = arith.constant 0 : i32
            %dma_wait3A_101 = tpu.memref_slice %arg3[%add3A_78, %dma_wait3A_100] : memref<2528x128xi32, #tpu.memory_space<hbm>> -> memref<1x128xi32, #tpu.memory_space<hbm>>
            %dma_wait3A_102 = arith.constant 0 : i32
            %dma_wait3A_103 = arith.constant 0 : i32
            %dma_wait3A_104 = tpu.memref_slice %arg10[%dma_wait3A_102, %dma_wait3A_103] : memref<2x128xi32, #tpu.memory_space<vmem>> -> memref<1x128xi32, #tpu.memory_space<vmem>>
            %dma_wait3A_105 = arith.constant 0 : i32
            %dma_wait3A_106 = tpu.memref_slice %arg3[%add3A_78, %dma_wait3A_105] : memref<2528x128xi32, #tpu.memory_space<hbm>> -> memref<1x128xi32, #tpu.memory_space<hbm>>
            tpu.wait_dma2 semaphore(%run_scoped3A_86 : memref<!tpu.dma_semaphore, #tpu.memory_space<semaphore_mem>>) src(%dma_wait3A_106 : memref<1x128xi32, #tpu.memory_space<hbm>>) dst(%dma_wait3A_104 : memref<1x128xi32, #tpu.memory_space<vmem>>)
            tpu.yield
          }) : () -> ()
          %dma_start3A_79 = arith.constant 0 : i32
          %dma_start3A_80 = arith.constant 0 : i32
          %dma_start3A_81 = tpu.memref_slice %arg9[%dma_start3A_79, %dma_start3A_80] : memref<2x128xi32, #tpu.memory_space<vmem>> -> memref<1x128xi32, #tpu.memory_space<vmem>>
          %dma_start3A_82 = tpu.memref_squeeze %dma_start3A_81 : memref<1x128xi32, #tpu.memory_space<vmem>> -> memref<128xi32, #tpu.memory_space<vmem>>
          %dma_start3A_83 = arith.constant 0 : i32
          %dma_start3A_84 = arith.constant 0 : i32
          %dma_start3A_85 = tpu.memref_slice %arg4[%dma_start3A_83, %dma_start3A_84] : memref<10000x128xf32, #tpu.memory_space<hbm>> -> memref<10000x128xf32, #tpu.memory_space<hbm>>
          tpu.enqueue_indirect_dma source(%dma_start3A_85 : memref<10000x128xf32, #tpu.memory_space<hbm>>) target(%arg11 : memref<128x128xf32, #tpu.memory_space<vmem>>) offsets(%dma_start3A_82 : memref<128xi32, #tpu.memory_space<vmem>>) semaphore(%arg14 : memref<!tpu.dma_semaphore, #tpu.memory_space<semaphore_mem>>)
        } else {
        }
        %mul3A_57 = arith.constant 2 : i32
        %mul3A_58 = arith.muli %mul3A_57, %scan3A_40 : i32
        %add3A_59 = arith.constant 1 : i32
        %add3A_60 = arith.addi %mul3A_58, %add3A_59 : i32
        %dma_wait3A_61 = arith.constant 1 : i32
        %dma_wait3A_62 = arith.constant 0 : i32
        %dma_wait3A_63 = tpu.memref_slice %arg9[%dma_wait3A_61, %dma_wait3A_62] : memref<2x128xi32, #tpu.memory_space<vmem>> -> memref<1x128xi32, #tpu.memory_space<vmem>>
        %dma_wait3A_64 = tpu.memref_squeeze %dma_wait3A_63 : memref<1x128xi32, #tpu.memory_space<vmem>> -> memref<128xi32, #tpu.memory_space<vmem>>
        %dma_wait3A_65 = arith.constant 0 : i32
        %dma_wait3A_66 = arith.constant 0 : i32
        %dma_wait3A_67 = tpu.memref_slice %arg4[%dma_wait3A_65, %dma_wait3A_66] : memref<10000x128xf32, #tpu.memory_space<hbm>> -> memref<10000x128xf32, #tpu.memory_space<hbm>>
        tpu.wait_indirect_dma semaphore(%arg15 : memref<!tpu.dma_semaphore, #tpu.memory_space<semaphore_mem>>) src(%dma_wait3A_67 : memref<10000x128xf32, #tpu.memory_space<hbm>>) dst(%arg12 : memref<128x128xf32, #tpu.memory_space<vmem>>)
        %run_scoped3A_68 = arith.constant 1 : i32
        "tpu.region"() ({
          %run_scoped3A_76 = tpu.sem_alloc : memref<!tpu.dma_semaphore, #tpu.memory_space<semaphore_mem>>
          %dma_start3A_77 = arith.constant 0 : i32
          %dma_start3A_78 = tpu.memref_slice %arg10[%run_scoped3A_68, %dma_start3A_77] : memref<2x128xi32, #tpu.memory_space<vmem>> -> memref<1x128xi32, #tpu.memory_space<vmem>>
          %dma_start3A_79 = tpu.memref_squeeze %dma_start3A_78 : memref<1x128xi32, #tpu.memory_space<vmem>> -> memref<128xi32, #tpu.memory_space<vmem>>
          %dma_start3A_80 = arith.constant 0 : i32
          %dma_start3A_81 = arith.constant 0 : i32
          %dma_start3A_82 = tpu.memref_slice %arg13[%dma_start3A_80, %dma_start3A_81] : memref<10240x128xf32, #tpu.memory_space<vmem_shared>> -> memref<10240x128xf32, #tpu.memory_space<vmem_shared>>
          tpu.enqueue_indirect_dma source(%arg12 : memref<128x128xf32, #tpu.memory_space<vmem>>) target(%dma_start3A_82 : memref<10240x128xf32, #tpu.memory_space<vmem_shared>>) offsets(%dma_start3A_79 : memref<128xi32, #tpu.memory_space<vmem>>) semaphore(%run_scoped3A_76 : memref<!tpu.dma_semaphore, #tpu.memory_space<semaphore_mem>>) {add = true}
          %dma_wait3A_83 = arith.constant 0 : i32
          %dma_wait3A_84 = tpu.memref_slice %arg10[%run_scoped3A_68, %dma_wait3A_83] : memref<2x128xi32, #tpu.memory_space<vmem>> -> memref<1x128xi32, #tpu.memory_space<vmem>>
          %dma_wait3A_85 = tpu.memref_squeeze %dma_wait3A_84 : memref<1x128xi32, #tpu.memory_space<vmem>> -> memref<128xi32, #tpu.memory_space<vmem>>
          %dma_wait3A_86 = arith.constant 0 : i32
          %dma_wait3A_87 = arith.constant 0 : i32
          %dma_wait3A_88 = tpu.memref_slice %arg13[%dma_wait3A_86, %dma_wait3A_87] : memref<10240x128xf32, #tpu.memory_space<vmem_shared>> -> memref<10240x128xf32, #tpu.memory_space<vmem_shared>>
          tpu.wait_indirect_dma semaphore(%run_scoped3A_76 : memref<!tpu.dma_semaphore, #tpu.memory_space<semaphore_mem>>) src(%arg12 : memref<128x128xf32, #tpu.memory_space<vmem>>) dst(%dma_wait3A_88 : memref<10240x128xf32, #tpu.memory_space<vmem_shared>>)
          tpu.yield
        }) : () -> ()
        %add3A_69 = arith.constant 2 : i32
        %add3A_70 = arith.addi %add3A_60, %add3A_69 : i32
        %lt3A_71 = arith.constant 158 : i32
        %lt3A_72 = arith.cmpi slt, %add3A_70, %lt3A_71 : i32
        %convert_element_type3A_73 = arith.extui %lt3A_72 : i1 to i32
        %cond3A_74 = arith.constant 0 : i32
        %cond3A_75 = arith.cmpi ne, %convert_element_type3A_73, %cond3A_74 : i32
        scf.if %cond3A_75 {
          %add3A_76 = arith.addi %mul3A_9, %add3A_60 : i32
          %add3A_77 = arith.constant 2 : i32
          %add3A_78 = arith.addi %add3A_76, %add3A_77 : i32
          "tpu.region"() ({
            %run_scoped3A_86 = tpu.sem_alloc : memref<!tpu.dma_semaphore, #tpu.memory_space<semaphore_mem>>
            %dma_start3A_87 = arith.constant 1 : i32
            %dma_start3A_88 = arith.constant 0 : i32
            %dma_start3A_89 = tpu.memref_slice %arg9[%dma_start3A_87, %dma_start3A_88] : memref<2x128xi32, #tpu.memory_space<vmem>> -> memref<1x128xi32, #tpu.memory_space<vmem>>
            %dma_start3A_90 = arith.constant 0 : i32
            %dma_start3A_91 = tpu.memref_slice %arg2[%add3A_78, %dma_start3A_90] : memref<2528x128xi32, #tpu.memory_space<hbm>> -> memref<1x128xi32, #tpu.memory_space<hbm>>
            %dma_start3A_92 = arith.constant 1 : i32
            %dma_start3A_93 = arith.constant 0 : i32
            %dma_start3A_94 = tpu.memref_slice %arg9[%dma_start3A_92, %dma_start3A_93] : memref<2x128xi32, #tpu.memory_space<vmem>> -> memref<1x128xi32, #tpu.memory_space<vmem>>
            %dma_start3A_95 = arith.constant 0 : i32
            %dma_start3A_96 = tpu.memref_slice %arg2[%add3A_78, %dma_start3A_95] : memref<2528x128xi32, #tpu.memory_space<hbm>> -> memref<1x128xi32, #tpu.memory_space<hbm>>
            tpu.enqueue_dma source(%dma_start3A_96 : memref<1x128xi32, #tpu.memory_space<hbm>>) target(%dma_start3A_94 : memref<1x128xi32, #tpu.memory_space<vmem>>) target_semaphore(%run_scoped3A_86 : memref<!tpu.dma_semaphore, #tpu.memory_space<semaphore_mem>>)
            %dma_wait3A_97 = arith.constant 1 : i32
            %dma_wait3A_98 = arith.constant 0 : i32
            %dma_wait3A_99 = tpu.memref_slice %arg9[%dma_wait3A_97, %dma_wait3A_98] : memref<2x128xi32, #tpu.memory_space<vmem>> -> memref<1x128xi32, #tpu.memory_space<vmem>>
            %dma_wait3A_100 = arith.constant 0 : i32
            %dma_wait3A_101 = tpu.memref_slice %arg2[%add3A_78, %dma_wait3A_100] : memref<2528x128xi32, #tpu.memory_space<hbm>> -> memref<1x128xi32, #tpu.memory_space<hbm>>
            %dma_wait3A_102 = arith.constant 1 : i32
            %dma_wait3A_103 = arith.constant 0 : i32
            %dma_wait3A_104 = tpu.memref_slice %arg9[%dma_wait3A_102, %dma_wait3A_103] : memref<2x128xi32, #tpu.memory_space<vmem>> -> memref<1x128xi32, #tpu.memory_space<vmem>>
            %dma_wait3A_105 = arith.constant 0 : i32
            %dma_wait3A_106 = tpu.memref_slice %arg2[%add3A_78, %dma_wait3A_105] : memref<2528x128xi32, #tpu.memory_space<hbm>> -> memref<1x128xi32, #tpu.memory_space<hbm>>
            tpu.wait_dma2 semaphore(%run_scoped3A_86 : memref<!tpu.dma_semaphore, #tpu.memory_space<semaphore_mem>>) src(%dma_wait3A_106 : memref<1x128xi32, #tpu.memory_space<hbm>>) dst(%dma_wait3A_104 : memref<1x128xi32, #tpu.memory_space<vmem>>)
            tpu.yield
          }) : () -> ()
          "tpu.region"() ({
            %run_scoped3A_86 = tpu.sem_alloc : memref<!tpu.dma_semaphore, #tpu.memory_space<semaphore_mem>>
            %dma_start3A_87 = arith.constant 1 : i32
            %dma_start3A_88 = arith.constant 0 : i32
            %dma_start3A_89 = tpu.memref_slice %arg10[%dma_start3A_87, %dma_start3A_88] : memref<2x128xi32, #tpu.memory_space<vmem>> -> memref<1x128xi32, #tpu.memory_space<vmem>>
            %dma_start3A_90 = arith.constant 0 : i32
            %dma_start3A_91 = tpu.memref_slice %arg3[%add3A_78, %dma_start3A_90] : memref<2528x128xi32, #tpu.memory_space<hbm>> -> memref<1x128xi32, #tpu.memory_space<hbm>>
            %dma_start3A_92 = arith.constant 1 : i32
            %dma_start3A_93 = arith.constant 0 : i32
            %dma_start3A_94 = tpu.memref_slice %arg10[%dma_start3A_92, %dma_start3A_93] : memref<2x128xi32, #tpu.memory_space<vmem>> -> memref<1x128xi32, #tpu.memory_space<vmem>>
            %dma_start3A_95 = arith.constant 0 : i32
            %dma_start3A_96 = tpu.memref_slice %arg3[%add3A_78, %dma_start3A_95] : memref<2528x128xi32, #tpu.memory_space<hbm>> -> memref<1x128xi32, #tpu.memory_space<hbm>>
            tpu.enqueue_dma source(%dma_start3A_96 : memref<1x128xi32, #tpu.memory_space<hbm>>) target(%dma_start3A_94 : memref<1x128xi32, #tpu.memory_space<vmem>>) target_semaphore(%run_scoped3A_86 : memref<!tpu.dma_semaphore, #tpu.memory_space<semaphore_mem>>)
            %dma_wait3A_97 = arith.constant 1 : i32
            %dma_wait3A_98 = arith.constant 0 : i32
            %dma_wait3A_99 = tpu.memref_slice %arg10[%dma_wait3A_97, %dma_wait3A_98] : memref<2x128xi32, #tpu.memory_space<vmem>> -> memref<1x128xi32, #tpu.memory_space<vmem>>
            %dma_wait3A_100 = arith.constant 0 : i32
            %dma_wait3A_101 = tpu.memref_slice %arg3[%add3A_78, %dma_wait3A_100] : memref<2528x128xi32, #tpu.memory_space<hbm>> -> memref<1x128xi32, #tpu.memory_space<hbm>>
            %dma_wait3A_102 = arith.constant 1 : i32
            %dma_wait3A_103 = arith.constant 0 : i32
            %dma_wait3A_104 = tpu.memref_slice %arg10[%dma_wait3A_102, %dma_wait3A_103] : memref<2x128xi32, #tpu.memory_space<vmem>> -> memref<1x128xi32, #tpu.memory_space<vmem>>
            %dma_wait3A_105 = arith.constant 0 : i32
            %dma_wait3A_106 = tpu.memref_slice %arg3[%add3A_78, %dma_wait3A_105] : memref<2528x128xi32, #tpu.memory_space<hbm>> -> memref<1x128xi32, #tpu.memory_space<hbm>>
            tpu.wait_dma2 semaphore(%run_scoped3A_86 : memref<!tpu.dma_semaphore, #tpu.memory_space<semaphore_mem>>) src(%dma_wait3A_106 : memref<1x128xi32, #tpu.memory_space<hbm>>) dst(%dma_wait3A_104 : memref<1x128xi32, #tpu.memory_space<vmem>>)
            tpu.yield
          }) : () -> ()
          %dma_start3A_79 = arith.constant 1 : i32
          %dma_start3A_80 = arith.constant 0 : i32
          %dma_start3A_81 = tpu.memref_slice %arg9[%dma_start3A_79, %dma_start3A_80] : memref<2x128xi32, #tpu.memory_space<vmem>> -> memref<1x128xi32, #tpu.memory_space<vmem>>
          %dma_start3A_82 = tpu.memref_squeeze %dma_start3A_81 : memref<1x128xi32, #tpu.memory_space<vmem>> -> memref<128xi32, #tpu.memory_space<vmem>>
          %dma_start3A_83 = arith.constant 0 : i32
          %dma_start3A_84 = arith.constant 0 : i32
          %dma_start3A_85 = tpu.memref_slice %arg4[%dma_start3A_83, %dma_start3A_84] : memref<10000x128xf32, #tpu.memory_space<hbm>> -> memref<10000x128xf32, #tpu.memory_space<hbm>>
          tpu.enqueue_indirect_dma source(%dma_start3A_85 : memref<10000x128xf32, #tpu.memory_space<hbm>>) target(%arg12 : memref<128x128xf32, #tpu.memory_space<vmem>>) offsets(%dma_start3A_82 : memref<128xi32, #tpu.memory_space<vmem>>) semaphore(%arg15 : memref<!tpu.dma_semaphore, #tpu.memory_space<semaphore_mem>>)
        } else {
        }
      }
      %scan3A_34 = arith.constant 79 : i32
      %barrier3A_35 = arith.constant 0 : index
      tpu.barrier barrier_id(%barrier3A_35)
      %mul3A_36 = arith.constant 640 : i32
      %mul3A_37 = arith.muli %arg1, %mul3A_36 : i32
      %mul3A_38 = arith.constant 640 : i32
      %mul3A_39 = arith.muli %arg1, %mul3A_38 : i32
      "tpu.region"() ({
        %run_scoped3A = tpu.sem_alloc : memref<!tpu.dma_semaphore, #tpu.memory_space<semaphore_mem>>
        %dma_start3A_40 = arith.constant 0 : i32
        %dma_start3A_41 = tpu.memref_slice %arg7[%mul3A_39, %dma_start3A_40] : memref<10240x128xf32, #tpu.memory_space<hbm>> -> memref<640x128xf32, #tpu.memory_space<hbm>>
        %dma_start3A_42 = arith.constant 0 : i32
        %dma_start3A_43 = tpu.memref_slice %arg13[%mul3A_37, %dma_start3A_42] : memref<10240x128xf32, #tpu.memory_space<vmem_shared>> -> memref<640x128xf32, #tpu.memory_space<vmem_shared>>
        tpu.enqueue_dma source(%dma_start3A_43 : memref<640x128xf32, #tpu.memory_space<vmem_shared>>) target(%dma_start3A_41 : memref<640x128xf32, #tpu.memory_space<hbm>>) target_semaphore(%run_scoped3A : memref<!tpu.dma_semaphore, #tpu.memory_space<semaphore_mem>>)
        %dma_wait3A = arith.constant 0 : i32
        %dma_wait3A_44 = tpu.memref_slice %arg7[%mul3A_39, %dma_wait3A] : memref<10240x128xf32, #tpu.memory_space<hbm>> -> memref<640x128xf32, #tpu.memory_space<hbm>>
        %dma_wait3A_45 = arith.constant 0 : i32
        %dma_wait3A_46 = tpu.memref_slice %arg13[%mul3A_37, %dma_wait3A_45] : memref<10240x128xf32, #tpu.memory_space<vmem_shared>> -> memref<640x128xf32, #tpu.memory_space<vmem_shared>>
        tpu.wait_dma2 semaphore(%run_scoped3A : memref<!tpu.dma_semaphore, #tpu.memory_space<semaphore_mem>>) src(%dma_wait3A_46 : memref<640x128xf32, #tpu.memory_space<vmem_shared>>) dst(%dma_wait3A_44 : memref<640x128xf32, #tpu.memory_space<hbm>>)
        tpu.yield
      }) : () -> ()
    } else {
    }
    %eq3A_3 = arith.constant 1 : i32
    %eq3A_4 = arith.cmpi eq, %arg0, %eq3A_3 : i32
    %convert_element_type3A_5 = arith.extui %eq3A_4 : i1 to i32
    %cond3A_6 = arith.constant 0 : i32
    %cond3A_7 = arith.cmpi ne, %convert_element_type3A_5, %cond3A_6 : i32
    scf.if %cond3A_7 {
      %mul3A_8 = arith.constant 158 : i32
      %mul3A_9 = arith.muli %arg1, %mul3A_8 : i32
      %add3A = arith.constant 0 : i32
      %add3A_10 = arith.addi %mul3A_9, %add3A : i32
      "tpu.region"() ({
        %run_scoped3A = tpu.sem_alloc : memref<!tpu.dma_semaphore, #tpu.memory_space<semaphore_mem>>
        %dma_start3A_40 = arith.constant 0 : i32
        %dma_start3A_41 = arith.constant 0 : i32
        %dma_start3A_42 = tpu.memref_slice %arg9[%dma_start3A_40, %dma_start3A_41] : memref<2x128xi32, #tpu.memory_space<vmem>> -> memref<1x128xi32, #tpu.memory_space<vmem>>
        %dma_start3A_43 = arith.constant 0 : i32
        %dma_start3A_44 = tpu.memref_slice %arg2[%add3A_10, %dma_start3A_43] : memref<2528x128xi32, #tpu.memory_space<hbm>> -> memref<1x128xi32, #tpu.memory_space<hbm>>
        %dma_start3A_45 = arith.constant 0 : i32
        %dma_start3A_46 = arith.constant 0 : i32
        %dma_start3A_47 = tpu.memref_slice %arg9[%dma_start3A_45, %dma_start3A_46] : memref<2x128xi32, #tpu.memory_space<vmem>> -> memref<1x128xi32, #tpu.memory_space<vmem>>
        %dma_start3A_48 = arith.constant 0 : i32
        %dma_start3A_49 = tpu.memref_slice %arg2[%add3A_10, %dma_start3A_48] : memref<2528x128xi32, #tpu.memory_space<hbm>> -> memref<1x128xi32, #tpu.memory_space<hbm>>
        tpu.enqueue_dma source(%dma_start3A_49 : memref<1x128xi32, #tpu.memory_space<hbm>>) target(%dma_start3A_47 : memref<1x128xi32, #tpu.memory_space<vmem>>) target_semaphore(%run_scoped3A : memref<!tpu.dma_semaphore, #tpu.memory_space<semaphore_mem>>)
        %dma_wait3A = arith.constant 0 : i32
        %dma_wait3A_50 = arith.constant 0 : i32
        %dma_wait3A_51 = tpu.memref_slice %arg9[%dma_wait3A, %dma_wait3A_50] : memref<2x128xi32, #tpu.memory_space<vmem>> -> memref<1x128xi32, #tpu.memory_space<vmem>>
        %dma_wait3A_52 = arith.constant 0 : i32
        %dma_wait3A_53 = tpu.memref_slice %arg2[%add3A_10, %dma_wait3A_52] : memref<2528x128xi32, #tpu.memory_space<hbm>> -> memref<1x128xi32, #tpu.memory_space<hbm>>
        %dma_wait3A_54 = arith.constant 0 : i32
        %dma_wait3A_55 = arith.constant 0 : i32
        %dma_wait3A_56 = tpu.memref_slice %arg9[%dma_wait3A_54, %dma_wait3A_55] : memref<2x128xi32, #tpu.memory_space<vmem>> -> memref<1x128xi32, #tpu.memory_space<vmem>>
        %dma_wait3A_57 = arith.constant 0 : i32
        %dma_wait3A_58 = tpu.memref_slice %arg2[%add3A_10, %dma_wait3A_57] : memref<2528x128xi32, #tpu.memory_space<hbm>> -> memref<1x128xi32, #tpu.memory_space<hbm>>
        tpu.wait_dma2 semaphore(%run_scoped3A : memref<!tpu.dma_semaphore, #tpu.memory_space<semaphore_mem>>) src(%dma_wait3A_58 : memref<1x128xi32, #tpu.memory_space<hbm>>) dst(%dma_wait3A_56 : memref<1x128xi32, #tpu.memory_space<vmem>>)
        tpu.yield
      }) : () -> ()
      %add3A_11 = arith.constant 0 : i32
      %add3A_12 = arith.addi %mul3A_9, %add3A_11 : i32
      "tpu.region"() ({
        %run_scoped3A = tpu.sem_alloc : memref<!tpu.dma_semaphore, #tpu.memory_space<semaphore_mem>>
        %dma_start3A_40 = arith.constant 0 : i32
        %dma_start3A_41 = arith.constant 0 : i32
        %dma_start3A_42 = tpu.memref_slice %arg10[%dma_start3A_40, %dma_start3A_41] : memref<2x128xi32, #tpu.memory_space<vmem>> -> memref<1x128xi32, #tpu.memory_space<vmem>>
        %dma_start3A_43 = arith.constant 0 : i32
        %dma_start3A_44 = tpu.memref_slice %arg3[%add3A_12, %dma_start3A_43] : memref<2528x128xi32, #tpu.memory_space<hbm>> -> memref<1x128xi32, #tpu.memory_space<hbm>>
        %dma_start3A_45 = arith.constant 0 : i32
        %dma_start3A_46 = arith.constant 0 : i32
        %dma_start3A_47 = tpu.memref_slice %arg10[%dma_start3A_45, %dma_start3A_46] : memref<2x128xi32, #tpu.memory_space<vmem>> -> memref<1x128xi32, #tpu.memory_space<vmem>>
        %dma_start3A_48 = arith.constant 0 : i32
        %dma_start3A_49 = tpu.memref_slice %arg3[%add3A_12, %dma_start3A_48] : memref<2528x128xi32, #tpu.memory_space<hbm>> -> memref<1x128xi32, #tpu.memory_space<hbm>>
        tpu.enqueue_dma source(%dma_start3A_49 : memref<1x128xi32, #tpu.memory_space<hbm>>) target(%dma_start3A_47 : memref<1x128xi32, #tpu.memory_space<vmem>>) target_semaphore(%run_scoped3A : memref<!tpu.dma_semaphore, #tpu.memory_space<semaphore_mem>>)
        %dma_wait3A = arith.constant 0 : i32
        %dma_wait3A_50 = arith.constant 0 : i32
        %dma_wait3A_51 = tpu.memref_slice %arg10[%dma_wait3A, %dma_wait3A_50] : memref<2x128xi32, #tpu.memory_space<vmem>> -> memref<1x128xi32, #tpu.memory_space<vmem>>
        %dma_wait3A_52 = arith.constant 0 : i32
        %dma_wait3A_53 = tpu.memref_slice %arg3[%add3A_12, %dma_wait3A_52] : memref<2528x128xi32, #tpu.memory_space<hbm>> -> memref<1x128xi32, #tpu.memory_space<hbm>>
        %dma_wait3A_54 = arith.constant 0 : i32
        %dma_wait3A_55 = arith.constant 0 : i32
        %dma_wait3A_56 = tpu.memref_slice %arg10[%dma_wait3A_54, %dma_wait3A_55] : memref<2x128xi32, #tpu.memory_space<vmem>> -> memref<1x128xi32, #tpu.memory_space<vmem>>
        %dma_wait3A_57 = arith.constant 0 : i32
        %dma_wait3A_58 = tpu.memref_slice %arg3[%add3A_12, %dma_wait3A_57] : memref<2528x128xi32, #tpu.memory_space<hbm>> -> memref<1x128xi32, #tpu.memory_space<hbm>>
        tpu.wait_dma2 semaphore(%run_scoped3A : memref<!tpu.dma_semaphore, #tpu.memory_space<semaphore_mem>>) src(%dma_wait3A_58 : memref<1x128xi32, #tpu.memory_space<hbm>>) dst(%dma_wait3A_56 : memref<1x128xi32, #tpu.memory_space<vmem>>)
        tpu.yield
      }) : () -> ()
      %dma_start3A = arith.constant 0 : i32
      %dma_start3A_13 = arith.constant 0 : i32
      %dma_start3A_14 = tpu.memref_slice %arg9[%dma_start3A, %dma_start3A_13] : memref<2x128xi32, #tpu.memory_space<vmem>> -> memref<1x128xi32, #tpu.memory_space<vmem>>
      %dma_start3A_15 = tpu.memref_squeeze %dma_start3A_14 : memref<1x128xi32, #tpu.memory_space<vmem>> -> memref<128xi32, #tpu.memory_space<vmem>>
      %dma_start3A_16 = arith.constant 0 : i32
      %dma_start3A_17 = arith.constant 0 : i32
      %dma_start3A_18 = tpu.memref_slice %arg5[%dma_start3A_16, %dma_start3A_17] : memref<10000x128xf32, #tpu.memory_space<hbm>> -> memref<10000x128xf32, #tpu.memory_space<hbm>>
      tpu.enqueue_indirect_dma source(%dma_start3A_18 : memref<10000x128xf32, #tpu.memory_space<hbm>>) target(%arg11 : memref<128x128xf32, #tpu.memory_space<vmem>>) offsets(%dma_start3A_15 : memref<128xi32, #tpu.memory_space<vmem>>) semaphore(%arg14 : memref<!tpu.dma_semaphore, #tpu.memory_space<semaphore_mem>>)
      %add3A_19 = arith.constant 1 : i32
      %add3A_20 = arith.addi %mul3A_9, %add3A_19 : i32
      "tpu.region"() ({
        %run_scoped3A = tpu.sem_alloc : memref<!tpu.dma_semaphore, #tpu.memory_space<semaphore_mem>>
        %dma_start3A_40 = arith.constant 1 : i32
        %dma_start3A_41 = arith.constant 0 : i32
        %dma_start3A_42 = tpu.memref_slice %arg9[%dma_start3A_40, %dma_start3A_41] : memref<2x128xi32, #tpu.memory_space<vmem>> -> memref<1x128xi32, #tpu.memory_space<vmem>>
        %dma_start3A_43 = arith.constant 0 : i32
        %dma_start3A_44 = tpu.memref_slice %arg2[%add3A_20, %dma_start3A_43] : memref<2528x128xi32, #tpu.memory_space<hbm>> -> memref<1x128xi32, #tpu.memory_space<hbm>>
        %dma_start3A_45 = arith.constant 1 : i32
        %dma_start3A_46 = arith.constant 0 : i32
        %dma_start3A_47 = tpu.memref_slice %arg9[%dma_start3A_45, %dma_start3A_46] : memref<2x128xi32, #tpu.memory_space<vmem>> -> memref<1x128xi32, #tpu.memory_space<vmem>>
        %dma_start3A_48 = arith.constant 0 : i32
        %dma_start3A_49 = tpu.memref_slice %arg2[%add3A_20, %dma_start3A_48] : memref<2528x128xi32, #tpu.memory_space<hbm>> -> memref<1x128xi32, #tpu.memory_space<hbm>>
        tpu.enqueue_dma source(%dma_start3A_49 : memref<1x128xi32, #tpu.memory_space<hbm>>) target(%dma_start3A_47 : memref<1x128xi32, #tpu.memory_space<vmem>>) target_semaphore(%run_scoped3A : memref<!tpu.dma_semaphore, #tpu.memory_space<semaphore_mem>>)
        %dma_wait3A = arith.constant 1 : i32
        %dma_wait3A_50 = arith.constant 0 : i32
        %dma_wait3A_51 = tpu.memref_slice %arg9[%dma_wait3A, %dma_wait3A_50] : memref<2x128xi32, #tpu.memory_space<vmem>> -> memref<1x128xi32, #tpu.memory_space<vmem>>
        %dma_wait3A_52 = arith.constant 0 : i32
        %dma_wait3A_53 = tpu.memref_slice %arg2[%add3A_20, %dma_wait3A_52] : memref<2528x128xi32, #tpu.memory_space<hbm>> -> memref<1x128xi32, #tpu.memory_space<hbm>>
        %dma_wait3A_54 = arith.constant 1 : i32
        %dma_wait3A_55 = arith.constant 0 : i32
        %dma_wait3A_56 = tpu.memref_slice %arg9[%dma_wait3A_54, %dma_wait3A_55] : memref<2x128xi32, #tpu.memory_space<vmem>> -> memref<1x128xi32, #tpu.memory_space<vmem>>
        %dma_wait3A_57 = arith.constant 0 : i32
        %dma_wait3A_58 = tpu.memref_slice %arg2[%add3A_20, %dma_wait3A_57] : memref<2528x128xi32, #tpu.memory_space<hbm>> -> memref<1x128xi32, #tpu.memory_space<hbm>>
        tpu.wait_dma2 semaphore(%run_scoped3A : memref<!tpu.dma_semaphore, #tpu.memory_space<semaphore_mem>>) src(%dma_wait3A_58 : memref<1x128xi32, #tpu.memory_space<hbm>>) dst(%dma_wait3A_56 : memref<1x128xi32, #tpu.memory_space<vmem>>)
        tpu.yield
      }) : () -> ()
      %add3A_21 = arith.constant 1 : i32
      %add3A_22 = arith.addi %mul3A_9, %add3A_21 : i32
      "tpu.region"() ({
        %run_scoped3A = tpu.sem_alloc : memref<!tpu.dma_semaphore, #tpu.memory_space<semaphore_mem>>
        %dma_start3A_40 = arith.constant 1 : i32
        %dma_start3A_41 = arith.constant 0 : i32
        %dma_start3A_42 = tpu.memref_slice %arg10[%dma_start3A_40, %dma_start3A_41] : memref<2x128xi32, #tpu.memory_space<vmem>> -> memref<1x128xi32, #tpu.memory_space<vmem>>
        %dma_start3A_43 = arith.constant 0 : i32
        %dma_start3A_44 = tpu.memref_slice %arg3[%add3A_22, %dma_start3A_43] : memref<2528x128xi32, #tpu.memory_space<hbm>> -> memref<1x128xi32, #tpu.memory_space<hbm>>
        %dma_start3A_45 = arith.constant 1 : i32
        %dma_start3A_46 = arith.constant 0 : i32
        %dma_start3A_47 = tpu.memref_slice %arg10[%dma_start3A_45, %dma_start3A_46] : memref<2x128xi32, #tpu.memory_space<vmem>> -> memref<1x128xi32, #tpu.memory_space<vmem>>
        %dma_start3A_48 = arith.constant 0 : i32
        %dma_start3A_49 = tpu.memref_slice %arg3[%add3A_22, %dma_start3A_48] : memref<2528x128xi32, #tpu.memory_space<hbm>> -> memref<1x128xi32, #tpu.memory_space<hbm>>
        tpu.enqueue_dma source(%dma_start3A_49 : memref<1x128xi32, #tpu.memory_space<hbm>>) target(%dma_start3A_47 : memref<1x128xi32, #tpu.memory_space<vmem>>) target_semaphore(%run_scoped3A : memref<!tpu.dma_semaphore, #tpu.memory_space<semaphore_mem>>)
        %dma_wait3A = arith.constant 1 : i32
        %dma_wait3A_50 = arith.constant 0 : i32
        %dma_wait3A_51 = tpu.memref_slice %arg10[%dma_wait3A, %dma_wait3A_50] : memref<2x128xi32, #tpu.memory_space<vmem>> -> memref<1x128xi32, #tpu.memory_space<vmem>>
        %dma_wait3A_52 = arith.constant 0 : i32
        %dma_wait3A_53 = tpu.memref_slice %arg3[%add3A_22, %dma_wait3A_52] : memref<2528x128xi32, #tpu.memory_space<hbm>> -> memref<1x128xi32, #tpu.memory_space<hbm>>
        %dma_wait3A_54 = arith.constant 1 : i32
        %dma_wait3A_55 = arith.constant 0 : i32
        %dma_wait3A_56 = tpu.memref_slice %arg10[%dma_wait3A_54, %dma_wait3A_55] : memref<2x128xi32, #tpu.memory_space<vmem>> -> memref<1x128xi32, #tpu.memory_space<vmem>>
        %dma_wait3A_57 = arith.constant 0 : i32
        %dma_wait3A_58 = tpu.memref_slice %arg3[%add3A_22, %dma_wait3A_57] : memref<2528x128xi32, #tpu.memory_space<hbm>> -> memref<1x128xi32, #tpu.memory_space<hbm>>
        tpu.wait_dma2 semaphore(%run_scoped3A : memref<!tpu.dma_semaphore, #tpu.memory_space<semaphore_mem>>) src(%dma_wait3A_58 : memref<1x128xi32, #tpu.memory_space<hbm>>) dst(%dma_wait3A_56 : memref<1x128xi32, #tpu.memory_space<vmem>>)
        tpu.yield
      }) : () -> ()
      %dma_start3A_23 = arith.constant 1 : i32
      %dma_start3A_24 = arith.constant 0 : i32
      %dma_start3A_25 = tpu.memref_slice %arg9[%dma_start3A_23, %dma_start3A_24] : memref<2x128xi32, #tpu.memory_space<vmem>> -> memref<1x128xi32, #tpu.memory_space<vmem>>
      %dma_start3A_26 = tpu.memref_squeeze %dma_start3A_25 : memref<1x128xi32, #tpu.memory_space<vmem>> -> memref<128xi32, #tpu.memory_space<vmem>>
      %dma_start3A_27 = arith.constant 0 : i32
      %dma_start3A_28 = arith.constant 0 : i32
      %dma_start3A_29 = tpu.memref_slice %arg5[%dma_start3A_27, %dma_start3A_28] : memref<10000x128xf32, #tpu.memory_space<hbm>> -> memref<10000x128xf32, #tpu.memory_space<hbm>>
      tpu.enqueue_indirect_dma source(%dma_start3A_29 : memref<10000x128xf32, #tpu.memory_space<hbm>>) target(%arg12 : memref<128x128xf32, #tpu.memory_space<vmem>>) offsets(%dma_start3A_26 : memref<128xi32, #tpu.memory_space<vmem>>) semaphore(%arg15 : memref<!tpu.dma_semaphore, #tpu.memory_space<semaphore_mem>>)
      %scan3A = arith.constant 0 : i32
      %scan3A_30 = arith.constant 0 : i32
      %scan3A_31 = arith.constant 79 : i32
      %scan3A_32 = arith.addi %scan3A_30, %scan3A_31 : i32
      %scan3A_33 = arith.constant 1 : i32
      scf.for %scan3A_40 = %scan3A_30 to %scan3A_32 step %scan3A_33  : i32 {
        %mul3A_41 = arith.constant 2 : i32
        %mul3A_42 = arith.muli %mul3A_41, %scan3A_40 : i32
        %add3A_43 = arith.constant 0 : i32
        %add3A_44 = arith.addi %mul3A_42, %add3A_43 : i32
        %dma_wait3A = arith.constant 0 : i32
        %dma_wait3A_45 = arith.constant 0 : i32
        %dma_wait3A_46 = tpu.memref_slice %arg9[%dma_wait3A, %dma_wait3A_45] : memref<2x128xi32, #tpu.memory_space<vmem>> -> memref<1x128xi32, #tpu.memory_space<vmem>>
        %dma_wait3A_47 = tpu.memref_squeeze %dma_wait3A_46 : memref<1x128xi32, #tpu.memory_space<vmem>> -> memref<128xi32, #tpu.memory_space<vmem>>
        %dma_wait3A_48 = arith.constant 0 : i32
        %dma_wait3A_49 = arith.constant 0 : i32
        %dma_wait3A_50 = tpu.memref_slice %arg5[%dma_wait3A_48, %dma_wait3A_49] : memref<10000x128xf32, #tpu.memory_space<hbm>> -> memref<10000x128xf32, #tpu.memory_space<hbm>>
        tpu.wait_indirect_dma semaphore(%arg14 : memref<!tpu.dma_semaphore, #tpu.memory_space<semaphore_mem>>) src(%dma_wait3A_50 : memref<10000x128xf32, #tpu.memory_space<hbm>>) dst(%arg11 : memref<128x128xf32, #tpu.memory_space<vmem>>)
        %run_scoped3A = arith.constant 0 : i32
        "tpu.region"() ({
          %run_scoped3A_76 = tpu.sem_alloc : memref<!tpu.dma_semaphore, #tpu.memory_space<semaphore_mem>>
          %dma_start3A_77 = arith.constant 0 : i32
          %dma_start3A_78 = tpu.memref_slice %arg10[%run_scoped3A, %dma_start3A_77] : memref<2x128xi32, #tpu.memory_space<vmem>> -> memref<1x128xi32, #tpu.memory_space<vmem>>
          %dma_start3A_79 = tpu.memref_squeeze %dma_start3A_78 : memref<1x128xi32, #tpu.memory_space<vmem>> -> memref<128xi32, #tpu.memory_space<vmem>>
          %dma_start3A_80 = arith.constant 0 : i32
          %dma_start3A_81 = arith.constant 0 : i32
          %dma_start3A_82 = tpu.memref_slice %arg13[%dma_start3A_80, %dma_start3A_81] : memref<10240x128xf32, #tpu.memory_space<vmem_shared>> -> memref<10240x128xf32, #tpu.memory_space<vmem_shared>>
          tpu.enqueue_indirect_dma source(%arg11 : memref<128x128xf32, #tpu.memory_space<vmem>>) target(%dma_start3A_82 : memref<10240x128xf32, #tpu.memory_space<vmem_shared>>) offsets(%dma_start3A_79 : memref<128xi32, #tpu.memory_space<vmem>>) semaphore(%run_scoped3A_76 : memref<!tpu.dma_semaphore, #tpu.memory_space<semaphore_mem>>) {add = true}
          %dma_wait3A_83 = arith.constant 0 : i32
          %dma_wait3A_84 = tpu.memref_slice %arg10[%run_scoped3A, %dma_wait3A_83] : memref<2x128xi32, #tpu.memory_space<vmem>> -> memref<1x128xi32, #tpu.memory_space<vmem>>
          %dma_wait3A_85 = tpu.memref_squeeze %dma_wait3A_84 : memref<1x128xi32, #tpu.memory_space<vmem>> -> memref<128xi32, #tpu.memory_space<vmem>>
          %dma_wait3A_86 = arith.constant 0 : i32
          %dma_wait3A_87 = arith.constant 0 : i32
          %dma_wait3A_88 = tpu.memref_slice %arg13[%dma_wait3A_86, %dma_wait3A_87] : memref<10240x128xf32, #tpu.memory_space<vmem_shared>> -> memref<10240x128xf32, #tpu.memory_space<vmem_shared>>
          tpu.wait_indirect_dma semaphore(%run_scoped3A_76 : memref<!tpu.dma_semaphore, #tpu.memory_space<semaphore_mem>>) src(%arg11 : memref<128x128xf32, #tpu.memory_space<vmem>>) dst(%dma_wait3A_88 : memref<10240x128xf32, #tpu.memory_space<vmem_shared>>)
          tpu.yield
        }) : () -> ()
        %add3A_51 = arith.constant 2 : i32
        %add3A_52 = arith.addi %add3A_44, %add3A_51 : i32
        %lt3A = arith.constant 158 : i32
        %lt3A_53 = arith.cmpi slt, %add3A_52, %lt3A : i32
        %convert_element_type3A_54 = arith.extui %lt3A_53 : i1 to i32
        %cond3A_55 = arith.constant 0 : i32
        %cond3A_56 = arith.cmpi ne, %convert_element_type3A_54, %cond3A_55 : i32
        scf.if %cond3A_56 {
          %add3A_76 = arith.addi %mul3A_9, %add3A_44 : i32
          %add3A_77 = arith.constant 2 : i32
          %add3A_78 = arith.addi %add3A_76, %add3A_77 : i32
          "tpu.region"() ({
            %run_scoped3A_86 = tpu.sem_alloc : memref<!tpu.dma_semaphore, #tpu.memory_space<semaphore_mem>>
            %dma_start3A_87 = arith.constant 0 : i32
            %dma_start3A_88 = arith.constant 0 : i32
            %dma_start3A_89 = tpu.memref_slice %arg9[%dma_start3A_87, %dma_start3A_88] : memref<2x128xi32, #tpu.memory_space<vmem>> -> memref<1x128xi32, #tpu.memory_space<vmem>>
            %dma_start3A_90 = arith.constant 0 : i32
            %dma_start3A_91 = tpu.memref_slice %arg2[%add3A_78, %dma_start3A_90] : memref<2528x128xi32, #tpu.memory_space<hbm>> -> memref<1x128xi32, #tpu.memory_space<hbm>>
            %dma_start3A_92 = arith.constant 0 : i32
            %dma_start3A_93 = arith.constant 0 : i32
            %dma_start3A_94 = tpu.memref_slice %arg9[%dma_start3A_92, %dma_start3A_93] : memref<2x128xi32, #tpu.memory_space<vmem>> -> memref<1x128xi32, #tpu.memory_space<vmem>>
            %dma_start3A_95 = arith.constant 0 : i32
            %dma_start3A_96 = tpu.memref_slice %arg2[%add3A_78, %dma_start3A_95] : memref<2528x128xi32, #tpu.memory_space<hbm>> -> memref<1x128xi32, #tpu.memory_space<hbm>>
            tpu.enqueue_dma source(%dma_start3A_96 : memref<1x128xi32, #tpu.memory_space<hbm>>) target(%dma_start3A_94 : memref<1x128xi32, #tpu.memory_space<vmem>>) target_semaphore(%run_scoped3A_86 : memref<!tpu.dma_semaphore, #tpu.memory_space<semaphore_mem>>)
            %dma_wait3A_97 = arith.constant 0 : i32
            %dma_wait3A_98 = arith.constant 0 : i32
            %dma_wait3A_99 = tpu.memref_slice %arg9[%dma_wait3A_97, %dma_wait3A_98] : memref<2x128xi32, #tpu.memory_space<vmem>> -> memref<1x128xi32, #tpu.memory_space<vmem>>
            %dma_wait3A_100 = arith.constant 0 : i32
            %dma_wait3A_101 = tpu.memref_slice %arg2[%add3A_78, %dma_wait3A_100] : memref<2528x128xi32, #tpu.memory_space<hbm>> -> memref<1x128xi32, #tpu.memory_space<hbm>>
            %dma_wait3A_102 = arith.constant 0 : i32
            %dma_wait3A_103 = arith.constant 0 : i32
            %dma_wait3A_104 = tpu.memref_slice %arg9[%dma_wait3A_102, %dma_wait3A_103] : memref<2x128xi32, #tpu.memory_space<vmem>> -> memref<1x128xi32, #tpu.memory_space<vmem>>
            %dma_wait3A_105 = arith.constant 0 : i32
            %dma_wait3A_106 = tpu.memref_slice %arg2[%add3A_78, %dma_wait3A_105] : memref<2528x128xi32, #tpu.memory_space<hbm>> -> memref<1x128xi32, #tpu.memory_space<hbm>>
            tpu.wait_dma2 semaphore(%run_scoped3A_86 : memref<!tpu.dma_semaphore, #tpu.memory_space<semaphore_mem>>) src(%dma_wait3A_106 : memref<1x128xi32, #tpu.memory_space<hbm>>) dst(%dma_wait3A_104 : memref<1x128xi32, #tpu.memory_space<vmem>>)
            tpu.yield
          }) : () -> ()
          "tpu.region"() ({
            %run_scoped3A_86 = tpu.sem_alloc : memref<!tpu.dma_semaphore, #tpu.memory_space<semaphore_mem>>
            %dma_start3A_87 = arith.constant 0 : i32
            %dma_start3A_88 = arith.constant 0 : i32
            %dma_start3A_89 = tpu.memref_slice %arg10[%dma_start3A_87, %dma_start3A_88] : memref<2x128xi32, #tpu.memory_space<vmem>> -> memref<1x128xi32, #tpu.memory_space<vmem>>
            %dma_start3A_90 = arith.constant 0 : i32
            %dma_start3A_91 = tpu.memref_slice %arg3[%add3A_78, %dma_start3A_90] : memref<2528x128xi32, #tpu.memory_space<hbm>> -> memref<1x128xi32, #tpu.memory_space<hbm>>
            %dma_start3A_92 = arith.constant 0 : i32
            %dma_start3A_93 = arith.constant 0 : i32
            %dma_start3A_94 = tpu.memref_slice %arg10[%dma_start3A_92, %dma_start3A_93] : memref<2x128xi32, #tpu.memory_space<vmem>> -> memref<1x128xi32, #tpu.memory_space<vmem>>
            %dma_start3A_95 = arith.constant 0 : i32
            %dma_start3A_96 = tpu.memref_slice %arg3[%add3A_78, %dma_start3A_95] : memref<2528x128xi32, #tpu.memory_space<hbm>> -> memref<1x128xi32, #tpu.memory_space<hbm>>
            tpu.enqueue_dma source(%dma_start3A_96 : memref<1x128xi32, #tpu.memory_space<hbm>>) target(%dma_start3A_94 : memref<1x128xi32, #tpu.memory_space<vmem>>) target_semaphore(%run_scoped3A_86 : memref<!tpu.dma_semaphore, #tpu.memory_space<semaphore_mem>>)
            %dma_wait3A_97 = arith.constant 0 : i32
            %dma_wait3A_98 = arith.constant 0 : i32
            %dma_wait3A_99 = tpu.memref_slice %arg10[%dma_wait3A_97, %dma_wait3A_98] : memref<2x128xi32, #tpu.memory_space<vmem>> -> memref<1x128xi32, #tpu.memory_space<vmem>>
            %dma_wait3A_100 = arith.constant 0 : i32
            %dma_wait3A_101 = tpu.memref_slice %arg3[%add3A_78, %dma_wait3A_100] : memref<2528x128xi32, #tpu.memory_space<hbm>> -> memref<1x128xi32, #tpu.memory_space<hbm>>
            %dma_wait3A_102 = arith.constant 0 : i32
            %dma_wait3A_103 = arith.constant 0 : i32
            %dma_wait3A_104 = tpu.memref_slice %arg10[%dma_wait3A_102, %dma_wait3A_103] : memref<2x128xi32, #tpu.memory_space<vmem>> -> memref<1x128xi32, #tpu.memory_space<vmem>>
            %dma_wait3A_105 = arith.constant 0 : i32
            %dma_wait3A_106 = tpu.memref_slice %arg3[%add3A_78, %dma_wait3A_105] : memref<2528x128xi32, #tpu.memory_space<hbm>> -> memref<1x128xi32, #tpu.memory_space<hbm>>
            tpu.wait_dma2 semaphore(%run_scoped3A_86 : memref<!tpu.dma_semaphore, #tpu.memory_space<semaphore_mem>>) src(%dma_wait3A_106 : memref<1x128xi32, #tpu.memory_space<hbm>>) dst(%dma_wait3A_104 : memref<1x128xi32, #tpu.memory_space<vmem>>)
            tpu.yield
          }) : () -> ()
          %dma_start3A_79 = arith.constant 0 : i32
          %dma_start3A_80 = arith.constant 0 : i32
          %dma_start3A_81 = tpu.memref_slice %arg9[%dma_start3A_79, %dma_start3A_80] : memref<2x128xi32, #tpu.memory_space<vmem>> -> memref<1x128xi32, #tpu.memory_space<vmem>>
          %dma_start3A_82 = tpu.memref_squeeze %dma_start3A_81 : memref<1x128xi32, #tpu.memory_space<vmem>> -> memref<128xi32, #tpu.memory_space<vmem>>
          %dma_start3A_83 = arith.constant 0 : i32
          %dma_start3A_84 = arith.constant 0 : i32
          %dma_start3A_85 = tpu.memref_slice %arg5[%dma_start3A_83, %dma_start3A_84] : memref<10000x128xf32, #tpu.memory_space<hbm>> -> memref<10000x128xf32, #tpu.memory_space<hbm>>
          tpu.enqueue_indirect_dma source(%dma_start3A_85 : memref<10000x128xf32, #tpu.memory_space<hbm>>) target(%arg11 : memref<128x128xf32, #tpu.memory_space<vmem>>) offsets(%dma_start3A_82 : memref<128xi32, #tpu.memory_space<vmem>>) semaphore(%arg14 : memref<!tpu.dma_semaphore, #tpu.memory_space<semaphore_mem>>)
        } else {
        }
        %mul3A_57 = arith.constant 2 : i32
        %mul3A_58 = arith.muli %mul3A_57, %scan3A_40 : i32
        %add3A_59 = arith.constant 1 : i32
        %add3A_60 = arith.addi %mul3A_58, %add3A_59 : i32
        %dma_wait3A_61 = arith.constant 1 : i32
        %dma_wait3A_62 = arith.constant 0 : i32
        %dma_wait3A_63 = tpu.memref_slice %arg9[%dma_wait3A_61, %dma_wait3A_62] : memref<2x128xi32, #tpu.memory_space<vmem>> -> memref<1x128xi32, #tpu.memory_space<vmem>>
        %dma_wait3A_64 = tpu.memref_squeeze %dma_wait3A_63 : memref<1x128xi32, #tpu.memory_space<vmem>> -> memref<128xi32, #tpu.memory_space<vmem>>
        %dma_wait3A_65 = arith.constant 0 : i32
        %dma_wait3A_66 = arith.constant 0 : i32
        %dma_wait3A_67 = tpu.memref_slice %arg5[%dma_wait3A_65, %dma_wait3A_66] : memref<10000x128xf32, #tpu.memory_space<hbm>> -> memref<10000x128xf32, #tpu.memory_space<hbm>>
        tpu.wait_indirect_dma semaphore(%arg15 : memref<!tpu.dma_semaphore, #tpu.memory_space<semaphore_mem>>) src(%dma_wait3A_67 : memref<10000x128xf32, #tpu.memory_space<hbm>>) dst(%arg12 : memref<128x128xf32, #tpu.memory_space<vmem>>)
        %run_scoped3A_68 = arith.constant 1 : i32
        "tpu.region"() ({
          %run_scoped3A_76 = tpu.sem_alloc : memref<!tpu.dma_semaphore, #tpu.memory_space<semaphore_mem>>
          %dma_start3A_77 = arith.constant 0 : i32
          %dma_start3A_78 = tpu.memref_slice %arg10[%run_scoped3A_68, %dma_start3A_77] : memref<2x128xi32, #tpu.memory_space<vmem>> -> memref<1x128xi32, #tpu.memory_space<vmem>>
          %dma_start3A_79 = tpu.memref_squeeze %dma_start3A_78 : memref<1x128xi32, #tpu.memory_space<vmem>> -> memref<128xi32, #tpu.memory_space<vmem>>
          %dma_start3A_80 = arith.constant 0 : i32
          %dma_start3A_81 = arith.constant 0 : i32
          %dma_start3A_82 = tpu.memref_slice %arg13[%dma_start3A_80, %dma_start3A_81] : memref<10240x128xf32, #tpu.memory_space<vmem_shared>> -> memref<10240x128xf32, #tpu.memory_space<vmem_shared>>
          tpu.enqueue_indirect_dma source(%arg12 : memref<128x128xf32, #tpu.memory_space<vmem>>) target(%dma_start3A_82 : memref<10240x128xf32, #tpu.memory_space<vmem_shared>>) offsets(%dma_start3A_79 : memref<128xi32, #tpu.memory_space<vmem>>) semaphore(%run_scoped3A_76 : memref<!tpu.dma_semaphore, #tpu.memory_space<semaphore_mem>>) {add = true}
          %dma_wait3A_83 = arith.constant 0 : i32
          %dma_wait3A_84 = tpu.memref_slice %arg10[%run_scoped3A_68, %dma_wait3A_83] : memref<2x128xi32, #tpu.memory_space<vmem>> -> memref<1x128xi32, #tpu.memory_space<vmem>>
          %dma_wait3A_85 = tpu.memref_squeeze %dma_wait3A_84 : memref<1x128xi32, #tpu.memory_space<vmem>> -> memref<128xi32, #tpu.memory_space<vmem>>
          %dma_wait3A_86 = arith.constant 0 : i32
          %dma_wait3A_87 = arith.constant 0 : i32
          %dma_wait3A_88 = tpu.memref_slice %arg13[%dma_wait3A_86, %dma_wait3A_87] : memref<10240x128xf32, #tpu.memory_space<vmem_shared>> -> memref<10240x128xf32, #tpu.memory_space<vmem_shared>>
          tpu.wait_indirect_dma semaphore(%run_scoped3A_76 : memref<!tpu.dma_semaphore, #tpu.memory_space<semaphore_mem>>) src(%arg12 : memref<128x128xf32, #tpu.memory_space<vmem>>) dst(%dma_wait3A_88 : memref<10240x128xf32, #tpu.memory_space<vmem_shared>>)
          tpu.yield
        }) : () -> ()
        %add3A_69 = arith.constant 2 : i32
        %add3A_70 = arith.addi %add3A_60, %add3A_69 : i32
        %lt3A_71 = arith.constant 158 : i32
        %lt3A_72 = arith.cmpi slt, %add3A_70, %lt3A_71 : i32
        %convert_element_type3A_73 = arith.extui %lt3A_72 : i1 to i32
        %cond3A_74 = arith.constant 0 : i32
        %cond3A_75 = arith.cmpi ne, %convert_element_type3A_73, %cond3A_74 : i32
        scf.if %cond3A_75 {
          %add3A_76 = arith.addi %mul3A_9, %add3A_60 : i32
          %add3A_77 = arith.constant 2 : i32
          %add3A_78 = arith.addi %add3A_76, %add3A_77 : i32
          "tpu.region"() ({
            %run_scoped3A_86 = tpu.sem_alloc : memref<!tpu.dma_semaphore, #tpu.memory_space<semaphore_mem>>
            %dma_start3A_87 = arith.constant 1 : i32
            %dma_start3A_88 = arith.constant 0 : i32
            %dma_start3A_89 = tpu.memref_slice %arg9[%dma_start3A_87, %dma_start3A_88] : memref<2x128xi32, #tpu.memory_space<vmem>> -> memref<1x128xi32, #tpu.memory_space<vmem>>
            %dma_start3A_90 = arith.constant 0 : i32
            %dma_start3A_91 = tpu.memref_slice %arg2[%add3A_78, %dma_start3A_90] : memref<2528x128xi32, #tpu.memory_space<hbm>> -> memref<1x128xi32, #tpu.memory_space<hbm>>
            %dma_start3A_92 = arith.constant 1 : i32
            %dma_start3A_93 = arith.constant 0 : i32
            %dma_start3A_94 = tpu.memref_slice %arg9[%dma_start3A_92, %dma_start3A_93] : memref<2x128xi32, #tpu.memory_space<vmem>> -> memref<1x128xi32, #tpu.memory_space<vmem>>
            %dma_start3A_95 = arith.constant 0 : i32
            %dma_start3A_96 = tpu.memref_slice %arg2[%add3A_78, %dma_start3A_95] : memref<2528x128xi32, #tpu.memory_space<hbm>> -> memref<1x128xi32, #tpu.memory_space<hbm>>
            tpu.enqueue_dma source(%dma_start3A_96 : memref<1x128xi32, #tpu.memory_space<hbm>>) target(%dma_start3A_94 : memref<1x128xi32, #tpu.memory_space<vmem>>) target_semaphore(%run_scoped3A_86 : memref<!tpu.dma_semaphore, #tpu.memory_space<semaphore_mem>>)
            %dma_wait3A_97 = arith.constant 1 : i32
            %dma_wait3A_98 = arith.constant 0 : i32
            %dma_wait3A_99 = tpu.memref_slice %arg9[%dma_wait3A_97, %dma_wait3A_98] : memref<2x128xi32, #tpu.memory_space<vmem>> -> memref<1x128xi32, #tpu.memory_space<vmem>>
            %dma_wait3A_100 = arith.constant 0 : i32
            %dma_wait3A_101 = tpu.memref_slice %arg2[%add3A_78, %dma_wait3A_100] : memref<2528x128xi32, #tpu.memory_space<hbm>> -> memref<1x128xi32, #tpu.memory_space<hbm>>
            %dma_wait3A_102 = arith.constant 1 : i32
            %dma_wait3A_103 = arith.constant 0 : i32
            %dma_wait3A_104 = tpu.memref_slice %arg9[%dma_wait3A_102, %dma_wait3A_103] : memref<2x128xi32, #tpu.memory_space<vmem>> -> memref<1x128xi32, #tpu.memory_space<vmem>>
            %dma_wait3A_105 = arith.constant 0 : i32
            %dma_wait3A_106 = tpu.memref_slice %arg2[%add3A_78, %dma_wait3A_105] : memref<2528x128xi32, #tpu.memory_space<hbm>> -> memref<1x128xi32, #tpu.memory_space<hbm>>
            tpu.wait_dma2 semaphore(%run_scoped3A_86 : memref<!tpu.dma_semaphore, #tpu.memory_space<semaphore_mem>>) src(%dma_wait3A_106 : memref<1x128xi32, #tpu.memory_space<hbm>>) dst(%dma_wait3A_104 : memref<1x128xi32, #tpu.memory_space<vmem>>)
            tpu.yield
          }) : () -> ()
          "tpu.region"() ({
            %run_scoped3A_86 = tpu.sem_alloc : memref<!tpu.dma_semaphore, #tpu.memory_space<semaphore_mem>>
            %dma_start3A_87 = arith.constant 1 : i32
            %dma_start3A_88 = arith.constant 0 : i32
            %dma_start3A_89 = tpu.memref_slice %arg10[%dma_start3A_87, %dma_start3A_88] : memref<2x128xi32, #tpu.memory_space<vmem>> -> memref<1x128xi32, #tpu.memory_space<vmem>>
            %dma_start3A_90 = arith.constant 0 : i32
            %dma_start3A_91 = tpu.memref_slice %arg3[%add3A_78, %dma_start3A_90] : memref<2528x128xi32, #tpu.memory_space<hbm>> -> memref<1x128xi32, #tpu.memory_space<hbm>>
            %dma_start3A_92 = arith.constant 1 : i32
            %dma_start3A_93 = arith.constant 0 : i32
            %dma_start3A_94 = tpu.memref_slice %arg10[%dma_start3A_92, %dma_start3A_93] : memref<2x128xi32, #tpu.memory_space<vmem>> -> memref<1x128xi32, #tpu.memory_space<vmem>>
            %dma_start3A_95 = arith.constant 0 : i32
            %dma_start3A_96 = tpu.memref_slice %arg3[%add3A_78, %dma_start3A_95] : memref<2528x128xi32, #tpu.memory_space<hbm>> -> memref<1x128xi32, #tpu.memory_space<hbm>>
            tpu.enqueue_dma source(%dma_start3A_96 : memref<1x128xi32, #tpu.memory_space<hbm>>) target(%dma_start3A_94 : memref<1x128xi32, #tpu.memory_space<vmem>>) target_semaphore(%run_scoped3A_86 : memref<!tpu.dma_semaphore, #tpu.memory_space<semaphore_mem>>)
            %dma_wait3A_97 = arith.constant 1 : i32
            %dma_wait3A_98 = arith.constant 0 : i32
            %dma_wait3A_99 = tpu.memref_slice %arg10[%dma_wait3A_97, %dma_wait3A_98] : memref<2x128xi32, #tpu.memory_space<vmem>> -> memref<1x128xi32, #tpu.memory_space<vmem>>
            %dma_wait3A_100 = arith.constant 0 : i32
            %dma_wait3A_101 = tpu.memref_slice %arg3[%add3A_78, %dma_wait3A_100] : memref<2528x128xi32, #tpu.memory_space<hbm>> -> memref<1x128xi32, #tpu.memory_space<hbm>>
            %dma_wait3A_102 = arith.constant 1 : i32
            %dma_wait3A_103 = arith.constant 0 : i32
            %dma_wait3A_104 = tpu.memref_slice %arg10[%dma_wait3A_102, %dma_wait3A_103] : memref<2x128xi32, #tpu.memory_space<vmem>> -> memref<1x128xi32, #tpu.memory_space<vmem>>
            %dma_wait3A_105 = arith.constant 0 : i32
            %dma_wait3A_106 = tpu.memref_slice %arg3[%add3A_78, %dma_wait3A_105] : memref<2528x128xi32, #tpu.memory_space<hbm>> -> memref<1x128xi32, #tpu.memory_space<hbm>>
            tpu.wait_dma2 semaphore(%run_scoped3A_86 : memref<!tpu.dma_semaphore, #tpu.memory_space<semaphore_mem>>) src(%dma_wait3A_106 : memref<1x128xi32, #tpu.memory_space<hbm>>) dst(%dma_wait3A_104 : memref<1x128xi32, #tpu.memory_space<vmem>>)
            tpu.yield
          }) : () -> ()
          %dma_start3A_79 = arith.constant 1 : i32
          %dma_start3A_80 = arith.constant 0 : i32
          %dma_start3A_81 = tpu.memref_slice %arg9[%dma_start3A_79, %dma_start3A_80] : memref<2x128xi32, #tpu.memory_space<vmem>> -> memref<1x128xi32, #tpu.memory_space<vmem>>
          %dma_start3A_82 = tpu.memref_squeeze %dma_start3A_81 : memref<1x128xi32, #tpu.memory_space<vmem>> -> memref<128xi32, #tpu.memory_space<vmem>>
          %dma_start3A_83 = arith.constant 0 : i32
          %dma_start3A_84 = arith.constant 0 : i32
          %dma_start3A_85 = tpu.memref_slice %arg5[%dma_start3A_83, %dma_start3A_84] : memref<10000x128xf32, #tpu.memory_space<hbm>> -> memref<10000x128xf32, #tpu.memory_space<hbm>>
          tpu.enqueue_indirect_dma source(%dma_start3A_85 : memref<10000x128xf32, #tpu.memory_space<hbm>>) target(%arg12 : memref<128x128xf32, #tpu.memory_space<vmem>>) offsets(%dma_start3A_82 : memref<128xi32, #tpu.memory_space<vmem>>) semaphore(%arg15 : memref<!tpu.dma_semaphore, #tpu.memory_space<semaphore_mem>>)
        } else {
        }
      }
      %scan3A_34 = arith.constant 79 : i32
      %barrier3A_35 = arith.constant 0 : index
      tpu.barrier barrier_id(%barrier3A_35)
      %mul3A_36 = arith.constant 640 : i32
      %mul3A_37 = arith.muli %arg1, %mul3A_36 : i32
      %mul3A_38 = arith.constant 640 : i32
      %mul3A_39 = arith.muli %arg1, %mul3A_38 : i32
      "tpu.region"() ({
        %run_scoped3A = tpu.sem_alloc : memref<!tpu.dma_semaphore, #tpu.memory_space<semaphore_mem>>
        %dma_start3A_40 = arith.constant 0 : i32
        %dma_start3A_41 = tpu.memref_slice %arg8[%mul3A_39, %dma_start3A_40] : memref<10240x128xf32, #tpu.memory_space<hbm>> -> memref<640x128xf32, #tpu.memory_space<hbm>>
        %dma_start3A_42 = arith.constant 0 : i32
        %dma_start3A_43 = tpu.memref_slice %arg13[%mul3A_37, %dma_start3A_42] : memref<10240x128xf32, #tpu.memory_space<vmem_shared>> -> memref<640x128xf32, #tpu.memory_space<vmem_shared>>
        tpu.enqueue_dma source(%dma_start3A_43 : memref<640x128xf32, #tpu.memory_space<vmem_shared>>) target(%dma_start3A_41 : memref<640x128xf32, #tpu.memory_space<hbm>>) target_semaphore(%run_scoped3A : memref<!tpu.dma_semaphore, #tpu.memory_space<semaphore_mem>>)
        %dma_wait3A = arith.constant 0 : i32
        %dma_wait3A_44 = tpu.memref_slice %arg8[%mul3A_39, %dma_wait3A] : memref<10240x128xf32, #tpu.memory_space<hbm>> -> memref<640x128xf32, #tpu.memory_space<hbm>>
        %dma_wait3A_45 = arith.constant 0 : i32
        %dma_wait3A_46 = tpu.memref_slice %arg13[%mul3A_37, %dma_wait3A_45] : memref<10240x128xf32, #tpu.memory_space<vmem_shared>> -> memref<640x128xf32, #tpu.memory_space<vmem_shared>>
        tpu.wait_dma2 semaphore(%run_scoped3A : memref<!tpu.dma_semaphore, #tpu.memory_space<semaphore_mem>>) src(%dma_wait3A_46 : memref<640x128xf32, #tpu.memory_space<vmem_shared>>) dst(%dma_wait3A_44 : memref<640x128xf32, #tpu.memory_space<hbm>>)
        tpu.yield
      }) : () -> ()
    } else {
    }
    return
  }
}

#map = affine_map<(d0, d1) -> (0, 0)>
module attributes {stable_mosaic.version = 14 : i64} {
  func.func @_edge_scatter(%arg0: i32, %arg1: i32, %arg2: memref<2528x128xi32, #tpu.memory_space<hbm>>, %arg3: memref<2528x128xi32, #tpu.memory_space<hbm>>, %arg4: memref<10000x128xf32, #tpu.memory_space<hbm>>, %arg5: memref<10000x128xf32, #tpu.memory_space<hbm>>, %arg6: memref<640x128xf32, #tpu.memory_space<hbm>>, %arg7: memref<10240x128xf32, #tpu.memory_space<hbm>>, %arg8: memref<10240x128xf32, #tpu.memory_space<hbm>>, %arg9: memref<2x128xi32, #tpu.memory_space<vmem>>, %arg10: memref<2x128xi32, #tpu.memory_space<vmem>>, %arg11: memref<128x128xf32, #tpu.memory_space<vmem>>, %arg12: memref<128x128xf32, #tpu.memory_space<vmem>>, %arg13: memref<10240x128xf32, #tpu.memory_space<vmem_shared>>, %arg14: memref<!tpu.dma_semaphore, #tpu.memory_space<semaphore_mem>>, %arg15: memref<!tpu.dma_semaphore, #tpu.memory_space<semaphore_mem>>) attributes {dimension_semantics = [#tpu.dimension_semantics<core_parallel>, #tpu.dimension_semantics<subcore_parallel>], iteration_bounds = array<i64: 2, 16>, scalar_prefetch = 0 : i64, scratch_operands = 7 : i64, tpu.core_type = #tpu.core_type<sc_vector_subcore>, window_params = [{transform_indices = #map}, {transform_indices = #map}, {transform_indices = #map}, {transform_indices = #map}, {transform_indices = #map}, {transform_indices = #map}, {transform_indices = #map}]} {
    %mul3A = arith.constant 640 : i32
    %mul3A_0 = arith.muli %arg1, %mul3A : i32
    "tpu.region"() ({
      %run_scoped3A = tpu.sem_alloc : memref<!tpu.dma_semaphore, #tpu.memory_space<semaphore_mem>>
      %dma_start3A = arith.constant 0 : i32
      %dma_start3A_8 = tpu.memref_slice %arg13[%mul3A_0, %dma_start3A] : memref<10240x128xf32, #tpu.memory_space<vmem_shared>> -> memref<640x128xf32, #tpu.memory_space<vmem_shared>>
      tpu.enqueue_dma source(%arg6 : memref<640x128xf32, #tpu.memory_space<hbm>>) target(%dma_start3A_8 : memref<640x128xf32, #tpu.memory_space<vmem_shared>>) target_semaphore(%run_scoped3A : memref<!tpu.dma_semaphore, #tpu.memory_space<semaphore_mem>>)
      %dma_wait3A = arith.constant 0 : i32
      %dma_wait3A_9 = tpu.memref_slice %arg13[%mul3A_0, %dma_wait3A] : memref<10240x128xf32, #tpu.memory_space<vmem_shared>> -> memref<640x128xf32, #tpu.memory_space<vmem_shared>>
      tpu.wait_dma2 semaphore(%run_scoped3A : memref<!tpu.dma_semaphore, #tpu.memory_space<semaphore_mem>>) src(%arg6 : memref<640x128xf32, #tpu.memory_space<hbm>>) dst(%dma_wait3A_9 : memref<640x128xf32, #tpu.memory_space<vmem_shared>>)
      tpu.yield
    }) : () -> ()
    %barrier3A = arith.constant 0 : index
    tpu.barrier barrier_id(%barrier3A)
    %eq3A = arith.constant 0 : i32
    %eq3A_1 = arith.cmpi eq, %arg0, %eq3A : i32
    %convert_element_type3A = arith.extui %eq3A_1 : i1 to i32
    %cond3A = arith.constant 0 : i32
    %cond3A_2 = arith.cmpi ne, %convert_element_type3A, %cond3A : i32
    scf.if %cond3A_2 {
      %mul3A_8 = arith.constant 158 : i32
      %mul3A_9 = arith.muli %arg1, %mul3A_8 : i32
      %add3A = arith.constant 0 : i32
      %add3A_10 = arith.addi %mul3A_9, %add3A : i32
      "tpu.region"() ({
        %run_scoped3A = tpu.sem_alloc : memref<!tpu.dma_semaphore, #tpu.memory_space<semaphore_mem>>
        %dma_start3A_40 = arith.constant 0 : i32
        %dma_start3A_41 = arith.constant 0 : i32
        %dma_start3A_42 = tpu.memref_slice %arg9[%dma_start3A_40, %dma_start3A_41] : memref<2x128xi32, #tpu.memory_space<vmem>> -> memref<1x128xi32, #tpu.memory_space<vmem>>
        %dma_start3A_43 = arith.constant 0 : i32
        %dma_start3A_44 = tpu.memref_slice %arg2[%add3A_10, %dma_start3A_43] : memref<2528x128xi32, #tpu.memory_space<hbm>> -> memref<1x128xi32, #tpu.memory_space<hbm>>
        %dma_start3A_45 = arith.constant 0 : i32
        %dma_start3A_46 = arith.constant 0 : i32
        %dma_start3A_47 = tpu.memref_slice %arg9[%dma_start3A_45, %dma_start3A_46] : memref<2x128xi32, #tpu.memory_space<vmem>> -> memref<1x128xi32, #tpu.memory_space<vmem>>
        %dma_start3A_48 = arith.constant 0 : i32
        %dma_start3A_49 = tpu.memref_slice %arg2[%add3A_10, %dma_start3A_48] : memref<2528x128xi32, #tpu.memory_space<hbm>> -> memref<1x128xi32, #tpu.memory_space<hbm>>
        tpu.enqueue_dma source(%dma_start3A_49 : memref<1x128xi32, #tpu.memory_space<hbm>>) target(%dma_start3A_47 : memref<1x128xi32, #tpu.memory_space<vmem>>) target_semaphore(%run_scoped3A : memref<!tpu.dma_semaphore, #tpu.memory_space<semaphore_mem>>)
        %dma_wait3A = arith.constant 0 : i32
        %dma_wait3A_50 = arith.constant 0 : i32
        %dma_wait3A_51 = tpu.memref_slice %arg9[%dma_wait3A, %dma_wait3A_50] : memref<2x128xi32, #tpu.memory_space<vmem>> -> memref<1x128xi32, #tpu.memory_space<vmem>>
        %dma_wait3A_52 = arith.constant 0 : i32
        %dma_wait3A_53 = tpu.memref_slice %arg2[%add3A_10, %dma_wait3A_52] : memref<2528x128xi32, #tpu.memory_space<hbm>> -> memref<1x128xi32, #tpu.memory_space<hbm>>
        %dma_wait3A_54 = arith.constant 0 : i32
        %dma_wait3A_55 = arith.constant 0 : i32
        %dma_wait3A_56 = tpu.memref_slice %arg9[%dma_wait3A_54, %dma_wait3A_55] : memref<2x128xi32, #tpu.memory_space<vmem>> -> memref<1x128xi32, #tpu.memory_space<vmem>>
        %dma_wait3A_57 = arith.constant 0 : i32
        %dma_wait3A_58 = tpu.memref_slice %arg2[%add3A_10, %dma_wait3A_57] : memref<2528x128xi32, #tpu.memory_space<hbm>> -> memref<1x128xi32, #tpu.memory_space<hbm>>
        tpu.wait_dma2 semaphore(%run_scoped3A : memref<!tpu.dma_semaphore, #tpu.memory_space<semaphore_mem>>) src(%dma_wait3A_58 : memref<1x128xi32, #tpu.memory_space<hbm>>) dst(%dma_wait3A_56 : memref<1x128xi32, #tpu.memory_space<vmem>>)
        tpu.yield
      }) : () -> ()
      %add3A_11 = arith.constant 0 : i32
      %add3A_12 = arith.addi %mul3A_9, %add3A_11 : i32
      "tpu.region"() ({
        %run_scoped3A = tpu.sem_alloc : memref<!tpu.dma_semaphore, #tpu.memory_space<semaphore_mem>>
        %dma_start3A_40 = arith.constant 0 : i32
        %dma_start3A_41 = arith.constant 0 : i32
        %dma_start3A_42 = tpu.memref_slice %arg10[%dma_start3A_40, %dma_start3A_41] : memref<2x128xi32, #tpu.memory_space<vmem>> -> memref<1x128xi32, #tpu.memory_space<vmem>>
        %dma_start3A_43 = arith.constant 0 : i32
        %dma_start3A_44 = tpu.memref_slice %arg3[%add3A_12, %dma_start3A_43] : memref<2528x128xi32, #tpu.memory_space<hbm>> -> memref<1x128xi32, #tpu.memory_space<hbm>>
        %dma_start3A_45 = arith.constant 0 : i32
        %dma_start3A_46 = arith.constant 0 : i32
        %dma_start3A_47 = tpu.memref_slice %arg10[%dma_start3A_45, %dma_start3A_46] : memref<2x128xi32, #tpu.memory_space<vmem>> -> memref<1x128xi32, #tpu.memory_space<vmem>>
        %dma_start3A_48 = arith.constant 0 : i32
        %dma_start3A_49 = tpu.memref_slice %arg3[%add3A_12, %dma_start3A_48] : memref<2528x128xi32, #tpu.memory_space<hbm>> -> memref<1x128xi32, #tpu.memory_space<hbm>>
        tpu.enqueue_dma source(%dma_start3A_49 : memref<1x128xi32, #tpu.memory_space<hbm>>) target(%dma_start3A_47 : memref<1x128xi32, #tpu.memory_space<vmem>>) target_semaphore(%run_scoped3A : memref<!tpu.dma_semaphore, #tpu.memory_space<semaphore_mem>>)
        %dma_wait3A = arith.constant 0 : i32
        %dma_wait3A_50 = arith.constant 0 : i32
        %dma_wait3A_51 = tpu.memref_slice %arg10[%dma_wait3A, %dma_wait3A_50] : memref<2x128xi32, #tpu.memory_space<vmem>> -> memref<1x128xi32, #tpu.memory_space<vmem>>
        %dma_wait3A_52 = arith.constant 0 : i32
        %dma_wait3A_53 = tpu.memref_slice %arg3[%add3A_12, %dma_wait3A_52] : memref<2528x128xi32, #tpu.memory_space<hbm>> -> memref<1x128xi32, #tpu.memory_space<hbm>>
        %dma_wait3A_54 = arith.constant 0 : i32
        %dma_wait3A_55 = arith.constant 0 : i32
        %dma_wait3A_56 = tpu.memref_slice %arg10[%dma_wait3A_54, %dma_wait3A_55] : memref<2x128xi32, #tpu.memory_space<vmem>> -> memref<1x128xi32, #tpu.memory_space<vmem>>
        %dma_wait3A_57 = arith.constant 0 : i32
        %dma_wait3A_58 = tpu.memref_slice %arg3[%add3A_12, %dma_wait3A_57] : memref<2528x128xi32, #tpu.memory_space<hbm>> -> memref<1x128xi32, #tpu.memory_space<hbm>>
        tpu.wait_dma2 semaphore(%run_scoped3A : memref<!tpu.dma_semaphore, #tpu.memory_space<semaphore_mem>>) src(%dma_wait3A_58 : memref<1x128xi32, #tpu.memory_space<hbm>>) dst(%dma_wait3A_56 : memref<1x128xi32, #tpu.memory_space<vmem>>)
        tpu.yield
      }) : () -> ()
      %dma_start3A = arith.constant 0 : i32
      %dma_start3A_13 = arith.constant 0 : i32
      %dma_start3A_14 = tpu.memref_slice %arg9[%dma_start3A, %dma_start3A_13] : memref<2x128xi32, #tpu.memory_space<vmem>> -> memref<1x128xi32, #tpu.memory_space<vmem>>
      %dma_start3A_15 = tpu.memref_squeeze %dma_start3A_14 : memref<1x128xi32, #tpu.memory_space<vmem>> -> memref<128xi32, #tpu.memory_space<vmem>>
      %dma_start3A_16 = arith.constant 0 : i32
      %dma_start3A_17 = arith.constant 0 : i32
      %dma_start3A_18 = tpu.memref_slice %arg4[%dma_start3A_16, %dma_start3A_17] : memref<10000x128xf32, #tpu.memory_space<hbm>> -> memref<10000x128xf32, #tpu.memory_space<hbm>>
      tpu.enqueue_indirect_dma source(%dma_start3A_18 : memref<10000x128xf32, #tpu.memory_space<hbm>>) target(%arg11 : memref<128x128xf32, #tpu.memory_space<vmem>>) offsets(%dma_start3A_15 : memref<128xi32, #tpu.memory_space<vmem>>) semaphore(%arg14 : memref<!tpu.dma_semaphore, #tpu.memory_space<semaphore_mem>>)
      %add3A_19 = arith.constant 1 : i32
      %add3A_20 = arith.addi %mul3A_9, %add3A_19 : i32
      "tpu.region"() ({
        %run_scoped3A = tpu.sem_alloc : memref<!tpu.dma_semaphore, #tpu.memory_space<semaphore_mem>>
        %dma_start3A_40 = arith.constant 1 : i32
        %dma_start3A_41 = arith.constant 0 : i32
        %dma_start3A_42 = tpu.memref_slice %arg9[%dma_start3A_40, %dma_start3A_41] : memref<2x128xi32, #tpu.memory_space<vmem>> -> memref<1x128xi32, #tpu.memory_space<vmem>>
        %dma_start3A_43 = arith.constant 0 : i32
        %dma_start3A_44 = tpu.memref_slice %arg2[%add3A_20, %dma_start3A_43] : memref<2528x128xi32, #tpu.memory_space<hbm>> -> memref<1x128xi32, #tpu.memory_space<hbm>>
        %dma_start3A_45 = arith.constant 1 : i32
        %dma_start3A_46 = arith.constant 0 : i32
        %dma_start3A_47 = tpu.memref_slice %arg9[%dma_start3A_45, %dma_start3A_46] : memref<2x128xi32, #tpu.memory_space<vmem>> -> memref<1x128xi32, #tpu.memory_space<vmem>>
        %dma_start3A_48 = arith.constant 0 : i32
        %dma_start3A_49 = tpu.memref_slice %arg2[%add3A_20, %dma_start3A_48] : memref<2528x128xi32, #tpu.memory_space<hbm>> -> memref<1x128xi32, #tpu.memory_space<hbm>>
        tpu.enqueue_dma source(%dma_start3A_49 : memref<1x128xi32, #tpu.memory_space<hbm>>) target(%dma_start3A_47 : memref<1x128xi32, #tpu.memory_space<vmem>>) target_semaphore(%run_scoped3A : memref<!tpu.dma_semaphore, #tpu.memory_space<semaphore_mem>>)
        %dma_wait3A = arith.constant 1 : i32
        %dma_wait3A_50 = arith.constant 0 : i32
        %dma_wait3A_51 = tpu.memref_slice %arg9[%dma_wait3A, %dma_wait3A_50] : memref<2x128xi32, #tpu.memory_space<vmem>> -> memref<1x128xi32, #tpu.memory_space<vmem>>
        %dma_wait3A_52 = arith.constant 0 : i32
        %dma_wait3A_53 = tpu.memref_slice %arg2[%add3A_20, %dma_wait3A_52] : memref<2528x128xi32, #tpu.memory_space<hbm>> -> memref<1x128xi32, #tpu.memory_space<hbm>>
        %dma_wait3A_54 = arith.constant 1 : i32
        %dma_wait3A_55 = arith.constant 0 : i32
        %dma_wait3A_56 = tpu.memref_slice %arg9[%dma_wait3A_54, %dma_wait3A_55] : memref<2x128xi32, #tpu.memory_space<vmem>> -> memref<1x128xi32, #tpu.memory_space<vmem>>
        %dma_wait3A_57 = arith.constant 0 : i32
        %dma_wait3A_58 = tpu.memref_slice %arg2[%add3A_20, %dma_wait3A_57] : memref<2528x128xi32, #tpu.memory_space<hbm>> -> memref<1x128xi32, #tpu.memory_space<hbm>>
        tpu.wait_dma2 semaphore(%run_scoped3A : memref<!tpu.dma_semaphore, #tpu.memory_space<semaphore_mem>>) src(%dma_wait3A_58 : memref<1x128xi32, #tpu.memory_space<hbm>>) dst(%dma_wait3A_56 : memref<1x128xi32, #tpu.memory_space<vmem>>)
        tpu.yield
      }) : () -> ()
      %add3A_21 = arith.constant 1 : i32
      %add3A_22 = arith.addi %mul3A_9, %add3A_21 : i32
      "tpu.region"() ({
        %run_scoped3A = tpu.sem_alloc : memref<!tpu.dma_semaphore, #tpu.memory_space<semaphore_mem>>
        %dma_start3A_40 = arith.constant 1 : i32
        %dma_start3A_41 = arith.constant 0 : i32
        %dma_start3A_42 = tpu.memref_slice %arg10[%dma_start3A_40, %dma_start3A_41] : memref<2x128xi32, #tpu.memory_space<vmem>> -> memref<1x128xi32, #tpu.memory_space<vmem>>
        %dma_start3A_43 = arith.constant 0 : i32
        %dma_start3A_44 = tpu.memref_slice %arg3[%add3A_22, %dma_start3A_43] : memref<2528x128xi32, #tpu.memory_space<hbm>> -> memref<1x128xi32, #tpu.memory_space<hbm>>
        %dma_start3A_45 = arith.constant 1 : i32
        %dma_start3A_46 = arith.constant 0 : i32
        %dma_start3A_47 = tpu.memref_slice %arg10[%dma_start3A_45, %dma_start3A_46] : memref<2x128xi32, #tpu.memory_space<vmem>> -> memref<1x128xi32, #tpu.memory_space<vmem>>
        %dma_start3A_48 = arith.constant 0 : i32
        %dma_start3A_49 = tpu.memref_slice %arg3[%add3A_22, %dma_start3A_48] : memref<2528x128xi32, #tpu.memory_space<hbm>> -> memref<1x128xi32, #tpu.memory_space<hbm>>
        tpu.enqueue_dma source(%dma_start3A_49 : memref<1x128xi32, #tpu.memory_space<hbm>>) target(%dma_start3A_47 : memref<1x128xi32, #tpu.memory_space<vmem>>) target_semaphore(%run_scoped3A : memref<!tpu.dma_semaphore, #tpu.memory_space<semaphore_mem>>)
        %dma_wait3A = arith.constant 1 : i32
        %dma_wait3A_50 = arith.constant 0 : i32
        %dma_wait3A_51 = tpu.memref_slice %arg10[%dma_wait3A, %dma_wait3A_50] : memref<2x128xi32, #tpu.memory_space<vmem>> -> memref<1x128xi32, #tpu.memory_space<vmem>>
        %dma_wait3A_52 = arith.constant 0 : i32
        %dma_wait3A_53 = tpu.memref_slice %arg3[%add3A_22, %dma_wait3A_52] : memref<2528x128xi32, #tpu.memory_space<hbm>> -> memref<1x128xi32, #tpu.memory_space<hbm>>
        %dma_wait3A_54 = arith.constant 1 : i32
        %dma_wait3A_55 = arith.constant 0 : i32
        %dma_wait3A_56 = tpu.memref_slice %arg10[%dma_wait3A_54, %dma_wait3A_55] : memref<2x128xi32, #tpu.memory_space<vmem>> -> memref<1x128xi32, #tpu.memory_space<vmem>>
        %dma_wait3A_57 = arith.constant 0 : i32
        %dma_wait3A_58 = tpu.memref_slice %arg3[%add3A_22, %dma_wait3A_57] : memref<2528x128xi32, #tpu.memory_space<hbm>> -> memref<1x128xi32, #tpu.memory_space<hbm>>
        tpu.wait_dma2 semaphore(%run_scoped3A : memref<!tpu.dma_semaphore, #tpu.memory_space<semaphore_mem>>) src(%dma_wait3A_58 : memref<1x128xi32, #tpu.memory_space<hbm>>) dst(%dma_wait3A_56 : memref<1x128xi32, #tpu.memory_space<vmem>>)
        tpu.yield
      }) : () -> ()
      %dma_start3A_23 = arith.constant 1 : i32
      %dma_start3A_24 = arith.constant 0 : i32
      %dma_start3A_25 = tpu.memref_slice %arg9[%dma_start3A_23, %dma_start3A_24] : memref<2x128xi32, #tpu.memory_space<vmem>> -> memref<1x128xi32, #tpu.memory_space<vmem>>
      %dma_start3A_26 = tpu.memref_squeeze %dma_start3A_25 : memref<1x128xi32, #tpu.memory_space<vmem>> -> memref<128xi32, #tpu.memory_space<vmem>>
      %dma_start3A_27 = arith.constant 0 : i32
      %dma_start3A_28 = arith.constant 0 : i32
      %dma_start3A_29 = tpu.memref_slice %arg4[%dma_start3A_27, %dma_start3A_28] : memref<10000x128xf32, #tpu.memory_space<hbm>> -> memref<10000x128xf32, #tpu.memory_space<hbm>>
      tpu.enqueue_indirect_dma source(%dma_start3A_29 : memref<10000x128xf32, #tpu.memory_space<hbm>>) target(%arg12 : memref<128x128xf32, #tpu.memory_space<vmem>>) offsets(%dma_start3A_26 : memref<128xi32, #tpu.memory_space<vmem>>) semaphore(%arg15 : memref<!tpu.dma_semaphore, #tpu.memory_space<semaphore_mem>>)
      %scan3A = arith.constant 0 : i32
      %scan3A_30 = arith.constant 0 : i32
      %scan3A_31 = arith.constant 79 : i32
      %scan3A_32 = arith.addi %scan3A_30, %scan3A_31 : i32
      %scan3A_33 = arith.constant 1 : i32
      scf.for %scan3A_40 = %scan3A_30 to %scan3A_32 step %scan3A_33  : i32 {
        %mul3A_41 = arith.constant 2 : i32
        %mul3A_42 = arith.muli %mul3A_41, %scan3A_40 : i32
        %add3A_43 = arith.constant 0 : i32
        %add3A_44 = arith.addi %mul3A_42, %add3A_43 : i32
        %dma_wait3A = arith.constant 0 : i32
        %dma_wait3A_45 = arith.constant 0 : i32
        %dma_wait3A_46 = tpu.memref_slice %arg9[%dma_wait3A, %dma_wait3A_45] : memref<2x128xi32, #tpu.memory_space<vmem>> -> memref<1x128xi32, #tpu.memory_space<vmem>>
        %dma_wait3A_47 = tpu.memref_squeeze %dma_wait3A_46 : memref<1x128xi32, #tpu.memory_space<vmem>> -> memref<128xi32, #tpu.memory_space<vmem>>
        %dma_wait3A_48 = arith.constant 0 : i32
        %dma_wait3A_49 = arith.constant 0 : i32
        %dma_wait3A_50 = tpu.memref_slice %arg4[%dma_wait3A_48, %dma_wait3A_49] : memref<10000x128xf32, #tpu.memory_space<hbm>> -> memref<10000x128xf32, #tpu.memory_space<hbm>>
        tpu.wait_indirect_dma semaphore(%arg14 : memref<!tpu.dma_semaphore, #tpu.memory_space<semaphore_mem>>) src(%dma_wait3A_50 : memref<10000x128xf32, #tpu.memory_space<hbm>>) dst(%arg11 : memref<128x128xf32, #tpu.memory_space<vmem>>)
        %run_scoped3A = arith.constant 0 : i32
        "tpu.region"() ({
          %run_scoped3A_76 = tpu.sem_alloc : memref<!tpu.dma_semaphore, #tpu.memory_space<semaphore_mem>>
          %dma_start3A_77 = arith.constant 0 : i32
          %dma_start3A_78 = tpu.memref_slice %arg10[%run_scoped3A, %dma_start3A_77] : memref<2x128xi32, #tpu.memory_space<vmem>> -> memref<1x128xi32, #tpu.memory_space<vmem>>
          %dma_start3A_79 = tpu.memref_squeeze %dma_start3A_78 : memref<1x128xi32, #tpu.memory_space<vmem>> -> memref<128xi32, #tpu.memory_space<vmem>>
          %dma_start3A_80 = arith.constant 0 : i32
          %dma_start3A_81 = arith.constant 0 : i32
          %dma_start3A_82 = tpu.memref_slice %arg13[%dma_start3A_80, %dma_start3A_81] : memref<10240x128xf32, #tpu.memory_space<vmem_shared>> -> memref<10240x128xf32, #tpu.memory_space<vmem_shared>>
          tpu.enqueue_indirect_dma source(%arg11 : memref<128x128xf32, #tpu.memory_space<vmem>>) target(%dma_start3A_82 : memref<10240x128xf32, #tpu.memory_space<vmem_shared>>) offsets(%dma_start3A_79 : memref<128xi32, #tpu.memory_space<vmem>>) semaphore(%run_scoped3A_76 : memref<!tpu.dma_semaphore, #tpu.memory_space<semaphore_mem>>) {add = true}
          %dma_wait3A_83 = arith.constant 0 : i32
          %dma_wait3A_84 = tpu.memref_slice %arg10[%run_scoped3A, %dma_wait3A_83] : memref<2x128xi32, #tpu.memory_space<vmem>> -> memref<1x128xi32, #tpu.memory_space<vmem>>
          %dma_wait3A_85 = tpu.memref_squeeze %dma_wait3A_84 : memref<1x128xi32, #tpu.memory_space<vmem>> -> memref<128xi32, #tpu.memory_space<vmem>>
          %dma_wait3A_86 = arith.constant 0 : i32
          %dma_wait3A_87 = arith.constant 0 : i32
          %dma_wait3A_88 = tpu.memref_slice %arg13[%dma_wait3A_86, %dma_wait3A_87] : memref<10240x128xf32, #tpu.memory_space<vmem_shared>> -> memref<10240x128xf32, #tpu.memory_space<vmem_shared>>
          tpu.wait_indirect_dma semaphore(%run_scoped3A_76 : memref<!tpu.dma_semaphore, #tpu.memory_space<semaphore_mem>>) src(%arg11 : memref<128x128xf32, #tpu.memory_space<vmem>>) dst(%dma_wait3A_88 : memref<10240x128xf32, #tpu.memory_space<vmem_shared>>)
          tpu.yield
        }) : () -> ()
        %add3A_51 = arith.constant 2 : i32
        %add3A_52 = arith.addi %add3A_44, %add3A_51 : i32
        %lt3A = arith.constant 158 : i32
        %lt3A_53 = arith.cmpi slt, %add3A_52, %lt3A : i32
        %convert_element_type3A_54 = arith.extui %lt3A_53 : i1 to i32
        %cond3A_55 = arith.constant 0 : i32
        %cond3A_56 = arith.cmpi ne, %convert_element_type3A_54, %cond3A_55 : i32
        scf.if %cond3A_56 {
          %add3A_76 = arith.addi %mul3A_9, %add3A_44 : i32
          %add3A_77 = arith.constant 2 : i32
          %add3A_78 = arith.addi %add3A_76, %add3A_77 : i32
          "tpu.region"() ({
            %run_scoped3A_86 = tpu.sem_alloc : memref<!tpu.dma_semaphore, #tpu.memory_space<semaphore_mem>>
            %dma_start3A_87 = arith.constant 0 : i32
            %dma_start3A_88 = arith.constant 0 : i32
            %dma_start3A_89 = tpu.memref_slice %arg9[%dma_start3A_87, %dma_start3A_88] : memref<2x128xi32, #tpu.memory_space<vmem>> -> memref<1x128xi32, #tpu.memory_space<vmem>>
            %dma_start3A_90 = arith.constant 0 : i32
            %dma_start3A_91 = tpu.memref_slice %arg2[%add3A_78, %dma_start3A_90] : memref<2528x128xi32, #tpu.memory_space<hbm>> -> memref<1x128xi32, #tpu.memory_space<hbm>>
            %dma_start3A_92 = arith.constant 0 : i32
            %dma_start3A_93 = arith.constant 0 : i32
            %dma_start3A_94 = tpu.memref_slice %arg9[%dma_start3A_92, %dma_start3A_93] : memref<2x128xi32, #tpu.memory_space<vmem>> -> memref<1x128xi32, #tpu.memory_space<vmem>>
            %dma_start3A_95 = arith.constant 0 : i32
            %dma_start3A_96 = tpu.memref_slice %arg2[%add3A_78, %dma_start3A_95] : memref<2528x128xi32, #tpu.memory_space<hbm>> -> memref<1x128xi32, #tpu.memory_space<hbm>>
            tpu.enqueue_dma source(%dma_start3A_96 : memref<1x128xi32, #tpu.memory_space<hbm>>) target(%dma_start3A_94 : memref<1x128xi32, #tpu.memory_space<vmem>>) target_semaphore(%run_scoped3A_86 : memref<!tpu.dma_semaphore, #tpu.memory_space<semaphore_mem>>)
            %dma_wait3A_97 = arith.constant 0 : i32
            %dma_wait3A_98 = arith.constant 0 : i32
            %dma_wait3A_99 = tpu.memref_slice %arg9[%dma_wait3A_97, %dma_wait3A_98] : memref<2x128xi32, #tpu.memory_space<vmem>> -> memref<1x128xi32, #tpu.memory_space<vmem>>
            %dma_wait3A_100 = arith.constant 0 : i32
            %dma_wait3A_101 = tpu.memref_slice %arg2[%add3A_78, %dma_wait3A_100] : memref<2528x128xi32, #tpu.memory_space<hbm>> -> memref<1x128xi32, #tpu.memory_space<hbm>>
            %dma_wait3A_102 = arith.constant 0 : i32
            %dma_wait3A_103 = arith.constant 0 : i32
            %dma_wait3A_104 = tpu.memref_slice %arg9[%dma_wait3A_102, %dma_wait3A_103] : memref<2x128xi32, #tpu.memory_space<vmem>> -> memref<1x128xi32, #tpu.memory_space<vmem>>
            %dma_wait3A_105 = arith.constant 0 : i32
            %dma_wait3A_106 = tpu.memref_slice %arg2[%add3A_78, %dma_wait3A_105] : memref<2528x128xi32, #tpu.memory_space<hbm>> -> memref<1x128xi32, #tpu.memory_space<hbm>>
            tpu.wait_dma2 semaphore(%run_scoped3A_86 : memref<!tpu.dma_semaphore, #tpu.memory_space<semaphore_mem>>) src(%dma_wait3A_106 : memref<1x128xi32, #tpu.memory_space<hbm>>) dst(%dma_wait3A_104 : memref<1x128xi32, #tpu.memory_space<vmem>>)
            tpu.yield
          }) : () -> ()
          "tpu.region"() ({
            %run_scoped3A_86 = tpu.sem_alloc : memref<!tpu.dma_semaphore, #tpu.memory_space<semaphore_mem>>
            %dma_start3A_87 = arith.constant 0 : i32
            %dma_start3A_88 = arith.constant 0 : i32
            %dma_start3A_89 = tpu.memref_slice %arg10[%dma_start3A_87, %dma_start3A_88] : memref<2x128xi32, #tpu.memory_space<vmem>> -> memref<1x128xi32, #tpu.memory_space<vmem>>
            %dma_start3A_90 = arith.constant 0 : i32
            %dma_start3A_91 = tpu.memref_slice %arg3[%add3A_78, %dma_start3A_90] : memref<2528x128xi32, #tpu.memory_space<hbm>> -> memref<1x128xi32, #tpu.memory_space<hbm>>
            %dma_start3A_92 = arith.constant 0 : i32
            %dma_start3A_93 = arith.constant 0 : i32
            %dma_start3A_94 = tpu.memref_slice %arg10[%dma_start3A_92, %dma_start3A_93] : memref<2x128xi32, #tpu.memory_space<vmem>> -> memref<1x128xi32, #tpu.memory_space<vmem>>
            %dma_start3A_95 = arith.constant 0 : i32
            %dma_start3A_96 = tpu.memref_slice %arg3[%add3A_78, %dma_start3A_95] : memref<2528x128xi32, #tpu.memory_space<hbm>> -> memref<1x128xi32, #tpu.memory_space<hbm>>
            tpu.enqueue_dma source(%dma_start3A_96 : memref<1x128xi32, #tpu.memory_space<hbm>>) target(%dma_start3A_94 : memref<1x128xi32, #tpu.memory_space<vmem>>) target_semaphore(%run_scoped3A_86 : memref<!tpu.dma_semaphore, #tpu.memory_space<semaphore_mem>>)
            %dma_wait3A_97 = arith.constant 0 : i32
            %dma_wait3A_98 = arith.constant 0 : i32
            %dma_wait3A_99 = tpu.memref_slice %arg10[%dma_wait3A_97, %dma_wait3A_98] : memref<2x128xi32, #tpu.memory_space<vmem>> -> memref<1x128xi32, #tpu.memory_space<vmem>>
            %dma_wait3A_100 = arith.constant 0 : i32
            %dma_wait3A_101 = tpu.memref_slice %arg3[%add3A_78, %dma_wait3A_100] : memref<2528x128xi32, #tpu.memory_space<hbm>> -> memref<1x128xi32, #tpu.memory_space<hbm>>
            %dma_wait3A_102 = arith.constant 0 : i32
            %dma_wait3A_103 = arith.constant 0 : i32
            %dma_wait3A_104 = tpu.memref_slice %arg10[%dma_wait3A_102, %dma_wait3A_103] : memref<2x128xi32, #tpu.memory_space<vmem>> -> memref<1x128xi32, #tpu.memory_space<vmem>>
            %dma_wait3A_105 = arith.constant 0 : i32
            %dma_wait3A_106 = tpu.memref_slice %arg3[%add3A_78, %dma_wait3A_105] : memref<2528x128xi32, #tpu.memory_space<hbm>> -> memref<1x128xi32, #tpu.memory_space<hbm>>
            tpu.wait_dma2 semaphore(%run_scoped3A_86 : memref<!tpu.dma_semaphore, #tpu.memory_space<semaphore_mem>>) src(%dma_wait3A_106 : memref<1x128xi32, #tpu.memory_space<hbm>>) dst(%dma_wait3A_104 : memref<1x128xi32, #tpu.memory_space<vmem>>)
            tpu.yield
          }) : () -> ()
          %dma_start3A_79 = arith.constant 0 : i32
          %dma_start3A_80 = arith.constant 0 : i32
          %dma_start3A_81 = tpu.memref_slice %arg9[%dma_start3A_79, %dma_start3A_80] : memref<2x128xi32, #tpu.memory_space<vmem>> -> memref<1x128xi32, #tpu.memory_space<vmem>>
          %dma_start3A_82 = tpu.memref_squeeze %dma_start3A_81 : memref<1x128xi32, #tpu.memory_space<vmem>> -> memref<128xi32, #tpu.memory_space<vmem>>
          %dma_start3A_83 = arith.constant 0 : i32
          %dma_start3A_84 = arith.constant 0 : i32
          %dma_start3A_85 = tpu.memref_slice %arg4[%dma_start3A_83, %dma_start3A_84] : memref<10000x128xf32, #tpu.memory_space<hbm>> -> memref<10000x128xf32, #tpu.memory_space<hbm>>
          tpu.enqueue_indirect_dma source(%dma_start3A_85 : memref<10000x128xf32, #tpu.memory_space<hbm>>) target(%arg11 : memref<128x128xf32, #tpu.memory_space<vmem>>) offsets(%dma_start3A_82 : memref<128xi32, #tpu.memory_space<vmem>>) semaphore(%arg14 : memref<!tpu.dma_semaphore, #tpu.memory_space<semaphore_mem>>)
        } else {
        }
        %mul3A_57 = arith.constant 2 : i32
        %mul3A_58 = arith.muli %mul3A_57, %scan3A_40 : i32
        %add3A_59 = arith.constant 1 : i32
        %add3A_60 = arith.addi %mul3A_58, %add3A_59 : i32
        %dma_wait3A_61 = arith.constant 1 : i32
        %dma_wait3A_62 = arith.constant 0 : i32
        %dma_wait3A_63 = tpu.memref_slice %arg9[%dma_wait3A_61, %dma_wait3A_62] : memref<2x128xi32, #tpu.memory_space<vmem>> -> memref<1x128xi32, #tpu.memory_space<vmem>>
        %dma_wait3A_64 = tpu.memref_squeeze %dma_wait3A_63 : memref<1x128xi32, #tpu.memory_space<vmem>> -> memref<128xi32, #tpu.memory_space<vmem>>
        %dma_wait3A_65 = arith.constant 0 : i32
        %dma_wait3A_66 = arith.constant 0 : i32
        %dma_wait3A_67 = tpu.memref_slice %arg4[%dma_wait3A_65, %dma_wait3A_66] : memref<10000x128xf32, #tpu.memory_space<hbm>> -> memref<10000x128xf32, #tpu.memory_space<hbm>>
        tpu.wait_indirect_dma semaphore(%arg15 : memref<!tpu.dma_semaphore, #tpu.memory_space<semaphore_mem>>) src(%dma_wait3A_67 : memref<10000x128xf32, #tpu.memory_space<hbm>>) dst(%arg12 : memref<128x128xf32, #tpu.memory_space<vmem>>)
        %run_scoped3A_68 = arith.constant 1 : i32
        "tpu.region"() ({
          %run_scoped3A_76 = tpu.sem_alloc : memref<!tpu.dma_semaphore, #tpu.memory_space<semaphore_mem>>
          %dma_start3A_77 = arith.constant 0 : i32
          %dma_start3A_78 = tpu.memref_slice %arg10[%run_scoped3A_68, %dma_start3A_77] : memref<2x128xi32, #tpu.memory_space<vmem>> -> memref<1x128xi32, #tpu.memory_space<vmem>>
          %dma_start3A_79 = tpu.memref_squeeze %dma_start3A_78 : memref<1x128xi32, #tpu.memory_space<vmem>> -> memref<128xi32, #tpu.memory_space<vmem>>
          %dma_start3A_80 = arith.constant 0 : i32
          %dma_start3A_81 = arith.constant 0 : i32
          %dma_start3A_82 = tpu.memref_slice %arg13[%dma_start3A_80, %dma_start3A_81] : memref<10240x128xf32, #tpu.memory_space<vmem_shared>> -> memref<10240x128xf32, #tpu.memory_space<vmem_shared>>
          tpu.enqueue_indirect_dma source(%arg12 : memref<128x128xf32, #tpu.memory_space<vmem>>) target(%dma_start3A_82 : memref<10240x128xf32, #tpu.memory_space<vmem_shared>>) offsets(%dma_start3A_79 : memref<128xi32, #tpu.memory_space<vmem>>) semaphore(%run_scoped3A_76 : memref<!tpu.dma_semaphore, #tpu.memory_space<semaphore_mem>>) {add = true}
          %dma_wait3A_83 = arith.constant 0 : i32
          %dma_wait3A_84 = tpu.memref_slice %arg10[%run_scoped3A_68, %dma_wait3A_83] : memref<2x128xi32, #tpu.memory_space<vmem>> -> memref<1x128xi32, #tpu.memory_space<vmem>>
          %dma_wait3A_85 = tpu.memref_squeeze %dma_wait3A_84 : memref<1x128xi32, #tpu.memory_space<vmem>> -> memref<128xi32, #tpu.memory_space<vmem>>
          %dma_wait3A_86 = arith.constant 0 : i32
          %dma_wait3A_87 = arith.constant 0 : i32
          %dma_wait3A_88 = tpu.memref_slice %arg13[%dma_wait3A_86, %dma_wait3A_87] : memref<10240x128xf32, #tpu.memory_space<vmem_shared>> -> memref<10240x128xf32, #tpu.memory_space<vmem_shared>>
          tpu.wait_indirect_dma semaphore(%run_scoped3A_76 : memref<!tpu.dma_semaphore, #tpu.memory_space<semaphore_mem>>) src(%arg12 : memref<128x128xf32, #tpu.memory_space<vmem>>) dst(%dma_wait3A_88 : memref<10240x128xf32, #tpu.memory_space<vmem_shared>>)
          tpu.yield
        }) : () -> ()
        %add3A_69 = arith.constant 2 : i32
        %add3A_70 = arith.addi %add3A_60, %add3A_69 : i32
        %lt3A_71 = arith.constant 158 : i32
        %lt3A_72 = arith.cmpi slt, %add3A_70, %lt3A_71 : i32
        %convert_element_type3A_73 = arith.extui %lt3A_72 : i1 to i32
        %cond3A_74 = arith.constant 0 : i32
        %cond3A_75 = arith.cmpi ne, %convert_element_type3A_73, %cond3A_74 : i32
        scf.if %cond3A_75 {
          %add3A_76 = arith.addi %mul3A_9, %add3A_60 : i32
          %add3A_77 = arith.constant 2 : i32
          %add3A_78 = arith.addi %add3A_76, %add3A_77 : i32
          "tpu.region"() ({
            %run_scoped3A_86 = tpu.sem_alloc : memref<!tpu.dma_semaphore, #tpu.memory_space<semaphore_mem>>
            %dma_start3A_87 = arith.constant 1 : i32
            %dma_start3A_88 = arith.constant 0 : i32
            %dma_start3A_89 = tpu.memref_slice %arg9[%dma_start3A_87, %dma_start3A_88] : memref<2x128xi32, #tpu.memory_space<vmem>> -> memref<1x128xi32, #tpu.memory_space<vmem>>
            %dma_start3A_90 = arith.constant 0 : i32
            %dma_start3A_91 = tpu.memref_slice %arg2[%add3A_78, %dma_start3A_90] : memref<2528x128xi32, #tpu.memory_space<hbm>> -> memref<1x128xi32, #tpu.memory_space<hbm>>
            %dma_start3A_92 = arith.constant 1 : i32
            %dma_start3A_93 = arith.constant 0 : i32
            %dma_start3A_94 = tpu.memref_slice %arg9[%dma_start3A_92, %dma_start3A_93] : memref<2x128xi32, #tpu.memory_space<vmem>> -> memref<1x128xi32, #tpu.memory_space<vmem>>
            %dma_start3A_95 = arith.constant 0 : i32
            %dma_start3A_96 = tpu.memref_slice %arg2[%add3A_78, %dma_start3A_95] : memref<2528x128xi32, #tpu.memory_space<hbm>> -> memref<1x128xi32, #tpu.memory_space<hbm>>
            tpu.enqueue_dma source(%dma_start3A_96 : memref<1x128xi32, #tpu.memory_space<hbm>>) target(%dma_start3A_94 : memref<1x128xi32, #tpu.memory_space<vmem>>) target_semaphore(%run_scoped3A_86 : memref<!tpu.dma_semaphore, #tpu.memory_space<semaphore_mem>>)
            %dma_wait3A_97 = arith.constant 1 : i32
            %dma_wait3A_98 = arith.constant 0 : i32
            %dma_wait3A_99 = tpu.memref_slice %arg9[%dma_wait3A_97, %dma_wait3A_98] : memref<2x128xi32, #tpu.memory_space<vmem>> -> memref<1x128xi32, #tpu.memory_space<vmem>>
            %dma_wait3A_100 = arith.constant 0 : i32
            %dma_wait3A_101 = tpu.memref_slice %arg2[%add3A_78, %dma_wait3A_100] : memref<2528x128xi32, #tpu.memory_space<hbm>> -> memref<1x128xi32, #tpu.memory_space<hbm>>
            %dma_wait3A_102 = arith.constant 1 : i32
            %dma_wait3A_103 = arith.constant 0 : i32
            %dma_wait3A_104 = tpu.memref_slice %arg9[%dma_wait3A_102, %dma_wait3A_103] : memref<2x128xi32, #tpu.memory_space<vmem>> -> memref<1x128xi32, #tpu.memory_space<vmem>>
            %dma_wait3A_105 = arith.constant 0 : i32
            %dma_wait3A_106 = tpu.memref_slice %arg2[%add3A_78, %dma_wait3A_105] : memref<2528x128xi32, #tpu.memory_space<hbm>> -> memref<1x128xi32, #tpu.memory_space<hbm>>
            tpu.wait_dma2 semaphore(%run_scoped3A_86 : memref<!tpu.dma_semaphore, #tpu.memory_space<semaphore_mem>>) src(%dma_wait3A_106 : memref<1x128xi32, #tpu.memory_space<hbm>>) dst(%dma_wait3A_104 : memref<1x128xi32, #tpu.memory_space<vmem>>)
            tpu.yield
          }) : () -> ()
          "tpu.region"() ({
            %run_scoped3A_86 = tpu.sem_alloc : memref<!tpu.dma_semaphore, #tpu.memory_space<semaphore_mem>>
            %dma_start3A_87 = arith.constant 1 : i32
            %dma_start3A_88 = arith.constant 0 : i32
            %dma_start3A_89 = tpu.memref_slice %arg10[%dma_start3A_87, %dma_start3A_88] : memref<2x128xi32, #tpu.memory_space<vmem>> -> memref<1x128xi32, #tpu.memory_space<vmem>>
            %dma_start3A_90 = arith.constant 0 : i32
            %dma_start3A_91 = tpu.memref_slice %arg3[%add3A_78, %dma_start3A_90] : memref<2528x128xi32, #tpu.memory_space<hbm>> -> memref<1x128xi32, #tpu.memory_space<hbm>>
            %dma_start3A_92 = arith.constant 1 : i32
            %dma_start3A_93 = arith.constant 0 : i32
            %dma_start3A_94 = tpu.memref_slice %arg10[%dma_start3A_92, %dma_start3A_93] : memref<2x128xi32, #tpu.memory_space<vmem>> -> memref<1x128xi32, #tpu.memory_space<vmem>>
            %dma_start3A_95 = arith.constant 0 : i32
            %dma_start3A_96 = tpu.memref_slice %arg3[%add3A_78, %dma_start3A_95] : memref<2528x128xi32, #tpu.memory_space<hbm>> -> memref<1x128xi32, #tpu.memory_space<hbm>>
            tpu.enqueue_dma source(%dma_start3A_96 : memref<1x128xi32, #tpu.memory_space<hbm>>) target(%dma_start3A_94 : memref<1x128xi32, #tpu.memory_space<vmem>>) target_semaphore(%run_scoped3A_86 : memref<!tpu.dma_semaphore, #tpu.memory_space<semaphore_mem>>)
            %dma_wait3A_97 = arith.constant 1 : i32
            %dma_wait3A_98 = arith.constant 0 : i32
            %dma_wait3A_99 = tpu.memref_slice %arg10[%dma_wait3A_97, %dma_wait3A_98] : memref<2x128xi32, #tpu.memory_space<vmem>> -> memref<1x128xi32, #tpu.memory_space<vmem>>
            %dma_wait3A_100 = arith.constant 0 : i32
            %dma_wait3A_101 = tpu.memref_slice %arg3[%add3A_78, %dma_wait3A_100] : memref<2528x128xi32, #tpu.memory_space<hbm>> -> memref<1x128xi32, #tpu.memory_space<hbm>>
            %dma_wait3A_102 = arith.constant 1 : i32
            %dma_wait3A_103 = arith.constant 0 : i32
            %dma_wait3A_104 = tpu.memref_slice %arg10[%dma_wait3A_102, %dma_wait3A_103] : memref<2x128xi32, #tpu.memory_space<vmem>> -> memref<1x128xi32, #tpu.memory_space<vmem>>
            %dma_wait3A_105 = arith.constant 0 : i32
            %dma_wait3A_106 = tpu.memref_slice %arg3[%add3A_78, %dma_wait3A_105] : memref<2528x128xi32, #tpu.memory_space<hbm>> -> memref<1x128xi32, #tpu.memory_space<hbm>>
            tpu.wait_dma2 semaphore(%run_scoped3A_86 : memref<!tpu.dma_semaphore, #tpu.memory_space<semaphore_mem>>) src(%dma_wait3A_106 : memref<1x128xi32, #tpu.memory_space<hbm>>) dst(%dma_wait3A_104 : memref<1x128xi32, #tpu.memory_space<vmem>>)
            tpu.yield
          }) : () -> ()
          %dma_start3A_79 = arith.constant 1 : i32
          %dma_start3A_80 = arith.constant 0 : i32
          %dma_start3A_81 = tpu.memref_slice %arg9[%dma_start3A_79, %dma_start3A_80] : memref<2x128xi32, #tpu.memory_space<vmem>> -> memref<1x128xi32, #tpu.memory_space<vmem>>
          %dma_start3A_82 = tpu.memref_squeeze %dma_start3A_81 : memref<1x128xi32, #tpu.memory_space<vmem>> -> memref<128xi32, #tpu.memory_space<vmem>>
          %dma_start3A_83 = arith.constant 0 : i32
          %dma_start3A_84 = arith.constant 0 : i32
          %dma_start3A_85 = tpu.memref_slice %arg4[%dma_start3A_83, %dma_start3A_84] : memref<10000x128xf32, #tpu.memory_space<hbm>> -> memref<10000x128xf32, #tpu.memory_space<hbm>>
          tpu.enqueue_indirect_dma source(%dma_start3A_85 : memref<10000x128xf32, #tpu.memory_space<hbm>>) target(%arg12 : memref<128x128xf32, #tpu.memory_space<vmem>>) offsets(%dma_start3A_82 : memref<128xi32, #tpu.memory_space<vmem>>) semaphore(%arg15 : memref<!tpu.dma_semaphore, #tpu.memory_space<semaphore_mem>>)
        } else {
        }
      }
      %scan3A_34 = arith.constant 79 : i32
      %barrier3A_35 = arith.constant 0 : index
      tpu.barrier barrier_id(%barrier3A_35)
      %mul3A_36 = arith.constant 640 : i32
      %mul3A_37 = arith.muli %arg1, %mul3A_36 : i32
      %mul3A_38 = arith.constant 640 : i32
      %mul3A_39 = arith.muli %arg1, %mul3A_38 : i32
      "tpu.region"() ({
        %run_scoped3A = tpu.sem_alloc : memref<!tpu.dma_semaphore, #tpu.memory_space<semaphore_mem>>
        %dma_start3A_40 = arith.constant 0 : i32
        %dma_start3A_41 = tpu.memref_slice %arg7[%mul3A_39, %dma_start3A_40] : memref<10240x128xf32, #tpu.memory_space<hbm>> -> memref<640x128xf32, #tpu.memory_space<hbm>>
        %dma_start3A_42 = arith.constant 0 : i32
        %dma_start3A_43 = tpu.memref_slice %arg13[%mul3A_37, %dma_start3A_42] : memref<10240x128xf32, #tpu.memory_space<vmem_shared>> -> memref<640x128xf32, #tpu.memory_space<vmem_shared>>
        tpu.enqueue_dma source(%dma_start3A_43 : memref<640x128xf32, #tpu.memory_space<vmem_shared>>) target(%dma_start3A_41 : memref<640x128xf32, #tpu.memory_space<hbm>>) target_semaphore(%run_scoped3A : memref<!tpu.dma_semaphore, #tpu.memory_space<semaphore_mem>>)
        %dma_wait3A = arith.constant 0 : i32
        %dma_wait3A_44 = tpu.memref_slice %arg7[%mul3A_39, %dma_wait3A] : memref<10240x128xf32, #tpu.memory_space<hbm>> -> memref<640x128xf32, #tpu.memory_space<hbm>>
        %dma_wait3A_45 = arith.constant 0 : i32
        %dma_wait3A_46 = tpu.memref_slice %arg13[%mul3A_37, %dma_wait3A_45] : memref<10240x128xf32, #tpu.memory_space<vmem_shared>> -> memref<640x128xf32, #tpu.memory_space<vmem_shared>>
        tpu.wait_dma2 semaphore(%run_scoped3A : memref<!tpu.dma_semaphore, #tpu.memory_space<semaphore_mem>>) src(%dma_wait3A_46 : memref<640x128xf32, #tpu.memory_space<vmem_shared>>) dst(%dma_wait3A_44 : memref<640x128xf32, #tpu.memory_space<hbm>>)
        tpu.yield
      }) : () -> ()
    } else {
    }
    %eq3A_3 = arith.constant 1 : i32
    %eq3A_4 = arith.cmpi eq, %arg0, %eq3A_3 : i32
    %convert_element_type3A_5 = arith.extui %eq3A_4 : i1 to i32
    %cond3A_6 = arith.constant 0 : i32
    %cond3A_7 = arith.cmpi ne, %convert_element_type3A_5, %cond3A_6 : i32
    scf.if %cond3A_7 {
      %mul3A_8 = arith.constant 158 : i32
      %mul3A_9 = arith.muli %arg1, %mul3A_8 : i32
      %add3A = arith.constant 0 : i32
      %add3A_10 = arith.addi %mul3A_9, %add3A : i32
      "tpu.region"() ({
        %run_scoped3A = tpu.sem_alloc : memref<!tpu.dma_semaphore, #tpu.memory_space<semaphore_mem>>
        %dma_start3A_40 = arith.constant 0 : i32
        %dma_start3A_41 = arith.constant 0 : i32
        %dma_start3A_42 = tpu.memref_slice %arg9[%dma_start3A_40, %dma_start3A_41] : memref<2x128xi32, #tpu.memory_space<vmem>> -> memref<1x128xi32, #tpu.memory_space<vmem>>
        %dma_start3A_43 = arith.constant 0 : i32
        %dma_start3A_44 = tpu.memref_slice %arg2[%add3A_10, %dma_start3A_43] : memref<2528x128xi32, #tpu.memory_space<hbm>> -> memref<1x128xi32, #tpu.memory_space<hbm>>
        %dma_start3A_45 = arith.constant 0 : i32
        %dma_start3A_46 = arith.constant 0 : i32
        %dma_start3A_47 = tpu.memref_slice %arg9[%dma_start3A_45, %dma_start3A_46] : memref<2x128xi32, #tpu.memory_space<vmem>> -> memref<1x128xi32, #tpu.memory_space<vmem>>
        %dma_start3A_48 = arith.constant 0 : i32
        %dma_start3A_49 = tpu.memref_slice %arg2[%add3A_10, %dma_start3A_48] : memref<2528x128xi32, #tpu.memory_space<hbm>> -> memref<1x128xi32, #tpu.memory_space<hbm>>
        tpu.enqueue_dma source(%dma_start3A_49 : memref<1x128xi32, #tpu.memory_space<hbm>>) target(%dma_start3A_47 : memref<1x128xi32, #tpu.memory_space<vmem>>) target_semaphore(%run_scoped3A : memref<!tpu.dma_semaphore, #tpu.memory_space<semaphore_mem>>)
        %dma_wait3A = arith.constant 0 : i32
        %dma_wait3A_50 = arith.constant 0 : i32
        %dma_wait3A_51 = tpu.memref_slice %arg9[%dma_wait3A, %dma_wait3A_50] : memref<2x128xi32, #tpu.memory_space<vmem>> -> memref<1x128xi32, #tpu.memory_space<vmem>>
        %dma_wait3A_52 = arith.constant 0 : i32
        %dma_wait3A_53 = tpu.memref_slice %arg2[%add3A_10, %dma_wait3A_52] : memref<2528x128xi32, #tpu.memory_space<hbm>> -> memref<1x128xi32, #tpu.memory_space<hbm>>
        %dma_wait3A_54 = arith.constant 0 : i32
        %dma_wait3A_55 = arith.constant 0 : i32
        %dma_wait3A_56 = tpu.memref_slice %arg9[%dma_wait3A_54, %dma_wait3A_55] : memref<2x128xi32, #tpu.memory_space<vmem>> -> memref<1x128xi32, #tpu.memory_space<vmem>>
        %dma_wait3A_57 = arith.constant 0 : i32
        %dma_wait3A_58 = tpu.memref_slice %arg2[%add3A_10, %dma_wait3A_57] : memref<2528x128xi32, #tpu.memory_space<hbm>> -> memref<1x128xi32, #tpu.memory_space<hbm>>
        tpu.wait_dma2 semaphore(%run_scoped3A : memref<!tpu.dma_semaphore, #tpu.memory_space<semaphore_mem>>) src(%dma_wait3A_58 : memref<1x128xi32, #tpu.memory_space<hbm>>) dst(%dma_wait3A_56 : memref<1x128xi32, #tpu.memory_space<vmem>>)
        tpu.yield
      }) : () -> ()
      %add3A_11 = arith.constant 0 : i32
      %add3A_12 = arith.addi %mul3A_9, %add3A_11 : i32
      "tpu.region"() ({
        %run_scoped3A = tpu.sem_alloc : memref<!tpu.dma_semaphore, #tpu.memory_space<semaphore_mem>>
        %dma_start3A_40 = arith.constant 0 : i32
        %dma_start3A_41 = arith.constant 0 : i32
        %dma_start3A_42 = tpu.memref_slice %arg10[%dma_start3A_40, %dma_start3A_41] : memref<2x128xi32, #tpu.memory_space<vmem>> -> memref<1x128xi32, #tpu.memory_space<vmem>>
        %dma_start3A_43 = arith.constant 0 : i32
        %dma_start3A_44 = tpu.memref_slice %arg3[%add3A_12, %dma_start3A_43] : memref<2528x128xi32, #tpu.memory_space<hbm>> -> memref<1x128xi32, #tpu.memory_space<hbm>>
        %dma_start3A_45 = arith.constant 0 : i32
        %dma_start3A_46 = arith.constant 0 : i32
        %dma_start3A_47 = tpu.memref_slice %arg10[%dma_start3A_45, %dma_start3A_46] : memref<2x128xi32, #tpu.memory_space<vmem>> -> memref<1x128xi32, #tpu.memory_space<vmem>>
        %dma_start3A_48 = arith.constant 0 : i32
        %dma_start3A_49 = tpu.memref_slice %arg3[%add3A_12, %dma_start3A_48] : memref<2528x128xi32, #tpu.memory_space<hbm>> -> memref<1x128xi32, #tpu.memory_space<hbm>>
        tpu.enqueue_dma source(%dma_start3A_49 : memref<1x128xi32, #tpu.memory_space<hbm>>) target(%dma_start3A_47 : memref<1x128xi32, #tpu.memory_space<vmem>>) target_semaphore(%run_scoped3A : memref<!tpu.dma_semaphore, #tpu.memory_space<semaphore_mem>>)
        %dma_wait3A = arith.constant 0 : i32
        %dma_wait3A_50 = arith.constant 0 : i32
        %dma_wait3A_51 = tpu.memref_slice %arg10[%dma_wait3A, %dma_wait3A_50] : memref<2x128xi32, #tpu.memory_space<vmem>> -> memref<1x128xi32, #tpu.memory_space<vmem>>
        %dma_wait3A_52 = arith.constant 0 : i32
        %dma_wait3A_53 = tpu.memref_slice %arg3[%add3A_12, %dma_wait3A_52] : memref<2528x128xi32, #tpu.memory_space<hbm>> -> memref<1x128xi32, #tpu.memory_space<hbm>>
        %dma_wait3A_54 = arith.constant 0 : i32
        %dma_wait3A_55 = arith.constant 0 : i32
        %dma_wait3A_56 = tpu.memref_slice %arg10[%dma_wait3A_54, %dma_wait3A_55] : memref<2x128xi32, #tpu.memory_space<vmem>> -> memref<1x128xi32, #tpu.memory_space<vmem>>
        %dma_wait3A_57 = arith.constant 0 : i32
        %dma_wait3A_58 = tpu.memref_slice %arg3[%add3A_12, %dma_wait3A_57] : memref<2528x128xi32, #tpu.memory_space<hbm>> -> memref<1x128xi32, #tpu.memory_space<hbm>>
        tpu.wait_dma2 semaphore(%run_scoped3A : memref<!tpu.dma_semaphore, #tpu.memory_space<semaphore_mem>>) src(%dma_wait3A_58 : memref<1x128xi32, #tpu.memory_space<hbm>>) dst(%dma_wait3A_56 : memref<1x128xi32, #tpu.memory_space<vmem>>)
        tpu.yield
      }) : () -> ()
      %dma_start3A = arith.constant 0 : i32
      %dma_start3A_13 = arith.constant 0 : i32
      %dma_start3A_14 = tpu.memref_slice %arg9[%dma_start3A, %dma_start3A_13] : memref<2x128xi32, #tpu.memory_space<vmem>> -> memref<1x128xi32, #tpu.memory_space<vmem>>
      %dma_start3A_15 = tpu.memref_squeeze %dma_start3A_14 : memref<1x128xi32, #tpu.memory_space<vmem>> -> memref<128xi32, #tpu.memory_space<vmem>>
      %dma_start3A_16 = arith.constant 0 : i32
      %dma_start3A_17 = arith.constant 0 : i32
      %dma_start3A_18 = tpu.memref_slice %arg5[%dma_start3A_16, %dma_start3A_17] : memref<10000x128xf32, #tpu.memory_space<hbm>> -> memref<10000x128xf32, #tpu.memory_space<hbm>>
      tpu.enqueue_indirect_dma source(%dma_start3A_18 : memref<10000x128xf32, #tpu.memory_space<hbm>>) target(%arg11 : memref<128x128xf32, #tpu.memory_space<vmem>>) offsets(%dma_start3A_15 : memref<128xi32, #tpu.memory_space<vmem>>) semaphore(%arg14 : memref<!tpu.dma_semaphore, #tpu.memory_space<semaphore_mem>>)
      %add3A_19 = arith.constant 1 : i32
      %add3A_20 = arith.addi %mul3A_9, %add3A_19 : i32
      "tpu.region"() ({
        %run_scoped3A = tpu.sem_alloc : memref<!tpu.dma_semaphore, #tpu.memory_space<semaphore_mem>>
        %dma_start3A_40 = arith.constant 1 : i32
        %dma_start3A_41 = arith.constant 0 : i32
        %dma_start3A_42 = tpu.memref_slice %arg9[%dma_start3A_40, %dma_start3A_41] : memref<2x128xi32, #tpu.memory_space<vmem>> -> memref<1x128xi32, #tpu.memory_space<vmem>>
        %dma_start3A_43 = arith.constant 0 : i32
        %dma_start3A_44 = tpu.memref_slice %arg2[%add3A_20, %dma_start3A_43] : memref<2528x128xi32, #tpu.memory_space<hbm>> -> memref<1x128xi32, #tpu.memory_space<hbm>>
        %dma_start3A_45 = arith.constant 1 : i32
        %dma_start3A_46 = arith.constant 0 : i32
        %dma_start3A_47 = tpu.memref_slice %arg9[%dma_start3A_45, %dma_start3A_46] : memref<2x128xi32, #tpu.memory_space<vmem>> -> memref<1x128xi32, #tpu.memory_space<vmem>>
        %dma_start3A_48 = arith.constant 0 : i32
        %dma_start3A_49 = tpu.memref_slice %arg2[%add3A_20, %dma_start3A_48] : memref<2528x128xi32, #tpu.memory_space<hbm>> -> memref<1x128xi32, #tpu.memory_space<hbm>>
        tpu.enqueue_dma source(%dma_start3A_49 : memref<1x128xi32, #tpu.memory_space<hbm>>) target(%dma_start3A_47 : memref<1x128xi32, #tpu.memory_space<vmem>>) target_semaphore(%run_scoped3A : memref<!tpu.dma_semaphore, #tpu.memory_space<semaphore_mem>>)
        %dma_wait3A = arith.constant 1 : i32
        %dma_wait3A_50 = arith.constant 0 : i32
        %dma_wait3A_51 = tpu.memref_slice %arg9[%dma_wait3A, %dma_wait3A_50] : memref<2x128xi32, #tpu.memory_space<vmem>> -> memref<1x128xi32, #tpu.memory_space<vmem>>
        %dma_wait3A_52 = arith.constant 0 : i32
        %dma_wait3A_53 = tpu.memref_slice %arg2[%add3A_20, %dma_wait3A_52] : memref<2528x128xi32, #tpu.memory_space<hbm>> -> memref<1x128xi32, #tpu.memory_space<hbm>>
        %dma_wait3A_54 = arith.constant 1 : i32
        %dma_wait3A_55 = arith.constant 0 : i32
        %dma_wait3A_56 = tpu.memref_slice %arg9[%dma_wait3A_54, %dma_wait3A_55] : memref<2x128xi32, #tpu.memory_space<vmem>> -> memref<1x128xi32, #tpu.memory_space<vmem>>
        %dma_wait3A_57 = arith.constant 0 : i32
        %dma_wait3A_58 = tpu.memref_slice %arg2[%add3A_20, %dma_wait3A_57] : memref<2528x128xi32, #tpu.memory_space<hbm>> -> memref<1x128xi32, #tpu.memory_space<hbm>>
        tpu.wait_dma2 semaphore(%run_scoped3A : memref<!tpu.dma_semaphore, #tpu.memory_space<semaphore_mem>>) src(%dma_wait3A_58 : memref<1x128xi32, #tpu.memory_space<hbm>>) dst(%dma_wait3A_56 : memref<1x128xi32, #tpu.memory_space<vmem>>)
        tpu.yield
      }) : () -> ()
      %add3A_21 = arith.constant 1 : i32
      %add3A_22 = arith.addi %mul3A_9, %add3A_21 : i32
      "tpu.region"() ({
        %run_scoped3A = tpu.sem_alloc : memref<!tpu.dma_semaphore, #tpu.memory_space<semaphore_mem>>
        %dma_start3A_40 = arith.constant 1 : i32
        %dma_start3A_41 = arith.constant 0 : i32
        %dma_start3A_42 = tpu.memref_slice %arg10[%dma_start3A_40, %dma_start3A_41] : memref<2x128xi32, #tpu.memory_space<vmem>> -> memref<1x128xi32, #tpu.memory_space<vmem>>
        %dma_start3A_43 = arith.constant 0 : i32
        %dma_start3A_44 = tpu.memref_slice %arg3[%add3A_22, %dma_start3A_43] : memref<2528x128xi32, #tpu.memory_space<hbm>> -> memref<1x128xi32, #tpu.memory_space<hbm>>
        %dma_start3A_45 = arith.constant 1 : i32
        %dma_start3A_46 = arith.constant 0 : i32
        %dma_start3A_47 = tpu.memref_slice %arg10[%dma_start3A_45, %dma_start3A_46] : memref<2x128xi32, #tpu.memory_space<vmem>> -> memref<1x128xi32, #tpu.memory_space<vmem>>
        %dma_start3A_48 = arith.constant 0 : i32
        %dma_start3A_49 = tpu.memref_slice %arg3[%add3A_22, %dma_start3A_48] : memref<2528x128xi32, #tpu.memory_space<hbm>> -> memref<1x128xi32, #tpu.memory_space<hbm>>
        tpu.enqueue_dma source(%dma_start3A_49 : memref<1x128xi32, #tpu.memory_space<hbm>>) target(%dma_start3A_47 : memref<1x128xi32, #tpu.memory_space<vmem>>) target_semaphore(%run_scoped3A : memref<!tpu.dma_semaphore, #tpu.memory_space<semaphore_mem>>)
        %dma_wait3A = arith.constant 1 : i32
        %dma_wait3A_50 = arith.constant 0 : i32
        %dma_wait3A_51 = tpu.memref_slice %arg10[%dma_wait3A, %dma_wait3A_50] : memref<2x128xi32, #tpu.memory_space<vmem>> -> memref<1x128xi32, #tpu.memory_space<vmem>>
        %dma_wait3A_52 = arith.constant 0 : i32
        %dma_wait3A_53 = tpu.memref_slice %arg3[%add3A_22, %dma_wait3A_52] : memref<2528x128xi32, #tpu.memory_space<hbm>> -> memref<1x128xi32, #tpu.memory_space<hbm>>
        %dma_wait3A_54 = arith.constant 1 : i32
        %dma_wait3A_55 = arith.constant 0 : i32
        %dma_wait3A_56 = tpu.memref_slice %arg10[%dma_wait3A_54, %dma_wait3A_55] : memref<2x128xi32, #tpu.memory_space<vmem>> -> memref<1x128xi32, #tpu.memory_space<vmem>>
        %dma_wait3A_57 = arith.constant 0 : i32
        %dma_wait3A_58 = tpu.memref_slice %arg3[%add3A_22, %dma_wait3A_57] : memref<2528x128xi32, #tpu.memory_space<hbm>> -> memref<1x128xi32, #tpu.memory_space<hbm>>
        tpu.wait_dma2 semaphore(%run_scoped3A : memref<!tpu.dma_semaphore, #tpu.memory_space<semaphore_mem>>) src(%dma_wait3A_58 : memref<1x128xi32, #tpu.memory_space<hbm>>) dst(%dma_wait3A_56 : memref<1x128xi32, #tpu.memory_space<vmem>>)
        tpu.yield
      }) : () -> ()
      %dma_start3A_23 = arith.constant 1 : i32
      %dma_start3A_24 = arith.constant 0 : i32
      %dma_start3A_25 = tpu.memref_slice %arg9[%dma_start3A_23, %dma_start3A_24] : memref<2x128xi32, #tpu.memory_space<vmem>> -> memref<1x128xi32, #tpu.memory_space<vmem>>
      %dma_start3A_26 = tpu.memref_squeeze %dma_start3A_25 : memref<1x128xi32, #tpu.memory_space<vmem>> -> memref<128xi32, #tpu.memory_space<vmem>>
      %dma_start3A_27 = arith.constant 0 : i32
      %dma_start3A_28 = arith.constant 0 : i32
      %dma_start3A_29 = tpu.memref_slice %arg5[%dma_start3A_27, %dma_start3A_28] : memref<10000x128xf32, #tpu.memory_space<hbm>> -> memref<10000x128xf32, #tpu.memory_space<hbm>>
      tpu.enqueue_indirect_dma source(%dma_start3A_29 : memref<10000x128xf32, #tpu.memory_space<hbm>>) target(%arg12 : memref<128x128xf32, #tpu.memory_space<vmem>>) offsets(%dma_start3A_26 : memref<128xi32, #tpu.memory_space<vmem>>) semaphore(%arg15 : memref<!tpu.dma_semaphore, #tpu.memory_space<semaphore_mem>>)
      %scan3A = arith.constant 0 : i32
      %scan3A_30 = arith.constant 0 : i32
      %scan3A_31 = arith.constant 79 : i32
      %scan3A_32 = arith.addi %scan3A_30, %scan3A_31 : i32
      %scan3A_33 = arith.constant 1 : i32
      scf.for %scan3A_40 = %scan3A_30 to %scan3A_32 step %scan3A_33  : i32 {
        %mul3A_41 = arith.constant 2 : i32
        %mul3A_42 = arith.muli %mul3A_41, %scan3A_40 : i32
        %add3A_43 = arith.constant 0 : i32
        %add3A_44 = arith.addi %mul3A_42, %add3A_43 : i32
        %dma_wait3A = arith.constant 0 : i32
        %dma_wait3A_45 = arith.constant 0 : i32
        %dma_wait3A_46 = tpu.memref_slice %arg9[%dma_wait3A, %dma_wait3A_45] : memref<2x128xi32, #tpu.memory_space<vmem>> -> memref<1x128xi32, #tpu.memory_space<vmem>>
        %dma_wait3A_47 = tpu.memref_squeeze %dma_wait3A_46 : memref<1x128xi32, #tpu.memory_space<vmem>> -> memref<128xi32, #tpu.memory_space<vmem>>
        %dma_wait3A_48 = arith.constant 0 : i32
        %dma_wait3A_49 = arith.constant 0 : i32
        %dma_wait3A_50 = tpu.memref_slice %arg5[%dma_wait3A_48, %dma_wait3A_49] : memref<10000x128xf32, #tpu.memory_space<hbm>> -> memref<10000x128xf32, #tpu.memory_space<hbm>>
        tpu.wait_indirect_dma semaphore(%arg14 : memref<!tpu.dma_semaphore, #tpu.memory_space<semaphore_mem>>) src(%dma_wait3A_50 : memref<10000x128xf32, #tpu.memory_space<hbm>>) dst(%arg11 : memref<128x128xf32, #tpu.memory_space<vmem>>)
        %run_scoped3A = arith.constant 0 : i32
        "tpu.region"() ({
          %run_scoped3A_76 = tpu.sem_alloc : memref<!tpu.dma_semaphore, #tpu.memory_space<semaphore_mem>>
          %dma_start3A_77 = arith.constant 0 : i32
          %dma_start3A_78 = tpu.memref_slice %arg10[%run_scoped3A, %dma_start3A_77] : memref<2x128xi32, #tpu.memory_space<vmem>> -> memref<1x128xi32, #tpu.memory_space<vmem>>
          %dma_start3A_79 = tpu.memref_squeeze %dma_start3A_78 : memref<1x128xi32, #tpu.memory_space<vmem>> -> memref<128xi32, #tpu.memory_space<vmem>>
          %dma_start3A_80 = arith.constant 0 : i32
          %dma_start3A_81 = arith.constant 0 : i32
          %dma_start3A_82 = tpu.memref_slice %arg13[%dma_start3A_80, %dma_start3A_81] : memref<10240x128xf32, #tpu.memory_space<vmem_shared>> -> memref<10240x128xf32, #tpu.memory_space<vmem_shared>>
          tpu.enqueue_indirect_dma source(%arg11 : memref<128x128xf32, #tpu.memory_space<vmem>>) target(%dma_start3A_82 : memref<10240x128xf32, #tpu.memory_space<vmem_shared>>) offsets(%dma_start3A_79 : memref<128xi32, #tpu.memory_space<vmem>>) semaphore(%run_scoped3A_76 : memref<!tpu.dma_semaphore, #tpu.memory_space<semaphore_mem>>) {add = true}
          %dma_wait3A_83 = arith.constant 0 : i32
          %dma_wait3A_84 = tpu.memref_slice %arg10[%run_scoped3A, %dma_wait3A_83] : memref<2x128xi32, #tpu.memory_space<vmem>> -> memref<1x128xi32, #tpu.memory_space<vmem>>
          %dma_wait3A_85 = tpu.memref_squeeze %dma_wait3A_84 : memref<1x128xi32, #tpu.memory_space<vmem>> -> memref<128xi32, #tpu.memory_space<vmem>>
          %dma_wait3A_86 = arith.constant 0 : i32
          %dma_wait3A_87 = arith.constant 0 : i32
          %dma_wait3A_88 = tpu.memref_slice %arg13[%dma_wait3A_86, %dma_wait3A_87] : memref<10240x128xf32, #tpu.memory_space<vmem_shared>> -> memref<10240x128xf32, #tpu.memory_space<vmem_shared>>
          tpu.wait_indirect_dma semaphore(%run_scoped3A_76 : memref<!tpu.dma_semaphore, #tpu.memory_space<semaphore_mem>>) src(%arg11 : memref<128x128xf32, #tpu.memory_space<vmem>>) dst(%dma_wait3A_88 : memref<10240x128xf32, #tpu.memory_space<vmem_shared>>)
          tpu.yield
        }) : () -> ()
        %add3A_51 = arith.constant 2 : i32
        %add3A_52 = arith.addi %add3A_44, %add3A_51 : i32
        %lt3A = arith.constant 158 : i32
        %lt3A_53 = arith.cmpi slt, %add3A_52, %lt3A : i32
        %convert_element_type3A_54 = arith.extui %lt3A_53 : i1 to i32
        %cond3A_55 = arith.constant 0 : i32
        %cond3A_56 = arith.cmpi ne, %convert_element_type3A_54, %cond3A_55 : i32
        scf.if %cond3A_56 {
          %add3A_76 = arith.addi %mul3A_9, %add3A_44 : i32
          %add3A_77 = arith.constant 2 : i32
          %add3A_78 = arith.addi %add3A_76, %add3A_77 : i32
          "tpu.region"() ({
            %run_scoped3A_86 = tpu.sem_alloc : memref<!tpu.dma_semaphore, #tpu.memory_space<semaphore_mem>>
            %dma_start3A_87 = arith.constant 0 : i32
            %dma_start3A_88 = arith.constant 0 : i32
            %dma_start3A_89 = tpu.memref_slice %arg9[%dma_start3A_87, %dma_start3A_88] : memref<2x128xi32, #tpu.memory_space<vmem>> -> memref<1x128xi32, #tpu.memory_space<vmem>>
            %dma_start3A_90 = arith.constant 0 : i32
            %dma_start3A_91 = tpu.memref_slice %arg2[%add3A_78, %dma_start3A_90] : memref<2528x128xi32, #tpu.memory_space<hbm>> -> memref<1x128xi32, #tpu.memory_space<hbm>>
            %dma_start3A_92 = arith.constant 0 : i32
            %dma_start3A_93 = arith.constant 0 : i32
            %dma_start3A_94 = tpu.memref_slice %arg9[%dma_start3A_92, %dma_start3A_93] : memref<2x128xi32, #tpu.memory_space<vmem>> -> memref<1x128xi32, #tpu.memory_space<vmem>>
            %dma_start3A_95 = arith.constant 0 : i32
            %dma_start3A_96 = tpu.memref_slice %arg2[%add3A_78, %dma_start3A_95] : memref<2528x128xi32, #tpu.memory_space<hbm>> -> memref<1x128xi32, #tpu.memory_space<hbm>>
            tpu.enqueue_dma source(%dma_start3A_96 : memref<1x128xi32, #tpu.memory_space<hbm>>) target(%dma_start3A_94 : memref<1x128xi32, #tpu.memory_space<vmem>>) target_semaphore(%run_scoped3A_86 : memref<!tpu.dma_semaphore, #tpu.memory_space<semaphore_mem>>)
            %dma_wait3A_97 = arith.constant 0 : i32
            %dma_wait3A_98 = arith.constant 0 : i32
            %dma_wait3A_99 = tpu.memref_slice %arg9[%dma_wait3A_97, %dma_wait3A_98] : memref<2x128xi32, #tpu.memory_space<vmem>> -> memref<1x128xi32, #tpu.memory_space<vmem>>
            %dma_wait3A_100 = arith.constant 0 : i32
            %dma_wait3A_101 = tpu.memref_slice %arg2[%add3A_78, %dma_wait3A_100] : memref<2528x128xi32, #tpu.memory_space<hbm>> -> memref<1x128xi32, #tpu.memory_space<hbm>>
            %dma_wait3A_102 = arith.constant 0 : i32
            %dma_wait3A_103 = arith.constant 0 : i32
            %dma_wait3A_104 = tpu.memref_slice %arg9[%dma_wait3A_102, %dma_wait3A_103] : memref<2x128xi32, #tpu.memory_space<vmem>> -> memref<1x128xi32, #tpu.memory_space<vmem>>
            %dma_wait3A_105 = arith.constant 0 : i32
            %dma_wait3A_106 = tpu.memref_slice %arg2[%add3A_78, %dma_wait3A_105] : memref<2528x128xi32, #tpu.memory_space<hbm>> -> memref<1x128xi32, #tpu.memory_space<hbm>>
            tpu.wait_dma2 semaphore(%run_scoped3A_86 : memref<!tpu.dma_semaphore, #tpu.memory_space<semaphore_mem>>) src(%dma_wait3A_106 : memref<1x128xi32, #tpu.memory_space<hbm>>) dst(%dma_wait3A_104 : memref<1x128xi32, #tpu.memory_space<vmem>>)
            tpu.yield
          }) : () -> ()
          "tpu.region"() ({
            %run_scoped3A_86 = tpu.sem_alloc : memref<!tpu.dma_semaphore, #tpu.memory_space<semaphore_mem>>
            %dma_start3A_87 = arith.constant 0 : i32
            %dma_start3A_88 = arith.constant 0 : i32
            %dma_start3A_89 = tpu.memref_slice %arg10[%dma_start3A_87, %dma_start3A_88] : memref<2x128xi32, #tpu.memory_space<vmem>> -> memref<1x128xi32, #tpu.memory_space<vmem>>
            %dma_start3A_90 = arith.constant 0 : i32
            %dma_start3A_91 = tpu.memref_slice %arg3[%add3A_78, %dma_start3A_90] : memref<2528x128xi32, #tpu.memory_space<hbm>> -> memref<1x128xi32, #tpu.memory_space<hbm>>
            %dma_start3A_92 = arith.constant 0 : i32
            %dma_start3A_93 = arith.constant 0 : i32
            %dma_start3A_94 = tpu.memref_slice %arg10[%dma_start3A_92, %dma_start3A_93] : memref<2x128xi32, #tpu.memory_space<vmem>> -> memref<1x128xi32, #tpu.memory_space<vmem>>
            %dma_start3A_95 = arith.constant 0 : i32
            %dma_start3A_96 = tpu.memref_slice %arg3[%add3A_78, %dma_start3A_95] : memref<2528x128xi32, #tpu.memory_space<hbm>> -> memref<1x128xi32, #tpu.memory_space<hbm>>
            tpu.enqueue_dma source(%dma_start3A_96 : memref<1x128xi32, #tpu.memory_space<hbm>>) target(%dma_start3A_94 : memref<1x128xi32, #tpu.memory_space<vmem>>) target_semaphore(%run_scoped3A_86 : memref<!tpu.dma_semaphore, #tpu.memory_space<semaphore_mem>>)
            %dma_wait3A_97 = arith.constant 0 : i32
            %dma_wait3A_98 = arith.constant 0 : i32
            %dma_wait3A_99 = tpu.memref_slice %arg10[%dma_wait3A_97, %dma_wait3A_98] : memref<2x128xi32, #tpu.memory_space<vmem>> -> memref<1x128xi32, #tpu.memory_space<vmem>>
            %dma_wait3A_100 = arith.constant 0 : i32
            %dma_wait3A_101 = tpu.memref_slice %arg3[%add3A_78, %dma_wait3A_100] : memref<2528x128xi32, #tpu.memory_space<hbm>> -> memref<1x128xi32, #tpu.memory_space<hbm>>
            %dma_wait3A_102 = arith.constant 0 : i32
            %dma_wait3A_103 = arith.constant 0 : i32
            %dma_wait3A_104 = tpu.memref_slice %arg10[%dma_wait3A_102, %dma_wait3A_103] : memref<2x128xi32, #tpu.memory_space<vmem>> -> memref<1x128xi32, #tpu.memory_space<vmem>>
            %dma_wait3A_105 = arith.constant 0 : i32
            %dma_wait3A_106 = tpu.memref_slice %arg3[%add3A_78, %dma_wait3A_105] : memref<2528x128xi32, #tpu.memory_space<hbm>> -> memref<1x128xi32, #tpu.memory_space<hbm>>
            tpu.wait_dma2 semaphore(%run_scoped3A_86 : memref<!tpu.dma_semaphore, #tpu.memory_space<semaphore_mem>>) src(%dma_wait3A_106 : memref<1x128xi32, #tpu.memory_space<hbm>>) dst(%dma_wait3A_104 : memref<1x128xi32, #tpu.memory_space<vmem>>)
            tpu.yield
          }) : () -> ()
          %dma_start3A_79 = arith.constant 0 : i32
          %dma_start3A_80 = arith.constant 0 : i32
          %dma_start3A_81 = tpu.memref_slice %arg9[%dma_start3A_79, %dma_start3A_80] : memref<2x128xi32, #tpu.memory_space<vmem>> -> memref<1x128xi32, #tpu.memory_space<vmem>>
          %dma_start3A_82 = tpu.memref_squeeze %dma_start3A_81 : memref<1x128xi32, #tpu.memory_space<vmem>> -> memref<128xi32, #tpu.memory_space<vmem>>
          %dma_start3A_83 = arith.constant 0 : i32
          %dma_start3A_84 = arith.constant 0 : i32
          %dma_start3A_85 = tpu.memref_slice %arg5[%dma_start3A_83, %dma_start3A_84] : memref<10000x128xf32, #tpu.memory_space<hbm>> -> memref<10000x128xf32, #tpu.memory_space<hbm>>
          tpu.enqueue_indirect_dma source(%dma_start3A_85 : memref<10000x128xf32, #tpu.memory_space<hbm>>) target(%arg11 : memref<128x128xf32, #tpu.memory_space<vmem>>) offsets(%dma_start3A_82 : memref<128xi32, #tpu.memory_space<vmem>>) semaphore(%arg14 : memref<!tpu.dma_semaphore, #tpu.memory_space<semaphore_mem>>)
        } else {
        }
        %mul3A_57 = arith.constant 2 : i32
        %mul3A_58 = arith.muli %mul3A_57, %scan3A_40 : i32
        %add3A_59 = arith.constant 1 : i32
        %add3A_60 = arith.addi %mul3A_58, %add3A_59 : i32
        %dma_wait3A_61 = arith.constant 1 : i32
        %dma_wait3A_62 = arith.constant 0 : i32
        %dma_wait3A_63 = tpu.memref_slice %arg9[%dma_wait3A_61, %dma_wait3A_62] : memref<2x128xi32, #tpu.memory_space<vmem>> -> memref<1x128xi32, #tpu.memory_space<vmem>>
        %dma_wait3A_64 = tpu.memref_squeeze %dma_wait3A_63 : memref<1x128xi32, #tpu.memory_space<vmem>> -> memref<128xi32, #tpu.memory_space<vmem>>
        %dma_wait3A_65 = arith.constant 0 : i32
        %dma_wait3A_66 = arith.constant 0 : i32
        %dma_wait3A_67 = tpu.memref_slice %arg5[%dma_wait3A_65, %dma_wait3A_66] : memref<10000x128xf32, #tpu.memory_space<hbm>> -> memref<10000x128xf32, #tpu.memory_space<hbm>>
        tpu.wait_indirect_dma semaphore(%arg15 : memref<!tpu.dma_semaphore, #tpu.memory_space<semaphore_mem>>) src(%dma_wait3A_67 : memref<10000x128xf32, #tpu.memory_space<hbm>>) dst(%arg12 : memref<128x128xf32, #tpu.memory_space<vmem>>)
        %run_scoped3A_68 = arith.constant 1 : i32
        "tpu.region"() ({
          %run_scoped3A_76 = tpu.sem_alloc : memref<!tpu.dma_semaphore, #tpu.memory_space<semaphore_mem>>
          %dma_start3A_77 = arith.constant 0 : i32
          %dma_start3A_78 = tpu.memref_slice %arg10[%run_scoped3A_68, %dma_start3A_77] : memref<2x128xi32, #tpu.memory_space<vmem>> -> memref<1x128xi32, #tpu.memory_space<vmem>>
          %dma_start3A_79 = tpu.memref_squeeze %dma_start3A_78 : memref<1x128xi32, #tpu.memory_space<vmem>> -> memref<128xi32, #tpu.memory_space<vmem>>
          %dma_start3A_80 = arith.constant 0 : i32
          %dma_start3A_81 = arith.constant 0 : i32
          %dma_start3A_82 = tpu.memref_slice %arg13[%dma_start3A_80, %dma_start3A_81] : memref<10240x128xf32, #tpu.memory_space<vmem_shared>> -> memref<10240x128xf32, #tpu.memory_space<vmem_shared>>
          tpu.enqueue_indirect_dma source(%arg12 : memref<128x128xf32, #tpu.memory_space<vmem>>) target(%dma_start3A_82 : memref<10240x128xf32, #tpu.memory_space<vmem_shared>>) offsets(%dma_start3A_79 : memref<128xi32, #tpu.memory_space<vmem>>) semaphore(%run_scoped3A_76 : memref<!tpu.dma_semaphore, #tpu.memory_space<semaphore_mem>>) {add = true}
          %dma_wait3A_83 = arith.constant 0 : i32
          %dma_wait3A_84 = tpu.memref_slice %arg10[%run_scoped3A_68, %dma_wait3A_83] : memref<2x128xi32, #tpu.memory_space<vmem>> -> memref<1x128xi32, #tpu.memory_space<vmem>>
          %dma_wait3A_85 = tpu.memref_squeeze %dma_wait3A_84 : memref<1x128xi32, #tpu.memory_space<vmem>> -> memref<128xi32, #tpu.memory_space<vmem>>
          %dma_wait3A_86 = arith.constant 0 : i32
          %dma_wait3A_87 = arith.constant 0 : i32
          %dma_wait3A_88 = tpu.memref_slice %arg13[%dma_wait3A_86, %dma_wait3A_87] : memref<10240x128xf32, #tpu.memory_space<vmem_shared>> -> memref<10240x128xf32, #tpu.memory_space<vmem_shared>>
          tpu.wait_indirect_dma semaphore(%run_scoped3A_76 : memref<!tpu.dma_semaphore, #tpu.memory_space<semaphore_mem>>) src(%arg12 : memref<128x128xf32, #tpu.memory_space<vmem>>) dst(%dma_wait3A_88 : memref<10240x128xf32, #tpu.memory_space<vmem_shared>>)
          tpu.yield
        }) : () -> ()
        %add3A_69 = arith.constant 2 : i32
        %add3A_70 = arith.addi %add3A_60, %add3A_69 : i32
        %lt3A_71 = arith.constant 158 : i32
        %lt3A_72 = arith.cmpi slt, %add3A_70, %lt3A_71 : i32
        %convert_element_type3A_73 = arith.extui %lt3A_72 : i1 to i32
        %cond3A_74 = arith.constant 0 : i32
        %cond3A_75 = arith.cmpi ne, %convert_element_type3A_73, %cond3A_74 : i32
        scf.if %cond3A_75 {
          %add3A_76 = arith.addi %mul3A_9, %add3A_60 : i32
          %add3A_77 = arith.constant 2 : i32
          %add3A_78 = arith.addi %add3A_76, %add3A_77 : i32
          "tpu.region"() ({
            %run_scoped3A_86 = tpu.sem_alloc : memref<!tpu.dma_semaphore, #tpu.memory_space<semaphore_mem>>
            %dma_start3A_87 = arith.constant 1 : i32
            %dma_start3A_88 = arith.constant 0 : i32
            %dma_start3A_89 = tpu.memref_slice %arg9[%dma_start3A_87, %dma_start3A_88] : memref<2x128xi32, #tpu.memory_space<vmem>> -> memref<1x128xi32, #tpu.memory_space<vmem>>
            %dma_start3A_90 = arith.constant 0 : i32
            %dma_start3A_91 = tpu.memref_slice %arg2[%add3A_78, %dma_start3A_90] : memref<2528x128xi32, #tpu.memory_space<hbm>> -> memref<1x128xi32, #tpu.memory_space<hbm>>
            %dma_start3A_92 = arith.constant 1 : i32
            %dma_start3A_93 = arith.constant 0 : i32
            %dma_start3A_94 = tpu.memref_slice %arg9[%dma_start3A_92, %dma_start3A_93] : memref<2x128xi32, #tpu.memory_space<vmem>> -> memref<1x128xi32, #tpu.memory_space<vmem>>
            %dma_start3A_95 = arith.constant 0 : i32
            %dma_start3A_96 = tpu.memref_slice %arg2[%add3A_78, %dma_start3A_95] : memref<2528x128xi32, #tpu.memory_space<hbm>> -> memref<1x128xi32, #tpu.memory_space<hbm>>
            tpu.enqueue_dma source(%dma_start3A_96 : memref<1x128xi32, #tpu.memory_space<hbm>>) target(%dma_start3A_94 : memref<1x128xi32, #tpu.memory_space<vmem>>) target_semaphore(%run_scoped3A_86 : memref<!tpu.dma_semaphore, #tpu.memory_space<semaphore_mem>>)
            %dma_wait3A_97 = arith.constant 1 : i32
            %dma_wait3A_98 = arith.constant 0 : i32
            %dma_wait3A_99 = tpu.memref_slice %arg9[%dma_wait3A_97, %dma_wait3A_98] : memref<2x128xi32, #tpu.memory_space<vmem>> -> memref<1x128xi32, #tpu.memory_space<vmem>>
            %dma_wait3A_100 = arith.constant 0 : i32
            %dma_wait3A_101 = tpu.memref_slice %arg2[%add3A_78, %dma_wait3A_100] : memref<2528x128xi32, #tpu.memory_space<hbm>> -> memref<1x128xi32, #tpu.memory_space<hbm>>
            %dma_wait3A_102 = arith.constant 1 : i32
            %dma_wait3A_103 = arith.constant 0 : i32
            %dma_wait3A_104 = tpu.memref_slice %arg9[%dma_wait3A_102, %dma_wait3A_103] : memref<2x128xi32, #tpu.memory_space<vmem>> -> memref<1x128xi32, #tpu.memory_space<vmem>>
            %dma_wait3A_105 = arith.constant 0 : i32
            %dma_wait3A_106 = tpu.memref_slice %arg2[%add3A_78, %dma_wait3A_105] : memref<2528x128xi32, #tpu.memory_space<hbm>> -> memref<1x128xi32, #tpu.memory_space<hbm>>
            tpu.wait_dma2 semaphore(%run_scoped3A_86 : memref<!tpu.dma_semaphore, #tpu.memory_space<semaphore_mem>>) src(%dma_wait3A_106 : memref<1x128xi32, #tpu.memory_space<hbm>>) dst(%dma_wait3A_104 : memref<1x128xi32, #tpu.memory_space<vmem>>)
            tpu.yield
          }) : () -> ()
          "tpu.region"() ({
            %run_scoped3A_86 = tpu.sem_alloc : memref<!tpu.dma_semaphore, #tpu.memory_space<semaphore_mem>>
            %dma_start3A_87 = arith.constant 1 : i32
            %dma_start3A_88 = arith.constant 0 : i32
            %dma_start3A_89 = tpu.memref_slice %arg10[%dma_start3A_87, %dma_start3A_88] : memref<2x128xi32, #tpu.memory_space<vmem>> -> memref<1x128xi32, #tpu.memory_space<vmem>>
            %dma_start3A_90 = arith.constant 0 : i32
            %dma_start3A_91 = tpu.memref_slice %arg3[%add3A_78, %dma_start3A_90] : memref<2528x128xi32, #tpu.memory_space<hbm>> -> memref<1x128xi32, #tpu.memory_space<hbm>>
            %dma_start3A_92 = arith.constant 1 : i32
            %dma_start3A_93 = arith.constant 0 : i32
            %dma_start3A_94 = tpu.memref_slice %arg10[%dma_start3A_92, %dma_start3A_93] : memref<2x128xi32, #tpu.memory_space<vmem>> -> memref<1x128xi32, #tpu.memory_space<vmem>>
            %dma_start3A_95 = arith.constant 0 : i32
            %dma_start3A_96 = tpu.memref_slice %arg3[%add3A_78, %dma_start3A_95] : memref<2528x128xi32, #tpu.memory_space<hbm>> -> memref<1x128xi32, #tpu.memory_space<hbm>>
            tpu.enqueue_dma source(%dma_start3A_96 : memref<1x128xi32, #tpu.memory_space<hbm>>) target(%dma_start3A_94 : memref<1x128xi32, #tpu.memory_space<vmem>>) target_semaphore(%run_scoped3A_86 : memref<!tpu.dma_semaphore, #tpu.memory_space<semaphore_mem>>)
            %dma_wait3A_97 = arith.constant 1 : i32
            %dma_wait3A_98 = arith.constant 0 : i32
            %dma_wait3A_99 = tpu.memref_slice %arg10[%dma_wait3A_97, %dma_wait3A_98] : memref<2x128xi32, #tpu.memory_space<vmem>> -> memref<1x128xi32, #tpu.memory_space<vmem>>
            %dma_wait3A_100 = arith.constant 0 : i32
            %dma_wait3A_101 = tpu.memref_slice %arg3[%add3A_78, %dma_wait3A_100] : memref<2528x128xi32, #tpu.memory_space<hbm>> -> memref<1x128xi32, #tpu.memory_space<hbm>>
            %dma_wait3A_102 = arith.constant 1 : i32
            %dma_wait3A_103 = arith.constant 0 : i32
            %dma_wait3A_104 = tpu.memref_slice %arg10[%dma_wait3A_102, %dma_wait3A_103] : memref<2x128xi32, #tpu.memory_space<vmem>> -> memref<1x128xi32, #tpu.memory_space<vmem>>
            %dma_wait3A_105 = arith.constant 0 : i32
            %dma_wait3A_106 = tpu.memref_slice %arg3[%add3A_78, %dma_wait3A_105] : memref<2528x128xi32, #tpu.memory_space<hbm>> -> memref<1x128xi32, #tpu.memory_space<hbm>>
            tpu.wait_dma2 semaphore(%run_scoped3A_86 : memref<!tpu.dma_semaphore, #tpu.memory_space<semaphore_mem>>) src(%dma_wait3A_106 : memref<1x128xi32, #tpu.memory_space<hbm>>) dst(%dma_wait3A_104 : memref<1x128xi32, #tpu.memory_space<vmem>>)
            tpu.yield
          }) : () -> ()
          %dma_start3A_79 = arith.constant 1 : i32
          %dma_start3A_80 = arith.constant 0 : i32
          %dma_start3A_81 = tpu.memref_slice %arg9[%dma_start3A_79, %dma_start3A_80] : memref<2x128xi32, #tpu.memory_space<vmem>> -> memref<1x128xi32, #tpu.memory_space<vmem>>
          %dma_start3A_82 = tpu.memref_squeeze %dma_start3A_81 : memref<1x128xi32, #tpu.memory_space<vmem>> -> memref<128xi32, #tpu.memory_space<vmem>>
          %dma_start3A_83 = arith.constant 0 : i32
          %dma_start3A_84 = arith.constant 0 : i32
          %dma_start3A_85 = tpu.memref_slice %arg5[%dma_start3A_83, %dma_start3A_84] : memref<10000x128xf32, #tpu.memory_space<hbm>> -> memref<10000x128xf32, #tpu.memory_space<hbm>>
          tpu.enqueue_indirect_dma source(%dma_start3A_85 : memref<10000x128xf32, #tpu.memory_space<hbm>>) target(%arg12 : memref<128x128xf32, #tpu.memory_space<vmem>>) offsets(%dma_start3A_82 : memref<128xi32, #tpu.memory_space<vmem>>) semaphore(%arg15 : memref<!tpu.dma_semaphore, #tpu.memory_space<semaphore_mem>>)
        } else {
        }
      }
      %scan3A_34 = arith.constant 79 : i32
      %barrier3A_35 = arith.constant 0 : index
      tpu.barrier barrier_id(%barrier3A_35)
      %mul3A_36 = arith.constant 640 : i32
      %mul3A_37 = arith.muli %arg1, %mul3A_36 : i32
      %mul3A_38 = arith.constant 640 : i32
      %mul3A_39 = arith.muli %arg1, %mul3A_38 : i32
      "tpu.region"() ({
        %run_scoped3A = tpu.sem_alloc : memref<!tpu.dma_semaphore, #tpu.memory_space<semaphore_mem>>
        %dma_start3A_40 = arith.constant 0 : i32
        %dma_start3A_41 = tpu.memref_slice %arg8[%mul3A_39, %dma_start3A_40] : memref<10240x128xf32, #tpu.memory_space<hbm>> -> memref<640x128xf32, #tpu.memory_space<hbm>>
        %dma_start3A_42 = arith.constant 0 : i32
        %dma_start3A_43 = tpu.memref_slice %arg13[%mul3A_37, %dma_start3A_42] : memref<10240x128xf32, #tpu.memory_space<vmem_shared>> -> memref<640x128xf32, #tpu.memory_space<vmem_shared>>
        tpu.enqueue_dma source(%dma_start3A_43 : memref<640x128xf32, #tpu.memory_space<vmem_shared>>) target(%dma_start3A_41 : memref<640x128xf32, #tpu.memory_space<hbm>>) target_semaphore(%run_scoped3A : memref<!tpu.dma_semaphore, #tpu.memory_space<semaphore_mem>>)
        %dma_wait3A = arith.constant 0 : i32
        %dma_wait3A_44 = tpu.memref_slice %arg8[%mul3A_39, %dma_wait3A] : memref<10240x128xf32, #tpu.memory_space<hbm>> -> memref<640x128xf32, #tpu.memory_space<hbm>>
        %dma_wait3A_45 = arith.constant 0 : i32
        %dma_wait3A_46 = tpu.memref_slice %arg13[%mul3A_37, %dma_wait3A_45] : memref<10240x128xf32, #tpu.memory_space<vmem_shared>> -> memref<640x128xf32, #tpu.memory_space<vmem_shared>>
        tpu.wait_dma2 semaphore(%run_scoped3A : memref<!tpu.dma_semaphore, #tpu.memory_space<semaphore_mem>>) src(%dma_wait3A_46 : memref<640x128xf32, #tpu.memory_space<vmem_shared>>) dst(%dma_wait3A_44 : memref<640x128xf32, #tpu.memory_space<hbm>>)
        tpu.yield
      }) : () -> ()
    } else {
    }
    return
  }
}

module attributes {stable_mosaic.version = 14 : i64} {
  func.func @_embed_body(%arg0: i32, %arg1: memref<1000x128xf32, #tpu.memory_space<vmem>>, %arg2: memref<128x256xf32, #tpu.memory_space<vmem>>, %arg3: memref<1x256xf32, #tpu.memory_space<vmem>>, %arg4: memref<1000x1xf32, #tpu.memory_space<vmem>>, %arg5: memref<1000x1xf32, #tpu.memory_space<vmem>>, %arg6: memref<1000x256xf32, #tpu.memory_space<vmem>>, %arg7: memref<1000x1xf32, #tpu.memory_space<vmem>>) attributes {dimension_semantics = [#tpu.dimension_semantics<arbitrary>], iteration_bounds = array<i64: 10>, scalar_prefetch = 0 : i64, scratch_operands = 0 : i64, tpu.core_type = #tpu.core_type<tc>, window_params = [{transform_indices = @transform_0, window_bounds = array<i64: 1000, 128>}, {pipeline_mode = #tpu.pipeline_mode<synchronous>, transform_indices = @transform_1, window_bounds = array<i64: 128, 256>}, {pipeline_mode = #tpu.pipeline_mode<synchronous>, transform_indices = @transform_2, window_bounds = array<i64: 1, 256>}, {transform_indices = @transform_3, window_bounds = array<i64: 1000, 1>}, {transform_indices = @transform_4, window_bounds = array<i64: 1000, 1>}, {transform_indices = @transform_5, window_bounds = array<i64: 1000, 256>}, {transform_indices = @transform_6, window_bounds = array<i64: 1000, 1>}]} {
    %get3A = arith.constant 0 : index
    %get3A_0 = arith.constant 0 : index
    %get3A_1 = vector.load %arg4[%get3A, %get3A_0] : memref<1000x1xf32, #tpu.memory_space<vmem>>, vector<1000x1xf32>
    %get3A_2 = arith.constant 0 : index
    %get3A_3 = arith.constant 0 : index
    %get3A_4 = vector.load %arg5[%get3A_2, %get3A_3] : memref<1000x1xf32, #tpu.memory_space<vmem>>, vector<1000x1xf32>
    %add3A = arith.addf %get3A_1, %get3A_4 : vector<1000x1xf32>
    %add3A_5 = arith.constant 1.000000e+00 : f32
    %add3A_6 = vector.broadcast %add3A_5 : f32 to vector<1000x1xf32>
    %add3A_7 = arith.addf %add3A, %add3A_6 : vector<1000x1xf32>
    %rsqrt3A = math.rsqrt %add3A_7 : vector<1000x1xf32>
    %swap3A = arith.constant 0 : index
    %swap3A_8 = arith.constant 0 : index
    %swap3A_9 = vector.load %arg7[%swap3A, %swap3A_8] : memref<1000x1xf32, #tpu.memory_space<vmem>>, vector<1000x1xf32>
    tpu.vector_store %arg7[%swap3A, %swap3A_8], %rsqrt3A {strides = array<i32>} : memref<1000x1xf32, #tpu.memory_space<vmem>>, vector<1000x1xf32>,
    %get3A_10 = arith.constant 0 : index
    %get3A_11 = arith.constant 0 : index
    %get3A_12 = vector.load %arg1[%get3A_10, %get3A_11] : memref<1000x128xf32, #tpu.memory_space<vmem>>, vector<1000x128xf32>
    %get3A_13 = arith.constant 0 : index
    %get3A_14 = arith.constant 0 : index
    %get3A_15 = vector.load %arg2[%get3A_13, %get3A_14] : memref<128x256xf32, #tpu.memory_space<vmem>>, vector<128x256xf32>
    %dot_general3A = arith.constant dense<0.000000e+00> : vector<1000x256xf32>
    %dot_general3A_16 = tpu.matmul %get3A_12, %get3A_15, %dot_general3A {dimension_numbers = #tpu.dot_dimension_numbers<[1], [0], [0], [1], [0, 0, 1, 1], [], []>, transpose_lhs_hint = false} : vector<1000x128xf32>, vector<128x256xf32>, vector<1000x256xf32> -> vector<1000x256xf32>
    %get3A_17 = arith.constant 0 : index
    %get3A_18 = arith.constant 0 : index
    %get3A_19 = vector.load %arg3[%get3A_17, %get3A_18] : memref<1x256xf32, #tpu.memory_space<vmem>>, vector<1x256xf32>
    %add3A_20 = vector.broadcast %get3A_19 : vector<1x256xf32> to vector<1000x256xf32>
    %add3A_21 = arith.addf %dot_general3A_16, %add3A_20 : vector<1000x256xf32>
    %swap3A_22 = arith.constant 0 : index
    %swap3A_23 = arith.constant 0 : index
    %swap3A_24 = vector.load %arg6[%swap3A_22, %swap3A_23] : memref<1000x256xf32, #tpu.memory_space<vmem>>, vector<1000x256xf32>
    tpu.vector_store %arg6[%swap3A_22, %swap3A_23], %add3A_21 {strides = array<i32>} : memref<1000x256xf32, #tpu.memory_space<vmem>>, vector<1000x256xf32>,
    return
  }
  func.func @transform_0(%arg0: i32) -> (i32, i32) {
    %c0_i32 = arith.constant 0 : i32
    %c0_i32_0 = arith.constant 0 : i32
    return %arg0, %c0_i32 : i32, i32
  }
  func.func @transform_1(%arg0: i32) -> (i32, i32) {
    %c0_i32 = arith.constant 0 : i32
    %c0_i32_0 = arith.constant 0 : i32
    %c0_i32_1 = arith.constant 0 : i32
    return %c0_i32, %c0_i32_0 : i32, i32
  }
  func.func @transform_2(%arg0: i32) -> (i32, i32) {
    %c0_i32 = arith.constant 0 : i32
    %c0_i32_0 = arith.constant 0 : i32
    %c0_i32_1 = arith.constant 0 : i32
    return %c0_i32, %c0_i32_0 : i32, i32
  }
  func.func @transform_3(%arg0: i32) -> (i32, i32) {
    %c0_i32 = arith.constant 0 : i32
    %c0_i32_0 = arith.constant 0 : i32
    return %arg0, %c0_i32 : i32, i32
  }
  func.func @transform_4(%arg0: i32) -> (i32, i32) {
    %c0_i32 = arith.constant 0 : i32
    %c0_i32_0 = arith.constant 0 : i32
    return %arg0, %c0_i32 : i32, i32
  }
  func.func @transform_5(%arg0: i32) -> (i32, i32) {
    %c0_i32 = arith.constant 0 : i32
    %c0_i32_0 = arith.constant 0 : i32
    return %arg0, %c0_i32 : i32, i32
  }
  func.func @transform_6(%arg0: i32) -> (i32, i32) {
    %c0_i32 = arith.constant 0 : i32
    %c0_i32_0 = arith.constant 0 : i32
    return %arg0, %c0_i32 : i32, i32
  }
}

module attributes {stable_mosaic.version = 14 : i64} {
  func.func @_mm_scale_body(%arg0: i32, %arg1: memref<1000x256xf32, #tpu.memory_space<vmem>>, %arg2: memref<256x256xf32, #tpu.memory_space<vmem>>, %arg3: memref<1000x1xf32, #tpu.memory_space<vmem>>, %arg4: memref<1000x128xf32, #tpu.memory_space<vmem>>, %arg5: memref<1000x128xf32, #tpu.memory_space<vmem>>) attributes {dimension_semantics = [#tpu.dimension_semantics<arbitrary>], iteration_bounds = array<i64: 10>, scalar_prefetch = 0 : i64, scratch_operands = 0 : i64, tpu.core_type = #tpu.core_type<tc>, window_params = [{transform_indices = @transform_0, window_bounds = array<i64: 1000, 256>}, {pipeline_mode = #tpu.pipeline_mode<synchronous>, transform_indices = @transform_1, window_bounds = array<i64: 256, 256>}, {transform_indices = @transform_2, window_bounds = array<i64: 1000, 1>}, {transform_indices = @transform_3, window_bounds = array<i64: 1000, 128>}, {transform_indices = @transform_4, window_bounds = array<i64: 1000, 128>}]} {
    %get3A = arith.constant 0 : index
    %get3A_0 = arith.constant 0 : index
    %get3A_1 = vector.load %arg1[%get3A, %get3A_0] : memref<1000x256xf32, #tpu.memory_space<vmem>>, vector<1000x256xf32>
    %get3A_2 = arith.constant 0 : index
    %get3A_3 = arith.constant 0 : index
    %get3A_4 = vector.load %arg2[%get3A_2, %get3A_3] : memref<256x256xf32, #tpu.memory_space<vmem>>, vector<256x256xf32>
    %dot_general3A = arith.constant dense<0.000000e+00> : vector<1000x256xf32>
    %dot_general3A_5 = tpu.matmul %get3A_1, %get3A_4, %dot_general3A {dimension_numbers = #tpu.dot_dimension_numbers<[1], [0], [0], [1], [0, 0, 1, 1], [], []>, transpose_lhs_hint = false} : vector<1000x256xf32>, vector<256x256xf32>, vector<1000x256xf32> -> vector<1000x256xf32>
    %get3A_6 = arith.constant 0 : index
    %get3A_7 = arith.constant 0 : index
    %get3A_8 = vector.load %arg3[%get3A_6, %get3A_7] : memref<1000x1xf32, #tpu.memory_space<vmem>>, vector<1000x1xf32>
    %mul3A = vector.broadcast %get3A_8 : vector<1000x1xf32> to vector<1000x256xf32>
    %mul3A_9 = arith.mulf %dot_general3A_5, %mul3A : vector<1000x256xf32>
    %slice3A = vector.extract_strided_slice %mul3A_9 {offsets = [0, 0], sizes = [1000, 128], strides = [1, 1]} : vector<1000x256xf32> to vector<1000x128xf32>
    %swap3A = arith.constant 0 : index
    %swap3A_10 = arith.constant 0 : index
    %swap3A_11 = vector.load %arg4[%swap3A, %swap3A_10] : memref<1000x128xf32, #tpu.memory_space<vmem>>, vector<1000x128xf32>
    tpu.vector_store %arg4[%swap3A, %swap3A_10], %slice3A {strides = array<i32>} : memref<1000x128xf32, #tpu.memory_space<vmem>>, vector<1000x128xf32>,
    %slice3A_12 = vector.extract_strided_slice %mul3A_9 {offsets = [0, 128], sizes = [1000, 128], strides = [1, 1]} : vector<1000x256xf32> to vector<1000x128xf32>
    %swap3A_13 = arith.constant 0 : index
    %swap3A_14 = arith.constant 0 : index
    %swap3A_15 = vector.load %arg5[%swap3A_13, %swap3A_14] : memref<1000x128xf32, #tpu.memory_space<vmem>>, vector<1000x128xf32>
    tpu.vector_store %arg5[%swap3A_13, %swap3A_14], %slice3A_12 {strides = array<i32>} : memref<1000x128xf32, #tpu.memory_space<vmem>>, vector<1000x128xf32>,
    return
  }
  func.func @transform_0(%arg0: i32) -> (i32, i32) {
    %c0_i32 = arith.constant 0 : i32
    %c0_i32_0 = arith.constant 0 : i32
    return %arg0, %c0_i32 : i32, i32
  }
  func.func @transform_1(%arg0: i32) -> (i32, i32) {
    %c0_i32 = arith.constant 0 : i32
    %c0_i32_0 = arith.constant 0 : i32
    %c0_i32_1 = arith.constant 0 : i32
    return %c0_i32, %c0_i32_0 : i32, i32
  }
  func.func @transform_2(%arg0: i32) -> (i32, i32) {
    %c0_i32 = arith.constant 0 : i32
    %c0_i32_0 = arith.constant 0 : i32
    return %arg0, %c0_i32 : i32, i32
  }
  func.func @transform_3(%arg0: i32) -> (i32, i32) {
    %c0_i32 = arith.constant 0 : i32
    %c0_i32_0 = arith.constant 0 : i32
    return %arg0, %c0_i32 : i32, i32
  }
  func.func @transform_4(%arg0: i32) -> (i32, i32) {
    %c0_i32 = arith.constant 0 : i32
    %c0_i32_0 = arith.constant 0 : i32
    return %arg0, %c0_i32 : i32, i32
  }
}

module attributes {stable_mosaic.version = 14 : i64} {
  func.func @_stats_body(%arg0: i32, %arg1: memref<1000x128xf32, #tpu.memory_space<vmem>>, %arg2: memref<1000x128xf32, #tpu.memory_space<vmem>>, %arg3: memref<1000x128xf32, #tpu.memory_space<vmem>>, %arg4: memref<1000x128xf32, #tpu.memory_space<vmem>>, %arg5: memref<1000x1xf32, #tpu.memory_space<vmem>>, %arg6: memref<1x256xf32, #tpu.memory_space<vmem>>, %arg7: memref<1000x256xf32, #tpu.memory_space<vmem>>, %arg8: memref<1x256xf32, #tpu.memory_space<vmem>>, %arg9: memref<1x256xf32, #tpu.memory_space<vmem>>) attributes {dimension_semantics = [#tpu.dimension_semantics<arbitrary>], iteration_bounds = array<i64: 10>, scalar_prefetch = 0 : i64, scratch_operands = 0 : i64, tpu.core_type = #tpu.core_type<tc>, window_params = [{transform_indices = @transform_0, window_bounds = array<i64: 1000, 128>}, {transform_indices = @transform_1, window_bounds = array<i64: 1000, 128>}, {transform_indices = @transform_2, window_bounds = array<i64: 1000, 128>}, {transform_indices = @transform_3, window_bounds = array<i64: 1000, 128>}, {transform_indices = @transform_4, window_bounds = array<i64: 1000, 1>}, {pipeline_mode = #tpu.pipeline_mode<synchronous>, transform_indices = @transform_5, window_bounds = array<i64: 1, 256>}, {transform_indices = @transform_6, window_bounds = array<i64: 1000, 256>}, {pipeline_mode = #tpu.pipeline_mode<synchronous>, transform_indices = @transform_7, window_bounds = array<i64: 1, 256>}, {pipeline_mode = #tpu.pipeline_mode<synchronous>, transform_indices = @transform_8, window_bounds = array<i64: 1, 256>}]} {
    %get3A = arith.constant 0 : index
    %get3A_0 = arith.constant 0 : index
    %get3A_1 = vector.load %arg5[%get3A, %get3A_0] : memref<1000x1xf32, #tpu.memory_space<vmem>>, vector<1000x1xf32>
    %get3A_2 = arith.constant 0 : index
    %get3A_3 = arith.constant 0 : index
    %get3A_4 = vector.load %arg1[%get3A_2, %get3A_3] : memref<1000x128xf32, #tpu.memory_space<vmem>>, vector<1000x128xf32>
    %get3A_5 = arith.constant 0 : index
    %get3A_6 = arith.constant 0 : index
    %get3A_7 = vector.load %arg3[%get3A_5, %get3A_6] : memref<1000x128xf32, #tpu.memory_space<vmem>>, vector<1000x128xf32>
    %add3A = arith.addf %get3A_4, %get3A_7 : vector<1000x128xf32>
    %mul3A = vector.broadcast %get3A_1 : vector<1000x1xf32> to vector<1000x128xf32>
    %mul3A_8 = arith.mulf %mul3A, %add3A : vector<1000x128xf32>
    %get3A_9 = arith.constant 0 : index
    %get3A_10 = arith.constant 0 : index
    %get3A_11 = vector.load %arg2[%get3A_9, %get3A_10] : memref<1000x128xf32, #tpu.memory_space<vmem>>, vector<1000x128xf32>
    %get3A_12 = arith.constant 0 : index
    %get3A_13 = arith.constant 0 : index
    %get3A_14 = vector.load %arg4[%get3A_12, %get3A_13] : memref<1000x128xf32, #tpu.memory_space<vmem>>, vector<1000x128xf32>
    %add3A_15 = arith.addf %get3A_11, %get3A_14 : vector<1000x128xf32>
    %mul3A_16 = vector.broadcast %get3A_1 : vector<1000x1xf32> to vector<1000x128xf32>
    %mul3A_17 = arith.mulf %mul3A_16, %add3A_15 : vector<1000x128xf32>
    %concatenate3A = tpu.concatenate %mul3A_8, %mul3A_17 in 1 : vector<1000x128xf32>, vector<1000x128xf32> -> vector<1000x256xf32>
    %get3A_18 = arith.constant 0 : index
    %get3A_19 = arith.constant 0 : index
    %get3A_20 = vector.load %arg6[%get3A_18, %get3A_19] : memref<1x256xf32, #tpu.memory_space<vmem>>, vector<1x256xf32>
    %add3A_21 = vector.broadcast %get3A_20 : vector<1x256xf32> to vector<1000x256xf32>
    %add3A_22 = arith.addf %concatenate3A, %add3A_21 : vector<1000x256xf32>
    %swap3A = arith.constant 0 : index
    %swap3A_23 = arith.constant 0 : index
    %swap3A_24 = vector.load %arg7[%swap3A, %swap3A_23] : memref<1000x256xf32, #tpu.memory_space<vmem>>, vector<1000x256xf32>
    tpu.vector_store %arg7[%swap3A, %swap3A_23], %add3A_22 {strides = array<i32>} : memref<1000x256xf32, #tpu.memory_space<vmem>>, vector<1000x256xf32>,
    %eq3A = arith.constant 0 : i32
    %eq3A_25 = arith.cmpi eq, %arg0, %eq3A : i32
    %convert_element_type3A = arith.extui %eq3A_25 : i1 to i32
    %cond3A = arith.constant 0 : i32
    %cond3A_26 = arith.cmpi ne, %convert_element_type3A, %cond3A : i32
    scf.if %cond3A_26 {
      %broadcast_in_dim3A_46 = arith.constant 0.000000e+00 : f32
      %broadcast_in_dim3A_47 = vector.broadcast %broadcast_in_dim3A_46 : f32 to vector<1x256xf32>
      %swap3A_48 = arith.constant 0 : index
      %swap3A_49 = arith.constant 0 : index
      %swap3A_50 = vector.load %arg8[%swap3A_48, %swap3A_49] : memref<1x256xf32, #tpu.memory_space<vmem>>, vector<1x256xf32>
      tpu.vector_store %arg8[%swap3A_48, %swap3A_49], %broadcast_in_dim3A_47 {strides = array<i32>} : memref<1x256xf32, #tpu.memory_space<vmem>>, vector<1x256xf32>,
      %broadcast_in_dim3A_51 = arith.constant 0.000000e+00 : f32
      %broadcast_in_dim3A_52 = vector.broadcast %broadcast_in_dim3A_51 : f32 to vector<1x256xf32>
      %swap3A_53 = arith.constant 0 : index
      %swap3A_54 = arith.constant 0 : index
      %swap3A_55 = vector.load %arg9[%swap3A_53, %swap3A_54] : memref<1x256xf32, #tpu.memory_space<vmem>>, vector<1x256xf32>
      tpu.vector_store %arg9[%swap3A_53, %swap3A_54], %broadcast_in_dim3A_52 {strides = array<i32>} : memref<1x256xf32, #tpu.memory_space<vmem>>, vector<1x256xf32>,
    } else {
    }
    %get3A_27 = arith.constant 0 : index
    %get3A_28 = arith.constant 0 : index
    %get3A_29 = vector.load %arg8[%get3A_27, %get3A_28] : memref<1x256xf32, #tpu.memory_space<vmem>>, vector<1x256xf32>
    %reduce_sum3A = arith.constant dense<0.000000e+00> : vector<256xf32>
    %reduce_sum3A_30 = vector.multi_reduction <add>, %add3A_22, %reduce_sum3A [0] : vector<1000x256xf32> to vector<256xf32>
    %broadcast_in_dim3A = vector.shape_cast %reduce_sum3A_30 : vector<256xf32> to vector<1x256xf32>
    %add3A_31 = arith.addf %get3A_29, %broadcast_in_dim3A : vector<1x256xf32>
    %swap3A_32 = arith.constant 0 : index
    %swap3A_33 = arith.constant 0 : index
    %swap3A_34 = vector.load %arg8[%swap3A_32, %swap3A_33] : memref<1x256xf32, #tpu.memory_space<vmem>>, vector<1x256xf32>
    tpu.vector_store %arg8[%swap3A_32, %swap3A_33], %add3A_31 {strides = array<i32>} : memref<1x256xf32, #tpu.memory_space<vmem>>, vector<1x256xf32>,
    %get3A_35 = arith.constant 0 : index
    %get3A_36 = arith.constant 0 : index
    %get3A_37 = vector.load %arg9[%get3A_35, %get3A_36] : memref<1x256xf32, #tpu.memory_space<vmem>>, vector<1x256xf32>
    %mul3A_38 = arith.mulf %add3A_22, %add3A_22 : vector<1000x256xf32>
    %reduce_sum3A_39 = arith.constant dense<0.000000e+00> : vector<256xf32>
    %reduce_sum3A_40 = vector.multi_reduction <add>, %mul3A_38, %reduce_sum3A_39 [0] : vector<1000x256xf32> to vector<256xf32>
    %broadcast_in_dim3A_41 = vector.shape_cast %reduce_sum3A_40 : vector<256xf32> to vector<1x256xf32>
    %add3A_42 = arith.addf %get3A_37, %broadcast_in_dim3A_41 : vector<1x256xf32>
    %swap3A_43 = arith.constant 0 : index
    %swap3A_44 = arith.constant 0 : index
    %swap3A_45 = vector.load %arg9[%swap3A_43, %swap3A_44] : memref<1x256xf32, #tpu.memory_space<vmem>>, vector<1x256xf32>
    tpu.vector_store %arg9[%swap3A_43, %swap3A_44], %add3A_42 {strides = array<i32>} : memref<1x256xf32, #tpu.memory_space<vmem>>, vector<1x256xf32>,
    return
  }
  func.func @transform_0(%arg0: i32) -> (i32, i32) {
    %c0_i32 = arith.constant 0 : i32
    %c0_i32_0 = arith.constant 0 : i32
    return %arg0, %c0_i32 : i32, i32
  }
  func.func @transform_1(%arg0: i32) -> (i32, i32) {
    %c0_i32 = arith.constant 0 : i32
    %c0_i32_0 = arith.constant 0 : i32
    return %arg0, %c0_i32 : i32, i32
  }
  func.func @transform_2(%arg0: i32) -> (i32, i32) {
    %c0_i32 = arith.constant 0 : i32
    %c0_i32_0 = arith.constant 0 : i32
    return %arg0, %c0_i32 : i32, i32
  }
  func.func @transform_3(%arg0: i32) -> (i32, i32) {
    %c0_i32 = arith.constant 0 : i32
    %c0_i32_0 = arith.constant 0 : i32
    return %arg0, %c0_i32 : i32, i32
  }
  func.func @transform_4(%arg0: i32) -> (i32, i32) {
    %c0_i32 = arith.constant 0 : i32
    %c0_i32_0 = arith.constant 0 : i32
    return %arg0, %c0_i32 : i32, i32
  }
  func.func @transform_5(%arg0: i32) -> (i32, i32) {
    %c0_i32 = arith.constant 0 : i32
    %c0_i32_0 = arith.constant 0 : i32
    %c0_i32_1 = arith.constant 0 : i32
    return %c0_i32, %c0_i32_0 : i32, i32
  }
  func.func @transform_6(%arg0: i32) -> (i32, i32) {
    %c0_i32 = arith.constant 0 : i32
    %c0_i32_0 = arith.constant 0 : i32
    return %arg0, %c0_i32 : i32, i32
  }
  func.func @transform_7(%arg0: i32) -> (i32, i32) {
    %c0_i32 = arith.constant 0 : i32
    %c0_i32_0 = arith.constant 0 : i32
    %c0_i32_1 = arith.constant 0 : i32
    return %c0_i32, %c0_i32_0 : i32, i32
  }
  func.func @transform_8(%arg0: i32) -> (i32, i32) {
    %c0_i32 = arith.constant 0 : i32
    %c0_i32_0 = arith.constant 0 : i32
    %c0_i32_1 = arith.constant 0 : i32
    return %c0_i32, %c0_i32_0 : i32, i32
  }
}

module attributes {stable_mosaic.version = 14 : i64} {
  func.func @_bn_body(%arg0: i32, %arg1: memref<1000x256xf32, #tpu.memory_space<vmem>>, %arg2: memref<1x256xf32, #tpu.memory_space<vmem>>, %arg3: memref<1x256xf32, #tpu.memory_space<vmem>>, %arg4: memref<1x256xf32, #tpu.memory_space<vmem>>, %arg5: memref<1x256xf32, #tpu.memory_space<vmem>>, %arg6: memref<1000x256xf32, #tpu.memory_space<vmem>>, %arg7: memref<1000x256xf32, #tpu.memory_space<vmem>>) attributes {dimension_semantics = [#tpu.dimension_semantics<arbitrary>], iteration_bounds = array<i64: 10>, scalar_prefetch = 0 : i64, scratch_operands = 0 : i64, tpu.core_type = #tpu.core_type<tc>, window_params = [{transform_indices = @transform_0, window_bounds = array<i64: 1000, 256>}, {pipeline_mode = #tpu.pipeline_mode<synchronous>, transform_indices = @transform_1, window_bounds = array<i64: 1, 256>}, {pipeline_mode = #tpu.pipeline_mode<synchronous>, transform_indices = @transform_2, window_bounds = array<i64: 1, 256>}, {pipeline_mode = #tpu.pipeline_mode<synchronous>, transform_indices = @transform_3, window_bounds = array<i64: 1, 256>}, {pipeline_mode = #tpu.pipeline_mode<synchronous>, transform_indices = @transform_4, window_bounds = array<i64: 1, 256>}, {transform_indices = @transform_5, window_bounds = array<i64: 1000, 256>}, {transform_indices = @transform_6, window_bounds = array<i64: 1000, 256>}]} {
    %get3A = arith.constant 0 : index
    %get3A_0 = arith.constant 0 : index
    %get3A_1 = vector.load %arg2[%get3A, %get3A_0] : memref<1x256xf32, #tpu.memory_space<vmem>>, vector<1x256xf32>
    %mul3A = arith.constant 9.99999974E-5 : f32
    %mul3A_2 = vector.broadcast %mul3A : f32 to vector<1x256xf32>
    %mul3A_3 = arith.mulf %get3A_1, %mul3A_2 : vector<1x256xf32>
    %get3A_4 = arith.constant 0 : index
    %get3A_5 = arith.constant 0 : index
    %get3A_6 = vector.load %arg3[%get3A_4, %get3A_5] : memref<1x256xf32, #tpu.memory_space<vmem>>, vector<1x256xf32>
    %mul3A_7 = arith.constant 9.99999974E-5 : f32
    %mul3A_8 = vector.broadcast %mul3A_7 : f32 to vector<1x256xf32>
    %mul3A_9 = arith.mulf %get3A_6, %mul3A_8 : vector<1x256xf32>
    %mul3A_10 = arith.mulf %mul3A_3, %mul3A_3 : vector<1x256xf32>
    %sub3A = arith.subf %mul3A_9, %mul3A_10 : vector<1x256xf32>
    %get3A_11 = arith.constant 0 : index
    %get3A_12 = arith.constant 0 : index
    %get3A_13 = vector.load %arg1[%get3A_11, %get3A_12] : memref<1000x256xf32, #tpu.memory_space<vmem>>, vector<1000x256xf32>
    %sub3A_14 = vector.broadcast %mul3A_3 : vector<1x256xf32> to vector<1000x256xf32>
    %sub3A_15 = arith.subf %get3A_13, %sub3A_14 : vector<1000x256xf32>
    %add3A = arith.constant 9.99999974E-6 : f32
    %add3A_16 = vector.broadcast %add3A : f32 to vector<1x256xf32>
    %add3A_17 = arith.addf %sub3A, %add3A_16 : vector<1x256xf32>
    %rsqrt3A = math.rsqrt %add3A_17 : vector<1x256xf32>
    %mul3A_18 = vector.broadcast %rsqrt3A : vector<1x256xf32> to vector<1000x256xf32>
    %mul3A_19 = arith.mulf %sub3A_15, %mul3A_18 : vector<1000x256xf32>
    %get3A_20 = arith.constant 0 : index
    %get3A_21 = arith.constant 0 : index
    %get3A_22 = vector.load %arg4[%get3A_20, %get3A_21] : memref<1x256xf32, #tpu.memory_space<vmem>>, vector<1x256xf32>
    %mul3A_23 = vector.broadcast %get3A_22 : vector<1x256xf32> to vector<1000x256xf32>
    %mul3A_24 = arith.mulf %mul3A_19, %mul3A_23 : vector<1000x256xf32>
    %get3A_25 = arith.constant 0 : index
    %get3A_26 = arith.constant 0 : index
    %get3A_27 = vector.load %arg5[%get3A_25, %get3A_26] : memref<1x256xf32, #tpu.memory_space<vmem>>, vector<1x256xf32>
    %add3A_28 = vector.broadcast %get3A_27 : vector<1x256xf32> to vector<1000x256xf32>
    %add3A_29 = arith.addf %mul3A_24, %add3A_28 : vector<1000x256xf32>
    %get3A_30 = arith.constant 0 : index
    %get3A_31 = arith.constant 0 : index
    %get3A_32 = vector.load %arg6[%get3A_30, %get3A_31] : memref<1000x256xf32, #tpu.memory_space<vmem>>, vector<1000x256xf32>
    %max3A = arith.constant 0.000000e+00 : f32
    %max3A_33 = vector.broadcast %max3A : f32 to vector<1000x256xf32>
    %max3A_34 = arith.maximumf %add3A_29, %max3A_33 : vector<1000x256xf32>
    %add3A_35 = arith.addf %get3A_32, %max3A_34 : vector<1000x256xf32>
    %swap3A = arith.constant 0 : index
    %swap3A_36 = arith.constant 0 : index
    %swap3A_37 = vector.load %arg7[%swap3A, %swap3A_36] : memref<1000x256xf32, #tpu.memory_space<vmem>>, vector<1000x256xf32>
    tpu.vector_store %arg7[%swap3A, %swap3A_36], %add3A_35 {strides = array<i32>} : memref<1000x256xf32, #tpu.memory_space<vmem>>, vector<1000x256xf32>,
    return
  }
  func.func @transform_0(%arg0: i32) -> (i32, i32) {
    %c0_i32 = arith.constant 0 : i32
    %c0_i32_0 = arith.constant 0 : i32
    return %arg0, %c0_i32 : i32, i32
  }
  func.func @transform_1(%arg0: i32) -> (i32, i32) {
    %c0_i32 = arith.constant 0 : i32
    %c0_i32_0 = arith.constant 0 : i32
    %c0_i32_1 = arith.constant 0 : i32
    return %c0_i32, %c0_i32_0 : i32, i32
  }
  func.func @transform_2(%arg0: i32) -> (i32, i32) {
    %c0_i32 = arith.constant 0 : i32
    %c0_i32_0 = arith.constant 0 : i32
    %c0_i32_1 = arith.constant 0 : i32
    return %c0_i32, %c0_i32_0 : i32, i32
  }
  func.func @transform_3(%arg0: i32) -> (i32, i32) {
    %c0_i32 = arith.constant 0 : i32
    %c0_i32_0 = arith.constant 0 : i32
    %c0_i32_1 = arith.constant 0 : i32
    return %c0_i32, %c0_i32_0 : i32, i32
  }
  func.func @transform_4(%arg0: i32) -> (i32, i32) {
    %c0_i32 = arith.constant 0 : i32
    %c0_i32_0 = arith.constant 0 : i32
    %c0_i32_1 = arith.constant 0 : i32
    return %c0_i32, %c0_i32_0 : i32, i32
  }
  func.func @transform_5(%arg0: i32) -> (i32, i32) {
    %c0_i32 = arith.constant 0 : i32
    %c0_i32_0 = arith.constant 0 : i32
    return %arg0, %c0_i32 : i32, i32
  }
  func.func @transform_6(%arg0: i32) -> (i32, i32) {
    %c0_i32 = arith.constant 0 : i32
    %c0_i32_0 = arith.constant 0 : i32
    return %arg0, %c0_i32 : i32, i32
  }
}

module attributes {stable_mosaic.version = 14 : i64} {
  func.func @_pool_body(%arg0: i32, %arg1: memref<1000x256xf32, #tpu.memory_space<vmem>>, %arg2: memref<1000x1xi32, #tpu.memory_space<vmem>>, %arg3: memref<256x128xf32, #tpu.memory_space<vmem>>, %arg4: memref<1x128xf32, #tpu.memory_space<vmem>>, %arg5: memref<128x64xf32, #tpu.memory_space<vmem>>, %arg6: memref<1x64xf32, #tpu.memory_space<vmem>>, %arg7: memref<64x10xf32, #tpu.memory_space<vmem>>, %arg8: memref<1x10xf32, #tpu.memory_space<vmem>>, %arg9: memref<64x10xf32, #tpu.memory_space<vmem>>, %arg10: memref<64x256xf32, #tpu.memory_space<vmem>>, %arg11: memref<64x1xf32, #tpu.memory_space<vmem>>) attributes {dimension_semantics = [#tpu.dimension_semantics<arbitrary>], iteration_bounds = array<i64: 10>, scalar_prefetch = 0 : i64, scratch_operands = 2 : i64, tpu.core_type = #tpu.core_type<tc>, window_params = [{transform_indices = @transform_0, window_bounds = array<i64: 1000, 256>}, {transform_indices = @transform_1, window_bounds = array<i64: 1000, 1>}, {pipeline_mode = #tpu.pipeline_mode<synchronous>, transform_indices = @transform_2, window_bounds = array<i64: 256, 128>}, {pipeline_mode = #tpu.pipeline_mode<synchronous>, transform_indices = @transform_3, window_bounds = array<i64: 1, 128>}, {pipeline_mode = #tpu.pipeline_mode<synchronous>, transform_indices = @transform_4, window_bounds = array<i64: 128, 64>}, {pipeline_mode = #tpu.pipeline_mode<synchronous>, transform_indices = @transform_5, window_bounds = array<i64: 1, 64>}, {pipeline_mode = #tpu.pipeline_mode<synchronous>, transform_indices = @transform_6, window_bounds = array<i64: 64, 10>}, {pipeline_mode = #tpu.pipeline_mode<synchronous>, transform_indices = @transform_7, window_bounds = array<i64: 1, 10>}, {pipeline_mode = #tpu.pipeline_mode<synchronous>, transform_indices = @transform_8, window_bounds = array<i64: 64, 10>}]} {
    %eq3A = arith.constant 0 : i32
    %eq3A_0 = arith.cmpi eq, %arg0, %eq3A : i32
    %convert_element_type3A = arith.extui %eq3A_0 : i1 to i32
    %cond3A = arith.constant 0 : i32
    %cond3A_1 = arith.cmpi ne, %convert_element_type3A, %cond3A : i32
    scf.if %cond3A_1 {
      %broadcast_in_dim3A_33 = arith.constant 0.000000e+00 : f32
      %broadcast_in_dim3A_34 = vector.broadcast %broadcast_in_dim3A_33 : f32 to vector<64x256xf32>
      %swap3A_35 = arith.constant 0 : index
      %swap3A_36 = arith.constant 0 : index
      %swap3A_37 = vector.load %arg10[%swap3A_35, %swap3A_36] : memref<64x256xf32, #tpu.memory_space<vmem>>, vector<64x256xf32>
      tpu.vector_store %arg10[%swap3A_35, %swap3A_36], %broadcast_in_dim3A_34 {strides = array<i32>} : memref<64x256xf32, #tpu.memory_space<vmem>>, vector<64x256xf32>,
      %broadcast_in_dim3A_38 = arith.constant 0.000000e+00 : f32
      %broadcast_in_dim3A_39 = vector.broadcast %broadcast_in_dim3A_38 : f32 to vector<64x1xf32>
      %swap3A_40 = arith.constant 0 : index
      %swap3A_41 = arith.constant 0 : index
      %swap3A_42 = vector.load %arg11[%swap3A_40, %swap3A_41] : memref<64x1xf32, #tpu.memory_space<vmem>>, vector<64x1xf32>
      tpu.vector_store %arg11[%swap3A_40, %swap3A_41], %broadcast_in_dim3A_39 {strides = array<i32>} : memref<64x1xf32, #tpu.memory_space<vmem>>, vector<64x1xf32>,
    } else {
    }
    %iota3A = tpu.iota {dimensions = array<i32: 1>} : vector<1000x64xi32>
    %get3A = arith.constant 0 : index
    %get3A_2 = arith.constant 0 : index
    %get3A_3 = vector.load %arg2[%get3A, %get3A_2] : memref<1000x1xi32, #tpu.memory_space<vmem>>, vector<1000x1xi32>
    %eq3A_4 = vector.broadcast %get3A_3 : vector<1000x1xi32> to vector<1000x64xi32>
    %eq3A_5 = arith.cmpi eq, %eq3A_4, %iota3A : vector<1000x64xi32>
    %jit3A = arith.constant 1.000000e+00 : f32
    %jit3A_6 = arith.constant 0.000000e+00 : f32
    %broadcast_in_dim3A = vector.broadcast %jit3A : f32 to vector<1000x64xf32>
    %broadcast_in_dim3A_7 = vector.broadcast %jit3A_6 : f32 to vector<1000x64xf32>
    %select_n3A = arith.select %eq3A_5, %broadcast_in_dim3A, %broadcast_in_dim3A_7 : vector<1000x64xi1>, vector<1000x64xf32>
    %get3A_8 = arith.constant 0 : index
    %get3A_9 = arith.constant 0 : index
    %get3A_10 = vector.load %arg10[%get3A_8, %get3A_9] : memref<64x256xf32, #tpu.memory_space<vmem>>, vector<64x256xf32>
    %get3A_11 = arith.constant 0 : index
    %get3A_12 = arith.constant 0 : index
    %get3A_13 = vector.load %arg1[%get3A_11, %get3A_12] : memref<1000x256xf32, #tpu.memory_space<vmem>>, vector<1000x256xf32>
    %dot_general3A = arith.constant dense<0.000000e+00> : vector<64x256xf32>
    %dot_general3A_14 = tpu.matmul %select_n3A, %get3A_13, %dot_general3A {dimension_numbers = #tpu.dot_dimension_numbers<[0], [0], [1], [1], [0, 1, 1, 1], [], []>, transpose_lhs_hint = false} : vector<1000x64xf32>, vector<1000x256xf32>, vector<64x256xf32> -> vector<64x256xf32>
    %add3A = arith.addf %get3A_10, %dot_general3A_14 : vector<64x256xf32>
    %swap3A = arith.constant 0 : index
    %swap3A_15 = arith.constant 0 : index
    %swap3A_16 = vector.load %arg10[%swap3A, %swap3A_15] : memref<64x256xf32, #tpu.memory_space<vmem>>, vector<64x256xf32>
    tpu.vector_store %arg10[%swap3A, %swap3A_15], %add3A {strides = array<i32>} : memref<64x256xf32, #tpu.memory_space<vmem>>, vector<64x256xf32>,
    %get3A_17 = arith.constant 0 : index
    %get3A_18 = arith.constant 0 : index
    %get3A_19 = vector.load %arg11[%get3A_17, %get3A_18] : memref<64x1xf32, #tpu.memory_space<vmem>>, vector<64x1xf32>
    %broadcast_in_dim3A_20 = arith.constant 1.000000e+00 : f32
    %broadcast_in_dim3A_21 = vector.broadcast %broadcast_in_dim3A_20 : f32 to vector<1000x1xf32>
    %dot_general3A_22 = arith.constant dense<0.000000e+00> : vector<64x1xf32>
    %dot_general3A_23 = tpu.matmul %select_n3A, %broadcast_in_dim3A_21, %dot_general3A_22 {dimension_numbers = #tpu.dot_dimension_numbers<[0], [0], [1], [1], [0, 1, 1, 1], [], []>, transpose_lhs_hint = false} : vector<1000x64xf32>, vector<1000x1xf32>, vector<64x1xf32> -> vector<64x1xf32>
    %add3A_24 = arith.addf %get3A_19, %dot_general3A_23 : vector<64x1xf32>
    %swap3A_25 = arith.constant 0 : index
    %swap3A_26 = arith.constant 0 : index
    %swap3A_27 = vector.load %arg11[%swap3A_25, %swap3A_26] : memref<64x1xf32, #tpu.memory_space<vmem>>, vector<64x1xf32>
    tpu.vector_store %arg11[%swap3A_25, %swap3A_26], %add3A_24 {strides = array<i32>} : memref<64x1xf32, #tpu.memory_space<vmem>>, vector<64x1xf32>,
    %eq3A_28 = arith.constant 9 : i32
    %eq3A_29 = arith.cmpi eq, %arg0, %eq3A_28 : i32
    %convert_element_type3A_30 = arith.extui %eq3A_29 : i1 to i32
    %cond3A_31 = arith.constant 0 : i32
    %cond3A_32 = arith.cmpi ne, %convert_element_type3A_30, %cond3A_31 : i32
    scf.if %cond3A_32 {
      %get3A_33 = arith.constant 0 : index
      %get3A_34 = arith.constant 0 : index
      %get3A_35 = vector.load %arg10[%get3A_33, %get3A_34] : memref<64x256xf32, #tpu.memory_space<vmem>>, vector<64x256xf32>
      %get3A_36 = arith.constant 0 : index
      %get3A_37 = arith.constant 0 : index
      %get3A_38 = vector.load %arg11[%get3A_36, %get3A_37] : memref<64x1xf32, #tpu.memory_space<vmem>>, vector<64x1xf32>
      %max3A = arith.constant 1.000000e+00 : f32
      %max3A_39 = vector.broadcast %max3A : f32 to vector<64x1xf32>
      %max3A_40 = arith.maximumf %get3A_38, %max3A_39 : vector<64x1xf32>
      %div3A = vector.broadcast %max3A_40 : vector<64x1xf32> to vector<64x256xf32>
      %div3A_41 = arith.divf %get3A_35, %div3A : vector<64x256xf32>
      %get3A_42 = arith.constant 0 : index
      %get3A_43 = arith.constant 0 : index
      %get3A_44 = vector.load %arg3[%get3A_42, %get3A_43] : memref<256x128xf32, #tpu.memory_space<vmem>>, vector<256x128xf32>
      %dot_general3A_45 = arith.constant dense<0.000000e+00> : vector<64x128xf32>
      %dot_general3A_46 = tpu.matmul %div3A_41, %get3A_44, %dot_general3A_45 {dimension_numbers = #tpu.dot_dimension_numbers<[1], [0], [0], [1], [0, 0, 1, 1], [], []>, transpose_lhs_hint = false} : vector<64x256xf32>, vector<256x128xf32>, vector<64x128xf32> -> vector<64x128xf32>
      %get3A_47 = arith.constant 0 : index
      %get3A_48 = arith.constant 0 : index
      %get3A_49 = vector.load %arg4[%get3A_47, %get3A_48] : memref<1x128xf32, #tpu.memory_space<vmem>>, vector<1x128xf32>
      %add3A_50 = vector.broadcast %get3A_49 : vector<1x128xf32> to vector<64x128xf32>
      %add3A_51 = arith.addf %dot_general3A_46, %add3A_50 : vector<64x128xf32>
      %max3A_52 = arith.constant 0.000000e+00 : f32
      %max3A_53 = vector.broadcast %max3A_52 : f32 to vector<64x128xf32>
      %max3A_54 = arith.maximumf %add3A_51, %max3A_53 : vector<64x128xf32>
      %get3A_55 = arith.constant 0 : index
      %get3A_56 = arith.constant 0 : index
      %get3A_57 = vector.load %arg5[%get3A_55, %get3A_56] : memref<128x64xf32, #tpu.memory_space<vmem>>, vector<128x64xf32>
      %dot_general3A_58 = arith.constant dense<0.000000e+00> : vector<64x64xf32>
      %dot_general3A_59 = tpu.matmul %max3A_54, %get3A_57, %dot_general3A_58 {dimension_numbers = #tpu.dot_dimension_numbers<[1], [0], [0], [1], [0, 0, 1, 1], [], []>, transpose_lhs_hint = false} : vector<64x128xf32>, vector<128x64xf32>, vector<64x64xf32> -> vector<64x64xf32>
      %get3A_60 = arith.constant 0 : index
      %get3A_61 = arith.constant 0 : index
      %get3A_62 = vector.load %arg6[%get3A_60, %get3A_61] : memref<1x64xf32, #tpu.memory_space<vmem>>, vector<1x64xf32>
      %add3A_63 = vector.broadcast %get3A_62 : vector<1x64xf32> to vector<64x64xf32>
      %add3A_64 = arith.addf %dot_general3A_59, %add3A_63 : vector<64x64xf32>
      %max3A_65 = arith.constant 0.000000e+00 : f32
      %max3A_66 = vector.broadcast %max3A_65 : f32 to vector<64x64xf32>
      %max3A_67 = arith.maximumf %add3A_64, %max3A_66 : vector<64x64xf32>
      %get3A_68 = arith.constant 0 : index
      %get3A_69 = arith.constant 0 : index
      %get3A_70 = vector.load %arg7[%get3A_68, %get3A_69] : memref<64x10xf32, #tpu.memory_space<vmem>>, vector<64x10xf32>
      %dot_general3A_71 = arith.constant dense<0.000000e+00> : vector<64x10xf32>
      %dot_general3A_72 = tpu.matmul %max3A_67, %get3A_70, %dot_general3A_71 {dimension_numbers = #tpu.dot_dimension_numbers<[1], [0], [0], [1], [0, 0, 1, 1], [], []>, transpose_lhs_hint = false} : vector<64x64xf32>, vector<64x10xf32>, vector<64x10xf32> -> vector<64x10xf32>
      %get3A_73 = arith.constant 0 : index
      %get3A_74 = arith.constant 0 : index
      %get3A_75 = vector.load %arg8[%get3A_73, %get3A_74] : memref<1x10xf32, #tpu.memory_space<vmem>>, vector<1x10xf32>
      %add3A_76 = vector.broadcast %get3A_75 : vector<1x10xf32> to vector<64x10xf32>
      %add3A_77 = arith.addf %dot_general3A_72, %add3A_76 : vector<64x10xf32>
      %swap3A_78 = arith.constant 0 : index
      %swap3A_79 = arith.constant 0 : index
      %swap3A_80 = vector.load %arg9[%swap3A_78, %swap3A_79] : memref<64x10xf32, #tpu.memory_space<vmem>>, vector<64x10xf32>
      tpu.vector_store %arg9[%swap3A_78, %swap3A_79], %add3A_77 {strides = array<i32>} : memref<64x10xf32, #tpu.memory_space<vmem>>, vector<64x10xf32>,
    } else {
    }
    return
  }
  func.func @transform_0(%arg0: i32) -> (i32, i32) {
    %c0_i32 = arith.constant 0 : i32
    %c0_i32_0 = arith.constant 0 : i32
    return %arg0, %c0_i32 : i32, i32
  }
  func.func @transform_1(%arg0: i32) -> (i32, i32) {
    %c0_i32 = arith.constant 0 : i32
    %c0_i32_0 = arith.constant 0 : i32
    return %arg0, %c0_i32 : i32, i32
  }
  func.func @transform_2(%arg0: i32) -> (i32, i32) {
    %c0_i32 = arith.constant 0 : i32
    %c0_i32_0 = arith.constant 0 : i32
    %c0_i32_1 = arith.constant 0 : i32
    return %c0_i32, %c0_i32_0 : i32, i32
  }
  func.func @transform_3(%arg0: i32) -> (i32, i32) {
    %c0_i32 = arith.constant 0 : i32
    %c0_i32_0 = arith.constant 0 : i32
    %c0_i32_1 = arith.constant 0 : i32
    return %c0_i32, %c0_i32_0 : i32, i32
  }
  func.func @transform_4(%arg0: i32) -> (i32, i32) {
    %c0_i32 = arith.constant 0 : i32
    %c0_i32_0 = arith.constant 0 : i32
    %c0_i32_1 = arith.constant 0 : i32
    return %c0_i32, %c0_i32_0 : i32, i32
  }
  func.func @transform_5(%arg0: i32) -> (i32, i32) {
    %c0_i32 = arith.constant 0 : i32
    %c0_i32_0 = arith.constant 0 : i32
    %c0_i32_1 = arith.constant 0 : i32
    return %c0_i32, %c0_i32_0 : i32, i32
  }
  func.func @transform_6(%arg0: i32) -> (i32, i32) {
    %c0_i32 = arith.constant 0 : i32
    %c0_i32_0 = arith.constant 0 : i32
    %c0_i32_1 = arith.constant 0 : i32
    return %c0_i32, %c0_i32_0 : i32, i32
  }
  func.func @transform_7(%arg0: i32) -> (i32, i32) {
    %c0_i32 = arith.constant 0 : i32
    %c0_i32_0 = arith.constant 0 : i32
    %c0_i32_1 = arith.constant 0 : i32
    return %c0_i32, %c0_i32_0 : i32, i32
  }
  func.func @transform_8(%arg0: i32) -> (i32, i32) {
    %c0_i32 = arith.constant 0 : i32
    %c0_i32_0 = arith.constant 0 : i32
    %c0_i32_1 = arith.constant 0 : i32
    return %c0_i32, %c0_i32_0 : i32, i32
  }
}

</mosaic_0001>

<sc_bundles>
// kernel: kernel.17.cloned.1.call-start
scs
__scs_entry_jumppad:
0x0: {  	(pc) =	sbr.rel $0x88, $3  }
0x1: {  	(tag) =	ssettag $0x0;
	lr =	simm.s32 $0x1  }
0x2: {  	[smem:$0x3F92] =	sst lr;
	_ =	strace $0xD0000000  }
0x3: {  	_ = 	snop  }
0x4: {  	_ = 	snop  }
0x5: {  	_ = 	snop  }
0x6: {  	_ = 	snop  }
0x7: {  	_ = 	snop  }
__scs_overlays_trampoline_lowered:
0x8: {  	[smem:$0x3FA1] =	sst s0  }
0x9: {  	[smem:$0x3FA2] =	sst s1  }
0xa: {  	[smem:$0x3FA3] =	sst s2  }
0xb: {  	[smem:$0x3FA4] =	sst s3  }
0xc: {  	[smem:$0x3FA5] =	sst s4  }
0xd: {  	[smem:$0x3FA6] =	sst s5  }
0xe: {  	[smem:$0x3FA7] =	sst s6  }
0xf: {  	[smem:$0x3FA8] =	sst s7  }
0x10: {  	[smem:$0x3FA9] =	sst s8  }
0x11: {  	[smem:$0x3FAA] =	sst s9;
	s0 =	simm.s32 @!p0 $0x0  }
0x12: {  	s1 =	sld [smem:$0x3F90];
	s0 =	simm.s32 @p0 $0x1  }
0x13: {  	[smem:$0x3FAB] =	sst s0;
	s0 =	simm.s32 @!p1 $0x0  }
0x14: {  	s2 =	sld [smem:$0x3F8F];
	s0 =	simm.s32 @p1 $0x1  }
0x15: {  	[smem:$0x3FAC] =	sst s0;
	s0 =	simm.s32 @!p2 $0x0  }
0x16: {  	s3 =	sld [smem:$0x3FDB];
	s0 =	simm.s32 @p2 $0x1  }
0x17: {  	s4 =	simm.s32 $0x1BF5;
	[smem:$0x3FAE] =	sst s0  }
0x18: {  	s0 =	sld [smem:$0x3F91];
	_ =	swait.ge [sflag:s4], $0x0  }
0x19: {  	s7 =	sld [smem:$0x3F92]  }
0x1a: {  	s8 =	sadd.s32 $0xFFFFE003, lr  }
0x1b: {  	s9 =	sadd.s32 $0xFFFFFEF7, lr;
	s5 =	simm.s32 $0xFFFFFFFF;
	p2 =	slt.u32 s8, $0xFFFFF086  }
0x1c: {  	p1 =	slt.u32 s9, $0xF7A;
	s5 =	simm.s32 @!p2 $0x0  }
0x1d: {  	s5 =	simm.s32 @p1 $0x1;
	p0 =	seq.s32 s7, s2  }
0x1e: {  	s7 =	smul.u32 @!p0 $0xF7A, s2;
	p2 =	seq.s32 @!p0 s5, $0x0  }
0x1f: {  	s9 =	smul.u32 $0xF7A, s1;
	s8 =	simm.s32 @!p0 $0x1BF5;
	p2 =	por !p2, p0  }
0x20: {  	[sflag:s8] =	ssyncset.s32 @!p0 $0xFFFFF086;
	s6 =	sadd.s32 @!p0 s3, s7;
	s7 =	simm.s32 @!p0 $0x108  }
0x21: {  	s3 =	sadd.s32 s3, s9;
	s6 =	sadd.s32 @!p0 $0x88, s6;
	s7 =	simm.s32 @p2 $0x1082  }
0x22: {  	[simem:s7], [sflag:s8] =	dma.local @!p0 [hbm:s6], $0xF7A  }
0x23: {  	s9 =	sor.u32 $0xD0000000, s2;
	s6 =	simm.s32 $0x108;
	_ =	swait.ge @!p0 [sflag:s8], $0x0  }
0x24: {  	s3 =	sadd.s32 $0x88, s3;
	s6 =	simm.s32 @!p1 $0x1082;
	[sflag:s4] =	ssyncset.s32 $0xFFFFF086  }
0x25: {  	[simem:s6], [sflag:s4] =	dma.local [hbm:s3], $0xF7A  }
0x26: {  	[smem:$0x3F92] =	sst s1;
	(tag) =	ssettag s2;
	_ =	strace s9  }
0x27: {  	s1 =	sld [smem:$0x3FA2]  }
0x28: {  	s2 =	sld [smem:$0x3FA3]  }
0x29: {  	s4 =	sld [smem:$0x3FA5]  }
0x2a: {  	p0 =	seq.s32 s5, $0x0;
	s5 =	sld [smem:$0x3FA6]  }
0x2b: {  	s6 =	sld [smem:$0x3FA7]  }
0x2c: {  	s7 =	sld [smem:$0x3FA8]  }
0x2d: {  	s3 =	simm.s32 $0x108;
	s8 =	sld [smem:$0x3FA9]  }
0x2e: {  	s3 =	simm.s32 @!p0 $0x1082;
	s9 =	sld [smem:$0x3FAA]  }
0x2f: {  	lr =	sadd.s32 s0, s3;
	s0 =	sld [smem:$0x3FA1]  }
0x30: {  	s3 =	sld [smem:$0x3FA4]  }
0x31: {  	[smem:$0x3FAD] =	sst s10  }
0x32: {  	s10 =	sld [smem:$0x3FAB];
	_ =	sdelay $0x3  }
0x33: {  	p0 =	seq.s32 s10, $0x1;
	s10 =	sld [smem:$0x3FAD];
	_ =	sdelay $0x3  }
0x34: {  	[smem:$0x3FAD] =	sst s10  }
0x35: {  	s10 =	sld [smem:$0x3FAC];
	_ =	sdelay $0x3  }
0x36: {  	p1 =	seq.s32 s10, $0x1;
	s10 =	sld [smem:$0x3FAD];
	_ =	sdelay $0x3  }
0x37: {  	[smem:$0x3FAD] =	sst s10  }
0x38: {  	s10 =	sld [smem:$0x3FAE]  }
0x39: {  	_ = 	snop;
	(pc) =	sbr.ind lr, $3  }
0x3a: {  	_ = 	snop  }
0x3b: {  	_ = 	snop  }
0x3c: {  	p2 =	seq.s32 s10, $0x1;
	s10 =	sld [smem:$0x3FAD]  }
0x3d: {  	_ =	shalt  }
0x3e: {  	_ =	shalt  }
0x3f: {  	_ =	shalt  }
0x40: {  	_ =	shalt  }
0x41: {  	_ =	shalt  }
0x42: {  	_ =	shalt  }
0x43: {  	_ =	shalt  }
0x44: {  	_ =	shalt  }
0x45: {  	_ =	shalt  }
0x46: {  	_ =	shalt  }
0x47: {  	_ =	shalt  }
0x48: {  	_ =	shalt  }
0x49: {  	_ =	shalt  }
0x4a: {  	_ =	shalt  }
0x4b: {  	_ =	shalt  }
0x4c: {  	_ =	shalt  }
0x4d: {  	_ =	shalt  }
0x4e: {  	_ =	shalt  }
0x4f: {  	_ =	shalt  }
0x50: {  	_ =	shalt  }
0x51: {  	_ =	shalt  }
0x52: {  	_ =	shalt  }
0x53: {  	_ =	shalt  }
0x54: {  	_ =	shalt  }
0x55: {  	_ =	shalt  }
0x56: {  	_ =	shalt  }
0x57: {  	_ =	shalt  }
0x58: {  	_ =	shalt  }
0x59: {  	_ =	shalt  }
0x5a: {  	_ =	shalt  }
0x5b: {  	_ =	shalt  }
0x5c: {  	_ =	shalt  }
0x5d: {  	_ =	shalt  }
0x5e: {  	_ =	shalt  }
0x5f: {  	_ =	shalt  }
0x60: {  	_ =	shalt  }
0x61: {  	_ =	shalt  }
0x62: {  	_ =	shalt  }
0x63: {  	_ =	shalt  }
0x64: {  	_ =	shalt  }
0x65: {  	_ =	shalt  }
0x66: {  	_ =	shalt  }
0x67: {  	_ =	shalt  }
0x68: {  	_ =	shalt  }
0x69: {  	_ =	shalt  }
0x6a: {  	_ =	shalt  }
0x6b: {  	_ =	shalt  }
0x6c: {  	_ =	shalt  }
0x6d: {  	_ =	shalt  }
0x6e: {  	_ =	shalt  }
0x6f: {  	_ =	shalt  }
0x70: {  	_ =	shalt  }
0x71: {  	_ =	shalt  }
0x72: {  	_ =	shalt  }
0x73: {  	_ =	shalt  }
0x74: {  	_ =	shalt  }
0x75: {  	_ =	shalt  }
0x76: {  	_ =	shalt  }
0x77: {  	_ =	shalt  }
0x78: {  	_ =	shalt  }
0x79: {  	_ =	shalt  }
0x7a: {  	_ =	shalt  }
0x7b: {  	_ =	shalt  }
0x7c: {  	_ =	shalt  }
0x7d: {  	_ =	shalt  }
0x7e: {  	_ =	shalt  }
0x7f: {  	_ =	shalt  }
0x80: {  	_ =	shalt  }
0x81: {  	_ =	shalt  }
0x82: {  	_ =	shalt  }
0x83: {  	_ =	shalt  }
0x84: {  	_ =	shalt  }
0x85: {  	_ =	shalt  }
0x86: {  	_ =	shalt  }
0x87: {  	_ =	shalt  }
.Lfunc_end0:
.L_simem_size_0:
called_computation_lowered:
.L_overlay_start_0:
0x88: {  	s2 =	sld [smem:$0x3FD9]  }
0x89: {  	s3 =	sld [smem:$0x3FFE];
	_ =	sdelay $0x1  }
0x8a: {  	s1 =	srdreg.scid  }
0x8b: {  	s0 =	sand.u32 $0x1, s1  }
0x8c: {  	s17 =	sshll.u32 s0, $0xA;
	s2 =	sadd.s32 s3, s2  }
0x8d: {  	s2 =	sadd.s32 s2, s17  }
0x8e: {  	[smem:$0x3FB9] =	sst s2  }
0x8f: {  	_ = 	snop  }
0x90: {  	s2 =	sld [smem:$0x3FD0];
	(tm) =	ssettm $0x1  }
0x91: {  	s18 =	sld [smem:$0x3FFB];
	_ =	sdelay $0x3  }
0x92: {  	_ =	strace s18  }
0x93: {  	s3 =	sld [smem:$0x3FFC];
	_ =	sdelay $0x3  }
0x94: {  	_ =	strace s3  }
0x95: {  	s3 =	sld [smem:$0x3FFD];
	_ =	sdelay $0x3  }
0x96: {  	_ =	strace s3  }
0x97: {  	_ =	strace $0x8FFFFFFF  }
0x98: {  	s19 =	sld [smem:$0x3FDB];
	_ =	sdelay $0x1  }
0x99: {  	s4 =	simm.s32 $_scs_section_size  }
0x9a: {  	s5 =	simm.s32 $_size__tile_overlayer_lowered;
	s6 =	simm.s32 $_tile_overlayer_lowered  }
0x9b: {  	s22 =	simm.s32 $0x1BFF;
	s21 =	sshll.u32 s6, $0x1;
	s3 =	sadd.s32 s4, s19  }
0x9c: {  	s7 =	simm.s32 $0x0;
	s20 =	sshll.u32 s5, $0x1;
	s5 =	sadd.s32 s21, s3  }
0x9d: {  	[timem:s7], [sflag:s22] =	dma.local [hbm:s5], s20  }
0x9e: {  	_ =	swait.ge [sflag:s22], s20  }
0x9f: {  	s4 =	ssub.s32 $0x0, s20;
	[sflag:s22] =	ssyncset.done $0x0  }
0xa0: {  	[sflag:s22] =	ssyncadd.s32 s4;
	_ =	sdelay $0x1  }
0xa1: {  	s23 =	simm.s32 $0x1B8B  }
0xa2: {  	_ =	swait.ge [sflag:s23], $0x1  }
0xa3: {  	[sflag:s23] =	ssyncset.done $0x0  }
0xa4: {  	s25 =	simm.s32 $0x1B8E;
	s24 =	sld [smem:$0x3FFE];
	[sflag:s23] =	ssyncadd.s32 $0xFFFFFFFF  }
0xa5: {  	s26 =	simm.s32 $execute0_lowered;
	[smem:$0x3FD2] =	sst s25  }
0xa6: {  	s5 =	sshll.u32 s26, $0x1;
	_ =	strace $0x80000046;
	[dreg:$0x1] =	wrdreg $0xFFFFFFFF  }
0xa7: {  	s28 =	simm.s32 $_size_execute0_lowered;
	s3 =	sadd.s32 s3, s5;
	[dreg:$0x0] =	wrdreg $0x0  }
0xa8: {  	s5 =	sshll.u32 s28, $0x1;
	[dreg:$0x2] =	wrdreg s3  }
0xa9: {  	[dreg:$0x3] =	wrdreg s5  }
0xaa: {  	[dreg:$0x4] =	wrdreg $0xC0  }
0xab: {  	_ =	task [dreg:s7], $0x5FFFF  }
0xac: {  	[dreg:$0x1] =	wrdreg $0xFFFFFFFF  }
0xad: {  	[dreg:$0x0] =	wrdreg $0x60  }
0xae: {  	[dreg:$0x2] =	wrdreg s24  }
0xaf: {  	[dreg:$0x3] =	wrdreg s2  }
0xb0: {  	[dreg:$0x4] =	wrdreg $0x1800  }
0xb1: {  	[dreg:$0x5] =	wrdreg $0x9  }
0xb2: {  	_ =	task.clear_ibuf [dreg:s7], $0x6FFFF;
	_ =	strace $0x90000046  }
0xb3: {  	s29 =	simm.s32 $0x9;
	_ =	strace $0x80000048  }
0xb4: {  	_ =	swait.ge [sflag:s29], $0x1  }
0xb5: {  	[sflag:s29] =	ssyncadd.s32 $0xFFFFFFFF  }
0xb6: {  	_ =	strace $0x90000048  }
0xb7: {  	_ =	sfence  }
0xb8: {  	s30 =	sld [smem:$0x0];
	_ =	sdelay $0x2  }
0xb9: {  	s31 =	sshll.u32 s1, $0xD;
	s1 =	sshrl.u32 s1, $0x2  }
0xba: {  	s3 =	sand.u32 $0x4000, s31;
	s1 =	sadd.s32 s1, s30  }
0xbb: {  	s0 =	sor.u32 s3, s0;
	s1 =	sshll.u32 s1, $0x11  }
0xbc: {  	s0 =	sor.u32 s1, s0  }
0xbd: {  	s0 =	sadd.s32 $0x8F2B, s0  }
0xbe: {  	[sflag:s0] =	ssyncadd.remote.s32 $0x1  }
0xbf: {  	_ =	sfence.sel $0xFFFF  }
0xc0: {  	[dreg:$0x0] =	wrdreg $0xFFFFFFFF;
	(pc) =	sbr.abs _section_cstart, $3  }
0xc1: {  	[dreg:$0x1] =	wrdreg $0xFFFFFFFF  }
0xc2: {  	_ =	task.clear_ibuf [dreg:s7], $0x2FFFF;
	_ =	strace $0x9FFFFFFF  }
0xc3: {  	(tm) =	ssettm $0x7FFFFFFF  }
tec
execute0_lowered:
.L_overlay_start_1:
0x0: {  	(tag) =	ssettag $0x1  }
0x1: {  	s10 =	rddreg [dreg:$0x0]  }
0x2: {  	s1 =	rddreg [dreg:$0x1]  }
0x3: {  	s3 =	rddreg [dreg:$0x2]  }
0x4: {  	s0 =	rddreg [dreg:$0x3];
	s4 =	simm.s32 $0x0;
	s5 =	srdreg.scid  }
0x5: {  	s2 =	stileid.u32;
	s15 =	simm.s32 $0x12200;
	s18 =	simm.s32 $0x0  }
0x6: {  	[smem:$0x7FF] =	sst s4;
	s9 =	sand.u32 $0x1, s5;
	s30 =	sshll.u32 s2, $0x1  }
0x7: {  	s11 =	sadd.s32 $0x7A00, s10;
	s12 =	smul.u32 $0x280, s2;
	s31 =	sshll.u32 s2, $0x6  }
0x8: {  	s16 =	smul.u32 $0xA00, s2;
	_ =	strace $0x80000047;
	s5 =	sor.u32 s9, s30  }
0x9: {  	s6 =	ssub.s32 $0x2, s9;
	p0 =	seq.s32 s9, $0x1;
	s17 =	smul.u32 $0x500, s9  }
0xa: {  	s7 =	smul.u32 $0x500, s5;
	s5 =	sadd.s32 $0x11A00, s10;
	s8 =	sshrl.u32 s6, $0x1  }
0xb: {  	s14 =	sadd.s32 s12, s3;
	s12 =	sshrl.u32 s12, $0x3;
	s15 =	simm.s32 @!p0 $0x11C00  }
0xc: {  	s13 =	ssub.s32 s6, s8;
	s10 =	sadd.s32 s15, s10;
	s15 =	simm.s32 $0x80  }
0xd: {  	s6 =	sadd.s32 s11, s7;
	s7 =	sor.u32 $0x1C03, s31;
	s9 =	smax.u32 s13, $0x1  }
0xe: {  	s11 =	sadd.s32 s16, s11;
	s10 =	sadd.s32 s10, s12;
	s12 =	sshrl.u32 s14, $0x3  }
0xf: {  	s13 =	simm.s32 $0x3;
	s14 =	simm.s32 $0x100;
	s16 =	simm.s32 $0x1  }
0x10: {  	s8 =	sadd.s32 $0x10, s6;
	s11 =	sadd.s32 s17, s11;
	s17 =	simm.s32 $0x2  }
.LBB2_1:
0x11: {  	[spmem:s12], [sflag:s7] =	dma.local [hbm:s1], $0x50  }
0x12: {  	_ =	swait.ge [sflag:s13], $0x50  }
0x13: {  	[sflag:s13] =	ssyncset.done $0x0  }
0x14: {  	[sflag:s13] =	ssyncadd.s32 $0xFFFFFFB0  }
0x15: {  	[tilespmem:s14], [sflag:$0x3] =	stream.linear.gather [hbm4b:s5+s4], $0x80, $0x38;
	[tilespmem:$0x400] =	vst v63  }
0x16: {  	_ =	swait.ge [sflag:s13], $0x80  }
0x17: {  	[sflag:s13] =	ssyncset.done $0x0  }
0x18: {  	[sflag:s13] =	ssyncadd.s32 $0xFFFFFF80  }
0x19: {  	[bflag:$0x0] =	sbarrier.arrive $0xFFFF  }
0x1a: {  	[tilespmem:s4], [sflag:$0x3] =	stream.linear.gather [hbm4b:s6+s4], $0x80, $0x38;
	[tilespmem:$0x400] =	vst v63  }
0x1b: {  	_ =	swait.ge [sflag:s13], $0x80  }
0x1c: {  	[sflag:s13] =	ssyncset.done $0x0  }
0x1d: {  	[sflag:s13] =	ssyncadd.s32 $0xFFFFFF80  }
0x1e: {  	[spmem:s3] =	stream.indirect.scatter.add.f32 [tilespmem:s14], [sflag:$0x1], $0x1, s4, s15, $0xb8;
	[tilespmem:$0x400] =	vst v63  }
0x1f: {  	_ = 	snop  }
0x20: {  	[tilespmem:s15], [sflag:$0x3] =	stream.linear.gather [hbm4b:s8+s4], $0x80, $0x38;
	[tilespmem:$0x400] =	vst v63  }
0x21: {  	_ =	swait.ge [sflag:s13], $0x80  }
0x22: {  	[sflag:s13] =	ssyncset.done $0x0  }
0x23: {  	[sflag:s13] =	ssyncadd.s32 $0xFFFFFF80  }
0x24: {  	[spmem:s3] =	stream.indirect.scatter.add.f32 [tilespmem:s14], [sflag:$0x2], $0x1, s15, s15, $0xb8;
	[tilespmem:$0x400] =	vst v63  }
0x25: {  	_ =	swait.ge [sflag:s16], $0x80  }
0x26: {  	s19 =	sadd.s32 $0xFFFFFB20, s11;
	[sflag:s16] =	ssyncset.done $0x0  }
0x27: {  	s20 =	sadd.s32 $0x500, s19;
	[sflag:s16] =	ssyncadd.s32 $0xFFFFFF80  }
0x28: {  	[tilespmem:s4], [sflag:$0x3] =	stream.linear.gather [hbm4b:s20+s4], $0x80, $0x38;
	[tilespmem:$0x400] =	vst v63  }
0x29: {  	_ =	swait.ge [sflag:s13], $0x80  }
0x2a: {  	[sflag:s13] =	ssyncset.done $0x0  }
0x2b: {  	[sflag:s13] =	ssyncadd.s32 $0xFFFFFF80  }
0x2c: {  	[spmem:s3] =	stream.indirect.scatter.add.f32 [tilespmem:s14], [sflag:$0x1], $0x1, s4, s15, $0xb8;
	[tilespmem:$0x400] =	vst v63  }
0x2d: {  	_ =	swait.ge [sflag:s17], $0x80  }
0x2e: {  	[sflag:s17] =	ssyncset.done $0x0  }
0x2f: {  	s19 =	sadd.s32 $0x510, s19;
	[sflag:s17] =	ssyncadd.s32 $0xFFFFFF80  }
0x30: {  	[tilespmem:s15], [sflag:$0x3] =	stream.linear.gather [hbm4b:s19+s4], $0x80, $0x38;
	[tilespmem:$0x400] =	vst v63  }
0x31: {  	_ =	swait.ge [sflag:s13], $0x80  }
0x32: {  	[sflag:s13] =	ssyncset.done $0x0  }
0x33: {  	s19 =	simm.s32 $0xFFFFFB40;
	[sflag:s13] =	ssyncadd.s32 $0xFFFFFF80  }
.LBB2_2:
0x34: {  	[spmem:s3] =	stream.indirect.scatter.add.f32 [tilespmem:s14], [sflag:$0x2], $0x1, s15, s15, $0xb8;
	[tilespmem:$0x400] =	vst v63  }
0x35: {  	s20 =	smov.u32 s19  }
0x36: {  	p0 =	sne.s32 s19, $0xFFFFFFE0;
	s19 =	sadd.s32 $0x20, s19;
	_ =	swait.ge [sflag:s16], $0x80  }
0x37: {  	s20 =	sadd.s32 s20, s11;
	[sflag:s16] =	ssyncset.done $0x0  }
0x38: {  	s21 =	sadd.s32 $0x500, s20;
	[sflag:s16] =	ssyncadd.s32 $0xFFFFFF80  }
0x39: {  	[tilespmem:s4], [sflag:$0x3] =	stream.linear.gather [hbm4b:s21+s4], $0x80, $0x38;
	[tilespmem:$0x400] =	vst v63  }
0x3a: {  	_ =	swait.ge [sflag:s13], $0x80  }
0x3b: {  	[sflag:s13] =	ssyncset.done $0x0  }
0x3c: {  	[sflag:s13] =	ssyncadd.s32 $0xFFFFFF80  }
0x3d: {  	[spmem:s3] =	stream.indirect.scatter.add.f32 [tilespmem:s14], [sflag:$0x1], $0x1, s4, s15, $0xb8;
	[tilespmem:$0x400] =	vst v63  }
0x3e: {  	_ =	swait.ge [sflag:s17], $0x80  }
0x3f: {  	[sflag:s17] =	ssyncset.done $0x0  }
.Ltmp0:
0x40: {  	s20 =	sadd.s32 $0x510, s20;
	[sflag:s17] =	ssyncadd.s32 $0xFFFFFF80;
	(pc) =	sbr.rel @p0 .LBB2_2-.Ltmp0, $4  }
0x41: {  	[tilespmem:s15], [sflag:$0x3] =	stream.linear.gather [hbm4b:s20+s4], $0x80, $0x38;
	[tilespmem:$0x400] =	vst v63  }
0x42: {  	_ =	swait.ge [sflag:s13], $0x80  }
0x43: {  	[sflag:s13] =	ssyncset.done $0x0  }
0x44: {  	[sflag:s13] =	ssyncadd.s32 $0xFFFFFF80  }
0x45: {  	[spmem:s3] =	stream.indirect.scatter.add.f32 [tilespmem:s14], [sflag:$0x2], $0x1, s15, s15, $0xb8;
	[tilespmem:$0x400] =	vst v63  }
0x46: {  	_ =	swait.ge [sflag:s16], $0x80  }
0x47: {  	[sflag:s16] =	ssyncset.done $0x0  }
0x48: {  	[sflag:s16] =	ssyncadd.s32 $0xFFFFFF80  }
0x49: {  	_ =	swait.ge [sflag:s17], $0x80  }
0x4a: {  	s18 =	sadd.s32 $0x1, s18;
	[sflag:s17] =	ssyncset.done $0x0  }
0x4b: {  	p0 =	sne.s32 s18, s9;
	[sflag:s17] =	ssyncadd.s32 $0xFFFFFF80  }
.Ltmp1:
0x4c: {  	[bflag:$0x0] =	sbarrier.arrive $0xFFFF;
	(pc) =	sbr.rel @p0 .LBB2_1-.Ltmp1, $4  }
0x4d: {  	[hbm:s10], [sflag:s7] =	dma.local [spmem:s12], $0x50  }
0x4e: {  	_ =	swait.ge [sflag:s13], $0x50  }
0x4f: {  	[sflag:s13] =	ssyncset.done $0x0  }
0x50: {  	[sflag:s13] =	ssyncadd.s32 $0xFFFFFFB0  }
0x51: {  	_ =	sfence.sel $0x180000  }
0x52: {  	[bflag:$0x0] =	sbarrier.arrive $0xFFFF  }
0x53: {  	p0 =	sne.s32 s2, $0x0;
	_ =	strace $0x90000047  }
0x54: {  	s0 =	sadd.s32 @!p0 $0x100000, s0;
	[bflag:$0x2] =	sbarrier.arrive $0xFFFF  }
0x55: {  	[sflag:s0] =	ssyncadd.tile.s32 @!p0 $0x1;
	_ =	shalt  }
.Lfunc_end2:
_tile_overlayer_lowered:
.L_overlay_start_2:
0x56: {  	(tag) =	ssettag $0x2  }
0x57: {  	s0 =	rddreg [dreg:$0x0];
	s2 =	stileid.u32  }
0x58: {  	s1 =	rddreg [dreg:$0x1];
	p0 =	sne.s32 s2, $0x0  }
0x59: {  	s3 =	rddreg [dreg:$0x2];
	[bflag:$0x3] =	sbarrier.arrive $0xFFFF;
	s2 =	simm.s32 @!p0 $0x1C03  }
0x5a: {  	[timem:s3], [sflag:s2] =	dma.local @!p0 [hbm:s0], s1  }
0x5b: {  	s0 =	simm.s32 @!p0 $0x3  }
0x5c: {  	_ =	swait.ge @!p0 [sflag:s0], s1  }
0x5d: {  	s1 =	ssub.s32 @!p0 $0x0, s1;
	[sflag:s0] =	ssyncset.done @!p0 $0x0  }
0x5e: {  	[sflag:s0] =	ssyncadd.s32 @!p0 s1  }
0x5f: {  	[bflag:$0x3] =	sbarrier.arrive $0xFFFF  }
0x60: {  	_ =	shalt  }

// kernel: kernel.20.cloned.1.call-start
scs
__scs_entry_jumppad:
0x0: {  	(pc) =	sbr.rel $0x88, $3  }
0x1: {  	(tag) =	ssettag $0x0;
	lr =	simm.s32 $0x1  }
0x2: {  	[smem:$0x3F92] =	sst lr;
	_ =	strace $0xD0000000  }
0x3: {  	_ = 	snop  }
0x4: {  	_ = 	snop  }
0x5: {  	_ = 	snop  }
0x6: {  	_ = 	snop  }
0x7: {  	_ = 	snop  }
__scs_overlays_trampoline_lowered:
0x8: {  	[smem:$0x3FA1] =	sst s0  }
0x9: {  	[smem:$0x3FA2] =	sst s1  }
0xa: {  	[smem:$0x3FA3] =	sst s2  }
0xb: {  	[smem:$0x3FA4] =	sst s3  }
0xc: {  	[smem:$0x3FA5] =	sst s4  }
0xd: {  	[smem:$0x3FA6] =	sst s5  }
0xe: {  	[smem:$0x3FA7] =	sst s6  }
0xf: {  	[smem:$0x3FA8] =	sst s7  }
0x10: {  	[smem:$0x3FA9] =	sst s8  }
0x11: {  	[smem:$0x3FAA] =	sst s9;
	s0 =	simm.s32 @!p0 $0x0  }
0x12: {  	s1 =	sld [smem:$0x3F90];
	s0 =	simm.s32 @p0 $0x1  }
0x13: {  	[smem:$0x3FAB] =	sst s0;
	s0 =	simm.s32 @!p1 $0x0  }
0x14: {  	s2 =	sld [smem:$0x3F8F];
	s0 =	simm.s32 @p1 $0x1  }
0x15: {  	[smem:$0x3FAC] =	sst s0;
	s0 =	simm.s32 @!p2 $0x0  }
0x16: {  	s3 =	sld [smem:$0x3FDB];
	s0 =	simm.s32 @p2 $0x1  }
0x17: {  	s4 =	simm.s32 $0x1BF5;
	[smem:$0x3FAE] =	sst s0  }
0x18: {  	s0 =	sld [smem:$0x3F91];
	_ =	swait.ge [sflag:s4], $0x0  }
0x19: {  	s7 =	sld [smem:$0x3F92]  }
0x1a: {  	s8 =	sadd.s32 $0xFFFFE003, lr  }
0x1b: {  	s9 =	sadd.s32 $0xFFFFFEF7, lr;
	s5 =	simm.s32 $0xFFFFFFFF;
	p2 =	slt.u32 s8, $0xFFFFF086  }
0x1c: {  	p1 =	slt.u32 s9, $0xF7A;
	s5 =	simm.s32 @!p2 $0x0  }
0x1d: {  	s5 =	simm.s32 @p1 $0x1;
	p0 =	seq.s32 s7, s2  }
0x1e: {  	s7 =	smul.u32 @!p0 $0xF7A, s2;
	p2 =	seq.s32 @!p0 s5, $0x0  }
0x1f: {  	s9 =	smul.u32 $0xF7A, s1;
	s8 =	simm.s32 @!p0 $0x1BF5;
	p2 =	por !p2, p0  }
0x20: {  	[sflag:s8] =	ssyncset.s32 @!p0 $0xFFFFF086;
	s6 =	sadd.s32 @!p0 s3, s7;
	s7 =	simm.s32 @!p0 $0x108  }
0x21: {  	s3 =	sadd.s32 s3, s9;
	s6 =	sadd.s32 @!p0 $0x88, s6;
	s7 =	simm.s32 @p2 $0x1082  }
0x22: {  	[simem:s7], [sflag:s8] =	dma.local @!p0 [hbm:s6], $0xF7A  }
0x23: {  	s9 =	sor.u32 $0xD0000000, s2;
	s6 =	simm.s32 $0x108;
	_ =	swait.ge @!p0 [sflag:s8], $0x0  }
0x24: {  	s3 =	sadd.s32 $0x88, s3;
	s6 =	simm.s32 @!p1 $0x1082;
	[sflag:s4] =	ssyncset.s32 $0xFFFFF086  }
0x25: {  	[simem:s6], [sflag:s4] =	dma.local [hbm:s3], $0xF7A  }
0x26: {  	[smem:$0x3F92] =	sst s1;
	(tag) =	ssettag s2;
	_ =	strace s9  }
0x27: {  	s1 =	sld [smem:$0x3FA2]  }
0x28: {  	s2 =	sld [smem:$0x3FA3]  }
0x29: {  	s4 =	sld [smem:$0x3FA5]  }
0x2a: {  	p0 =	seq.s32 s5, $0x0;
	s5 =	sld [smem:$0x3FA6]  }
0x2b: {  	s6 =	sld [smem:$0x3FA7]  }
0x2c: {  	s7 =	sld [smem:$0x3FA8]  }
0x2d: {  	s3 =	simm.s32 $0x108;
	s8 =	sld [smem:$0x3FA9]  }
0x2e: {  	s3 =	simm.s32 @!p0 $0x1082;
	s9 =	sld [smem:$0x3FAA]  }
0x2f: {  	lr =	sadd.s32 s0, s3;
	s0 =	sld [smem:$0x3FA1]  }
0x30: {  	s3 =	sld [smem:$0x3FA4]  }
0x31: {  	[smem:$0x3FAD] =	sst s10  }
0x32: {  	s10 =	sld [smem:$0x3FAB];
	_ =	sdelay $0x3  }
0x33: {  	p0 =	seq.s32 s10, $0x1;
	s10 =	sld [smem:$0x3FAD];
	_ =	sdelay $0x3  }
0x34: {  	[smem:$0x3FAD] =	sst s10  }
0x35: {  	s10 =	sld [smem:$0x3FAC];
	_ =	sdelay $0x3  }
0x36: {  	p1 =	seq.s32 s10, $0x1;
	s10 =	sld [smem:$0x3FAD];
	_ =	sdelay $0x3  }
0x37: {  	[smem:$0x3FAD] =	sst s10  }
0x38: {  	s10 =	sld [smem:$0x3FAE]  }
0x39: {  	_ = 	snop;
	(pc) =	sbr.ind lr, $3  }
0x3a: {  	_ = 	snop  }
0x3b: {  	_ = 	snop  }
0x3c: {  	p2 =	seq.s32 s10, $0x1;
	s10 =	sld [smem:$0x3FAD]  }
0x3d: {  	_ =	shalt  }
0x3e: {  	_ =	shalt  }
0x3f: {  	_ =	shalt  }
0x40: {  	_ =	shalt  }
0x41: {  	_ =	shalt  }
0x42: {  	_ =	shalt  }
0x43: {  	_ =	shalt  }
0x44: {  	_ =	shalt  }
0x45: {  	_ =	shalt  }
0x46: {  	_ =	shalt  }
0x47: {  	_ =	shalt  }
0x48: {  	_ =	shalt  }
0x49: {  	_ =	shalt  }
0x4a: {  	_ =	shalt  }
0x4b: {  	_ =	shalt  }
0x4c: {  	_ =	shalt  }
0x4d: {  	_ =	shalt  }
0x4e: {  	_ =	shalt  }
0x4f: {  	_ =	shalt  }
0x50: {  	_ =	shalt  }
0x51: {  	_ =	shalt  }
0x52: {  	_ =	shalt  }
0x53: {  	_ =	shalt  }
0x54: {  	_ =	shalt  }
0x55: {  	_ =	shalt  }
0x56: {  	_ =	shalt  }
0x57: {  	_ =	shalt  }
0x58: {  	_ =	shalt  }
0x59: {  	_ =	shalt  }
0x5a: {  	_ =	shalt  }
0x5b: {  	_ =	shalt  }
0x5c: {  	_ =	shalt  }
0x5d: {  	_ =	shalt  }
0x5e: {  	_ =	shalt  }
0x5f: {  	_ =	shalt  }
0x60: {  	_ =	shalt  }
0x61: {  	_ =	shalt  }
0x62: {  	_ =	shalt  }
0x63: {  	_ =	shalt  }
0x64: {  	_ =	shalt  }
0x65: {  	_ =	shalt  }
0x66: {  	_ =	shalt  }
0x67: {  	_ =	shalt  }
0x68: {  	_ =	shalt  }
0x69: {  	_ =	shalt  }
0x6a: {  	_ =	shalt  }
0x6b: {  	_ =	shalt  }
0x6c: {  	_ =	shalt  }
0x6d: {  	_ =	shalt  }
0x6e: {  	_ =	shalt  }
0x6f: {  	_ =	shalt  }
0x70: {  	_ =	shalt  }
0x71: {  	_ =	shalt  }
0x72: {  	_ =	shalt  }
0x73: {  	_ =	shalt  }
0x74: {  	_ =	shalt  }
0x75: {  	_ =	shalt  }
0x76: {  	_ =	shalt  }
0x77: {  	_ =	shalt  }
0x78: {  	_ =	shalt  }
0x79: {  	_ =	shalt  }
0x7a: {  	_ =	shalt  }
0x7b: {  	_ =	shalt  }
0x7c: {  	_ =	shalt  }
0x7d: {  	_ =	shalt  }
0x7e: {  	_ =	shalt  }
0x7f: {  	_ =	shalt  }
0x80: {  	_ =	shalt  }
0x81: {  	_ =	shalt  }
0x82: {  	_ =	shalt  }
0x83: {  	_ =	shalt  }
0x84: {  	_ =	shalt  }
0x85: {  	_ =	shalt  }
0x86: {  	_ =	shalt  }
0x87: {  	_ =	shalt  }
.Lfunc_end0:
.L_simem_size_0:
called_computation.1_lowered:
.L_overlay_start_0:
0x88: {  	s2 =	sld [smem:$0x3FD9]  }
0x89: {  	s3 =	sld [smem:$0x3FFE];
	_ =	sdelay $0x1  }
0x8a: {  	s1 =	srdreg.scid  }
0x8b: {  	s0 =	sand.u32 $0x1, s1  }
0x8c: {  	s16 =	sshll.u32 s0, $0xA;
	s2 =	sadd.s32 s3, s2  }
0x8d: {  	s2 =	sadd.s32 s2, s16  }
0x8e: {  	[smem:$0x3FB9] =	sst s2  }
0x8f: {  	_ = 	snop  }
0x90: {  	(tm) =	ssettm $0x1  }
0x91: {  	s17 =	sld [smem:$0x3FFB];
	_ =	sdelay $0x3  }
0x92: {  	_ =	strace s17  }
0x93: {  	s2 =	sld [smem:$0x3FFC];
	_ =	sdelay $0x3  }
0x94: {  	_ =	strace s2  }
0x95: {  	s2 =	sld [smem:$0x3FFD];
	_ =	sdelay $0x3  }
0x96: {  	_ =	strace s2  }
0x97: {  	_ =	strace $0x8FFFFFFF  }
0x98: {  	s18 =	sld [smem:$0x3FDB];
	_ =	sdelay $0x1  }
0x99: {  	s19 =	simm.s32 $_scs_section_size  }
0x9a: {  	s4 =	simm.s32 $_size__tile_overlayer_lowered;
	s5 =	simm.s32 $_tile_overlayer_lowered  }
0x9b: {  	s22 =	simm.s32 $0x1BFF;
	s21 =	sshll.u32 s5, $0x1;
	s2 =	sadd.s32 s19, s18  }
0x9c: {  	s6 =	simm.s32 $0x0;
	s20 =	sshll.u32 s4, $0x1;
	s4 =	sadd.s32 s21, s2  }
0x9d: {  	[timem:s6], [sflag:s22] =	dma.local [hbm:s4], s20  }
0x9e: {  	_ =	swait.ge [sflag:s22], s20  }
0x9f: {  	s3 =	ssub.s32 $0x0, s20;
	[sflag:s22] =	ssyncset.done $0x0  }
0xa0: {  	[sflag:s22] =	ssyncadd.s32 s3;
	_ =	sdelay $0x1  }
0xa1: {  	s23 =	simm.s32 $0x1B8B  }
0xa2: {  	_ =	swait.ge [sflag:s23], $0x1  }
0xa3: {  	[sflag:s23] =	ssyncset.done $0x0  }
0xa4: {  	s25 =	simm.s32 $0x1B8E;
	s24 =	sld [smem:$0x3FFE];
	[sflag:s23] =	ssyncadd.s32 $0xFFFFFFFF  }
0xa5: {  	s26 =	simm.s32 $execute0_lowered;
	[smem:$0x3FD2] =	sst s25  }
0xa6: {  	s4 =	sshll.u32 s26, $0x1;
	_ =	strace $0x80000049;
	[dreg:$0x1] =	wrdreg $0xFFFFFFFF  }
0xa7: {  	s28 =	simm.s32 $_size_execute0_lowered;
	s2 =	sadd.s32 s2, s4;
	[dreg:$0x0] =	wrdreg $0x0  }
0xa8: {  	s4 =	sshll.u32 s28, $0x1;
	[dreg:$0x2] =	wrdreg s2  }
0xa9: {  	[dreg:$0x3] =	wrdreg s4  }
0xaa: {  	[dreg:$0x4] =	wrdreg $0xC0  }
0xab: {  	_ =	task [dreg:s6], $0x5FFFF  }
0xac: {  	[dreg:$0x1] =	wrdreg $0xFFFFFFFF  }
0xad: {  	[dreg:$0x0] =	wrdreg $0x60  }
0xae: {  	[dreg:$0x2] =	wrdreg s24  }
0xaf: {  	[dreg:$0x3] =	wrdreg $0x82000  }
0xb0: {  	[dreg:$0x4] =	wrdreg $0x9  }
0xb1: {  	_ =	task.clear_ibuf [dreg:s6], $0x5FFFF;
	_ =	strace $0x90000049  }
0xb2: {  	s29 =	simm.s32 $0x9;
	_ =	strace $0x8000004B  }
0xb3: {  	_ =	swait.ge [sflag:s29], $0x1  }
0xb4: {  	[sflag:s29] =	ssyncadd.s32 $0xFFFFFFFF  }
0xb5: {  	_ =	strace $0x9000004B  }
0xb6: {  	_ =	sfence  }
0xb7: {  	s30 =	sld [smem:$0x0];
	_ =	sdelay $0x2  }
0xb8: {  	s31 =	sshll.u32 s1, $0xD;
	s1 =	sshrl.u32 s1, $0x2  }
0xb9: {  	s3 =	sand.u32 $0x4000, s31;
	s1 =	sadd.s32 s1, s30  }
0xba: {  	s0 =	sor.u32 s3, s0;
	s1 =	sshll.u32 s1, $0x11  }
0xbb: {  	s0 =	sor.u32 s1, s0  }
0xbc: {  	s0 =	sadd.s32 $0x8F2B, s0  }
0xbd: {  	[sflag:s0] =	ssyncadd.remote.s32 $0x1  }
0xbe: {  	_ =	sfence.sel $0xFFFF  }
0xbf: {  	[dreg:$0x0] =	wrdreg $0xFFFFFFFF;
	(pc) =	sbr.abs _section_cstart, $3  }
0xc0: {  	[dreg:$0x1] =	wrdreg $0xFFFFFFFF  }
0xc1: {  	_ =	task.clear_ibuf [dreg:s6], $0x2FFFF;
	_ =	strace $0x9FFFFFFF  }
0xc2: {  	(tm) =	ssettm $0x7FFFFFFF  }
0xc3: {  	_ =	shalt  }
tec
execute0_lowered:
.L_overlay_start_1:
0x0: {  	(tag) =	ssettag $0x1  }
0x1: {  	s8 =	rddreg [dreg:$0x0]  }
0x2: {  	s1 =	rddreg [dreg:$0x1];
	s2 =	simm.s32 $0x0  }
0x3: {  	s7 =	srdreg.scid;
	s3 =	stileid.u32;
	s20 =	simm.s32 $0x100  }
0x4: {  	s21 =	simm.s32 $0x80;
	s22 =	simm.s32 $0x200;
	s23 =	simm.s32 $0x180  }
0x5: {  	s24 =	simm.s32 $0x4200;
	s25 =	simm.s32 $0x1;
	s28 =	simm.s32 $0x0  }
0x6: {  	[smem:$0x7FF] =	sst s2;
	s16 =	sadd.s32 $0x1C600, s8;
	s17 =	sadd.s32 $0x12800, s8  }
0x7: {  	s4 =	sadd.s32 $0x74600, s8;
	s5 =	sadd.s32 $0x9B800, s8;
	s9 =	smul.u32 $0x4F00, s3  }
0x8: {  	s6 =	sadd.s32 $0x7A00, s8;
	s10 =	sand.u32 $0x1, s7;
	s12 =	smul.u32 $0x300, s3  }
0x9: {  	s7 =	sadd.s32 $0xC2A00, s8;
	s8 =	sadd.s32 $0xEAA00, s8;
	s14 =	smul.u32 $0x50000, s3  }
0xa: {  	s30 =	sshll.u32 s3, $0x6;
	s19 =	smul.u32 $0x9E0, s3;
	s11 =	ssub.s32 $0x2, s10  }
0xb: {  	_ =	strace $0x8000004A;
	p0 =	seq.s32 s10, $0x1;
	s13 =	sshrl.u32 s11, $0x1  }
0xc: {  	s9 =	sand.u32 $0x7FC00, s9;
	s26 =	sand.u32 $0x300, s12;
	s29 =	sshrl.u32 s14, $0x2  }
0xd: {  	s14 =	smul.u32 $0x2800, s3;
	s15 =	ssub.s32 s11, s13;
	s11 =	sor.u32 s26, s9  }
.Ltmp0:
0xe: {  	s18 =	sadd.s32 s29, s1;
	s9 =	sor.u32 $0x1C03, s30;
	(pc) =	sbr.rel .LBB2_1-.Ltmp0, $4  }
0xf: {  	s26 =	simm.s32 $0x2;
	s11 =	sshrl.u32 s11, $0x3;
	s15 =	smax.u32 s15, $0x1  }
0x10: {  	s18 =	sshrl.u32 s18, $0x3;
	s10 =	sadd.s32 s16, s11;
	s31 =	sor.u32 $0x10, s11  }
0x11: {  	s11 =	sadd.s32 s17, s11;
	s12 =	sadd.s32 s16, s31;
	s13 =	sadd.s32 s17, s31  }
0x12: {  	s16 =	sadd.s32 s19, s16;
	s17 =	sadd.s32 s19, s17;
	s19 =	simm.s32 $0x3  }
.LBB2_7:
0x13: {  	[tilespmem:s24], [sflag:$0x2] =	stream.indirect.gather [hbm4b:s5+s21], $0x80, s21, s21, $0xb8;
	[tilespmem:$0x1C200] =	vst v63  }
0x14: {  	s29 =	smov.u32 s8  }
.LBB2_8:
0x15: {  	_ =	swait.ge [sflag:s25], $0x4000  }
0x16: {  	[sflag:s25] =	ssyncset.done $0x0  }
0x17: {  	[sflag:s25] =	ssyncadd.s32 $0xFFFFC000  }
0x18: {  	[spmem:s1] =	stream.indirect.scatter.add.f32 [tilespmem:s22], [sflag:$0x3], $0x80, s20, s21, $0xb8;
	[tilespmem:$0x1C200] =	vst v63  }
0x19: {  	_ =	swait.ge [sflag:s19], $0x4000  }
0x1a: {  	[sflag:s19] =	ssyncset.done $0x0  }
0x1b: {  	[sflag:s19] =	ssyncadd.s32 $0xFFFFC000  }
0x1c: {  	_ =	swait.ge [sflag:s26], $0x4000  }
0x1d: {  	[sflag:s26] =	ssyncset.done $0x0  }
0x1e: {  	[sflag:s26] =	ssyncadd.s32 $0xFFFFC000  }
0x1f: {  	[spmem:s1] =	stream.indirect.scatter.add.f32 [tilespmem:s24], [sflag:$0x3], $0x80, s23, s21, $0xb8;
	[tilespmem:$0x1C200] =	vst v63  }
0x20: {  	_ =	swait.ge [sflag:s19], $0x4000  }
0x21: {  	s28 =	sadd.s32 $0x1, s28;
	[sflag:s19] =	ssyncset.done $0x0  }
0x22: {  	p1 =	sne.s32 s28, s15;
	[sflag:s19] =	ssyncadd.s32 $0xFFFFC000  }
.Ltmp1:
0x23: {  	s0 =	sadd.s32 s29, s14;
	[bflag:$0x0] =	sbarrier.arrive $0xFFFF;
	(pc) =	sbr.rel @!p1 .LBB2_9-.Ltmp1, $4  }
0x24: {  	[hbm:s0], [sflag:s9] =	dma.local [spmem:s18], $0x2800  }
0x25: {  	_ =	swait.ge [sflag:s19], $0x2800  }
0x26: {  	[sflag:s19] =	ssyncset.done $0x0  }
0x27: {  	[sflag:s19] =	ssyncadd.s32 $0xFFFFD800  }
.LBB2_1:
0x28: {  	[spmem:s18], [sflag:s9] =	dma.local [hbm:s6], $0x2800  }
0x29: {  	_ =	swait.ge [sflag:s19], $0x2800  }
0x2a: {  	[sflag:s19] =	ssyncset.done $0x0  }
0x2b: {  	[sflag:s19] =	ssyncadd.s32 $0xFFFFD800  }
0x2c: {  	[bflag:$0x0] =	sbarrier.arrive $0xFFFF  }
0x2d: {  	[tilespmem:s2], [sflag:$0x3] =	stream.linear.gather [hbm4b:s10+s2], $0x80, $0x38;
	[tilespmem:$0x1C200] =	vst v63  }
0x2e: {  	_ =	swait.ge [sflag:s19], $0x80  }
0x2f: {  	[sflag:s19] =	ssyncset.done $0x0  }
.Ltmp2:
0x30: {  	[sflag:s19] =	ssyncadd.s32 $0xFFFFFF80;
	(pc) =	sbr.rel @!p0 .LBB2_2-.Ltmp2, $4  }
0x31: {  	[tilespmem:s20], [sflag:$0x3] =	stream.linear.gather [hbm4b:s11+s2], $0x80, $0x38;
	[tilespmem:$0x1C200] =	vst v63  }
0x32: {  	_ =	swait.ge [sflag:s19], $0x80  }
0x33: {  	[sflag:s19] =	ssyncset.done $0x0  }
0x34: {  	[sflag:s19] =	ssyncadd.s32 $0xFFFFFF80  }
0x35: {  	[tilespmem:s22], [sflag:$0x1] =	stream.indirect.gather [hbm4b:s5+s21], $0x80, s2, s21, $0xb8;
	[tilespmem:$0x1C200] =	vst v63  }
0x36: {  	_ = 	snop  }
0x37: {  	[tilespmem:s21], [sflag:$0x3] =	stream.linear.gather [hbm4b:s12+s2], $0x80, $0x38;
	[tilespmem:$0x1C200] =	vst v63  }
0x38: {  	_ =	swait.ge [sflag:s19], $0x80  }
0x39: {  	[sflag:s19] =	ssyncset.done $0x0  }
0x3a: {  	[sflag:s19] =	ssyncadd.s32 $0xFFFFFF80  }
0x3b: {  	[tilespmem:s23], [sflag:$0x3] =	stream.linear.gather [hbm4b:s13+s2], $0x80, $0x38;
	[tilespmem:$0x1C200] =	vst v63  }
0x3c: {  	_ =	swait.ge [sflag:s19], $0x80  }
0x3d: {  	[sflag:s19] =	ssyncset.done $0x0  }
0x3e: {  	[sflag:s19] =	ssyncadd.s32 $0xFFFFFF80  }
0x3f: {  	[tilespmem:s24], [sflag:$0x2] =	stream.indirect.gather [hbm4b:s5+s21], $0x80, s21, s21, $0xb8;
	[tilespmem:$0x1C200] =	vst v63  }
0x40: {  	_ =	swait.ge [sflag:s25], $0x4000  }
0x41: {  	[sflag:s25] =	ssyncset.done $0x0  }
0x42: {  	[sflag:s25] =	ssyncadd.s32 $0xFFFFC000  }
0x43: {  	[spmem:s1] =	stream.indirect.scatter.add.f32 [tilespmem:s22], [sflag:$0x3], $0x80, s20, s21, $0xb8;
	[tilespmem:$0x1C200] =	vst v63  }
0x44: {  	_ =	swait.ge [sflag:s19], $0x4000  }
0x45: {  	s0 =	sadd.s32 $0xFFFFF640, s16;
	[sflag:s19] =	ssyncset.done $0x0  }
0x46: {  	s29 =	sadd.s32 $0x9E0, s0;
	[sflag:s19] =	ssyncadd.s32 $0xFFFFC000  }
0x47: {  	[tilespmem:s2], [sflag:$0x3] =	stream.linear.gather [hbm4b:s29+s2], $0x80, $0x38;
	[tilespmem:$0x1C200] =	vst v63  }
0x48: {  	_ =	swait.ge [sflag:s19], $0x80  }
0x49: {  	s29 =	sadd.s32 $0xFFFFF640, s17;
	[sflag:s19] =	ssyncset.done $0x0  }
0x4a: {  	s30 =	sadd.s32 $0x9E0, s29;
	[sflag:s19] =	ssyncadd.s32 $0xFFFFFF80  }
0x4b: {  	[tilespmem:s20], [sflag:$0x3] =	stream.linear.gather [hbm4b:s30+s2], $0x80, $0x38;
	[tilespmem:$0x1C200] =	vst v63  }
0x4c: {  	_ =	swait.ge [sflag:s19], $0x80  }
0x4d: {  	[sflag:s19] =	ssyncset.done $0x0  }
0x4e: {  	[sflag:s19] =	ssyncadd.s32 $0xFFFFFF80  }
0x4f: {  	[tilespmem:s22], [sflag:$0x1] =	stream.indirect.gather [hbm4b:s5+s21], $0x80, s2, s21, $0xb8;
	[tilespmem:$0x1C200] =	vst v63  }
0x50: {  	_ =	swait.ge [sflag:s26], $0x4000  }
0x51: {  	[sflag:s26] =	ssyncset.done $0x0  }
0x52: {  	[sflag:s26] =	ssyncadd.s32 $0xFFFFC000  }
0x53: {  	[spmem:s1] =	stream.indirect.scatter.add.f32 [tilespmem:s24], [sflag:$0x3], $0x80, s23, s21, $0xb8;
	[tilespmem:$0x1C200] =	vst v63  }
0x54: {  	_ =	swait.ge [sflag:s19], $0x4000  }
0x55: {  	[sflag:s19] =	ssyncset.done $0x0  }
0x56: {  	s0 =	sadd.s32 $0x9F0, s0;
	[sflag:s19] =	ssyncadd.s32 $0xFFFFC000  }
0x57: {  	[tilespmem:s21], [sflag:$0x3] =	stream.linear.gather [hbm4b:s0+s2], $0x80, $0x38;
	[tilespmem:$0x1C200] =	vst v63  }
0x58: {  	_ =	swait.ge [sflag:s19], $0x80  }
0x59: {  	[sflag:s19] =	ssyncset.done $0x0  }
0x5a: {  	s31 =	sadd.s32 $0x9F0, s29;
	[sflag:s19] =	ssyncadd.s32 $0xFFFFFF80  }
0x5b: {  	[tilespmem:s23], [sflag:$0x3] =	stream.linear.gather [hbm4b:s31+s2], $0x80, $0x38;
	[tilespmem:$0x1C200] =	vst v63  }
0x5c: {  	_ =	swait.ge [sflag:s19], $0x80  }
0x5d: {  	[sflag:s19] =	ssyncset.done $0x0  }
0x5e: {  	s29 =	simm.s32 $0xFFFFF660;
	[sflag:s19] =	ssyncadd.s32 $0xFFFFFF80  }
.LBB2_6:
0x5f: {  	[tilespmem:s24], [sflag:$0x2] =	stream.indirect.gather [hbm4b:s5+s21], $0x80, s21, s21, $0xb8;
	[tilespmem:$0x1C200] =	vst v63  }
0x60: {  	s0 =	smov.u32 s29  }
0x61: {  	p1 =	sne.s32 s29, $0xFFFFFFE0;
	s29 =	sadd.s32 $0x20, s29;
	_ =	swait.ge [sflag:s25], $0x4000  }
0x62: {  	[sflag:s25] =	ssyncset.done $0x0  }
0x63: {  	[sflag:s25] =	ssyncadd.s32 $0xFFFFC000  }
0x64: {  	[spmem:s1] =	stream.indirect.scatter.add.f32 [tilespmem:s22], [sflag:$0x3], $0x80, s20, s21, $0xb8;
	[tilespmem:$0x1C200] =	vst v63  }
0x65: {  	_ =	swait.ge [sflag:s19], $0x4000  }
0x66: {  	s30 =	sadd.s32 s0, s16;
	[sflag:s19] =	ssyncset.done $0x0  }
0x67: {  	s31 =	sadd.s32 $0x9E0, s30;
	[sflag:s19] =	ssyncadd.s32 $0xFFFFC000  }
0x68: {  	[tilespmem:s2], [sflag:$0x3] =	stream.linear.gather [hbm4b:s31+s2], $0x80, $0x38;
	[tilespmem:$0x1C200] =	vst v63  }
0x69: {  	_ =	swait.ge [sflag:s19], $0x80  }
0x6a: {  	s0 =	sadd.s32 s0, s17;
	[sflag:s19] =	ssyncset.done $0x0  }
0x6b: {  	s31 =	sadd.s32 $0x9E0, s0;
	[sflag:s19] =	ssyncadd.s32 $0xFFFFFF80  }
0x6c: {  	[tilespmem:s20], [sflag:$0x3] =	stream.linear.gather [hbm4b:s31+s2], $0x80, $0x38;
	[tilespmem:$0x1C200] =	vst v63  }
0x6d: {  	_ =	swait.ge [sflag:s19], $0x80  }
0x6e: {  	[sflag:s19] =	ssyncset.done $0x0  }
0x6f: {  	[sflag:s19] =	ssyncadd.s32 $0xFFFFFF80  }
0x70: {  	[tilespmem:s22], [sflag:$0x1] =	stream.indirect.gather [hbm4b:s5+s21], $0x80, s2, s21, $0xb8;
	[tilespmem:$0x1C200] =	vst v63  }
0x71: {  	_ =	swait.ge [sflag:s26], $0x4000  }
0x72: {  	[sflag:s26] =	ssyncset.done $0x0  }
0x73: {  	[sflag:s26] =	ssyncadd.s32 $0xFFFFC000  }
0x74: {  	[spmem:s1] =	stream.indirect.scatter.add.f32 [tilespmem:s24], [sflag:$0x3], $0x80, s23, s21, $0xb8;
	[tilespmem:$0x1C200] =	vst v63  }
0x75: {  	_ =	swait.ge [sflag:s19], $0x4000  }
0x76: {  	[sflag:s19] =	ssyncset.done $0x0  }
0x77: {  	s30 =	sadd.s32 $0x9F0, s30;
	[sflag:s19] =	ssyncadd.s32 $0xFFFFC000  }
0x78: {  	[tilespmem:s21], [sflag:$0x3] =	stream.linear.gather [hbm4b:s30+s2], $0x80, $0x38;
	[tilespmem:$0x1C200] =	vst v63  }
0x79: {  	_ =	swait.ge [sflag:s19], $0x80  }
0x7a: {  	[sflag:s19] =	ssyncset.done $0x0  }
.Ltmp3:
0x7b: {  	s0 =	sadd.s32 $0x9F0, s0;
	[sflag:s19] =	ssyncadd.s32 $0xFFFFFF80;
	(pc) =	sbr.rel @p1 .LBB2_6-.Ltmp3, $4  }
0x7c: {  	[tilespmem:s23], [sflag:$0x3] =	stream.linear.gather [hbm4b:s0+s2], $0x80, $0x38;
	[tilespmem:$0x1C200] =	vst v63  }
0x7d: {  	_ =	swait.ge [sflag:s19], $0x80  }
0x7e: {  	[sflag:s19] =	ssyncset.done $0x0  }
0x7f: {  	[sflag:s19] =	ssyncadd.s32 $0xFFFFFF80  }
.Ltmp4:
0x80: {  	_ = 	snop;
	(pc) =	sbr.rel .LBB2_7-.Ltmp4, $1  }
0x81: {  	_ =	sdelay $0x3  }
.LBB2_2:
0x82: {  	[tilespmem:s22], [sflag:$0x1] =	stream.indirect.gather [hbm4b:s4+s21], $0x80, s2, s21, $0xb8;
	[tilespmem:$0x1C200] =	vst v63  }
0x83: {  	_ = 	snop  }
0x84: {  	[tilespmem:s21], [sflag:$0x3] =	stream.linear.gather [hbm4b:s12+s2], $0x80, $0x38;
	[tilespmem:$0x1C200] =	vst v63  }
0x85: {  	_ =	swait.ge [sflag:s19], $0x80  }
0x86: {  	[sflag:s19] =	ssyncset.done $0x0  }
0x87: {  	[sflag:s19] =	ssyncadd.s32 $0xFFFFFF80  }
0x88: {  	[tilespmem:s23], [sflag:$0x3] =	stream.linear.gather [hbm4b:s13+s2], $0x80, $0x38;
	[tilespmem:$0x1C200] =	vst v63  }
0x89: {  	_ =	swait.ge [sflag:s19], $0x80  }
0x8a: {  	[sflag:s19] =	ssyncset.done $0x0  }
0x8b: {  	[sflag:s19] =	ssyncadd.s32 $0xFFFFFF80  }
0x8c: {  	[tilespmem:s24], [sflag:$0x2] =	stream.indirect.gather [hbm4b:s4+s21], $0x80, s21, s21, $0xb8;
	[tilespmem:$0x1C200] =	vst v63  }
0x8d: {  	_ =	swait.ge [sflag:s25], $0x4000  }
0x8e: {  	[sflag:s25] =	ssyncset.done $0x0  }
0x8f: {  	[sflag:s25] =	ssyncadd.s32 $0xFFFFC000  }
0x90: {  	[spmem:s1] =	stream.indirect.scatter.add.f32 [tilespmem:s22], [sflag:$0x3], $0x80, s20, s21, $0xb8;
	[tilespmem:$0x1C200] =	vst v63  }
0x91: {  	_ =	swait.ge [sflag:s19], $0x4000  }
0x92: {  	s29 =	sadd.s32 $0xFFFFF640, s16;
	[sflag:s19] =	ssyncset.done $0x0  }
0x93: {  	s30 =	sadd.s32 $0x9E0, s29;
	[sflag:s19] =	ssyncadd.s32 $0xFFFFC000  }
0x94: {  	[tilespmem:s2], [sflag:$0x3] =	stream.linear.gather [hbm4b:s30+s2], $0x80, $0x38;
	[tilespmem:$0x1C200] =	vst v63  }
0x95: {  	_ =	swait.ge [sflag:s19], $0x80  }
0x96: {  	s0 =	sadd.s32 $0xFFFFF640, s17;
	[sflag:s19] =	ssyncset.done $0x0  }
0x97: {  	s31 =	sadd.s32 $0x9E0, s0;
	[sflag:s19] =	ssyncadd.s32 $0xFFFFFF80  }
0x98: {  	[tilespmem:s20], [sflag:$0x3] =	stream.linear.gather [hbm4b:s31+s2], $0x80, $0x38;
	[tilespmem:$0x1C200] =	vst v63  }
0x99: {  	_ =	swait.ge [sflag:s19], $0x80  }
0x9a: {  	[sflag:s19] =	ssyncset.done $0x0  }
0x9b: {  	[sflag:s19] =	ssyncadd.s32 $0xFFFFFF80  }
0x9c: {  	[tilespmem:s22], [sflag:$0x1] =	stream.indirect.gather [hbm4b:s4+s21], $0x80, s2, s21, $0xb8;
	[tilespmem:$0x1C200] =	vst v63  }
0x9d: {  	_ =	swait.ge [sflag:s26], $0x4000  }
0x9e: {  	[sflag:s26] =	ssyncset.done $0x0  }
0x9f: {  	[sflag:s26] =	ssyncadd.s32 $0xFFFFC000  }
0xa0: {  	[spmem:s1] =	stream.indirect.scatter.add.f32 [tilespmem:s24], [sflag:$0x3], $0x80, s23, s21, $0xb8;
	[tilespmem:$0x1C200] =	vst v63  }
0xa1: {  	_ =	swait.ge [sflag:s19], $0x4000  }
0xa2: {  	[sflag:s19] =	ssyncset.done $0x0  }
0xa3: {  	s29 =	sadd.s32 $0x9F0, s29;
	[sflag:s19] =	ssyncadd.s32 $0xFFFFC000  }
0xa4: {  	[tilespmem:s21], [sflag:$0x3] =	stream.linear.gather [hbm4b:s29+s2], $0x80, $0x38;
	[tilespmem:$0x1C200] =	vst v63  }
0xa5: {  	_ =	swait.ge [sflag:s19], $0x80  }
0xa6: {  	[sflag:s19] =	ssyncset.done $0x0  }
0xa7: {  	s29 =	sadd.s32 $0x9F0, s0;
	[sflag:s19] =	ssyncadd.s32 $0xFFFFFF80  }
0xa8: {  	[tilespmem:s23], [sflag:$0x3] =	stream.linear.gather [hbm4b:s29+s2], $0x80, $0x38;
	[tilespmem:$0x1C200] =	vst v63  }
0xa9: {  	_ =	swait.ge [sflag:s19], $0x80  }
0xaa: {  	[sflag:s19] =	ssyncset.done $0x0  }
0xab: {  	s29 =	simm.s32 $0xFFFFF660;
	[sflag:s19] =	ssyncadd.s32 $0xFFFFFF80  }
.LBB2_3:
0xac: {  	[tilespmem:s24], [sflag:$0x2] =	stream.indirect.gather [hbm4b:s4+s21], $0x80, s21, s21, $0xb8;
	[tilespmem:$0x1C200] =	vst v63  }
0xad: {  	s30 =	smov.u32 s29  }
0xae: {  	p1 =	seq.s32 s29, $0xFFFFFFE0;
	s29 =	sadd.s32 $0x20, s29;
	_ =	swait.ge [sflag:s25], $0x4000  }
0xaf: {  	[sflag:s25] =	ssyncset.done $0x0  }
0xb0: {  	[sflag:s25] =	ssyncadd.s32 $0xFFFFC000  }
0xb1: {  	[spmem:s1] =	stream.indirect.scatter.add.f32 [tilespmem:s22], [sflag:$0x3], $0x80, s20, s21, $0xb8;
	[tilespmem:$0x1C200] =	vst v63  }
0xb2: {  	_ =	swait.ge [sflag:s19], $0x4000  }
0xb3: {  	s31 =	sadd.s32 s30, s16;
	[sflag:s19] =	ssyncset.done $0x0  }
0xb4: {  	s0 =	sadd.s32 $0x9E0, s31;
	[sflag:s19] =	ssyncadd.s32 $0xFFFFC000  }
0xb5: {  	[tilespmem:s2], [sflag:$0x3] =	stream.linear.gather [hbm4b:s0+s2], $0x80, $0x38;
	[tilespmem:$0x1C200] =	vst v63  }
0xb6: {  	_ =	swait.ge [sflag:s19], $0x80  }
0xb7: {  	s0 =	sadd.s32 s30, s17;
	[sflag:s19] =	ssyncset.done $0x0  }
0xb8: {  	s30 =	sadd.s32 $0x9E0, s0;
	[sflag:s19] =	ssyncadd.s32 $0xFFFFFF80  }
0xb9: {  	[tilespmem:s20], [sflag:$0x3] =	stream.linear.gather [hbm4b:s30+s2], $0x80, $0x38;
	[tilespmem:$0x1C200] =	vst v63  }
0xba: {  	_ =	swait.ge [sflag:s19], $0x80  }
0xbb: {  	[sflag:s19] =	ssyncset.done $0x0  }
0xbc: {  	[sflag:s19] =	ssyncadd.s32 $0xFFFFFF80  }
0xbd: {  	[tilespmem:s22], [sflag:$0x1] =	stream.indirect.gather [hbm4b:s4+s21], $0x80, s2, s21, $0xb8;
	[tilespmem:$0x1C200] =	vst v63  }
0xbe: {  	_ =	swait.ge [sflag:s26], $0x4000  }
0xbf: {  	[sflag:s26] =	ssyncset.done $0x0  }
0xc0: {  	[sflag:s26] =	ssyncadd.s32 $0xFFFFC000  }
0xc1: {  	[spmem:s1] =	stream.indirect.scatter.add.f32 [tilespmem:s24], [sflag:$0x3], $0x80, s23, s21, $0xb8;
	[tilespmem:$0x1C200] =	vst v63  }
0xc2: {  	_ =	swait.ge [sflag:s19], $0x4000  }
0xc3: {  	[sflag:s19] =	ssyncset.done $0x0  }
0xc4: {  	s30 =	sadd.s32 $0x9F0, s31;
	[sflag:s19] =	ssyncadd.s32 $0xFFFFC000  }
0xc5: {  	[tilespmem:s21], [sflag:$0x3] =	stream.linear.gather [hbm4b:s30+s2], $0x80, $0x38;
	[tilespmem:$0x1C200] =	vst v63  }
0xc6: {  	_ =	swait.ge [sflag:s19], $0x80  }
0xc7: {  	[sflag:s19] =	ssyncset.done $0x0  }
.Ltmp5:
0xc8: {  	s0 =	sadd.s32 $0x9F0, s0;
	[sflag:s19] =	ssyncadd.s32 $0xFFFFFF80;
	(pc) =	sbr.rel @!p1 .LBB2_3-.Ltmp5, $4  }
0xc9: {  	[tilespmem:s23], [sflag:$0x3] =	stream.linear.gather [hbm4b:s0+s2], $0x80, $0x38;
	[tilespmem:$0x1C200] =	vst v63  }
0xca: {  	_ =	swait.ge [sflag:s19], $0x80  }
0xcb: {  	[sflag:s19] =	ssyncset.done $0x0  }
0xcc: {  	[sflag:s19] =	ssyncadd.s32 $0xFFFFFF80  }
.Ltmp6:
0xcd: {  	(pc) =	sbr.rel .LBB2_8-.Ltmp6, $3  }
0xce: {  	_ =	sdelay $0x1  }
0xcf: {  	[tilespmem:s24], [sflag:$0x2] =	stream.indirect.gather [hbm4b:s4+s21], $0x80, s21, s21, $0xb8;
	[tilespmem:$0x1C200] =	vst v63  }
0xd0: {  	s29 =	smov.u32 s7  }
.LBB2_9:
0xd1: {  	_ =	sfence.sel $0x180000  }
0xd2: {  	[bflag:$0x0] =	sbarrier.arrive $0xFFFF  }
0xd3: {  	_ =	strace $0x9000004A  }
0xd4: {  	[bflag:$0x2] =	sbarrier.arrive $0xFFFF  }
0xd5: {  	p0 =	sne.s32 s3, $0x0;
	s0 =	rddreg [dreg:$0x2]  }
0xd6: {  	s0 =	sadd.s32 @!p0 $0x100000, s0  }
0xd7: {  	[sflag:s0] =	ssyncadd.tile.s32 @!p0 $0x1;
	_ =	shalt  }
.Lfunc_end2:
_tile_overlayer_lowered:
.L_overlay_start_2:
0xd8: {  	(tag) =	ssettag $0x2  }
0xd9: {  	s0 =	rddreg [dreg:$0x0];
	s2 =	stileid.u32  }
0xda: {  	s1 =	rddreg [dreg:$0x1];
	p0 =	sne.s32 s2, $0x0  }
0xdb: {  	s3 =	rddreg [dreg:$0x2];
	[bflag:$0x3] =	sbarrier.arrive $0xFFFF;
	s2 =	simm.s32 @!p0 $0x1C03  }
0xdc: {  	[timem:s3], [sflag:s2] =	dma.local @!p0 [hbm:s0], s1  }
0xdd: {  	s0 =	simm.s32 @!p0 $0x3  }
0xde: {  	_ =	swait.ge @!p0 [sflag:s0], s1  }
0xdf: {  	s1 =	ssub.s32 @!p0 $0x0, s1;
	[sflag:s0] =	ssyncset.done @!p0 $0x0  }
0xe0: {  	[sflag:s0] =	ssyncadd.s32 @!p0 s1  }
0xe1: {  	[bflag:$0x3] =	sbarrier.arrive $0xFFFF  }
0xe2: {  	_ =	shalt  }

// kernel: kernel.23.cloned.1.call-start
scs
__scs_entry_jumppad:
0x0: {  	(pc) =	sbr.rel $0x88, $3  }
0x1: {  	(tag) =	ssettag $0x0;
	lr =	simm.s32 $0x1  }
0x2: {  	[smem:$0x3F92] =	sst lr;
	_ =	strace $0xD0000000  }
0x3: {  	_ = 	snop  }
0x4: {  	_ = 	snop  }
0x5: {  	_ = 	snop  }
0x6: {  	_ = 	snop  }
0x7: {  	_ = 	snop  }
__scs_overlays_trampoline_lowered:
0x8: {  	[smem:$0x3FA1] =	sst s0  }
0x9: {  	[smem:$0x3FA2] =	sst s1  }
0xa: {  	[smem:$0x3FA3] =	sst s2  }
0xb: {  	[smem:$0x3FA4] =	sst s3  }
0xc: {  	[smem:$0x3FA5] =	sst s4  }
0xd: {  	[smem:$0x3FA6] =	sst s5  }
0xe: {  	[smem:$0x3FA7] =	sst s6  }
0xf: {  	[smem:$0x3FA8] =	sst s7  }
0x10: {  	[smem:$0x3FA9] =	sst s8  }
0x11: {  	[smem:$0x3FAA] =	sst s9;
	s0 =	simm.s32 @!p0 $0x0  }
0x12: {  	s1 =	sld [smem:$0x3F90];
	s0 =	simm.s32 @p0 $0x1  }
0x13: {  	[smem:$0x3FAB] =	sst s0;
	s0 =	simm.s32 @!p1 $0x0  }
0x14: {  	s2 =	sld [smem:$0x3F8F];
	s0 =	simm.s32 @p1 $0x1  }
0x15: {  	[smem:$0x3FAC] =	sst s0;
	s0 =	simm.s32 @!p2 $0x0  }
0x16: {  	s3 =	sld [smem:$0x3FDB];
	s0 =	simm.s32 @p2 $0x1  }
0x17: {  	s4 =	simm.s32 $0x1BF5;
	[smem:$0x3FAE] =	sst s0  }
0x18: {  	s0 =	sld [smem:$0x3F91];
	_ =	swait.ge [sflag:s4], $0x0  }
0x19: {  	s7 =	sld [smem:$0x3F92]  }
0x1a: {  	s8 =	sadd.s32 $0xFFFFE003, lr  }
0x1b: {  	s9 =	sadd.s32 $0xFFFFFEF7, lr;
	s5 =	simm.s32 $0xFFFFFFFF;
	p2 =	slt.u32 s8, $0xFFFFF086  }
0x1c: {  	p1 =	slt.u32 s9, $0xF7A;
	s5 =	simm.s32 @!p2 $0x0  }
0x1d: {  	s5 =	simm.s32 @p1 $0x1;
	p0 =	seq.s32 s7, s2  }
0x1e: {  	s7 =	smul.u32 @!p0 $0xF7A, s2;
	p2 =	seq.s32 @!p0 s5, $0x0  }
0x1f: {  	s9 =	smul.u32 $0xF7A, s1;
	s8 =	simm.s32 @!p0 $0x1BF5;
	p2 =	por !p2, p0  }
0x20: {  	[sflag:s8] =	ssyncset.s32 @!p0 $0xFFFFF086;
	s6 =	sadd.s32 @!p0 s3, s7;
	s7 =	simm.s32 @!p0 $0x108  }
0x21: {  	s3 =	sadd.s32 s3, s9;
	s6 =	sadd.s32 @!p0 $0x88, s6;
	s7 =	simm.s32 @p2 $0x1082  }
0x22: {  	[simem:s7], [sflag:s8] =	dma.local @!p0 [hbm:s6], $0xF7A  }
0x23: {  	s9 =	sor.u32 $0xD0000000, s2;
	s6 =	simm.s32 $0x108;
	_ =	swait.ge @!p0 [sflag:s8], $0x0  }
0x24: {  	s3 =	sadd.s32 $0x88, s3;
	s6 =	simm.s32 @!p1 $0x1082;
	[sflag:s4] =	ssyncset.s32 $0xFFFFF086  }
0x25: {  	[simem:s6], [sflag:s4] =	dma.local [hbm:s3], $0xF7A  }
0x26: {  	[smem:$0x3F92] =	sst s1;
	(tag) =	ssettag s2;
	_ =	strace s9  }
0x27: {  	s1 =	sld [smem:$0x3FA2]  }
0x28: {  	s2 =	sld [smem:$0x3FA3]  }
0x29: {  	s4 =	sld [smem:$0x3FA5]  }
0x2a: {  	p0 =	seq.s32 s5, $0x0;
	s5 =	sld [smem:$0x3FA6]  }
0x2b: {  	s6 =	sld [smem:$0x3FA7]  }
0x2c: {  	s7 =	sld [smem:$0x3FA8]  }
0x2d: {  	s3 =	simm.s32 $0x108;
	s8 =	sld [smem:$0x3FA9]  }
0x2e: {  	s3 =	simm.s32 @!p0 $0x1082;
	s9 =	sld [smem:$0x3FAA]  }
0x2f: {  	lr =	sadd.s32 s0, s3;
	s0 =	sld [smem:$0x3FA1]  }
0x30: {  	s3 =	sld [smem:$0x3FA4]  }
0x31: {  	[smem:$0x3FAD] =	sst s10  }
0x32: {  	s10 =	sld [smem:$0x3FAB];
	_ =	sdelay $0x3  }
0x33: {  	p0 =	seq.s32 s10, $0x1;
	s10 =	sld [smem:$0x3FAD];
	_ =	sdelay $0x3  }
0x34: {  	[smem:$0x3FAD] =	sst s10  }
0x35: {  	s10 =	sld [smem:$0x3FAC];
	_ =	sdelay $0x3  }
0x36: {  	p1 =	seq.s32 s10, $0x1;
	s10 =	sld [smem:$0x3FAD];
	_ =	sdelay $0x3  }
0x37: {  	[smem:$0x3FAD] =	sst s10  }
0x38: {  	s10 =	sld [smem:$0x3FAE]  }
0x39: {  	_ = 	snop;
	(pc) =	sbr.ind lr, $3  }
0x3a: {  	_ = 	snop  }
0x3b: {  	_ = 	snop  }
0x3c: {  	p2 =	seq.s32 s10, $0x1;
	s10 =	sld [smem:$0x3FAD]  }
0x3d: {  	_ =	shalt  }
0x3e: {  	_ =	shalt  }
0x3f: {  	_ =	shalt  }
0x40: {  	_ =	shalt  }
0x41: {  	_ =	shalt  }
0x42: {  	_ =	shalt  }
0x43: {  	_ =	shalt  }
0x44: {  	_ =	shalt  }
0x45: {  	_ =	shalt  }
0x46: {  	_ =	shalt  }
0x47: {  	_ =	shalt  }
0x48: {  	_ =	shalt  }
0x49: {  	_ =	shalt  }
0x4a: {  	_ =	shalt  }
0x4b: {  	_ =	shalt  }
0x4c: {  	_ =	shalt  }
0x4d: {  	_ =	shalt  }
0x4e: {  	_ =	shalt  }
0x4f: {  	_ =	shalt  }
0x50: {  	_ =	shalt  }
0x51: {  	_ =	shalt  }
0x52: {  	_ =	shalt  }
0x53: {  	_ =	shalt  }
0x54: {  	_ =	shalt  }
0x55: {  	_ =	shalt  }
0x56: {  	_ =	shalt  }
0x57: {  	_ =	shalt  }
0x58: {  	_ =	shalt  }
0x59: {  	_ =	shalt  }
0x5a: {  	_ =	shalt  }
0x5b: {  	_ =	shalt  }
0x5c: {  	_ =	shalt  }
0x5d: {  	_ =	shalt  }
0x5e: {  	_ =	shalt  }
0x5f: {  	_ =	shalt  }
0x60: {  	_ =	shalt  }
0x61: {  	_ =	shalt  }
0x62: {  	_ =	shalt  }
0x63: {  	_ =	shalt  }
0x64: {  	_ =	shalt  }
0x65: {  	_ =	shalt  }
0x66: {  	_ =	shalt  }
0x67: {  	_ =	shalt  }
0x68: {  	_ =	shalt  }
0x69: {  	_ =	shalt  }
0x6a: {  	_ =	shalt  }
0x6b: {  	_ =	shalt  }
0x6c: {  	_ =	shalt  }
0x6d: {  	_ =	shalt  }
0x6e: {  	_ =	shalt  }
0x6f: {  	_ =	shalt  }
0x70: {  	_ =	shalt  }
0x71: {  	_ =	shalt  }
0x72: {  	_ =	shalt  }
0x73: {  	_ =	shalt  }
0x74: {  	_ =	shalt  }
0x75: {  	_ =	shalt  }
0x76: {  	_ =	shalt  }
0x77: {  	_ =	shalt  }
0x78: {  	_ =	shalt  }
0x79: {  	_ =	shalt  }
0x7a: {  	_ =	shalt  }
0x7b: {  	_ =	shalt  }
0x7c: {  	_ =	shalt  }
0x7d: {  	_ =	shalt  }
0x7e: {  	_ =	shalt  }
0x7f: {  	_ =	shalt  }
0x80: {  	_ =	shalt  }
0x81: {  	_ =	shalt  }
0x82: {  	_ =	shalt  }
0x83: {  	_ =	shalt  }
0x84: {  	_ =	shalt  }
0x85: {  	_ =	shalt  }
0x86: {  	_ =	shalt  }
0x87: {  	_ =	shalt  }
.Lfunc_end0:
.L_simem_size_0:
called_computation.2_lowered:
.L_overlay_start_0:
0x88: {  	s2 =	sld [smem:$0x3FD9]  }
0x89: {  	s3 =	sld [smem:$0x3FFE];
	_ =	sdelay $0x1  }
0x8a: {  	s1 =	srdreg.scid  }
0x8b: {  	s0 =	sand.u32 $0x1, s1  }
0x8c: {  	s16 =	sshll.u32 s0, $0xA;
	s2 =	sadd.s32 s3, s2  }
0x8d: {  	s2 =	sadd.s32 s2, s16  }
0x8e: {  	[smem:$0x3FB9] =	sst s2  }
0x8f: {  	_ = 	snop  }
0x90: {  	(tm) =	ssettm $0x1  }
0x91: {  	s17 =	sld [smem:$0x3FFB];
	_ =	sdelay $0x3  }
0x92: {  	_ =	strace s17  }
0x93: {  	s2 =	sld [smem:$0x3FFC];
	_ =	sdelay $0x3  }
0x94: {  	_ =	strace s2  }
0x95: {  	s2 =	sld [smem:$0x3FFD];
	_ =	sdelay $0x3  }
0x96: {  	_ =	strace s2  }
0x97: {  	_ =	strace $0x8FFFFFFF  }
0x98: {  	s18 =	sld [smem:$0x3FDB];
	_ =	sdelay $0x1  }
0x99: {  	s19 =	simm.s32 $_scs_section_size  }
0x9a: {  	s4 =	simm.s32 $_size__tile_overlayer_lowered;
	s5 =	simm.s32 $_tile_overlayer_lowered  }
0x9b: {  	s22 =	simm.s32 $0x1BFF;
	s21 =	sshll.u32 s5, $0x1;
	s2 =	sadd.s32 s19, s18  }
0x9c: {  	s6 =	simm.s32 $0x0;
	s20 =	sshll.u32 s4, $0x1;
	s4 =	sadd.s32 s21, s2  }
0x9d: {  	[timem:s6], [sflag:s22] =	dma.local [hbm:s4], s20  }
0x9e: {  	_ =	swait.ge [sflag:s22], s20  }
0x9f: {  	s3 =	ssub.s32 $0x0, s20;
	[sflag:s22] =	ssyncset.done $0x0  }
0xa0: {  	[sflag:s22] =	ssyncadd.s32 s3;
	_ =	sdelay $0x1  }
0xa1: {  	s23 =	simm.s32 $0x1B8B  }
0xa2: {  	_ =	swait.ge [sflag:s23], $0x1  }
0xa3: {  	[sflag:s23] =	ssyncset.done $0x0  }
0xa4: {  	s25 =	simm.s32 $0x1B8E;
	s24 =	sld [smem:$0x3FFE];
	[sflag:s23] =	ssyncadd.s32 $0xFFFFFFFF  }
0xa5: {  	s26 =	simm.s32 $execute0_lowered;
	[smem:$0x3FD2] =	sst s25  }
0xa6: {  	s4 =	sshll.u32 s26, $0x1;
	_ =	strace $0x8000004C;
	[dreg:$0x1] =	wrdreg $0xFFFFFFFF  }
0xa7: {  	s28 =	simm.s32 $_size_execute0_lowered;
	s2 =	sadd.s32 s2, s4;
	[dreg:$0x0] =	wrdreg $0x0  }
0xa8: {  	s4 =	sshll.u32 s28, $0x1;
	[dreg:$0x2] =	wrdreg s2  }
0xa9: {  	[dreg:$0x3] =	wrdreg s4  }
0xaa: {  	[dreg:$0x4] =	wrdreg $0xC0  }
0xab: {  	_ =	task [dreg:s6], $0x5FFFF  }
0xac: {  	[dreg:$0x1] =	wrdreg $0xFFFFFFFF  }
0xad: {  	[dreg:$0x0] =	wrdreg $0x60  }
0xae: {  	[dreg:$0x2] =	wrdreg s24  }
0xaf: {  	[dreg:$0x3] =	wrdreg $0x82000  }
0xb0: {  	[dreg:$0x4] =	wrdreg $0x9  }
0xb1: {  	_ =	task.clear_ibuf [dreg:s6], $0x5FFFF;
	_ =	strace $0x9000004C  }
0xb2: {  	s29 =	simm.s32 $0x9;
	_ =	strace $0x8000004E  }
0xb3: {  	_ =	swait.ge [sflag:s29], $0x1  }
0xb4: {  	[sflag:s29] =	ssyncadd.s32 $0xFFFFFFFF  }
0xb5: {  	_ =	strace $0x9000004E  }
0xb6: {  	_ =	sfence  }
0xb7: {  	s30 =	sld [smem:$0x0];
	_ =	sdelay $0x2  }
0xb8: {  	s31 =	sshll.u32 s1, $0xD;
	s1 =	sshrl.u32 s1, $0x2  }
0xb9: {  	s3 =	sand.u32 $0x4000, s31;
	s1 =	sadd.s32 s1, s30  }
0xba: {  	s0 =	sor.u32 s3, s0;
	s1 =	sshll.u32 s1, $0x11  }
0xbb: {  	s0 =	sor.u32 s1, s0  }
0xbc: {  	s0 =	sadd.s32 $0x8F2B, s0  }
0xbd: {  	[sflag:s0] =	ssyncadd.remote.s32 $0x1  }
0xbe: {  	_ =	sfence.sel $0xFFFF  }
0xbf: {  	[dreg:$0x0] =	wrdreg $0xFFFFFFFF;
	(pc) =	sbr.abs _section_cstart, $3  }
0xc0: {  	[dreg:$0x1] =	wrdreg $0xFFFFFFFF  }
0xc1: {  	_ =	task.clear_ibuf [dreg:s6], $0x2FFFF;
	_ =	strace $0x9FFFFFFF  }
0xc2: {  	(tm) =	ssettm $0x7FFFFFFF  }
0xc3: {  	_ =	shalt  }
tec
execute0_lowered:
.L_overlay_start_1:
0x0: {  	(tag) =	ssettag $0x1  }
0x1: {  	s8 =	rddreg [dreg:$0x0]  }
0x2: {  	s1 =	rddreg [dreg:$0x1];
	s2 =	simm.s32 $0x0  }
0x3: {  	s7 =	srdreg.scid;
	s3 =	stileid.u32;
	s20 =	simm.s32 $0x100  }
0x4: {  	s21 =	simm.s32 $0x80;
	s22 =	simm.s32 $0x200;
	s23 =	simm.s32 $0x180  }
0x5: {  	s24 =	simm.s32 $0x4200;
	s25 =	simm.s32 $0x1;
	s28 =	simm.s32 $0x0  }
0x6: {  	[smem:$0x7FF] =	sst s2;
	s16 =	sadd.s32 $0x1C600, s8;
	s17 =	sadd.s32 $0x12800, s8  }
0x7: {  	s4 =	sadd.s32 $0x74600, s8;
	s5 =	sadd.s32 $0x9B800, s8;
	s9 =	smul.u32 $0x4F00, s3  }
0x8: {  	s6 =	sadd.s32 $0x7A00, s8;
	s10 =	sand.u32 $0x1, s7;
	s12 =	smul.u32 $0x300, s3  }
0x9: {  	s7 =	sadd.s32 $0xC2A00, s8;
	s8 =	sadd.s32 $0xEAA00, s8;
	s14 =	smul.u32 $0x50000, s3  }
0xa: {  	s30 =	sshll.u32 s3, $0x6;
	s19 =	smul.u32 $0x9E0, s3;
	s11 =	ssub.s32 $0x2, s10  }
0xb: {  	_ =	strace $0x8000004D;
	p0 =	seq.s32 s10, $0x1;
	s13 =	sshrl.u32 s11, $0x1  }
0xc: {  	s9 =	sand.u32 $0x7FC00, s9;
	s26 =	sand.u32 $0x300, s12;
	s29 =	sshrl.u32 s14, $0x2  }
0xd: {  	s14 =	smul.u32 $0x2800, s3;
	s15 =	ssub.s32 s11, s13;
	s11 =	sor.u32 s26, s9  }
.Ltmp0:
0xe: {  	s18 =	sadd.s32 s29, s1;
	s9 =	sor.u32 $0x1C03, s30;
	(pc) =	sbr.rel .LBB2_1-.Ltmp0, $4  }
0xf: {  	s26 =	simm.s32 $0x2;
	s11 =	sshrl.u32 s11, $0x3;
	s15 =	smax.u32 s15, $0x1  }
0x10: {  	s18 =	sshrl.u32 s18, $0x3;
	s10 =	sadd.s32 s16, s11;
	s31 =	sor.u32 $0x10, s11  }
0x11: {  	s11 =	sadd.s32 s17, s11;
	s12 =	sadd.s32 s16, s31;
	s13 =	sadd.s32 s17, s31  }
0x12: {  	s16 =	sadd.s32 s19, s16;
	s17 =	sadd.s32 s19, s17;
	s19 =	simm.s32 $0x3  }
.LBB2_7:
0x13: {  	[tilespmem:s24], [sflag:$0x2] =	stream.indirect.gather [hbm4b:s5+s21], $0x80, s21, s21, $0xb8;
	[tilespmem:$0x1C200] =	vst v63  }
0x14: {  	s29 =	smov.u32 s8  }
.LBB2_8:
0x15: {  	_ =	swait.ge [sflag:s25], $0x4000  }
0x16: {  	[sflag:s25] =	ssyncset.done $0x0  }
0x17: {  	[sflag:s25] =	ssyncadd.s32 $0xFFFFC000  }
0x18: {  	[spmem:s1] =	stream.indirect.scatter.add.f32 [tilespmem:s22], [sflag:$0x3], $0x80, s20, s21, $0xb8;
	[tilespmem:$0x1C200] =	vst v63  }
0x19: {  	_ =	swait.ge [sflag:s19], $0x4000  }
0x1a: {  	[sflag:s19] =	ssyncset.done $0x0  }
0x1b: {  	[sflag:s19] =	ssyncadd.s32 $0xFFFFC000  }
0x1c: {  	_ =	swait.ge [sflag:s26], $0x4000  }
0x1d: {  	[sflag:s26] =	ssyncset.done $0x0  }
0x1e: {  	[sflag:s26] =	ssyncadd.s32 $0xFFFFC000  }
0x1f: {  	[spmem:s1] =	stream.indirect.scatter.add.f32 [tilespmem:s24], [sflag:$0x3], $0x80, s23, s21, $0xb8;
	[tilespmem:$0x1C200] =	vst v63  }
0x20: {  	_ =	swait.ge [sflag:s19], $0x4000  }
0x21: {  	s28 =	sadd.s32 $0x1, s28;
	[sflag:s19] =	ssyncset.done $0x0  }
0x22: {  	p1 =	sne.s32 s28, s15;
	[sflag:s19] =	ssyncadd.s32 $0xFFFFC000  }
.Ltmp1:
0x23: {  	s0 =	sadd.s32 s29, s14;
	[bflag:$0x0] =	sbarrier.arrive $0xFFFF;
	(pc) =	sbr.rel @!p1 .LBB2_9-.Ltmp1, $4  }
0x24: {  	[hbm:s0], [sflag:s9] =	dma.local [spmem:s18], $0x2800  }
0x25: {  	_ =	swait.ge [sflag:s19], $0x2800  }
0x26: {  	[sflag:s19] =	ssyncset.done $0x0  }
0x27: {  	[sflag:s19] =	ssyncadd.s32 $0xFFFFD800  }
.LBB2_1:
0x28: {  	[spmem:s18], [sflag:s9] =	dma.local [hbm:s6], $0x2800  }
0x29: {  	_ =	swait.ge [sflag:s19], $0x2800  }
0x2a: {  	[sflag:s19] =	ssyncset.done $0x0  }
0x2b: {  	[sflag:s19] =	ssyncadd.s32 $0xFFFFD800  }
0x2c: {  	[bflag:$0x0] =	sbarrier.arrive $0xFFFF  }
0x2d: {  	[tilespmem:s2], [sflag:$0x3] =	stream.linear.gather [hbm4b:s10+s2], $0x80, $0x38;
	[tilespmem:$0x1C200] =	vst v63  }
0x2e: {  	_ =	swait.ge [sflag:s19], $0x80  }
0x2f: {  	[sflag:s19] =	ssyncset.done $0x0  }
.Ltmp2:
0x30: {  	[sflag:s19] =	ssyncadd.s32 $0xFFFFFF80;
	(pc) =	sbr.rel @!p0 .LBB2_2-.Ltmp2, $4  }
0x31: {  	[tilespmem:s20], [sflag:$0x3] =	stream.linear.gather [hbm4b:s11+s2], $0x80, $0x38;
	[tilespmem:$0x1C200] =	vst v63  }
0x32: {  	_ =	swait.ge [sflag:s19], $0x80  }
0x33: {  	[sflag:s19] =	ssyncset.done $0x0  }
0x34: {  	[sflag:s19] =	ssyncadd.s32 $0xFFFFFF80  }
0x35: {  	[tilespmem:s22], [sflag:$0x1] =	stream.indirect.gather [hbm4b:s5+s21], $0x80, s2, s21, $0xb8;
	[tilespmem:$0x1C200] =	vst v63  }
0x36: {  	_ = 	snop  }
0x37: {  	[tilespmem:s21], [sflag:$0x3] =	stream.linear.gather [hbm4b:s12+s2], $0x80, $0x38;
	[tilespmem:$0x1C200] =	vst v63  }
0x38: {  	_ =	swait.ge [sflag:s19], $0x80  }
0x39: {  	[sflag:s19] =	ssyncset.done $0x0  }
0x3a: {  	[sflag:s19] =	ssyncadd.s32 $0xFFFFFF80  }
0x3b: {  	[tilespmem:s23], [sflag:$0x3] =	stream.linear.gather [hbm4b:s13+s2], $0x80, $0x38;
	[tilespmem:$0x1C200] =	vst v63  }
0x3c: {  	_ =	swait.ge [sflag:s19], $0x80  }
0x3d: {  	[sflag:s19] =	ssyncset.done $0x0  }
0x3e: {  	[sflag:s19] =	ssyncadd.s32 $0xFFFFFF80  }
0x3f: {  	[tilespmem:s24], [sflag:$0x2] =	stream.indirect.gather [hbm4b:s5+s21], $0x80, s21, s21, $0xb8;
	[tilespmem:$0x1C200] =	vst v63  }
0x40: {  	_ =	swait.ge [sflag:s25], $0x4000  }
0x41: {  	[sflag:s25] =	ssyncset.done $0x0  }
0x42: {  	[sflag:s25] =	ssyncadd.s32 $0xFFFFC000  }
0x43: {  	[spmem:s1] =	stream.indirect.scatter.add.f32 [tilespmem:s22], [sflag:$0x3], $0x80, s20, s21, $0xb8;
	[tilespmem:$0x1C200] =	vst v63  }
0x44: {  	_ =	swait.ge [sflag:s19], $0x4000  }
0x45: {  	s0 =	sadd.s32 $0xFFFFF640, s16;
	[sflag:s19] =	ssyncset.done $0x0  }
0x46: {  	s29 =	sadd.s32 $0x9E0, s0;
	[sflag:s19] =	ssyncadd.s32 $0xFFFFC000  }
0x47: {  	[tilespmem:s2], [sflag:$0x3] =	stream.linear.gather [hbm4b:s29+s2], $0x80, $0x38;
	[tilespmem:$0x1C200] =	vst v63  }
0x48: {  	_ =	swait.ge [sflag:s19], $0x80  }
0x49: {  	s29 =	sadd.s32 $0xFFFFF640, s17;
	[sflag:s19] =	ssyncset.done $0x0  }
0x4a: {  	s30 =	sadd.s32 $0x9E0, s29;
	[sflag:s19] =	ssyncadd.s32 $0xFFFFFF80  }
0x4b: {  	[tilespmem:s20], [sflag:$0x3] =	stream.linear.gather [hbm4b:s30+s2], $0x80, $0x38;
	[tilespmem:$0x1C200] =	vst v63  }
0x4c: {  	_ =	swait.ge [sflag:s19], $0x80  }
0x4d: {  	[sflag:s19] =	ssyncset.done $0x0  }
0x4e: {  	[sflag:s19] =	ssyncadd.s32 $0xFFFFFF80  }
0x4f: {  	[tilespmem:s22], [sflag:$0x1] =	stream.indirect.gather [hbm4b:s5+s21], $0x80, s2, s21, $0xb8;
	[tilespmem:$0x1C200] =	vst v63  }
0x50: {  	_ =	swait.ge [sflag:s26], $0x4000  }
0x51: {  	[sflag:s26] =	ssyncset.done $0x0  }
0x52: {  	[sflag:s26] =	ssyncadd.s32 $0xFFFFC000  }
0x53: {  	[spmem:s1] =	stream.indirect.scatter.add.f32 [tilespmem:s24], [sflag:$0x3], $0x80, s23, s21, $0xb8;
	[tilespmem:$0x1C200] =	vst v63  }
0x54: {  	_ =	swait.ge [sflag:s19], $0x4000  }
0x55: {  	[sflag:s19] =	ssyncset.done $0x0  }
0x56: {  	s0 =	sadd.s32 $0x9F0, s0;
	[sflag:s19] =	ssyncadd.s32 $0xFFFFC000  }
0x57: {  	[tilespmem:s21], [sflag:$0x3] =	stream.linear.gather [hbm4b:s0+s2], $0x80, $0x38;
	[tilespmem:$0x1C200] =	vst v63  }
0x58: {  	_ =	swait.ge [sflag:s19], $0x80  }
0x59: {  	[sflag:s19] =	ssyncset.done $0x0  }
0x5a: {  	s31 =	sadd.s32 $0x9F0, s29;
	[sflag:s19] =	ssyncadd.s32 $0xFFFFFF80  }
0x5b: {  	[tilespmem:s23], [sflag:$0x3] =	stream.linear.gather [hbm4b:s31+s2], $0x80, $0x38;
	[tilespmem:$0x1C200] =	vst v63  }
0x5c: {  	_ =	swait.ge [sflag:s19], $0x80  }
0x5d: {  	[sflag:s19] =	ssyncset.done $0x0  }
0x5e: {  	s29 =	simm.s32 $0xFFFFF660;
	[sflag:s19] =	ssyncadd.s32 $0xFFFFFF80  }
.LBB2_6:
0x5f: {  	[tilespmem:s24], [sflag:$0x2] =	stream.indirect.gather [hbm4b:s5+s21], $0x80, s21, s21, $0xb8;
	[tilespmem:$0x1C200] =	vst v63  }
0x60: {  	s0 =	smov.u32 s29  }
0x61: {  	p1 =	sne.s32 s29, $0xFFFFFFE0;
	s29 =	sadd.s32 $0x20, s29;
	_ =	swait.ge [sflag:s25], $0x4000  }
0x62: {  	[sflag:s25] =	ssyncset.done $0x0  }
0x63: {  	[sflag:s25] =	ssyncadd.s32 $0xFFFFC000  }
0x64: {  	[spmem:s1] =	stream.indirect.scatter.add.f32 [tilespmem:s22], [sflag:$0x3], $0x80, s20, s21, $0xb8;
	[tilespmem:$0x1C200] =	vst v63  }
0x65: {  	_ =	swait.ge [sflag:s19], $0x4000  }
0x66: {  	s30 =	sadd.s32 s0, s16;
	[sflag:s19] =	ssyncset.done $0x0  }
0x67: {  	s31 =	sadd.s32 $0x9E0, s30;
	[sflag:s19] =	ssyncadd.s32 $0xFFFFC000  }
0x68: {  	[tilespmem:s2], [sflag:$0x3] =	stream.linear.gather [hbm4b:s31+s2], $0x80, $0x38;
	[tilespmem:$0x1C200] =	vst v63  }
0x69: {  	_ =	swait.ge [sflag:s19], $0x80  }
0x6a: {  	s0 =	sadd.s32 s0, s17;
	[sflag:s19] =	ssyncset.done $0x0  }
0x6b: {  	s31 =	sadd.s32 $0x9E0, s0;
	[sflag:s19] =	ssyncadd.s32 $0xFFFFFF80  }
0x6c: {  	[tilespmem:s20], [sflag:$0x3] =	stream.linear.gather [hbm4b:s31+s2], $0x80, $0x38;
	[tilespmem:$0x1C200] =	vst v63  }
0x6d: {  	_ =	swait.ge [sflag:s19], $0x80  }
0x6e: {  	[sflag:s19] =	ssyncset.done $0x0  }
0x6f: {  	[sflag:s19] =	ssyncadd.s32 $0xFFFFFF80  }
0x70: {  	[tilespmem:s22], [sflag:$0x1] =	stream.indirect.gather [hbm4b:s5+s21], $0x80, s2, s21, $0xb8;
	[tilespmem:$0x1C200] =	vst v63  }
0x71: {  	_ =	swait.ge [sflag:s26], $0x4000  }
0x72: {  	[sflag:s26] =	ssyncset.done $0x0  }
0x73: {  	[sflag:s26] =	ssyncadd.s32 $0xFFFFC000  }
0x74: {  	[spmem:s1] =	stream.indirect.scatter.add.f32 [tilespmem:s24], [sflag:$0x3], $0x80, s23, s21, $0xb8;
	[tilespmem:$0x1C200] =	vst v63  }
0x75: {  	_ =	swait.ge [sflag:s19], $0x4000  }
0x76: {  	[sflag:s19] =	ssyncset.done $0x0  }
0x77: {  	s30 =	sadd.s32 $0x9F0, s30;
	[sflag:s19] =	ssyncadd.s32 $0xFFFFC000  }
0x78: {  	[tilespmem:s21], [sflag:$0x3] =	stream.linear.gather [hbm4b:s30+s2], $0x80, $0x38;
	[tilespmem:$0x1C200] =	vst v63  }
0x79: {  	_ =	swait.ge [sflag:s19], $0x80  }
0x7a: {  	[sflag:s19] =	ssyncset.done $0x0  }
.Ltmp3:
0x7b: {  	s0 =	sadd.s32 $0x9F0, s0;
	[sflag:s19] =	ssyncadd.s32 $0xFFFFFF80;
	(pc) =	sbr.rel @p1 .LBB2_6-.Ltmp3, $4  }
0x7c: {  	[tilespmem:s23], [sflag:$0x3] =	stream.linear.gather [hbm4b:s0+s2], $0x80, $0x38;
	[tilespmem:$0x1C200] =	vst v63  }
0x7d: {  	_ =	swait.ge [sflag:s19], $0x80  }
0x7e: {  	[sflag:s19] =	ssyncset.done $0x0  }
0x7f: {  	[sflag:s19] =	ssyncadd.s32 $0xFFFFFF80  }
.Ltmp4:
0x80: {  	_ = 	snop;
	(pc) =	sbr.rel .LBB2_7-.Ltmp4, $1  }
0x81: {  	_ =	sdelay $0x3  }
.LBB2_2:
0x82: {  	[tilespmem:s22], [sflag:$0x1] =	stream.indirect.gather [hbm4b:s4+s21], $0x80, s2, s21, $0xb8;
	[tilespmem:$0x1C200] =	vst v63  }
0x83: {  	_ = 	snop  }
0x84: {  	[tilespmem:s21], [sflag:$0x3] =	stream.linear.gather [hbm4b:s12+s2], $0x80, $0x38;
	[tilespmem:$0x1C200] =	vst v63  }
0x85: {  	_ =	swait.ge [sflag:s19], $0x80  }
0x86: {  	[sflag:s19] =	ssyncset.done $0x0  }
0x87: {  	[sflag:s19] =	ssyncadd.s32 $0xFFFFFF80  }
0x88: {  	[tilespmem:s23], [sflag:$0x3] =	stream.linear.gather [hbm4b:s13+s2], $0x80, $0x38;
	[tilespmem:$0x1C200] =	vst v63  }
0x89: {  	_ =	swait.ge [sflag:s19], $0x80  }
0x8a: {  	[sflag:s19] =	ssyncset.done $0x0  }
0x8b: {  	[sflag:s19] =	ssyncadd.s32 $0xFFFFFF80  }
0x8c: {  	[tilespmem:s24], [sflag:$0x2] =	stream.indirect.gather [hbm4b:s4+s21], $0x80, s21, s21, $0xb8;
	[tilespmem:$0x1C200] =	vst v63  }
0x8d: {  	_ =	swait.ge [sflag:s25], $0x4000  }
0x8e: {  	[sflag:s25] =	ssyncset.done $0x0  }
0x8f: {  	[sflag:s25] =	ssyncadd.s32 $0xFFFFC000  }
0x90: {  	[spmem:s1] =	stream.indirect.scatter.add.f32 [tilespmem:s22], [sflag:$0x3], $0x80, s20, s21, $0xb8;
	[tilespmem:$0x1C200] =	vst v63  }
0x91: {  	_ =	swait.ge [sflag:s19], $0x4000  }
0x92: {  	s29 =	sadd.s32 $0xFFFFF640, s16;
	[sflag:s19] =	ssyncset.done $0x0  }
0x93: {  	s30 =	sadd.s32 $0x9E0, s29;
	[sflag:s19] =	ssyncadd.s32 $0xFFFFC000  }
0x94: {  	[tilespmem:s2], [sflag:$0x3] =	stream.linear.gather [hbm4b:s30+s2], $0x80, $0x38;
	[tilespmem:$0x1C200] =	vst v63  }
0x95: {  	_ =	swait.ge [sflag:s19], $0x80  }
0x96: {  	s0 =	sadd.s32 $0xFFFFF640, s17;
	[sflag:s19] =	ssyncset.done $0x0  }
0x97: {  	s31 =	sadd.s32 $0x9E0, s0;
	[sflag:s19] =	ssyncadd.s32 $0xFFFFFF80  }
0x98: {  	[tilespmem:s20], [sflag:$0x3] =	stream.linear.gather [hbm4b:s31+s2], $0x80, $0x38;
	[tilespmem:$0x1C200] =	vst v63  }
0x99: {  	_ =	swait.ge [sflag:s19], $0x80  }
0x9a: {  	[sflag:s19] =	ssyncset.done $0x0  }
0x9b: {  	[sflag:s19] =	ssyncadd.s32 $0xFFFFFF80  }
0x9c: {  	[tilespmem:s22], [sflag:$0x1] =	stream.indirect.gather [hbm4b:s4+s21], $0x80, s2, s21, $0xb8;
	[tilespmem:$0x1C200] =	vst v63  }
0x9d: {  	_ =	swait.ge [sflag:s26], $0x4000  }
0x9e: {  	[sflag:s26] =	ssyncset.done $0x0  }
0x9f: {  	[sflag:s26] =	ssyncadd.s32 $0xFFFFC000  }
0xa0: {  	[spmem:s1] =	stream.indirect.scatter.add.f32 [tilespmem:s24], [sflag:$0x3], $0x80, s23, s21, $0xb8;
	[tilespmem:$0x1C200] =	vst v63  }
0xa1: {  	_ =	swait.ge [sflag:s19], $0x4000  }
0xa2: {  	[sflag:s19] =	ssyncset.done $0x0  }
0xa3: {  	s29 =	sadd.s32 $0x9F0, s29;
	[sflag:s19] =	ssyncadd.s32 $0xFFFFC000  }
0xa4: {  	[tilespmem:s21], [sflag:$0x3] =	stream.linear.gather [hbm4b:s29+s2], $0x80, $0x38;
	[tilespmem:$0x1C200] =	vst v63  }
0xa5: {  	_ =	swait.ge [sflag:s19], $0x80  }
0xa6: {  	[sflag:s19] =	ssyncset.done $0x0  }
0xa7: {  	s29 =	sadd.s32 $0x9F0, s0;
	[sflag:s19] =	ssyncadd.s32 $0xFFFFFF80  }
0xa8: {  	[tilespmem:s23], [sflag:$0x3] =	stream.linear.gather [hbm4b:s29+s2], $0x80, $0x38;
	[tilespmem:$0x1C200] =	vst v63  }
0xa9: {  	_ =	swait.ge [sflag:s19], $0x80  }
0xaa: {  	[sflag:s19] =	ssyncset.done $0x0  }
0xab: {  	s29 =	simm.s32 $0xFFFFF660;
	[sflag:s19] =	ssyncadd.s32 $0xFFFFFF80  }
.LBB2_3:
0xac: {  	[tilespmem:s24], [sflag:$0x2] =	stream.indirect.gather [hbm4b:s4+s21], $0x80, s21, s21, $0xb8;
	[tilespmem:$0x1C200] =	vst v63  }
0xad: {  	s30 =	smov.u32 s29  }
0xae: {  	p1 =	seq.s32 s29, $0xFFFFFFE0;
	s29 =	sadd.s32 $0x20, s29;
	_ =	swait.ge [sflag:s25], $0x4000  }
0xaf: {  	[sflag:s25] =	ssyncset.done $0x0  }
0xb0: {  	[sflag:s25] =	ssyncadd.s32 $0xFFFFC000  }
0xb1: {  	[spmem:s1] =	stream.indirect.scatter.add.f32 [tilespmem:s22], [sflag:$0x3], $0x80, s20, s21, $0xb8;
	[tilespmem:$0x1C200] =	vst v63  }
0xb2: {  	_ =	swait.ge [sflag:s19], $0x4000  }
0xb3: {  	s31 =	sadd.s32 s30, s16;
	[sflag:s19] =	ssyncset.done $0x0  }
0xb4: {  	s0 =	sadd.s32 $0x9E0, s31;
	[sflag:s19] =	ssyncadd.s32 $0xFFFFC000  }
0xb5: {  	[tilespmem:s2], [sflag:$0x3] =	stream.linear.gather [hbm4b:s0+s2], $0x80, $0x38;
	[tilespmem:$0x1C200] =	vst v63  }
0xb6: {  	_ =	swait.ge [sflag:s19], $0x80  }
0xb7: {  	s0 =	sadd.s32 s30, s17;
	[sflag:s19] =	ssyncset.done $0x0  }
0xb8: {  	s30 =	sadd.s32 $0x9E0, s0;
	[sflag:s19] =	ssyncadd.s32 $0xFFFFFF80  }
0xb9: {  	[tilespmem:s20], [sflag:$0x3] =	stream.linear.gather [hbm4b:s30+s2], $0x80, $0x38;
	[tilespmem:$0x1C200] =	vst v63  }
0xba: {  	_ =	swait.ge [sflag:s19], $0x80  }
0xbb: {  	[sflag:s19] =	ssyncset.done $0x0  }
0xbc: {  	[sflag:s19] =	ssyncadd.s32 $0xFFFFFF80  }
0xbd: {  	[tilespmem:s22], [sflag:$0x1] =	stream.indirect.gather [hbm4b:s4+s21], $0x80, s2, s21, $0xb8;
	[tilespmem:$0x1C200] =	vst v63  }
0xbe: {  	_ =	swait.ge [sflag:s26], $0x4000  }
0xbf: {  	[sflag:s26] =	ssyncset.done $0x0  }
0xc0: {  	[sflag:s26] =	ssyncadd.s32 $0xFFFFC000  }
0xc1: {  	[spmem:s1] =	stream.indirect.scatter.add.f32 [tilespmem:s24], [sflag:$0x3], $0x80, s23, s21, $0xb8;
	[tilespmem:$0x1C200] =	vst v63  }
0xc2: {  	_ =	swait.ge [sflag:s19], $0x4000  }
0xc3: {  	[sflag:s19] =	ssyncset.done $0x0  }
0xc4: {  	s30 =	sadd.s32 $0x9F0, s31;
	[sflag:s19] =	ssyncadd.s32 $0xFFFFC000  }
0xc5: {  	[tilespmem:s21], [sflag:$0x3] =	stream.linear.gather [hbm4b:s30+s2], $0x80, $0x38;
	[tilespmem:$0x1C200] =	vst v63  }
0xc6: {  	_ =	swait.ge [sflag:s19], $0x80  }
0xc7: {  	[sflag:s19] =	ssyncset.done $0x0  }
.Ltmp5:
0xc8: {  	s0 =	sadd.s32 $0x9F0, s0;
	[sflag:s19] =	ssyncadd.s32 $0xFFFFFF80;
	(pc) =	sbr.rel @!p1 .LBB2_3-.Ltmp5, $4  }
0xc9: {  	[tilespmem:s23], [sflag:$0x3] =	stream.linear.gather [hbm4b:s0+s2], $0x80, $0x38;
	[tilespmem:$0x1C200] =	vst v63  }
0xca: {  	_ =	swait.ge [sflag:s19], $0x80  }
0xcb: {  	[sflag:s19] =	ssyncset.done $0x0  }
0xcc: {  	[sflag:s19] =	ssyncadd.s32 $0xFFFFFF80  }
.Ltmp6:
0xcd: {  	(pc) =	sbr.rel .LBB2_8-.Ltmp6, $3  }
0xce: {  	_ =	sdelay $0x1  }
0xcf: {  	[tilespmem:s24], [sflag:$0x2] =	stream.indirect.gather [hbm4b:s4+s21], $0x80, s21, s21, $0xb8;
	[tilespmem:$0x1C200] =	vst v63  }
0xd0: {  	s29 =	smov.u32 s7  }
.LBB2_9:
0xd1: {  	_ =	sfence.sel $0x180000  }
0xd2: {  	[bflag:$0x0] =	sbarrier.arrive $0xFFFF  }
0xd3: {  	_ =	strace $0x9000004D  }
0xd4: {  	[bflag:$0x2] =	sbarrier.arrive $0xFFFF  }
0xd5: {  	p0 =	sne.s32 s3, $0x0;
	s0 =	rddreg [dreg:$0x2]  }
0xd6: {  	s0 =	sadd.s32 @!p0 $0x100000, s0  }
0xd7: {  	[sflag:s0] =	ssyncadd.tile.s32 @!p0 $0x1;
	_ =	shalt  }
.Lfunc_end2:
_tile_overlayer_lowered:
.L_overlay_start_2:
0xd8: {  	(tag) =	ssettag $0x2  }
0xd9: {  	s0 =	rddreg [dreg:$0x0];
	s2 =	stileid.u32  }
0xda: {  	s1 =	rddreg [dreg:$0x1];
	p0 =	sne.s32 s2, $0x0  }
0xdb: {  	s3 =	rddreg [dreg:$0x2];
	[bflag:$0x3] =	sbarrier.arrive $0xFFFF;
	s2 =	simm.s32 @!p0 $0x1C03  }
0xdc: {  	[timem:s3], [sflag:s2] =	dma.local @!p0 [hbm:s0], s1  }
0xdd: {  	s0 =	simm.s32 @!p0 $0x3  }
0xde: {  	_ =	swait.ge @!p0 [sflag:s0], s1  }
0xdf: {  	s1 =	ssub.s32 @!p0 $0x0, s1;
	[sflag:s0] =	ssyncset.done @!p0 $0x0  }
0xe0: {  	[sflag:s0] =	ssyncadd.s32 @!p0 s1  }
0xe1: {  	[bflag:$0x3] =	sbarrier.arrive $0xFFFF  }
0xe2: {  	_ =	shalt  }

// kernel: kernel.26.cloned.1.call-start
scs
__scs_entry_jumppad:
0x0: {  	(pc) =	sbr.rel $0x88, $3  }
0x1: {  	(tag) =	ssettag $0x0;
	lr =	simm.s32 $0x1  }
0x2: {  	[smem:$0x3F92] =	sst lr;
	_ =	strace $0xD0000000  }
0x3: {  	_ = 	snop  }
0x4: {  	_ = 	snop  }
0x5: {  	_ = 	snop  }
0x6: {  	_ = 	snop  }
0x7: {  	_ = 	snop  }
__scs_overlays_trampoline_lowered:
0x8: {  	[smem:$0x3FA1] =	sst s0  }
0x9: {  	[smem:$0x3FA2] =	sst s1  }
0xa: {  	[smem:$0x3FA3] =	sst s2  }
0xb: {  	[smem:$0x3FA4] =	sst s3  }
0xc: {  	[smem:$0x3FA5] =	sst s4  }
0xd: {  	[smem:$0x3FA6] =	sst s5  }
0xe: {  	[smem:$0x3FA7] =	sst s6  }
0xf: {  	[smem:$0x3FA8] =	sst s7  }
0x10: {  	[smem:$0x3FA9] =	sst s8  }
0x11: {  	[smem:$0x3FAA] =	sst s9;
	s0 =	simm.s32 @!p0 $0x0  }
0x12: {  	s1 =	sld [smem:$0x3F90];
	s0 =	simm.s32 @p0 $0x1  }
0x13: {  	[smem:$0x3FAB] =	sst s0;
	s0 =	simm.s32 @!p1 $0x0  }
0x14: {  	s2 =	sld [smem:$0x3F8F];
	s0 =	simm.s32 @p1 $0x1  }
0x15: {  	[smem:$0x3FAC] =	sst s0;
	s0 =	simm.s32 @!p2 $0x0  }
0x16: {  	s3 =	sld [smem:$0x3FDB];
	s0 =	simm.s32 @p2 $0x1  }
0x17: {  	s4 =	simm.s32 $0x1BF5;
	[smem:$0x3FAE] =	sst s0  }
0x18: {  	s0 =	sld [smem:$0x3F91];
	_ =	swait.ge [sflag:s4], $0x0  }
0x19: {  	s7 =	sld [smem:$0x3F92]  }
0x1a: {  	s8 =	sadd.s32 $0xFFFFE003, lr  }
0x1b: {  	s9 =	sadd.s32 $0xFFFFFEF7, lr;
	s5 =	simm.s32 $0xFFFFFFFF;
	p2 =	slt.u32 s8, $0xFFFFF086  }
0x1c: {  	p1 =	slt.u32 s9, $0xF7A;
	s5 =	simm.s32 @!p2 $0x0  }
0x1d: {  	s5 =	simm.s32 @p1 $0x1;
	p0 =	seq.s32 s7, s2  }
0x1e: {  	s7 =	smul.u32 @!p0 $0xF7A, s2;
	p2 =	seq.s32 @!p0 s5, $0x0  }
0x1f: {  	s9 =	smul.u32 $0xF7A, s1;
	s8 =	simm.s32 @!p0 $0x1BF5;
	p2 =	por !p2, p0  }
0x20: {  	[sflag:s8] =	ssyncset.s32 @!p0 $0xFFFFF086;
	s6 =	sadd.s32 @!p0 s3, s7;
	s7 =	simm.s32 @!p0 $0x108  }
0x21: {  	s3 =	sadd.s32 s3, s9;
	s6 =	sadd.s32 @!p0 $0x88, s6;
	s7 =	simm.s32 @p2 $0x1082  }
0x22: {  	[simem:s7], [sflag:s8] =	dma.local @!p0 [hbm:s6], $0xF7A  }
0x23: {  	s9 =	sor.u32 $0xD0000000, s2;
	s6 =	simm.s32 $0x108;
	_ =	swait.ge @!p0 [sflag:s8], $0x0  }
0x24: {  	s3 =	sadd.s32 $0x88, s3;
	s6 =	simm.s32 @!p1 $0x1082;
	[sflag:s4] =	ssyncset.s32 $0xFFFFF086  }
0x25: {  	[simem:s6], [sflag:s4] =	dma.local [hbm:s3], $0xF7A  }
0x26: {  	[smem:$0x3F92] =	sst s1;
	(tag) =	ssettag s2;
	_ =	strace s9  }
0x27: {  	s1 =	sld [smem:$0x3FA2]  }
0x28: {  	s2 =	sld [smem:$0x3FA3]  }
0x29: {  	s4 =	sld [smem:$0x3FA5]  }
0x2a: {  	p0 =	seq.s32 s5, $0x0;
	s5 =	sld [smem:$0x3FA6]  }
0x2b: {  	s6 =	sld [smem:$0x3FA7]  }
0x2c: {  	s7 =	sld [smem:$0x3FA8]  }
0x2d: {  	s3 =	simm.s32 $0x108;
	s8 =	sld [smem:$0x3FA9]  }
0x2e: {  	s3 =	simm.s32 @!p0 $0x1082;
	s9 =	sld [smem:$0x3FAA]  }
0x2f: {  	lr =	sadd.s32 s0, s3;
	s0 =	sld [smem:$0x3FA1]  }
0x30: {  	s3 =	sld [smem:$0x3FA4]  }
0x31: {  	[smem:$0x3FAD] =	sst s10  }
0x32: {  	s10 =	sld [smem:$0x3FAB];
	_ =	sdelay $0x3  }
0x33: {  	p0 =	seq.s32 s10, $0x1;
	s10 =	sld [smem:$0x3FAD];
	_ =	sdelay $0x3  }
0x34: {  	[smem:$0x3FAD] =	sst s10  }
0x35: {  	s10 =	sld [smem:$0x3FAC];
	_ =	sdelay $0x3  }
0x36: {  	p1 =	seq.s32 s10, $0x1;
	s10 =	sld [smem:$0x3FAD];
	_ =	sdelay $0x3  }
0x37: {  	[smem:$0x3FAD] =	sst s10  }
0x38: {  	s10 =	sld [smem:$0x3FAE]  }
0x39: {  	_ = 	snop;
	(pc) =	sbr.ind lr, $3  }
0x3a: {  	_ = 	snop  }
0x3b: {  	_ = 	snop  }
0x3c: {  	p2 =	seq.s32 s10, $0x1;
	s10 =	sld [smem:$0x3FAD]  }
0x3d: {  	_ =	shalt  }
0x3e: {  	_ =	shalt  }
0x3f: {  	_ =	shalt  }
0x40: {  	_ =	shalt  }
0x41: {  	_ =	shalt  }
0x42: {  	_ =	shalt  }
0x43: {  	_ =	shalt  }
0x44: {  	_ =	shalt  }
0x45: {  	_ =	shalt  }
0x46: {  	_ =	shalt  }
0x47: {  	_ =	shalt  }
0x48: {  	_ =	shalt  }
0x49: {  	_ =	shalt  }
0x4a: {  	_ =	shalt  }
0x4b: {  	_ =	shalt  }
0x4c: {  	_ =	shalt  }
0x4d: {  	_ =	shalt  }
0x4e: {  	_ =	shalt  }
0x4f: {  	_ =	shalt  }
0x50: {  	_ =	shalt  }
0x51: {  	_ =	shalt  }
0x52: {  	_ =	shalt  }
0x53: {  	_ =	shalt  }
0x54: {  	_ =	shalt  }
0x55: {  	_ =	shalt  }
0x56: {  	_ =	shalt  }
0x57: {  	_ =	shalt  }
0x58: {  	_ =	shalt  }
0x59: {  	_ =	shalt  }
0x5a: {  	_ =	shalt  }
0x5b: {  	_ =	shalt  }
0x5c: {  	_ =	shalt  }
0x5d: {  	_ =	shalt  }
0x5e: {  	_ =	shalt  }
0x5f: {  	_ =	shalt  }
0x60: {  	_ =	shalt  }
0x61: {  	_ =	shalt  }
0x62: {  	_ =	shalt  }
0x63: {  	_ =	shalt  }
0x64: {  	_ =	shalt  }
0x65: {  	_ =	shalt  }
0x66: {  	_ =	shalt  }
0x67: {  	_ =	shalt  }
0x68: {  	_ =	shalt  }
0x69: {  	_ =	shalt  }
0x6a: {  	_ =	shalt  }
0x6b: {  	_ =	shalt  }
0x6c: {  	_ =	shalt  }
0x6d: {  	_ =	shalt  }
0x6e: {  	_ =	shalt  }
0x6f: {  	_ =	shalt  }
0x70: {  	_ =	shalt  }
0x71: {  	_ =	shalt  }
0x72: {  	_ =	shalt  }
0x73: {  	_ =	shalt  }
0x74: {  	_ =	shalt  }
0x75: {  	_ =	shalt  }
0x76: {  	_ =	shalt  }
0x77: {  	_ =	shalt  }
0x78: {  	_ =	shalt  }
0x79: {  	_ =	shalt  }
0x7a: {  	_ =	shalt  }
0x7b: {  	_ =	shalt  }
0x7c: {  	_ =	shalt  }
0x7d: {  	_ =	shalt  }
0x7e: {  	_ =	shalt  }
0x7f: {  	_ =	shalt  }
0x80: {  	_ =	shalt  }
0x81: {  	_ =	shalt  }
0x82: {  	_ =	shalt  }
0x83: {  	_ =	shalt  }
0x84: {  	_ =	shalt  }
0x85: {  	_ =	shalt  }
0x86: {  	_ =	shalt  }
0x87: {  	_ =	shalt  }
.Lfunc_end0:
.L_simem_size_0:
called_computation.3_lowered:
.L_overlay_start_0:
0x88: {  	s2 =	sld [smem:$0x3FD9]  }
0x89: {  	s3 =	sld [smem:$0x3FFE];
	_ =	sdelay $0x1  }
0x8a: {  	s1 =	srdreg.scid  }
0x8b: {  	s0 =	sand.u32 $0x1, s1  }
0x8c: {  	s16 =	sshll.u32 s0, $0xA;
	s2 =	sadd.s32 s3, s2  }
0x8d: {  	s2 =	sadd.s32 s2, s16  }
0x8e: {  	[smem:$0x3FB9] =	sst s2  }
0x8f: {  	_ = 	snop  }
0x90: {  	(tm) =	ssettm $0x1  }
0x91: {  	s17 =	sld [smem:$0x3FFB];
	_ =	sdelay $0x3  }
0x92: {  	_ =	strace s17  }
0x93: {  	s2 =	sld [smem:$0x3FFC];
	_ =	sdelay $0x3  }
0x94: {  	_ =	strace s2  }
0x95: {  	s2 =	sld [smem:$0x3FFD];
	_ =	sdelay $0x3  }
0x96: {  	_ =	strace s2  }
0x97: {  	_ =	strace $0x8FFFFFFF  }
0x98: {  	s18 =	sld [smem:$0x3FDB];
	_ =	sdelay $0x1  }
0x99: {  	s19 =	simm.s32 $_scs_section_size  }
0x9a: {  	s4 =	simm.s32 $_size__tile_overlayer_lowered;
	s5 =	simm.s32 $_tile_overlayer_lowered  }
0x9b: {  	s22 =	simm.s32 $0x1BFF;
	s21 =	sshll.u32 s5, $0x1;
	s2 =	sadd.s32 s19, s18  }
0x9c: {  	s6 =	simm.s32 $0x0;
	s20 =	sshll.u32 s4, $0x1;
	s4 =	sadd.s32 s21, s2  }
0x9d: {  	[timem:s6], [sflag:s22] =	dma.local [hbm:s4], s20  }
0x9e: {  	_ =	swait.ge [sflag:s22], s20  }
0x9f: {  	s3 =	ssub.s32 $0x0, s20;
	[sflag:s22] =	ssyncset.done $0x0  }
0xa0: {  	[sflag:s22] =	ssyncadd.s32 s3;
	_ =	sdelay $0x1  }
0xa1: {  	s23 =	simm.s32 $0x1B8B  }
0xa2: {  	_ =	swait.ge [sflag:s23], $0x1  }
0xa3: {  	[sflag:s23] =	ssyncset.done $0x0  }
0xa4: {  	s25 =	simm.s32 $0x1B8E;
	s24 =	sld [smem:$0x3FFE];
	[sflag:s23] =	ssyncadd.s32 $0xFFFFFFFF  }
0xa5: {  	s26 =	simm.s32 $execute0_lowered;
	[smem:$0x3FD2] =	sst s25  }
0xa6: {  	s4 =	sshll.u32 s26, $0x1;
	_ =	strace $0x8000004F;
	[dreg:$0x1] =	wrdreg $0xFFFFFFFF  }
0xa7: {  	s28 =	simm.s32 $_size_execute0_lowered;
	s2 =	sadd.s32 s2, s4;
	[dreg:$0x0] =	wrdreg $0x0  }
0xa8: {  	s4 =	sshll.u32 s28, $0x1;
	[dreg:$0x2] =	wrdreg s2  }
0xa9: {  	[dreg:$0x3] =	wrdreg s4  }
0xaa: {  	[dreg:$0x4] =	wrdreg $0xC0  }
0xab: {  	_ =	task [dreg:s6], $0x5FFFF  }
0xac: {  	[dreg:$0x1] =	wrdreg $0xFFFFFFFF  }
0xad: {  	[dreg:$0x0] =	wrdreg $0x60  }
0xae: {  	[dreg:$0x2] =	wrdreg s24  }
0xaf: {  	[dreg:$0x3] =	wrdreg $0x82000  }
0xb0: {  	[dreg:$0x4] =	wrdreg $0x9  }
0xb1: {  	_ =	task.clear_ibuf [dreg:s6], $0x5FFFF;
	_ =	strace $0x9000004F  }
0xb2: {  	s29 =	simm.s32 $0x9;
	_ =	strace $0x80000051  }
0xb3: {  	_ =	swait.ge [sflag:s29], $0x1  }
0xb4: {  	[sflag:s29] =	ssyncadd.s32 $0xFFFFFFFF  }
0xb5: {  	_ =	strace $0x90000051  }
0xb6: {  	_ =	sfence  }
0xb7: {  	s30 =	sld [smem:$0x0];
	_ =	sdelay $0x2  }
0xb8: {  	s31 =	sshll.u32 s1, $0xD;
	s1 =	sshrl.u32 s1, $0x2  }
0xb9: {  	s3 =	sand.u32 $0x4000, s31;
	s1 =	sadd.s32 s1, s30  }
0xba: {  	s0 =	sor.u32 s3, s0;
	s1 =	sshll.u32 s1, $0x11  }
0xbb: {  	s0 =	sor.u32 s1, s0  }
0xbc: {  	s0 =	sadd.s32 $0x8F2B, s0  }
0xbd: {  	[sflag:s0] =	ssyncadd.remote.s32 $0x1  }
0xbe: {  	_ =	sfence.sel $0xFFFF  }
0xbf: {  	[dreg:$0x0] =	wrdreg $0xFFFFFFFF;
	(pc) =	sbr.abs _section_cstart, $3  }
0xc0: {  	[dreg:$0x1] =	wrdreg $0xFFFFFFFF  }
0xc1: {  	_ =	task.clear_ibuf [dreg:s6], $0x2FFFF;
	_ =	strace $0x9FFFFFFF  }
0xc2: {  	(tm) =	ssettm $0x7FFFFFFF  }
0xc3: {  	_ =	shalt  }
tec
execute0_lowered:
.L_overlay_start_1:
0x0: {  	(tag) =	ssettag $0x1  }
0x1: {  	s8 =	rddreg [dreg:$0x0]  }
0x2: {  	s1 =	rddreg [dreg:$0x1];
	s2 =	simm.s32 $0x0  }
0x3: {  	s7 =	srdreg.scid;
	s3 =	stileid.u32;
	s20 =	simm.s32 $0x100  }
0x4: {  	s21 =	simm.s32 $0x80;
	s22 =	simm.s32 $0x200;
	s23 =	simm.s32 $0x180  }
0x5: {  	s24 =	simm.s32 $0x4200;
	s25 =	simm.s32 $0x1;
	s28 =	simm.s32 $0x0  }
0x6: {  	[smem:$0x7FF] =	sst s2;
	s16 =	sadd.s32 $0x1C600, s8;
	s17 =	sadd.s32 $0x12800, s8  }
0x7: {  	s4 =	sadd.s32 $0x74600, s8;
	s5 =	sadd.s32 $0x9B800, s8;
	s9 =	smul.u32 $0x4F00, s3  }
0x8: {  	s6 =	sadd.s32 $0x7A00, s8;
	s10 =	sand.u32 $0x1, s7;
	s12 =	smul.u32 $0x300, s3  }
0x9: {  	s7 =	sadd.s32 $0xC2A00, s8;
	s8 =	sadd.s32 $0xEAA00, s8;
	s14 =	smul.u32 $0x50000, s3  }
0xa: {  	s30 =	sshll.u32 s3, $0x6;
	s19 =	smul.u32 $0x9E0, s3;
	s11 =	ssub.s32 $0x2, s10  }
0xb: {  	_ =	strace $0x80000050;
	p0 =	seq.s32 s10, $0x1;
	s13 =	sshrl.u32 s11, $0x1  }
0xc: {  	s9 =	sand.u32 $0x7FC00, s9;
	s26 =	sand.u32 $0x300, s12;
	s29 =	sshrl.u32 s14, $0x2  }
0xd: {  	s14 =	smul.u32 $0x2800, s3;
	s15 =	ssub.s32 s11, s13;
	s11 =	sor.u32 s26, s9  }
.Ltmp0:
0xe: {  	s18 =	sadd.s32 s29, s1;
	s9 =	sor.u32 $0x1C03, s30;
	(pc) =	sbr.rel .LBB2_1-.Ltmp0, $4  }
0xf: {  	s26 =	simm.s32 $0x2;
	s11 =	sshrl.u32 s11, $0x3;
	s15 =	smax.u32 s15, $0x1  }
0x10: {  	s18 =	sshrl.u32 s18, $0x3;
	s10 =	sadd.s32 s16, s11;
	s31 =	sor.u32 $0x10, s11  }
0x11: {  	s11 =	sadd.s32 s17, s11;
	s12 =	sadd.s32 s16, s31;
	s13 =	sadd.s32 s17, s31  }
0x12: {  	s16 =	sadd.s32 s19, s16;
	s17 =	sadd.s32 s19, s17;
	s19 =	simm.s32 $0x3  }
.LBB2_7:
0x13: {  	[tilespmem:s24], [sflag:$0x2] =	stream.indirect.gather [hbm4b:s5+s21], $0x80, s21, s21, $0xb8;
	[tilespmem:$0x1C200] =	vst v63  }
0x14: {  	s29 =	smov.u32 s8  }
.LBB2_8:
0x15: {  	_ =	swait.ge [sflag:s25], $0x4000  }
0x16: {  	[sflag:s25] =	ssyncset.done $0x0  }
0x17: {  	[sflag:s25] =	ssyncadd.s32 $0xFFFFC000  }
0x18: {  	[spmem:s1] =	stream.indirect.scatter.add.f32 [tilespmem:s22], [sflag:$0x3], $0x80, s20, s21, $0xb8;
	[tilespmem:$0x1C200] =	vst v63  }
0x19: {  	_ =	swait.ge [sflag:s19], $0x4000  }
0x1a: {  	[sflag:s19] =	ssyncset.done $0x0  }
0x1b: {  	[sflag:s19] =	ssyncadd.s32 $0xFFFFC000  }
0x1c: {  	_ =	swait.ge [sflag:s26], $0x4000  }
0x1d: {  	[sflag:s26] =	ssyncset.done $0x0  }
0x1e: {  	[sflag:s26] =	ssyncadd.s32 $0xFFFFC000  }
0x1f: {  	[spmem:s1] =	stream.indirect.scatter.add.f32 [tilespmem:s24], [sflag:$0x3], $0x80, s23, s21, $0xb8;
	[tilespmem:$0x1C200] =	vst v63  }
0x20: {  	_ =	swait.ge [sflag:s19], $0x4000  }
0x21: {  	s28 =	sadd.s32 $0x1, s28;
	[sflag:s19] =	ssyncset.done $0x0  }
0x22: {  	p1 =	sne.s32 s28, s15;
	[sflag:s19] =	ssyncadd.s32 $0xFFFFC000  }
.Ltmp1:
0x23: {  	s0 =	sadd.s32 s29, s14;
	[bflag:$0x0] =	sbarrier.arrive $0xFFFF;
	(pc) =	sbr.rel @!p1 .LBB2_9-.Ltmp1, $4  }
0x24: {  	[hbm:s0], [sflag:s9] =	dma.local [spmem:s18], $0x2800  }
0x25: {  	_ =	swait.ge [sflag:s19], $0x2800  }
0x26: {  	[sflag:s19] =	ssyncset.done $0x0  }
0x27: {  	[sflag:s19] =	ssyncadd.s32 $0xFFFFD800  }
.LBB2_1:
0x28: {  	[spmem:s18], [sflag:s9] =	dma.local [hbm:s6], $0x2800  }
0x29: {  	_ =	swait.ge [sflag:s19], $0x2800  }
0x2a: {  	[sflag:s19] =	ssyncset.done $0x0  }
0x2b: {  	[sflag:s19] =	ssyncadd.s32 $0xFFFFD800  }
0x2c: {  	[bflag:$0x0] =	sbarrier.arrive $0xFFFF  }
0x2d: {  	[tilespmem:s2], [sflag:$0x3] =	stream.linear.gather [hbm4b:s10+s2], $0x80, $0x38;
	[tilespmem:$0x1C200] =	vst v63  }
0x2e: {  	_ =	swait.ge [sflag:s19], $0x80  }
0x2f: {  	[sflag:s19] =	ssyncset.done $0x0  }
.Ltmp2:
0x30: {  	[sflag:s19] =	ssyncadd.s32 $0xFFFFFF80;
	(pc) =	sbr.rel @!p0 .LBB2_2-.Ltmp2, $4  }
0x31: {  	[tilespmem:s20], [sflag:$0x3] =	stream.linear.gather [hbm4b:s11+s2], $0x80, $0x38;
	[tilespmem:$0x1C200] =	vst v63  }
0x32: {  	_ =	swait.ge [sflag:s19], $0x80  }
0x33: {  	[sflag:s19] =	ssyncset.done $0x0  }
0x34: {  	[sflag:s19] =	ssyncadd.s32 $0xFFFFFF80  }
0x35: {  	[tilespmem:s22], [sflag:$0x1] =	stream.indirect.gather [hbm4b:s5+s21], $0x80, s2, s21, $0xb8;
	[tilespmem:$0x1C200] =	vst v63  }
0x36: {  	_ = 	snop  }
0x37: {  	[tilespmem:s21], [sflag:$0x3] =	stream.linear.gather [hbm4b:s12+s2], $0x80, $0x38;
	[tilespmem:$0x1C200] =	vst v63  }
0x38: {  	_ =	swait.ge [sflag:s19], $0x80  }
0x39: {  	[sflag:s19] =	ssyncset.done $0x0  }
0x3a: {  	[sflag:s19] =	ssyncadd.s32 $0xFFFFFF80  }
0x3b: {  	[tilespmem:s23], [sflag:$0x3] =	stream.linear.gather [hbm4b:s13+s2], $0x80, $0x38;
	[tilespmem:$0x1C200] =	vst v63  }
0x3c: {  	_ =	swait.ge [sflag:s19], $0x80  }
0x3d: {  	[sflag:s19] =	ssyncset.done $0x0  }
0x3e: {  	[sflag:s19] =	ssyncadd.s32 $0xFFFFFF80  }
0x3f: {  	[tilespmem:s24], [sflag:$0x2] =	stream.indirect.gather [hbm4b:s5+s21], $0x80, s21, s21, $0xb8;
	[tilespmem:$0x1C200] =	vst v63  }
0x40: {  	_ =	swait.ge [sflag:s25], $0x4000  }
0x41: {  	[sflag:s25] =	ssyncset.done $0x0  }
0x42: {  	[sflag:s25] =	ssyncadd.s32 $0xFFFFC000  }
0x43: {  	[spmem:s1] =	stream.indirect.scatter.add.f32 [tilespmem:s22], [sflag:$0x3], $0x80, s20, s21, $0xb8;
	[tilespmem:$0x1C200] =	vst v63  }
0x44: {  	_ =	swait.ge [sflag:s19], $0x4000  }
0x45: {  	s0 =	sadd.s32 $0xFFFFF640, s16;
	[sflag:s19] =	ssyncset.done $0x0  }
0x46: {  	s29 =	sadd.s32 $0x9E0, s0;
	[sflag:s19] =	ssyncadd.s32 $0xFFFFC000  }
0x47: {  	[tilespmem:s2], [sflag:$0x3] =	stream.linear.gather [hbm4b:s29+s2], $0x80, $0x38;
	[tilespmem:$0x1C200] =	vst v63  }
0x48: {  	_ =	swait.ge [sflag:s19], $0x80  }
0x49: {  	s29 =	sadd.s32 $0xFFFFF640, s17;
	[sflag:s19] =	ssyncset.done $0x0  }
0x4a: {  	s30 =	sadd.s32 $0x9E0, s29;
	[sflag:s19] =	ssyncadd.s32 $0xFFFFFF80  }
0x4b: {  	[tilespmem:s20], [sflag:$0x3] =	stream.linear.gather [hbm4b:s30+s2], $0x80, $0x38;
	[tilespmem:$0x1C200] =	vst v63  }
0x4c: {  	_ =	swait.ge [sflag:s19], $0x80  }
0x4d: {  	[sflag:s19] =	ssyncset.done $0x0  }
0x4e: {  	[sflag:s19] =	ssyncadd.s32 $0xFFFFFF80  }
0x4f: {  	[tilespmem:s22], [sflag:$0x1] =	stream.indirect.gather [hbm4b:s5+s21], $0x80, s2, s21, $0xb8;
	[tilespmem:$0x1C200] =	vst v63  }
0x50: {  	_ =	swait.ge [sflag:s26], $0x4000  }
0x51: {  	[sflag:s26] =	ssyncset.done $0x0  }
0x52: {  	[sflag:s26] =	ssyncadd.s32 $0xFFFFC000  }
0x53: {  	[spmem:s1] =	stream.indirect.scatter.add.f32 [tilespmem:s24], [sflag:$0x3], $0x80, s23, s21, $0xb8;
	[tilespmem:$0x1C200] =	vst v63  }
0x54: {  	_ =	swait.ge [sflag:s19], $0x4000  }
0x55: {  	[sflag:s19] =	ssyncset.done $0x0  }
0x56: {  	s0 =	sadd.s32 $0x9F0, s0;
	[sflag:s19] =	ssyncadd.s32 $0xFFFFC000  }
0x57: {  	[tilespmem:s21], [sflag:$0x3] =	stream.linear.gather [hbm4b:s0+s2], $0x80, $0x38;
	[tilespmem:$0x1C200] =	vst v63  }
0x58: {  	_ =	swait.ge [sflag:s19], $0x80  }
0x59: {  	[sflag:s19] =	ssyncset.done $0x0  }
0x5a: {  	s31 =	sadd.s32 $0x9F0, s29;
	[sflag:s19] =	ssyncadd.s32 $0xFFFFFF80  }
0x5b: {  	[tilespmem:s23], [sflag:$0x3] =	stream.linear.gather [hbm4b:s31+s2], $0x80, $0x38;
	[tilespmem:$0x1C200] =	vst v63  }
0x5c: {  	_ =	swait.ge [sflag:s19], $0x80  }
0x5d: {  	[sflag:s19] =	ssyncset.done $0x0  }
0x5e: {  	s29 =	simm.s32 $0xFFFFF660;
	[sflag:s19] =	ssyncadd.s32 $0xFFFFFF80  }
.LBB2_6:
0x5f: {  	[tilespmem:s24], [sflag:$0x2] =	stream.indirect.gather [hbm4b:s5+s21], $0x80, s21, s21, $0xb8;
	[tilespmem:$0x1C200] =	vst v63  }
0x60: {  	s0 =	smov.u32 s29  }
0x61: {  	p1 =	sne.s32 s29, $0xFFFFFFE0;
	s29 =	sadd.s32 $0x20, s29;
	_ =	swait.ge [sflag:s25], $0x4000  }
0x62: {  	[sflag:s25] =	ssyncset.done $0x0  }
0x63: {  	[sflag:s25] =	ssyncadd.s32 $0xFFFFC000  }
0x64: {  	[spmem:s1] =	stream.indirect.scatter.add.f32 [tilespmem:s22], [sflag:$0x3], $0x80, s20, s21, $0xb8;
	[tilespmem:$0x1C200] =	vst v63  }
0x65: {  	_ =	swait.ge [sflag:s19], $0x4000  }
0x66: {  	s30 =	sadd.s32 s0, s16;
	[sflag:s19] =	ssyncset.done $0x0  }
0x67: {  	s31 =	sadd.s32 $0x9E0, s30;
	[sflag:s19] =	ssyncadd.s32 $0xFFFFC000  }
0x68: {  	[tilespmem:s2], [sflag:$0x3] =	stream.linear.gather [hbm4b:s31+s2], $0x80, $0x38;
	[tilespmem:$0x1C200] =	vst v63  }
0x69: {  	_ =	swait.ge [sflag:s19], $0x80  }
0x6a: {  	s0 =	sadd.s32 s0, s17;
	[sflag:s19] =	ssyncset.done $0x0  }
0x6b: {  	s31 =	sadd.s32 $0x9E0, s0;
	[sflag:s19] =	ssyncadd.s32 $0xFFFFFF80  }
0x6c: {  	[tilespmem:s20], [sflag:$0x3] =	stream.linear.gather [hbm4b:s31+s2], $0x80, $0x38;
	[tilespmem:$0x1C200] =	vst v63  }
0x6d: {  	_ =	swait.ge [sflag:s19], $0x80  }
0x6e: {  	[sflag:s19] =	ssyncset.done $0x0  }
0x6f: {  	[sflag:s19] =	ssyncadd.s32 $0xFFFFFF80  }
0x70: {  	[tilespmem:s22], [sflag:$0x1] =	stream.indirect.gather [hbm4b:s5+s21], $0x80, s2, s21, $0xb8;
	[tilespmem:$0x1C200] =	vst v63  }
0x71: {  	_ =	swait.ge [sflag:s26], $0x4000  }
0x72: {  	[sflag:s26] =	ssyncset.done $0x0  }
0x73: {  	[sflag:s26] =	ssyncadd.s32 $0xFFFFC000  }
0x74: {  	[spmem:s1] =	stream.indirect.scatter.add.f32 [tilespmem:s24], [sflag:$0x3], $0x80, s23, s21, $0xb8;
	[tilespmem:$0x1C200] =	vst v63  }
0x75: {  	_ =	swait.ge [sflag:s19], $0x4000  }
0x76: {  	[sflag:s19] =	ssyncset.done $0x0  }
0x77: {  	s30 =	sadd.s32 $0x9F0, s30;
	[sflag:s19] =	ssyncadd.s32 $0xFFFFC000  }
0x78: {  	[tilespmem:s21], [sflag:$0x3] =	stream.linear.gather [hbm4b:s30+s2], $0x80, $0x38;
	[tilespmem:$0x1C200] =	vst v63  }
0x79: {  	_ =	swait.ge [sflag:s19], $0x80  }
0x7a: {  	[sflag:s19] =	ssyncset.done $0x0  }
.Ltmp3:
0x7b: {  	s0 =	sadd.s32 $0x9F0, s0;
	[sflag:s19] =	ssyncadd.s32 $0xFFFFFF80;
	(pc) =	sbr.rel @p1 .LBB2_6-.Ltmp3, $4  }
0x7c: {  	[tilespmem:s23], [sflag:$0x3] =	stream.linear.gather [hbm4b:s0+s2], $0x80, $0x38;
	[tilespmem:$0x1C200] =	vst v63  }
0x7d: {  	_ =	swait.ge [sflag:s19], $0x80  }
0x7e: {  	[sflag:s19] =	ssyncset.done $0x0  }
0x7f: {  	[sflag:s19] =	ssyncadd.s32 $0xFFFFFF80  }
.Ltmp4:
0x80: {  	_ = 	snop;
	(pc) =	sbr.rel .LBB2_7-.Ltmp4, $1  }
0x81: {  	_ =	sdelay $0x3  }
.LBB2_2:
0x82: {  	[tilespmem:s22], [sflag:$0x1] =	stream.indirect.gather [hbm4b:s4+s21], $0x80, s2, s21, $0xb8;
	[tilespmem:$0x1C200] =	vst v63  }
0x83: {  	_ = 	snop  }
0x84: {  	[tilespmem:s21], [sflag:$0x3] =	stream.linear.gather [hbm4b:s12+s2], $0x80, $0x38;
	[tilespmem:$0x1C200] =	vst v63  }
0x85: {  	_ =	swait.ge [sflag:s19], $0x80  }
0x86: {  	[sflag:s19] =	ssyncset.done $0x0  }
0x87: {  	[sflag:s19] =	ssyncadd.s32 $0xFFFFFF80  }
0x88: {  	[tilespmem:s23], [sflag:$0x3] =	stream.linear.gather [hbm4b:s13+s2], $0x80, $0x38;
	[tilespmem:$0x1C200] =	vst v63  }
0x89: {  	_ =	swait.ge [sflag:s19], $0x80  }
0x8a: {  	[sflag:s19] =	ssyncset.done $0x0  }
0x8b: {  	[sflag:s19] =	ssyncadd.s32 $0xFFFFFF80  }
0x8c: {  	[tilespmem:s24], [sflag:$0x2] =	stream.indirect.gather [hbm4b:s4+s21], $0x80, s21, s21, $0xb8;
	[tilespmem:$0x1C200] =	vst v63  }
0x8d: {  	_ =	swait.ge [sflag:s25], $0x4000  }
0x8e: {  	[sflag:s25] =	ssyncset.done $0x0  }
0x8f: {  	[sflag:s25] =	ssyncadd.s32 $0xFFFFC000  }
0x90: {  	[spmem:s1] =	stream.indirect.scatter.add.f32 [tilespmem:s22], [sflag:$0x3], $0x80, s20, s21, $0xb8;
	[tilespmem:$0x1C200] =	vst v63  }
0x91: {  	_ =	swait.ge [sflag:s19], $0x4000  }
0x92: {  	s29 =	sadd.s32 $0xFFFFF640, s16;
	[sflag:s19] =	ssyncset.done $0x0  }
0x93: {  	s30 =	sadd.s32 $0x9E0, s29;
	[sflag:s19] =	ssyncadd.s32 $0xFFFFC000  }
0x94: {  	[tilespmem:s2], [sflag:$0x3] =	stream.linear.gather [hbm4b:s30+s2], $0x80, $0x38;
	[tilespmem:$0x1C200] =	vst v63  }
0x95: {  	_ =	swait.ge [sflag:s19], $0x80  }
0x96: {  	s0 =	sadd.s32 $0xFFFFF640, s17;
	[sflag:s19] =	ssyncset.done $0x0  }
0x97: {  	s31 =	sadd.s32 $0x9E0, s0;
	[sflag:s19] =	ssyncadd.s32 $0xFFFFFF80  }
0x98: {  	[tilespmem:s20], [sflag:$0x3] =	stream.linear.gather [hbm4b:s31+s2], $0x80, $0x38;
	[tilespmem:$0x1C200] =	vst v63  }
0x99: {  	_ =	swait.ge [sflag:s19], $0x80  }
0x9a: {  	[sflag:s19] =	ssyncset.done $0x0  }
0x9b: {  	[sflag:s19] =	ssyncadd.s32 $0xFFFFFF80  }
0x9c: {  	[tilespmem:s22], [sflag:$0x1] =	stream.indirect.gather [hbm4b:s4+s21], $0x80, s2, s21, $0xb8;
	[tilespmem:$0x1C200] =	vst v63  }
0x9d: {  	_ =	swait.ge [sflag:s26], $0x4000  }
0x9e: {  	[sflag:s26] =	ssyncset.done $0x0  }
0x9f: {  	[sflag:s26] =	ssyncadd.s32 $0xFFFFC000  }
0xa0: {  	[spmem:s1] =	stream.indirect.scatter.add.f32 [tilespmem:s24], [sflag:$0x3], $0x80, s23, s21, $0xb8;
	[tilespmem:$0x1C200] =	vst v63  }
0xa1: {  	_ =	swait.ge [sflag:s19], $0x4000  }
0xa2: {  	[sflag:s19] =	ssyncset.done $0x0  }
0xa3: {  	s29 =	sadd.s32 $0x9F0, s29;
	[sflag:s19] =	ssyncadd.s32 $0xFFFFC000  }
0xa4: {  	[tilespmem:s21], [sflag:$0x3] =	stream.linear.gather [hbm4b:s29+s2], $0x80, $0x38;
	[tilespmem:$0x1C200] =	vst v63  }
0xa5: {  	_ =	swait.ge [sflag:s19], $0x80  }
0xa6: {  	[sflag:s19] =	ssyncset.done $0x0  }
0xa7: {  	s29 =	sadd.s32 $0x9F0, s0;
	[sflag:s19] =	ssyncadd.s32 $0xFFFFFF80  }
0xa8: {  	[tilespmem:s23], [sflag:$0x3] =	stream.linear.gather [hbm4b:s29+s2], $0x80, $0x38;
	[tilespmem:$0x1C200] =	vst v63  }
0xa9: {  	_ =	swait.ge [sflag:s19], $0x80  }
0xaa: {  	[sflag:s19] =	ssyncset.done $0x0  }
0xab: {  	s29 =	simm.s32 $0xFFFFF660;
	[sflag:s19] =	ssyncadd.s32 $0xFFFFFF80  }
.LBB2_3:
0xac: {  	[tilespmem:s24], [sflag:$0x2] =	stream.indirect.gather [hbm4b:s4+s21], $0x80, s21, s21, $0xb8;
	[tilespmem:$0x1C200] =	vst v63  }
0xad: {  	s30 =	smov.u32 s29  }
0xae: {  	p1 =	seq.s32 s29, $0xFFFFFFE0;
	s29 =	sadd.s32 $0x20, s29;
	_ =	swait.ge [sflag:s25], $0x4000  }
0xaf: {  	[sflag:s25] =	ssyncset.done $0x0  }
0xb0: {  	[sflag:s25] =	ssyncadd.s32 $0xFFFFC000  }
0xb1: {  	[spmem:s1] =	stream.indirect.scatter.add.f32 [tilespmem:s22], [sflag:$0x3], $0x80, s20, s21, $0xb8;
	[tilespmem:$0x1C200] =	vst v63  }
0xb2: {  	_ =	swait.ge [sflag:s19], $0x4000  }
0xb3: {  	s31 =	sadd.s32 s30, s16;
	[sflag:s19] =	ssyncset.done $0x0  }
0xb4: {  	s0 =	sadd.s32 $0x9E0, s31;
	[sflag:s19] =	ssyncadd.s32 $0xFFFFC000  }
0xb5: {  	[tilespmem:s2], [sflag:$0x3] =	stream.linear.gather [hbm4b:s0+s2], $0x80, $0x38;
	[tilespmem:$0x1C200] =	vst v63  }
0xb6: {  	_ =	swait.ge [sflag:s19], $0x80  }
0xb7: {  	s0 =	sadd.s32 s30, s17;
	[sflag:s19] =	ssyncset.done $0x0  }
0xb8: {  	s30 =	sadd.s32 $0x9E0, s0;
	[sflag:s19] =	ssyncadd.s32 $0xFFFFFF80  }
0xb9: {  	[tilespmem:s20], [sflag:$0x3] =	stream.linear.gather [hbm4b:s30+s2], $0x80, $0x38;
	[tilespmem:$0x1C200] =	vst v63  }
0xba: {  	_ =	swait.ge [sflag:s19], $0x80  }
0xbb: {  	[sflag:s19] =	ssyncset.done $0x0  }
0xbc: {  	[sflag:s19] =	ssyncadd.s32 $0xFFFFFF80  }
0xbd: {  	[tilespmem:s22], [sflag:$0x1] =	stream.indirect.gather [hbm4b:s4+s21], $0x80, s2, s21, $0xb8;
	[tilespmem:$0x1C200] =	vst v63  }
0xbe: {  	_ =	swait.ge [sflag:s26], $0x4000  }
0xbf: {  	[sflag:s26] =	ssyncset.done $0x0  }
0xc0: {  	[sflag:s26] =	ssyncadd.s32 $0xFFFFC000  }
0xc1: {  	[spmem:s1] =	stream.indirect.scatter.add.f32 [tilespmem:s24], [sflag:$0x3], $0x80, s23, s21, $0xb8;
	[tilespmem:$0x1C200] =	vst v63  }
0xc2: {  	_ =	swait.ge [sflag:s19], $0x4000  }
0xc3: {  	[sflag:s19] =	ssyncset.done $0x0  }
0xc4: {  	s30 =	sadd.s32 $0x9F0, s31;
	[sflag:s19] =	ssyncadd.s32 $0xFFFFC000  }
0xc5: {  	[tilespmem:s21], [sflag:$0x3] =	stream.linear.gather [hbm4b:s30+s2], $0x80, $0x38;
	[tilespmem:$0x1C200] =	vst v63  }
0xc6: {  	_ =	swait.ge [sflag:s19], $0x80  }
0xc7: {  	[sflag:s19] =	ssyncset.done $0x0  }
.Ltmp5:
0xc8: {  	s0 =	sadd.s32 $0x9F0, s0;
	[sflag:s19] =	ssyncadd.s32 $0xFFFFFF80;
	(pc) =	sbr.rel @!p1 .LBB2_3-.Ltmp5, $4  }
0xc9: {  	[tilespmem:s23], [sflag:$0x3] =	stream.linear.gather [hbm4b:s0+s2], $0x80, $0x38;
	[tilespmem:$0x1C200] =	vst v63  }
0xca: {  	_ =	swait.ge [sflag:s19], $0x80  }
0xcb: {  	[sflag:s19] =	ssyncset.done $0x0  }
0xcc: {  	[sflag:s19] =	ssyncadd.s32 $0xFFFFFF80  }
.Ltmp6:
0xcd: {  	(pc) =	sbr.rel .LBB2_8-.Ltmp6, $3  }
0xce: {  	_ =	sdelay $0x1  }
0xcf: {  	[tilespmem:s24], [sflag:$0x2] =	stream.indirect.gather [hbm4b:s4+s21], $0x80, s21, s21, $0xb8;
	[tilespmem:$0x1C200] =	vst v63  }
0xd0: {  	s29 =	smov.u32 s7  }
.LBB2_9:
0xd1: {  	_ =	sfence.sel $0x180000  }
0xd2: {  	[bflag:$0x0] =	sbarrier.arrive $0xFFFF  }
0xd3: {  	_ =	strace $0x90000050  }
0xd4: {  	[bflag:$0x2] =	sbarrier.arrive $0xFFFF  }
0xd5: {  	p0 =	sne.s32 s3, $0x0;
	s0 =	rddreg [dreg:$0x2]  }
0xd6: {  	s0 =	sadd.s32 @!p0 $0x100000, s0  }
0xd7: {  	[sflag:s0] =	ssyncadd.tile.s32 @!p0 $0x1;
	_ =	shalt  }
.Lfunc_end2:
_tile_overlayer_lowered:
.L_overlay_start_2:
0xd8: {  	(tag) =	ssettag $0x2  }
0xd9: {  	s0 =	rddreg [dreg:$0x0];
	s2 =	stileid.u32  }
0xda: {  	s1 =	rddreg [dreg:$0x1];
	p0 =	sne.s32 s2, $0x0  }
0xdb: {  	s3 =	rddreg [dreg:$0x2];
	[bflag:$0x3] =	sbarrier.arrive $0xFFFF;
	s2 =	simm.s32 @!p0 $0x1C03  }
0xdc: {  	[timem:s3], [sflag:s2] =	dma.local @!p0 [hbm:s0], s1  }
0xdd: {  	s0 =	simm.s32 @!p0 $0x3  }
0xde: {  	_ =	swait.ge @!p0 [sflag:s0], s1  }
0xdf: {  	s1 =	ssub.s32 @!p0 $0x0, s1;
	[sflag:s0] =	ssyncset.done @!p0 $0x0  }
0xe0: {  	[sflag:s0] =	ssyncadd.s32 @!p0 s1  }
0xe1: {  	[bflag:$0x3] =	sbarrier.arrive $0xFFFF  }
0xe2: {  	_ =	shalt  }

</sc_bundles>
